<compile_context>
chip_gen: v7x
topology: tpu7x:2x2x1
jax: 0.10.2.dev20260603
libtpu: 0.0.44.dev20260713+nightly
codegen_flags: <defaults>
</compile_context>

<pallas_src>
import jax
import jax.numpy as jnp
from jax import lax
from jax.experimental import pallas as pl
from jax.experimental.pallas import tpu as pltpu
from jax.experimental.pallas import tpu_sc as plsc

N = 100000
NH = N // 2
ATT = 16
EMB = 128
OUT = 3 * ATT + EMB
APAD = 128
L = 16

VA, VG, VC = 10, 3, 100

NC = 2
NS = 16
NW = NC * NS

BLK = 1552
NBLK = NH // BLK
REM = NH - NBLK * BLK

NSLOT = 1


def _sc_body(age_hbm, gen_hbm, city_hbm, wa_hbm, wg_hbm, wc_hbm,
             att_hbm, ia, ig, ic, ra, rg, rc, wa_v, wg_v, wc_v, sa, sc_):
  wid = lax.axis_index("s") * NC + lax.axis_index("c")

  pltpu.sync_copy(wa_hbm, wa_v)
  pltpu.sync_copy(wg_hbm, wg_v)
  pltpu.sync_copy(wc_hbm, wc_v)

  def issue_idx(base, n, s):
    pltpu.async_copy(age_hbm.at[pl.ds(base, n)], ia.at[s, pl.ds(0, n)], sa)
    pltpu.async_copy(gen_hbm.at[pl.ds(base, n)], ig.at[s, pl.ds(0, n)], sa)
    pltpu.async_copy(city_hbm.at[pl.ds(base, n)], ic.at[s, pl.ds(0, n)], sa)

  def wait_idx(n, s):
    pltpu.make_async_copy(age_hbm.at[pl.ds(0, n)], ia.at[s, pl.ds(0, n)], sa).wait()
    pltpu.make_async_copy(gen_hbm.at[pl.ds(0, n)], ig.at[s, pl.ds(0, n)], sa).wait()
    pltpu.make_async_copy(city_hbm.at[pl.ds(0, n)], ic.at[s, pl.ds(0, n)], sa).wait()

  def gather_block(n, s):
    lanes = lax.iota(jnp.int32, L)

    @pl.loop(0, n // L)
    def group(k):
      rowpos = k * L + lanes
      a_rows = ia[s, pl.ds(k * L, L)]
      g_rows = ig[s, pl.ds(k * L, L)]
      c_rows = ic[s, pl.ds(k * L, L)]
      for d in range(ATT):
        cols = jnp.full((L,), d, jnp.int32)
        plsc.store_scatter(ra.at[s], [rowpos, cols],
                           plsc.load_gather(wa_v, [a_rows, cols]))
        plsc.store_scatter(rg.at[s], [rowpos, cols],
                           plsc.load_gather(wg_v, [g_rows, cols]))
        plsc.store_scatter(rc.at[s], [rowpos, cols],
                           plsc.load_gather(wc_v, [c_rows, cols]))

  def issue_writes(base, n, s):
    pltpu.async_copy(ra.at[s, pl.ds(0, n)],
                     att_hbm.at[pl.ds(base, n), pl.ds(0, ATT)], sc_)
    pltpu.async_copy(rg.at[s, pl.ds(0, n)],
                     att_hbm.at[pl.ds(base, n), pl.ds(ATT, ATT)], sc_)
    pltpu.async_copy(rc.at[s, pl.ds(0, n)],
                     att_hbm.at[pl.ds(base, n), pl.ds(2 * ATT, ATT)], sc_)

  def wait_writes(n, s):
    pltpu.make_async_copy(ra.at[s, pl.ds(0, n)],
                          att_hbm.at[pl.ds(0, n), pl.ds(0, ATT)], sc_).wait()
    pltpu.make_async_copy(rg.at[s, pl.ds(0, n)],
                          att_hbm.at[pl.ds(0, n), pl.ds(ATT, ATT)], sc_).wait()
    pltpu.make_async_copy(rc.at[s, pl.ds(0, n)],
                          att_hbm.at[pl.ds(0, n), pl.ds(2 * ATT, ATT)], sc_).wait()

  @pl.loop(wid, NBLK, step=NW * NSLOT)
  def block(b):
    for s in range(NSLOT):
      @pl.when(b + s * NW < NBLK)
      def _():
        issue_idx((b + s * NW) * BLK, BLK, s)
    for s in range(NSLOT):
      @pl.when(b + s * NW < NBLK)
      def _():
        wait_idx(BLK, s)
        gather_block(BLK, s)
        issue_writes((b + s * NW) * BLK, BLK, s)
    for s in range(NSLOT):
      @pl.when(b + s * NW < NBLK)
      def _():
        wait_writes(BLK, s)

  if REM:
    @pl.when(wid == NW - 1)
    def _tail():
      base = NBLK * BLK
      issue_idx(base, REM, 0)
      wait_idx(REM, 0)
      gather_block(REM, 0)
      issue_writes(base, REM, 0)
      wait_writes(REM, 0)


def _sc_gather(age_idx, gender_idx, city_idx, W_age, W_gender, W_city):
  mesh = plsc.VectorSubcoreMesh(core_axis_name="c", subcore_axis_name="s")
  f = pl.kernel(
      _sc_body,
      out_type=jax.ShapeDtypeStruct((NH, APAD), jnp.float32),
      mesh=mesh,
      compiler_params=pltpu.CompilerParams(
          use_tc_tiling_on_sc=False, needs_layout_passes=False),
      scratch_types=[
          pltpu.VMEM((NSLOT, BLK), jnp.int32),
          pltpu.VMEM((NSLOT, BLK), jnp.int32),
          pltpu.VMEM((NSLOT, BLK), jnp.int32),
          pltpu.VMEM((NSLOT, BLK, ATT), jnp.float32),
          pltpu.VMEM((NSLOT, BLK, ATT), jnp.float32),
          pltpu.VMEM((NSLOT, BLK, ATT), jnp.float32),
          pltpu.VMEM((VA, ATT), jnp.float32),
          pltpu.VMEM((VG, ATT), jnp.float32),
          pltpu.VMEM((VC, ATT), jnp.float32),
          pltpu.SemaphoreType.DMA,
          pltpu.SemaphoreType.DMA,
      ],
  )
  return f(age_idx, gender_idx, city_idx, W_age, W_gender, W_city)


B = 5000
HB = NH // B


def _tc_body_first(att_ref, emb_ref, out_ref):
  out_ref[:, :] = jnp.concatenate(
      [att_ref[:, : 3 * ATT], emb_ref[:, :]], axis=1)


def _tc_body_second(att_ref, emb_ref, prev_ref, out_ref):
  del prev_ref
  out_ref[:, :] = jnp.concatenate(
      [att_ref[:, : 3 * ATT], emb_ref[:, :]], axis=1)


def _tc_concat_first(att_lo, emb_feat):
  return pl.pallas_call(
      _tc_body_first,
      grid=(HB,),
      in_specs=[
          pl.BlockSpec((B, APAD), lambda i: (i, 0)),
          pl.BlockSpec((B, EMB), lambda i: (i, 0)),
      ],
      out_specs=pl.BlockSpec((B, OUT), lambda i: (i, 0)),
      out_shape=jax.ShapeDtypeStruct((N, OUT), jnp.float32),
  )(att_lo, emb_feat)


def _tc_concat_second(att_hi, emb_feat, prev):
  return pl.pallas_call(
      _tc_body_second,
      grid=(HB,),
      in_specs=[
          pl.BlockSpec((B, APAD), lambda i: (i, 0)),
          pl.BlockSpec((B, EMB), lambda i: (i + HB, 0)),
          pl.BlockSpec(memory_space=pl.ANY),
      ],
      out_specs=pl.BlockSpec((B, OUT), lambda i: (i + HB, 0)),
      out_shape=jax.ShapeDtypeStruct((N, OUT), jnp.float32),
      input_output_aliases={2: 0},
  )(att_hi, emb_feat, prev)


@jax.jit
def _run(age_idx, gender_idx, city_idx, emb_feat, W_age, W_gender, W_city):
  att_lo = _sc_gather(age_idx[:NH], gender_idx[:NH], city_idx[:NH],
                      W_age, W_gender, W_city)
  att_hi = _sc_gather(age_idx[NH:], gender_idx[NH:], city_idx[NH:],
                      W_age, W_gender, W_city)
  out = _tc_concat_first(att_lo, emb_feat)
  return _tc_concat_second(att_hi, emb_feat, out)


def kernel(age_idx, gender_idx, city_idx, emb_feat, W_age, W_gender, W_city):
  return _run(
      age_idx.astype(jnp.int32),
      gender_idx.astype(jnp.int32),
      city_idx.astype(jnp.int32),
      emb_feat, W_age, W_gender, W_city)

# --- scband reference (transcript-rebuilt; emitter-appended) ---
"""Pipeline reference for scband-attribute-emb-28346784153941 (READ-ONLY COPY).

The authoritative reference and input builder live on the scoring server;
editing this copy changes nothing except your own understanding.
"""

import jax, jax.numpy as jnp
import numpy as np

N = 100000
ATT_DIM = 16
EMB_DIM = 128
VOCABS = {"age": 10, "gender": 3, "city": 100}


def setup_inputs(seed: int = 0) -> dict:
    key = jax.random.key(seed)
    k1, k2, k3, k4, k5, k6, k7 = jax.random.split(key, 7)
    return {
        "age_idx": jax.random.randint(k1, (N,), 0, VOCABS["age"]),
        "gender_idx": jax.random.randint(k2, (N,), 0, VOCABS["gender"]),
        "city_idx": jax.random.randint(k3, (N,), 0, VOCABS["city"]),
        "emb_feat": jax.random.normal(k4, (N, EMB_DIM), dtype=jnp.float32),
        "W_age": jax.random.normal(k5, (VOCABS["age"], ATT_DIM), dtype=jnp.float32),
        "W_gender": jax.random.normal(k6, (VOCABS["gender"], ATT_DIM), dtype=jnp.float32),
        "W_city": jax.random.normal(k7, (VOCABS["city"], ATT_DIM), dtype=jnp.float32),
    }


def reference(age_idx, gender_idx, city_idx, emb_feat, W_age, W_gender, W_city):
    # Faithful translation of AttributeEmb.forward: iterate attribute_dict keys in
    # order (age, gender, city, pretrained_emb); non-'emb' keys are embedded via
    # their nn.Embedding table, 'emb' keys are passed through; concat on last dim.
    out_x = [
        jnp.take(W_age, age_idx, axis=0),
        jnp.take(W_gender, gender_idx, axis=0),
        jnp.take(W_city, city_idx, axis=0),
        emb_feat,
    ]
    return jnp.concatenate(out_x, axis=-1)

if __name__ == "__main__":
    import jax
    _d = setup_inputs()
    print(jax.jit(kernel)(*tuple(_d.values())))

</pallas_src>

<mosaic_0001>
#map = affine_map<(d0, d1) -> (0)>
#map1 = affine_map<(d0, d1) -> (0, 0)>
module attributes {stable_mosaic.version = 14 : i64} {
  func.func @_sc_body(%arg0: i32, %arg1: i32, %arg2: memref<50000xi32, #tpu.memory_space<hbm>>, %arg3: memref<50000xi32, #tpu.memory_space<hbm>>, %arg4: memref<50000xi32, #tpu.memory_space<hbm>>, %arg5: memref<10x16xf32, #tpu.memory_space<hbm>>, %arg6: memref<3x16xf32, #tpu.memory_space<hbm>>, %arg7: memref<100x16xf32, #tpu.memory_space<hbm>>, %arg8: memref<50000x128xf32, #tpu.memory_space<hbm>>, %arg9: memref<1x1552xi32, #tpu.memory_space<vmem>>, %arg10: memref<1x1552xi32, #tpu.memory_space<vmem>>, %arg11: memref<1x1552xi32, #tpu.memory_space<vmem>>, %arg12: memref<1x1552x16xf32, #tpu.memory_space<vmem>>, %arg13: memref<1x1552x16xf32, #tpu.memory_space<vmem>>, %arg14: memref<1x1552x16xf32, #tpu.memory_space<vmem>>, %arg15: memref<10x16xf32, #tpu.memory_space<vmem>>, %arg16: memref<3x16xf32, #tpu.memory_space<vmem>>, %arg17: memref<100x16xf32, #tpu.memory_space<vmem>>, %arg18: memref<!tpu.dma_semaphore, #tpu.memory_space<semaphore_mem>>, %arg19: memref<!tpu.dma_semaphore, #tpu.memory_space<semaphore_mem>>) attributes {dimension_semantics = [#tpu.dimension_semantics<core_parallel>, #tpu.dimension_semantics<subcore_parallel>], iteration_bounds = array<i64: 2, 16>, scalar_prefetch = 0 : i64, scratch_operands = 11 : i64, tpu.core_type = #tpu.core_type<sc_vector_subcore>, window_params = [{transform_indices = #map}, {transform_indices = #map}, {transform_indices = #map}, {transform_indices = #map1}, {transform_indices = #map1}, {transform_indices = #map1}, {transform_indices = #map1}]} {
    %mul3A = arith.constant 2 : i32
    %mul3A_0 = arith.muli %arg1, %mul3A : i32
    %add3A = arith.addi %mul3A_0, %arg0 : i32
    "tpu.region"() ({
      %run_scoped3A = tpu.sem_alloc : memref<!tpu.dma_semaphore, #tpu.memory_space<semaphore_mem>>
      tpu.enqueue_dma source(%arg5 : memref<10x16xf32, #tpu.memory_space<hbm>>) target(%arg15 : memref<10x16xf32, #tpu.memory_space<vmem>>) target_semaphore(%run_scoped3A : memref<!tpu.dma_semaphore, #tpu.memory_space<semaphore_mem>>)
      tpu.wait_dma2 semaphore(%run_scoped3A : memref<!tpu.dma_semaphore, #tpu.memory_space<semaphore_mem>>) src(%arg5 : memref<10x16xf32, #tpu.memory_space<hbm>>) dst(%arg15 : memref<10x16xf32, #tpu.memory_space<vmem>>)
      tpu.yield
    }) : () -> ()
    "tpu.region"() ({
      %run_scoped3A = tpu.sem_alloc : memref<!tpu.dma_semaphore, #tpu.memory_space<semaphore_mem>>
      tpu.enqueue_dma source(%arg6 : memref<3x16xf32, #tpu.memory_space<hbm>>) target(%arg16 : memref<3x16xf32, #tpu.memory_space<vmem>>) target_semaphore(%run_scoped3A : memref<!tpu.dma_semaphore, #tpu.memory_space<semaphore_mem>>)
      tpu.wait_dma2 semaphore(%run_scoped3A : memref<!tpu.dma_semaphore, #tpu.memory_space<semaphore_mem>>) src(%arg6 : memref<3x16xf32, #tpu.memory_space<hbm>>) dst(%arg16 : memref<3x16xf32, #tpu.memory_space<vmem>>)
      tpu.yield
    }) : () -> ()
    "tpu.region"() ({
      %run_scoped3A = tpu.sem_alloc : memref<!tpu.dma_semaphore, #tpu.memory_space<semaphore_mem>>
      tpu.enqueue_dma source(%arg7 : memref<100x16xf32, #tpu.memory_space<hbm>>) target(%arg17 : memref<100x16xf32, #tpu.memory_space<vmem>>) target_semaphore(%run_scoped3A : memref<!tpu.dma_semaphore, #tpu.memory_space<semaphore_mem>>)
      tpu.wait_dma2 semaphore(%run_scoped3A : memref<!tpu.dma_semaphore, #tpu.memory_space<semaphore_mem>>) src(%arg7 : memref<100x16xf32, #tpu.memory_space<hbm>>) dst(%arg17 : memref<100x16xf32, #tpu.memory_space<vmem>>)
      tpu.yield
    }) : () -> ()
    %sub3A = arith.constant 32 : i32
    %sub3A_1 = arith.subi %sub3A, %add3A : i32
    %sub3A_2 = arith.constant 32 : i32
    %sub3A_3 = arith.constant 1 : i32
    %sub3A_4 = arith.subi %sub3A_2, %sub3A_3 : i32
    %add3A_5 = arith.addi %sub3A_1, %sub3A_4 : i32
    %div3A = arith.constant 32 : i32
    %div3A_6 = arith.divsi %add3A_5, %div3A : i32
    %while3A = arith.constant 32 : i32
    %while3A_7 = arith.constant 0 : i32
    %while3A_8 = arith.subi %div3A_6, %while3A_7 : i32
    %while3A_9 = arith.addi %while3A_7, %while3A_8 : i32
    %while3A_10 = arith.constant 1 : i32
    %while3A_11 = arith.divsi %while3A_8, %while3A_10 : i32
    %while3A_12 = arith.muli %while3A_11, %while3A_10 : i32
    %while3A_13 = arith.addi %while3A_7, %while3A_12 : i32
    %while3A_14 = arith.constant 1 : i32
    scf.for %while3A_18 = %while3A_7 to %while3A_13 step %while3A_14  : i32 {
      %mul3A_19 = arith.muli %while3A_18, %while3A : i32
      %add3A_20 = arith.addi %add3A, %mul3A_19 : i32
      %add3A_21 = arith.constant 0 : i32
      %add3A_22 = arith.addi %add3A_20, %add3A_21 : i32
      %lt3A = arith.constant 32 : i32
      %lt3A_23 = arith.cmpi slt, %add3A_22, %lt3A : i32
      %convert_element_type3A_24 = arith.extui %lt3A_23 : i1 to i32
      %cond3A_25 = arith.constant 0 : i32
      %cond3A_26 = arith.cmpi ne, %convert_element_type3A_24, %cond3A_25 : i32
      scf.if %cond3A_26 {
        %add3A_41 = arith.constant 0 : i32
        %add3A_42 = arith.addi %add3A_20, %add3A_41 : i32
        %mul3A_43 = arith.constant 1552 : i32
        %mul3A_44 = arith.muli %add3A_42, %mul3A_43 : i32
        %dma_start3A = arith.constant 0 : i32
        %dma_start3A_45 = arith.constant 0 : i32
        %dma_start3A_46 = tpu.memref_slice %arg9[%dma_start3A, %dma_start3A_45] : memref<1x1552xi32, #tpu.memory_space<vmem>> -> memref<1x1552xi32, #tpu.memory_space<vmem>>
        %dma_start3A_47 = tpu.memref_squeeze %dma_start3A_46 : memref<1x1552xi32, #tpu.memory_space<vmem>> -> memref<1552xi32, #tpu.memory_space<vmem>>
        %dma_start3A_48 = tpu.memref_slice %arg2[%mul3A_44] : memref<50000xi32, #tpu.memory_space<hbm>> -> memref<1552xi32, #tpu.memory_space<hbm>>
        %dma_start3A_49 = arith.constant 0 : i32
        %dma_start3A_50 = tpu.memref_slice %arg9[%dma_start3A, %dma_start3A_49] : memref<1x1552xi32, #tpu.memory_space<vmem>> -> memref<1x1552xi32, #tpu.memory_space<vmem>>
        %dma_start3A_51 = tpu.memref_squeeze %dma_start3A_50 : memref<1x1552xi32, #tpu.memory_space<vmem>> -> memref<1552xi32, #tpu.memory_space<vmem>>
        %dma_start3A_52 = tpu.memref_slice %arg2[%mul3A_44] : memref<50000xi32, #tpu.memory_space<hbm>> -> memref<1552xi32, #tpu.memory_space<hbm>>
        tpu.enqueue_dma source(%dma_start3A_52 : memref<1552xi32, #tpu.memory_space<hbm>>) target(%dma_start3A_51 : memref<1552xi32, #tpu.memory_space<vmem>>) target_semaphore(%arg18 : memref<!tpu.dma_semaphore, #tpu.memory_space<semaphore_mem>>)
        %dma_start3A_53 = arith.constant 0 : i32
        %dma_start3A_54 = arith.constant 0 : i32
        %dma_start3A_55 = tpu.memref_slice %arg10[%dma_start3A_53, %dma_start3A_54] : memref<1x1552xi32, #tpu.memory_space<vmem>> -> memref<1x1552xi32, #tpu.memory_space<vmem>>
        %dma_start3A_56 = tpu.memref_squeeze %dma_start3A_55 : memref<1x1552xi32, #tpu.memory_space<vmem>> -> memref<1552xi32, #tpu.memory_space<vmem>>
        %dma_start3A_57 = tpu.memref_slice %arg3[%mul3A_44] : memref<50000xi32, #tpu.memory_space<hbm>> -> memref<1552xi32, #tpu.memory_space<hbm>>
        %dma_start3A_58 = arith.constant 0 : i32
        %dma_start3A_59 = tpu.memref_slice %arg10[%dma_start3A_53, %dma_start3A_58] : memref<1x1552xi32, #tpu.memory_space<vmem>> -> memref<1x1552xi32, #tpu.memory_space<vmem>>
        %dma_start3A_60 = tpu.memref_squeeze %dma_start3A_59 : memref<1x1552xi32, #tpu.memory_space<vmem>> -> memref<1552xi32, #tpu.memory_space<vmem>>
        %dma_start3A_61 = tpu.memref_slice %arg3[%mul3A_44] : memref<50000xi32, #tpu.memory_space<hbm>> -> memref<1552xi32, #tpu.memory_space<hbm>>
        tpu.enqueue_dma source(%dma_start3A_61 : memref<1552xi32, #tpu.memory_space<hbm>>) target(%dma_start3A_60 : memref<1552xi32, #tpu.memory_space<vmem>>) target_semaphore(%arg18 : memref<!tpu.dma_semaphore, #tpu.memory_space<semaphore_mem>>)
        %dma_start3A_62 = arith.constant 0 : i32
        %dma_start3A_63 = arith.constant 0 : i32
        %dma_start3A_64 = tpu.memref_slice %arg11[%dma_start3A_62, %dma_start3A_63] : memref<1x1552xi32, #tpu.memory_space<vmem>> -> memref<1x1552xi32, #tpu.memory_space<vmem>>
        %dma_start3A_65 = tpu.memref_squeeze %dma_start3A_64 : memref<1x1552xi32, #tpu.memory_space<vmem>> -> memref<1552xi32, #tpu.memory_space<vmem>>
        %dma_start3A_66 = tpu.memref_slice %arg4[%mul3A_44] : memref<50000xi32, #tpu.memory_space<hbm>> -> memref<1552xi32, #tpu.memory_space<hbm>>
        %dma_start3A_67 = arith.constant 0 : i32
        %dma_start3A_68 = tpu.memref_slice %arg11[%dma_start3A_62, %dma_start3A_67] : memref<1x1552xi32, #tpu.memory_space<vmem>> -> memref<1x1552xi32, #tpu.memory_space<vmem>>
        %dma_start3A_69 = tpu.memref_squeeze %dma_start3A_68 : memref<1x1552xi32, #tpu.memory_space<vmem>> -> memref<1552xi32, #tpu.memory_space<vmem>>
        %dma_start3A_70 = tpu.memref_slice %arg4[%mul3A_44] : memref<50000xi32, #tpu.memory_space<hbm>> -> memref<1552xi32, #tpu.memory_space<hbm>>
        tpu.enqueue_dma source(%dma_start3A_70 : memref<1552xi32, #tpu.memory_space<hbm>>) target(%dma_start3A_69 : memref<1552xi32, #tpu.memory_space<vmem>>) target_semaphore(%arg18 : memref<!tpu.dma_semaphore, #tpu.memory_space<semaphore_mem>>)
      } else {
      }
      %add3A_27 = arith.constant 0 : i32
      %add3A_28 = arith.addi %add3A_20, %add3A_27 : i32
      %lt3A_29 = arith.constant 32 : i32
      %lt3A_30 = arith.cmpi slt, %add3A_28, %lt3A_29 : i32
      %convert_element_type3A_31 = arith.extui %lt3A_30 : i1 to i32
      %cond3A_32 = arith.constant 0 : i32
      %cond3A_33 = arith.cmpi ne, %convert_element_type3A_31, %cond3A_32 : i32
      scf.if %cond3A_33 {
        %dma_wait3A = arith.constant 0 : i32
        %dma_wait3A_41 = arith.constant 0 : i32
        %dma_wait3A_42 = tpu.memref_slice %arg9[%dma_wait3A, %dma_wait3A_41] : memref<1x1552xi32, #tpu.memory_space<vmem>> -> memref<1x1552xi32, #tpu.memory_space<vmem>>
        %dma_wait3A_43 = tpu.memref_squeeze %dma_wait3A_42 : memref<1x1552xi32, #tpu.memory_space<vmem>> -> memref<1552xi32, #tpu.memory_space<vmem>>
        %dma_wait3A_44 = arith.constant 0 : i32
        %dma_wait3A_45 = tpu.memref_slice %arg2[%dma_wait3A_44] : memref<50000xi32, #tpu.memory_space<hbm>> -> memref<1552xi32, #tpu.memory_space<hbm>>
        %dma_wait3A_46 = arith.constant 0 : i32
        %dma_wait3A_47 = tpu.memref_slice %arg9[%dma_wait3A, %dma_wait3A_46] : memref<1x1552xi32, #tpu.memory_space<vmem>> -> memref<1x1552xi32, #tpu.memory_space<vmem>>
        %dma_wait3A_48 = tpu.memref_squeeze %dma_wait3A_47 : memref<1x1552xi32, #tpu.memory_space<vmem>> -> memref<1552xi32, #tpu.memory_space<vmem>>
        %dma_wait3A_49 = arith.constant 0 : i32
        %dma_wait3A_50 = tpu.memref_slice %arg2[%dma_wait3A_49] : memref<50000xi32, #tpu.memory_space<hbm>> -> memref<1552xi32, #tpu.memory_space<hbm>>
        tpu.wait_dma2 semaphore(%arg18 : memref<!tpu.dma_semaphore, #tpu.memory_space<semaphore_mem>>) src(%dma_wait3A_50 : memref<1552xi32, #tpu.memory_space<hbm>>) dst(%dma_wait3A_48 : memref<1552xi32, #tpu.memory_space<vmem>>)
        %dma_wait3A_51 = arith.constant 0 : i32
        %dma_wait3A_52 = arith.constant 0 : i32
        %dma_wait3A_53 = tpu.memref_slice %arg10[%dma_wait3A_51, %dma_wait3A_52] : memref<1x1552xi32, #tpu.memory_space<vmem>> -> memref<1x1552xi32, #tpu.memory_space<vmem>>
        %dma_wait3A_54 = tpu.memref_squeeze %dma_wait3A_53 : memref<1x1552xi32, #tpu.memory_space<vmem>> -> memref<1552xi32, #tpu.memory_space<vmem>>
        %dma_wait3A_55 = arith.constant 0 : i32
        %dma_wait3A_56 = tpu.memref_slice %arg3[%dma_wait3A_55] : memref<50000xi32, #tpu.memory_space<hbm>> -> memref<1552xi32, #tpu.memory_space<hbm>>
        %dma_wait3A_57 = arith.constant 0 : i32
        %dma_wait3A_58 = tpu.memref_slice %arg10[%dma_wait3A_51, %dma_wait3A_57] : memref<1x1552xi32, #tpu.memory_space<vmem>> -> memref<1x1552xi32, #tpu.memory_space<vmem>>
        %dma_wait3A_59 = tpu.memref_squeeze %dma_wait3A_58 : memref<1x1552xi32, #tpu.memory_space<vmem>> -> memref<1552xi32, #tpu.memory_space<vmem>>
        %dma_wait3A_60 = arith.constant 0 : i32
        %dma_wait3A_61 = tpu.memref_slice %arg3[%dma_wait3A_60] : memref<50000xi32, #tpu.memory_space<hbm>> -> memref<1552xi32, #tpu.memory_space<hbm>>
        tpu.wait_dma2 semaphore(%arg18 : memref<!tpu.dma_semaphore, #tpu.memory_space<semaphore_mem>>) src(%dma_wait3A_61 : memref<1552xi32, #tpu.memory_space<hbm>>) dst(%dma_wait3A_59 : memref<1552xi32, #tpu.memory_space<vmem>>)
        %dma_wait3A_62 = arith.constant 0 : i32
        %dma_wait3A_63 = arith.constant 0 : i32
        %dma_wait3A_64 = tpu.memref_slice %arg11[%dma_wait3A_62, %dma_wait3A_63] : memref<1x1552xi32, #tpu.memory_space<vmem>> -> memref<1x1552xi32, #tpu.memory_space<vmem>>
        %dma_wait3A_65 = tpu.memref_squeeze %dma_wait3A_64 : memref<1x1552xi32, #tpu.memory_space<vmem>> -> memref<1552xi32, #tpu.memory_space<vmem>>
        %dma_wait3A_66 = arith.constant 0 : i32
        %dma_wait3A_67 = tpu.memref_slice %arg4[%dma_wait3A_66] : memref<50000xi32, #tpu.memory_space<hbm>> -> memref<1552xi32, #tpu.memory_space<hbm>>
        %dma_wait3A_68 = arith.constant 0 : i32
        %dma_wait3A_69 = tpu.memref_slice %arg11[%dma_wait3A_62, %dma_wait3A_68] : memref<1x1552xi32, #tpu.memory_space<vmem>> -> memref<1x1552xi32, #tpu.memory_space<vmem>>
        %dma_wait3A_70 = tpu.memref_squeeze %dma_wait3A_69 : memref<1x1552xi32, #tpu.memory_space<vmem>> -> memref<1552xi32, #tpu.memory_space<vmem>>
        %dma_wait3A_71 = arith.constant 0 : i32
        %dma_wait3A_72 = tpu.memref_slice %arg4[%dma_wait3A_71] : memref<50000xi32, #tpu.memory_space<hbm>> -> memref<1552xi32, #tpu.memory_space<hbm>>
        tpu.wait_dma2 semaphore(%arg18 : memref<!tpu.dma_semaphore, #tpu.memory_space<semaphore_mem>>) src(%dma_wait3A_72 : memref<1552xi32, #tpu.memory_space<hbm>>) dst(%dma_wait3A_70 : memref<1552xi32, #tpu.memory_space<vmem>>)
        %iota3A = tpu.iota {dimensions = array<i32: 0>} : vector<16xi32>
        %scan3A = arith.constant 0 : i32
        %scan3A_73 = arith.constant 97 : i32
        %scan3A_74 = arith.addi %scan3A, %scan3A_73 : i32
        %scan3A_75 = arith.constant 1 : i32
        scf.for %scan3A_119 = %scan3A to %scan3A_74 step %scan3A_75  : i32 {
          %mul3A_120 = arith.constant 1 : i32
          %mul3A_121 = arith.muli %scan3A_119, %mul3A_120 : i32
          %add3A_122 = arith.constant 0 : i32
          %add3A_123 = arith.addi %add3A_122, %mul3A_121 : i32
          %mul3A_124 = arith.constant 16 : i32
          %mul3A_125 = arith.muli %add3A_123, %mul3A_124 : i32
          %add3A_126 = vector.broadcast %mul3A_125 : i32 to vector<16xi32>
          %add3A_127 = arith.addi %add3A_126, %iota3A : vector<16xi32>
          %mul3A_128 = arith.constant 16 : i32
          %mul3A_129 = arith.muli %add3A_123, %mul3A_128 : i32
          %get3A = arith.constant 0 : i32
          %get3A_130 = arith.index_cast %get3A : i32 to index
          %get3A_131 = arith.index_cast %mul3A_129 : i32 to index
          %get3A_132 = tpu.vector_load %arg9[%get3A_130, %get3A_131] {strides = array<i32>} : memref<1x1552xi32, #tpu.memory_space<vmem>>, vector<16xi32>,
          %mul3A_133 = arith.constant 16 : i32
          %mul3A_134 = arith.muli %add3A_123, %mul3A_133 : i32
          %get3A_135 = arith.constant 0 : i32
          %get3A_136 = arith.index_cast %get3A_135 : i32 to index
          %get3A_137 = arith.index_cast %mul3A_134 : i32 to index
          %get3A_138 = tpu.vector_load %arg10[%get3A_136, %get3A_137] {strides = array<i32>} : memref<1x1552xi32, #tpu.memory_space<vmem>>, vector<16xi32>,
          %mul3A_139 = arith.constant 16 : i32
          %mul3A_140 = arith.muli %add3A_123, %mul3A_139 : i32
          %get3A_141 = arith.constant 0 : i32
          %get3A_142 = arith.index_cast %get3A_141 : i32 to index
          %get3A_143 = arith.index_cast %mul3A_140 : i32 to index
          %get3A_144 = tpu.vector_load %arg11[%get3A_142, %get3A_143] {strides = array<i32>} : memref<1x1552xi32, #tpu.memory_space<vmem>>, vector<16xi32>,
          %broadcast_in_dim3A = arith.constant 0 : i32
          %broadcast_in_dim3A_145 = vector.broadcast %broadcast_in_dim3A : i32 to vector<16xi32>
          %gather3A = tpu.vector_load_idx %arg15[%get3A_132, %broadcast_in_dim3A_145] : memref<10x16xf32, #tpu.memory_space<vmem>>[vector<16xi32>, vector<16xi32>], vector<16xf32>,
          %scatter3A = arith.constant 0 : i32
          %scatter3A_146 = arith.constant 0 : i32
          %scatter3A_147 = arith.constant 0 : i32
          %scatter3A_148 = tpu.memref_slice %arg12[%scatter3A, %scatter3A_146, %scatter3A_147] : memref<1x1552x16xf32, #tpu.memory_space<vmem>> -> memref<1x1552x16xf32, #tpu.memory_space<vmem>>
          %scatter3A_149 = tpu.memref_squeeze %scatter3A_148 : memref<1x1552x16xf32, #tpu.memory_space<vmem>> -> memref<1552x16xf32, #tpu.memory_space<vmem>>
          tpu.vector_store_idx %scatter3A_149[%add3A_127, %broadcast_in_dim3A_145], %gather3A : memref<1552x16xf32, #tpu.memory_space<vmem>>[vector<16xi32>, vector<16xi32>], vector<16xf32>,
          %gather3A_150 = tpu.vector_load_idx %arg16[%get3A_138, %broadcast_in_dim3A_145] : memref<3x16xf32, #tpu.memory_space<vmem>>[vector<16xi32>, vector<16xi32>], vector<16xf32>,
          %scatter3A_151 = arith.constant 0 : i32
          %scatter3A_152 = arith.constant 0 : i32
          %scatter3A_153 = arith.constant 0 : i32
          %scatter3A_154 = tpu.memref_slice %arg13[%scatter3A_151, %scatter3A_152, %scatter3A_153] : memref<1x1552x16xf32, #tpu.memory_space<vmem>> -> memref<1x1552x16xf32, #tpu.memory_space<vmem>>
          %scatter3A_155 = tpu.memref_squeeze %scatter3A_154 : memref<1x1552x16xf32, #tpu.memory_space<vmem>> -> memref<1552x16xf32, #tpu.memory_space<vmem>>
          tpu.vector_store_idx %scatter3A_155[%add3A_127, %broadcast_in_dim3A_145], %gather3A_150 : memref<1552x16xf32, #tpu.memory_space<vmem>>[vector<16xi32>, vector<16xi32>], vector<16xf32>,
          %gather3A_156 = tpu.vector_load_idx %arg17[%get3A_144, %broadcast_in_dim3A_145] : memref<100x16xf32, #tpu.memory_space<vmem>>[vector<16xi32>, vector<16xi32>], vector<16xf32>,
          %scatter3A_157 = arith.constant 0 : i32
          %scatter3A_158 = arith.constant 0 : i32
          %scatter3A_159 = arith.constant 0 : i32
          %scatter3A_160 = tpu.memref_slice %arg14[%scatter3A_157, %scatter3A_158, %scatter3A_159] : memref<1x1552x16xf32, #tpu.memory_space<vmem>> -> memref<1x1552x16xf32, #tpu.memory_space<vmem>>
          %scatter3A_161 = tpu.memref_squeeze %scatter3A_160 : memref<1x1552x16xf32, #tpu.memory_space<vmem>> -> memref<1552x16xf32, #tpu.memory_space<vmem>>
          tpu.vector_store_idx %scatter3A_161[%add3A_127, %broadcast_in_dim3A_145], %gather3A_156 : memref<1552x16xf32, #tpu.memory_space<vmem>>[vector<16xi32>, vector<16xi32>], vector<16xf32>,
          %broadcast_in_dim3A_162 = arith.constant 1 : i32
          %broadcast_in_dim3A_163 = vector.broadcast %broadcast_in_dim3A_162 : i32 to vector<16xi32>
          %gather3A_164 = tpu.vector_load_idx %arg15[%get3A_132, %broadcast_in_dim3A_163] : memref<10x16xf32, #tpu.memory_space<vmem>>[vector<16xi32>, vector<16xi32>], vector<16xf32>,
          %scatter3A_165 = arith.constant 0 : i32
          %scatter3A_166 = arith.constant 0 : i32
          %scatter3A_167 = arith.constant 0 : i32
          %scatter3A_168 = tpu.memref_slice %arg12[%scatter3A_165, %scatter3A_166, %scatter3A_167] : memref<1x1552x16xf32, #tpu.memory_space<vmem>> -> memref<1x1552x16xf32, #tpu.memory_space<vmem>>
          %scatter3A_169 = tpu.memref_squeeze %scatter3A_168 : memref<1x1552x16xf32, #tpu.memory_space<vmem>> -> memref<1552x16xf32, #tpu.memory_space<vmem>>
          tpu.vector_store_idx %scatter3A_169[%add3A_127, %broadcast_in_dim3A_163], %gather3A_164 : memref<1552x16xf32, #tpu.memory_space<vmem>>[vector<16xi32>, vector<16xi32>], vector<16xf32>,
          %gather3A_170 = tpu.vector_load_idx %arg16[%get3A_138, %broadcast_in_dim3A_163] : memref<3x16xf32, #tpu.memory_space<vmem>>[vector<16xi32>, vector<16xi32>], vector<16xf32>,
          %scatter3A_171 = arith.constant 0 : i32
          %scatter3A_172 = arith.constant 0 : i32
          %scatter3A_173 = arith.constant 0 : i32
          %scatter3A_174 = tpu.memref_slice %arg13[%scatter3A_171, %scatter3A_172, %scatter3A_173] : memref<1x1552x16xf32, #tpu.memory_space<vmem>> -> memref<1x1552x16xf32, #tpu.memory_space<vmem>>
          %scatter3A_175 = tpu.memref_squeeze %scatter3A_174 : memref<1x1552x16xf32, #tpu.memory_space<vmem>> -> memref<1552x16xf32, #tpu.memory_space<vmem>>
          tpu.vector_store_idx %scatter3A_175[%add3A_127, %broadcast_in_dim3A_163], %gather3A_170 : memref<1552x16xf32, #tpu.memory_space<vmem>>[vector<16xi32>, vector<16xi32>], vector<16xf32>,
          %gather3A_176 = tpu.vector_load_idx %arg17[%get3A_144, %broadcast_in_dim3A_163] : memref<100x16xf32, #tpu.memory_space<vmem>>[vector<16xi32>, vector<16xi32>], vector<16xf32>,
          %scatter3A_177 = arith.constant 0 : i32
          %scatter3A_178 = arith.constant 0 : i32
          %scatter3A_179 = arith.constant 0 : i32
          %scatter3A_180 = tpu.memref_slice %arg14[%scatter3A_177, %scatter3A_178, %scatter3A_179] : memref<1x1552x16xf32, #tpu.memory_space<vmem>> -> memref<1x1552x16xf32, #tpu.memory_space<vmem>>
          %scatter3A_181 = tpu.memref_squeeze %scatter3A_180 : memref<1x1552x16xf32, #tpu.memory_space<vmem>> -> memref<1552x16xf32, #tpu.memory_space<vmem>>
          tpu.vector_store_idx %scatter3A_181[%add3A_127, %broadcast_in_dim3A_163], %gather3A_176 : memref<1552x16xf32, #tpu.memory_space<vmem>>[vector<16xi32>, vector<16xi32>], vector<16xf32>,
          %broadcast_in_dim3A_182 = arith.constant 2 : i32
          %broadcast_in_dim3A_183 = vector.broadcast %broadcast_in_dim3A_182 : i32 to vector<16xi32>
          %gather3A_184 = tpu.vector_load_idx %arg15[%get3A_132, %broadcast_in_dim3A_183] : memref<10x16xf32, #tpu.memory_space<vmem>>[vector<16xi32>, vector<16xi32>], vector<16xf32>,
          %scatter3A_185 = arith.constant 0 : i32
          %scatter3A_186 = arith.constant 0 : i32
          %scatter3A_187 = arith.constant 0 : i32
          %scatter3A_188 = tpu.memref_slice %arg12[%scatter3A_185, %scatter3A_186, %scatter3A_187] : memref<1x1552x16xf32, #tpu.memory_space<vmem>> -> memref<1x1552x16xf32, #tpu.memory_space<vmem>>
          %scatter3A_189 = tpu.memref_squeeze %scatter3A_188 : memref<1x1552x16xf32, #tpu.memory_space<vmem>> -> memref<1552x16xf32, #tpu.memory_space<vmem>>
          tpu.vector_store_idx %scatter3A_189[%add3A_127, %broadcast_in_dim3A_183], %gather3A_184 : memref<1552x16xf32, #tpu.memory_space<vmem>>[vector<16xi32>, vector<16xi32>], vector<16xf32>,
          %gather3A_190 = tpu.vector_load_idx %arg16[%get3A_138, %broadcast_in_dim3A_183] : memref<3x16xf32, #tpu.memory_space<vmem>>[vector<16xi32>, vector<16xi32>], vector<16xf32>,
          %scatter3A_191 = arith.constant 0 : i32
          %scatter3A_192 = arith.constant 0 : i32
          %scatter3A_193 = arith.constant 0 : i32
          %scatter3A_194 = tpu.memref_slice %arg13[%scatter3A_191, %scatter3A_192, %scatter3A_193] : memref<1x1552x16xf32, #tpu.memory_space<vmem>> -> memref<1x1552x16xf32, #tpu.memory_space<vmem>>
          %scatter3A_195 = tpu.memref_squeeze %scatter3A_194 : memref<1x1552x16xf32, #tpu.memory_space<vmem>> -> memref<1552x16xf32, #tpu.memory_space<vmem>>
          tpu.vector_store_idx %scatter3A_195[%add3A_127, %broadcast_in_dim3A_183], %gather3A_190 : memref<1552x16xf32, #tpu.memory_space<vmem>>[vector<16xi32>, vector<16xi32>], vector<16xf32>,
          %gather3A_196 = tpu.vector_load_idx %arg17[%get3A_144, %broadcast_in_dim3A_183] : memref<100x16xf32, #tpu.memory_space<vmem>>[vector<16xi32>, vector<16xi32>], vector<16xf32>,
          %scatter3A_197 = arith.constant 0 : i32
          %scatter3A_198 = arith.constant 0 : i32
          %scatter3A_199 = arith.constant 0 : i32
          %scatter3A_200 = tpu.memref_slice %arg14[%scatter3A_197, %scatter3A_198, %scatter3A_199] : memref<1x1552x16xf32, #tpu.memory_space<vmem>> -> memref<1x1552x16xf32, #tpu.memory_space<vmem>>
          %scatter3A_201 = tpu.memref_squeeze %scatter3A_200 : memref<1x1552x16xf32, #tpu.memory_space<vmem>> -> memref<1552x16xf32, #tpu.memory_space<vmem>>
          tpu.vector_store_idx %scatter3A_201[%add3A_127, %broadcast_in_dim3A_183], %gather3A_196 : memref<1552x16xf32, #tpu.memory_space<vmem>>[vector<16xi32>, vector<16xi32>], vector<16xf32>,
          %broadcast_in_dim3A_202 = arith.constant 3 : i32
          %broadcast_in_dim3A_203 = vector.broadcast %broadcast_in_dim3A_202 : i32 to vector<16xi32>
          %gather3A_204 = tpu.vector_load_idx %arg15[%get3A_132, %broadcast_in_dim3A_203] : memref<10x16xf32, #tpu.memory_space<vmem>>[vector<16xi32>, vector<16xi32>], vector<16xf32>,
          %scatter3A_205 = arith.constant 0 : i32
          %scatter3A_206 = arith.constant 0 : i32
          %scatter3A_207 = arith.constant 0 : i32
          %scatter3A_208 = tpu.memref_slice %arg12[%scatter3A_205, %scatter3A_206, %scatter3A_207] : memref<1x1552x16xf32, #tpu.memory_space<vmem>> -> memref<1x1552x16xf32, #tpu.memory_space<vmem>>
          %scatter3A_209 = tpu.memref_squeeze %scatter3A_208 : memref<1x1552x16xf32, #tpu.memory_space<vmem>> -> memref<1552x16xf32, #tpu.memory_space<vmem>>
          tpu.vector_store_idx %scatter3A_209[%add3A_127, %broadcast_in_dim3A_203], %gather3A_204 : memref<1552x16xf32, #tpu.memory_space<vmem>>[vector<16xi32>, vector<16xi32>], vector<16xf32>,
          %gather3A_210 = tpu.vector_load_idx %arg16[%get3A_138, %broadcast_in_dim3A_203] : memref<3x16xf32, #tpu.memory_space<vmem>>[vector<16xi32>, vector<16xi32>], vector<16xf32>,
          %scatter3A_211 = arith.constant 0 : i32
          %scatter3A_212 = arith.constant 0 : i32
          %scatter3A_213 = arith.constant 0 : i32
          %scatter3A_214 = tpu.memref_slice %arg13[%scatter3A_211, %scatter3A_212, %scatter3A_213] : memref<1x1552x16xf32, #tpu.memory_space<vmem>> -> memref<1x1552x16xf32, #tpu.memory_space<vmem>>
          %scatter3A_215 = tpu.memref_squeeze %scatter3A_214 : memref<1x1552x16xf32, #tpu.memory_space<vmem>> -> memref<1552x16xf32, #tpu.memory_space<vmem>>
          tpu.vector_store_idx %scatter3A_215[%add3A_127, %broadcast_in_dim3A_203], %gather3A_210 : memref<1552x16xf32, #tpu.memory_space<vmem>>[vector<16xi32>, vector<16xi32>], vector<16xf32>,
          %gather3A_216 = tpu.vector_load_idx %arg17[%get3A_144, %broadcast_in_dim3A_203] : memref<100x16xf32, #tpu.memory_space<vmem>>[vector<16xi32>, vector<16xi32>], vector<16xf32>,
          %scatter3A_217 = arith.constant 0 : i32
          %scatter3A_218 = arith.constant 0 : i32
          %scatter3A_219 = arith.constant 0 : i32
          %scatter3A_220 = tpu.memref_slice %arg14[%scatter3A_217, %scatter3A_218, %scatter3A_219] : memref<1x1552x16xf32, #tpu.memory_space<vmem>> -> memref<1x1552x16xf32, #tpu.memory_space<vmem>>
          %scatter3A_221 = tpu.memref_squeeze %scatter3A_220 : memref<1x1552x16xf32, #tpu.memory_space<vmem>> -> memref<1552x16xf32, #tpu.memory_space<vmem>>
          tpu.vector_store_idx %scatter3A_221[%add3A_127, %broadcast_in_dim3A_203], %gather3A_216 : memref<1552x16xf32, #tpu.memory_space<vmem>>[vector<16xi32>, vector<16xi32>], vector<16xf32>,
          %broadcast_in_dim3A_222 = arith.constant 4 : i32
          %broadcast_in_dim3A_223 = vector.broadcast %broadcast_in_dim3A_222 : i32 to vector<16xi32>
          %gather3A_224 = tpu.vector_load_idx %arg15[%get3A_132, %broadcast_in_dim3A_223] : memref<10x16xf32, #tpu.memory_space<vmem>>[vector<16xi32>, vector<16xi32>], vector<16xf32>,
          %scatter3A_225 = arith.constant 0 : i32
          %scatter3A_226 = arith.constant 0 : i32
          %scatter3A_227 = arith.constant 0 : i32
          %scatter3A_228 = tpu.memref_slice %arg12[%scatter3A_225, %scatter3A_226, %scatter3A_227] : memref<1x1552x16xf32, #tpu.memory_space<vmem>> -> memref<1x1552x16xf32, #tpu.memory_space<vmem>>
          %scatter3A_229 = tpu.memref_squeeze %scatter3A_228 : memref<1x1552x16xf32, #tpu.memory_space<vmem>> -> memref<1552x16xf32, #tpu.memory_space<vmem>>
          tpu.vector_store_idx %scatter3A_229[%add3A_127, %broadcast_in_dim3A_223], %gather3A_224 : memref<1552x16xf32, #tpu.memory_space<vmem>>[vector<16xi32>, vector<16xi32>], vector<16xf32>,
          %gather3A_230 = tpu.vector_load_idx %arg16[%get3A_138, %broadcast_in_dim3A_223] : memref<3x16xf32, #tpu.memory_space<vmem>>[vector<16xi32>, vector<16xi32>], vector<16xf32>,
          %scatter3A_231 = arith.constant 0 : i32
          %scatter3A_232 = arith.constant 0 : i32
          %scatter3A_233 = arith.constant 0 : i32
          %scatter3A_234 = tpu.memref_slice %arg13[%scatter3A_231, %scatter3A_232, %scatter3A_233] : memref<1x1552x16xf32, #tpu.memory_space<vmem>> -> memref<1x1552x16xf32, #tpu.memory_space<vmem>>
          %scatter3A_235 = tpu.memref_squeeze %scatter3A_234 : memref<1x1552x16xf32, #tpu.memory_space<vmem>> -> memref<1552x16xf32, #tpu.memory_space<vmem>>
          tpu.vector_store_idx %scatter3A_235[%add3A_127, %broadcast_in_dim3A_223], %gather3A_230 : memref<1552x16xf32, #tpu.memory_space<vmem>>[vector<16xi32>, vector<16xi32>], vector<16xf32>,
          %gather3A_236 = tpu.vector_load_idx %arg17[%get3A_144, %broadcast_in_dim3A_223] : memref<100x16xf32, #tpu.memory_space<vmem>>[vector<16xi32>, vector<16xi32>], vector<16xf32>,
          %scatter3A_237 = arith.constant 0 : i32
          %scatter3A_238 = arith.constant 0 : i32
          %scatter3A_239 = arith.constant 0 : i32
          %scatter3A_240 = tpu.memref_slice %arg14[%scatter3A_237, %scatter3A_238, %scatter3A_239] : memref<1x1552x16xf32, #tpu.memory_space<vmem>> -> memref<1x1552x16xf32, #tpu.memory_space<vmem>>
          %scatter3A_241 = tpu.memref_squeeze %scatter3A_240 : memref<1x1552x16xf32, #tpu.memory_space<vmem>> -> memref<1552x16xf32, #tpu.memory_space<vmem>>
          tpu.vector_store_idx %scatter3A_241[%add3A_127, %broadcast_in_dim3A_223], %gather3A_236 : memref<1552x16xf32, #tpu.memory_space<vmem>>[vector<16xi32>, vector<16xi32>], vector<16xf32>,
          %broadcast_in_dim3A_242 = arith.constant 5 : i32
          %broadcast_in_dim3A_243 = vector.broadcast %broadcast_in_dim3A_242 : i32 to vector<16xi32>
          %gather3A_244 = tpu.vector_load_idx %arg15[%get3A_132, %broadcast_in_dim3A_243] : memref<10x16xf32, #tpu.memory_space<vmem>>[vector<16xi32>, vector<16xi32>], vector<16xf32>,
          %scatter3A_245 = arith.constant 0 : i32
          %scatter3A_246 = arith.constant 0 : i32
          %scatter3A_247 = arith.constant 0 : i32
          %scatter3A_248 = tpu.memref_slice %arg12[%scatter3A_245, %scatter3A_246, %scatter3A_247] : memref<1x1552x16xf32, #tpu.memory_space<vmem>> -> memref<1x1552x16xf32, #tpu.memory_space<vmem>>
          %scatter3A_249 = tpu.memref_squeeze %scatter3A_248 : memref<1x1552x16xf32, #tpu.memory_space<vmem>> -> memref<1552x16xf32, #tpu.memory_space<vmem>>
          tpu.vector_store_idx %scatter3A_249[%add3A_127, %broadcast_in_dim3A_243], %gather3A_244 : memref<1552x16xf32, #tpu.memory_space<vmem>>[vector<16xi32>, vector<16xi32>], vector<16xf32>,
          %gather3A_250 = tpu.vector_load_idx %arg16[%get3A_138, %broadcast_in_dim3A_243] : memref<3x16xf32, #tpu.memory_space<vmem>>[vector<16xi32>, vector<16xi32>], vector<16xf32>,
          %scatter3A_251 = arith.constant 0 : i32
          %scatter3A_252 = arith.constant 0 : i32
          %scatter3A_253 = arith.constant 0 : i32
          %scatter3A_254 = tpu.memref_slice %arg13[%scatter3A_251, %scatter3A_252, %scatter3A_253] : memref<1x1552x16xf32, #tpu.memory_space<vmem>> -> memref<1x1552x16xf32, #tpu.memory_space<vmem>>
          %scatter3A_255 = tpu.memref_squeeze %scatter3A_254 : memref<1x1552x16xf32, #tpu.memory_space<vmem>> -> memref<1552x16xf32, #tpu.memory_space<vmem>>
          tpu.vector_store_idx %scatter3A_255[%add3A_127, %broadcast_in_dim3A_243], %gather3A_250 : memref<1552x16xf32, #tpu.memory_space<vmem>>[vector<16xi32>, vector<16xi32>], vector<16xf32>,
          %gather3A_256 = tpu.vector_load_idx %arg17[%get3A_144, %broadcast_in_dim3A_243] : memref<100x16xf32, #tpu.memory_space<vmem>>[vector<16xi32>, vector<16xi32>], vector<16xf32>,
          %scatter3A_257 = arith.constant 0 : i32
          %scatter3A_258 = arith.constant 0 : i32
          %scatter3A_259 = arith.constant 0 : i32
          %scatter3A_260 = tpu.memref_slice %arg14[%scatter3A_257, %scatter3A_258, %scatter3A_259] : memref<1x1552x16xf32, #tpu.memory_space<vmem>> -> memref<1x1552x16xf32, #tpu.memory_space<vmem>>
          %scatter3A_261 = tpu.memref_squeeze %scatter3A_260 : memref<1x1552x16xf32, #tpu.memory_space<vmem>> -> memref<1552x16xf32, #tpu.memory_space<vmem>>
          tpu.vector_store_idx %scatter3A_261[%add3A_127, %broadcast_in_dim3A_243], %gather3A_256 : memref<1552x16xf32, #tpu.memory_space<vmem>>[vector<16xi32>, vector<16xi32>], vector<16xf32>,
          %broadcast_in_dim3A_262 = arith.constant 6 : i32
          %broadcast_in_dim3A_263 = vector.broadcast %broadcast_in_dim3A_262 : i32 to vector<16xi32>
          %gather3A_264 = tpu.vector_load_idx %arg15[%get3A_132, %broadcast_in_dim3A_263] : memref<10x16xf32, #tpu.memory_space<vmem>>[vector<16xi32>, vector<16xi32>], vector<16xf32>,
          %scatter3A_265 = arith.constant 0 : i32
          %scatter3A_266 = arith.constant 0 : i32
          %scatter3A_267 = arith.constant 0 : i32
          %scatter3A_268 = tpu.memref_slice %arg12[%scatter3A_265, %scatter3A_266, %scatter3A_267] : memref<1x1552x16xf32, #tpu.memory_space<vmem>> -> memref<1x1552x16xf32, #tpu.memory_space<vmem>>
          %scatter3A_269 = tpu.memref_squeeze %scatter3A_268 : memref<1x1552x16xf32, #tpu.memory_space<vmem>> -> memref<1552x16xf32, #tpu.memory_space<vmem>>
          tpu.vector_store_idx %scatter3A_269[%add3A_127, %broadcast_in_dim3A_263], %gather3A_264 : memref<1552x16xf32, #tpu.memory_space<vmem>>[vector<16xi32>, vector<16xi32>], vector<16xf32>,
          %gather3A_270 = tpu.vector_load_idx %arg16[%get3A_138, %broadcast_in_dim3A_263] : memref<3x16xf32, #tpu.memory_space<vmem>>[vector<16xi32>, vector<16xi32>], vector<16xf32>,
          %scatter3A_271 = arith.constant 0 : i32
          %scatter3A_272 = arith.constant 0 : i32
          %scatter3A_273 = arith.constant 0 : i32
          %scatter3A_274 = tpu.memref_slice %arg13[%scatter3A_271, %scatter3A_272, %scatter3A_273] : memref<1x1552x16xf32, #tpu.memory_space<vmem>> -> memref<1x1552x16xf32, #tpu.memory_space<vmem>>
          %scatter3A_275 = tpu.memref_squeeze %scatter3A_274 : memref<1x1552x16xf32, #tpu.memory_space<vmem>> -> memref<1552x16xf32, #tpu.memory_space<vmem>>
          tpu.vector_store_idx %scatter3A_275[%add3A_127, %broadcast_in_dim3A_263], %gather3A_270 : memref<1552x16xf32, #tpu.memory_space<vmem>>[vector<16xi32>, vector<16xi32>], vector<16xf32>,
          %gather3A_276 = tpu.vector_load_idx %arg17[%get3A_144, %broadcast_in_dim3A_263] : memref<100x16xf32, #tpu.memory_space<vmem>>[vector<16xi32>, vector<16xi32>], vector<16xf32>,
          %scatter3A_277 = arith.constant 0 : i32
          %scatter3A_278 = arith.constant 0 : i32
          %scatter3A_279 = arith.constant 0 : i32
          %scatter3A_280 = tpu.memref_slice %arg14[%scatter3A_277, %scatter3A_278, %scatter3A_279] : memref<1x1552x16xf32, #tpu.memory_space<vmem>> -> memref<1x1552x16xf32, #tpu.memory_space<vmem>>
          %scatter3A_281 = tpu.memref_squeeze %scatter3A_280 : memref<1x1552x16xf32, #tpu.memory_space<vmem>> -> memref<1552x16xf32, #tpu.memory_space<vmem>>
          tpu.vector_store_idx %scatter3A_281[%add3A_127, %broadcast_in_dim3A_263], %gather3A_276 : memref<1552x16xf32, #tpu.memory_space<vmem>>[vector<16xi32>, vector<16xi32>], vector<16xf32>,
          %broadcast_in_dim3A_282 = arith.constant 7 : i32
          %broadcast_in_dim3A_283 = vector.broadcast %broadcast_in_dim3A_282 : i32 to vector<16xi32>
          %gather3A_284 = tpu.vector_load_idx %arg15[%get3A_132, %broadcast_in_dim3A_283] : memref<10x16xf32, #tpu.memory_space<vmem>>[vector<16xi32>, vector<16xi32>], vector<16xf32>,
          %scatter3A_285 = arith.constant 0 : i32
          %scatter3A_286 = arith.constant 0 : i32
          %scatter3A_287 = arith.constant 0 : i32
          %scatter3A_288 = tpu.memref_slice %arg12[%scatter3A_285, %scatter3A_286, %scatter3A_287] : memref<1x1552x16xf32, #tpu.memory_space<vmem>> -> memref<1x1552x16xf32, #tpu.memory_space<vmem>>
          %scatter3A_289 = tpu.memref_squeeze %scatter3A_288 : memref<1x1552x16xf32, #tpu.memory_space<vmem>> -> memref<1552x16xf32, #tpu.memory_space<vmem>>
          tpu.vector_store_idx %scatter3A_289[%add3A_127, %broadcast_in_dim3A_283], %gather3A_284 : memref<1552x16xf32, #tpu.memory_space<vmem>>[vector<16xi32>, vector<16xi32>], vector<16xf32>,
          %gather3A_290 = tpu.vector_load_idx %arg16[%get3A_138, %broadcast_in_dim3A_283] : memref<3x16xf32, #tpu.memory_space<vmem>>[vector<16xi32>, vector<16xi32>], vector<16xf32>,
          %scatter3A_291 = arith.constant 0 : i32
          %scatter3A_292 = arith.constant 0 : i32
          %scatter3A_293 = arith.constant 0 : i32
          %scatter3A_294 = tpu.memref_slice %arg13[%scatter3A_291, %scatter3A_292, %scatter3A_293] : memref<1x1552x16xf32, #tpu.memory_space<vmem>> -> memref<1x1552x16xf32, #tpu.memory_space<vmem>>
          %scatter3A_295 = tpu.memref_squeeze %scatter3A_294 : memref<1x1552x16xf32, #tpu.memory_space<vmem>> -> memref<1552x16xf32, #tpu.memory_space<vmem>>
          tpu.vector_store_idx %scatter3A_295[%add3A_127, %broadcast_in_dim3A_283], %gather3A_290 : memref<1552x16xf32, #tpu.memory_space<vmem>>[vector<16xi32>, vector<16xi32>], vector<16xf32>,
          %gather3A_296 = tpu.vector_load_idx %arg17[%get3A_144, %broadcast_in_dim3A_283] : memref<100x16xf32, #tpu.memory_space<vmem>>[vector<16xi32>, vector<16xi32>], vector<16xf32>,
          %scatter3A_297 = arith.constant 0 : i32
          %scatter3A_298 = arith.constant 0 : i32
          %scatter3A_299 = arith.constant 0 : i32
          %scatter3A_300 = tpu.memref_slice %arg14[%scatter3A_297, %scatter3A_298, %scatter3A_299] : memref<1x1552x16xf32, #tpu.memory_space<vmem>> -> memref<1x1552x16xf32, #tpu.memory_space<vmem>>
          %scatter3A_301 = tpu.memref_squeeze %scatter3A_300 : memref<1x1552x16xf32, #tpu.memory_space<vmem>> -> memref<1552x16xf32, #tpu.memory_space<vmem>>
          tpu.vector_store_idx %scatter3A_301[%add3A_127, %broadcast_in_dim3A_283], %gather3A_296 : memref<1552x16xf32, #tpu.memory_space<vmem>>[vector<16xi32>, vector<16xi32>], vector<16xf32>,
          %broadcast_in_dim3A_302 = arith.constant 8 : i32
          %broadcast_in_dim3A_303 = vector.broadcast %broadcast_in_dim3A_302 : i32 to vector<16xi32>
          %gather3A_304 = tpu.vector_load_idx %arg15[%get3A_132, %broadcast_in_dim3A_303] : memref<10x16xf32, #tpu.memory_space<vmem>>[vector<16xi32>, vector<16xi32>], vector<16xf32>,
          %scatter3A_305 = arith.constant 0 : i32
          %scatter3A_306 = arith.constant 0 : i32
          %scatter3A_307 = arith.constant 0 : i32
          %scatter3A_308 = tpu.memref_slice %arg12[%scatter3A_305, %scatter3A_306, %scatter3A_307] : memref<1x1552x16xf32, #tpu.memory_space<vmem>> -> memref<1x1552x16xf32, #tpu.memory_space<vmem>>
          %scatter3A_309 = tpu.memref_squeeze %scatter3A_308 : memref<1x1552x16xf32, #tpu.memory_space<vmem>> -> memref<1552x16xf32, #tpu.memory_space<vmem>>
          tpu.vector_store_idx %scatter3A_309[%add3A_127, %broadcast_in_dim3A_303], %gather3A_304 : memref<1552x16xf32, #tpu.memory_space<vmem>>[vector<16xi32>, vector<16xi32>], vector<16xf32>,
          %gather3A_310 = tpu.vector_load_idx %arg16[%get3A_138, %broadcast_in_dim3A_303] : memref<3x16xf32, #tpu.memory_space<vmem>>[vector<16xi32>, vector<16xi32>], vector<16xf32>,
          %scatter3A_311 = arith.constant 0 : i32
          %scatter3A_312 = arith.constant 0 : i32
          %scatter3A_313 = arith.constant 0 : i32
          %scatter3A_314 = tpu.memref_slice %arg13[%scatter3A_311, %scatter3A_312, %scatter3A_313] : memref<1x1552x16xf32, #tpu.memory_space<vmem>> -> memref<1x1552x16xf32, #tpu.memory_space<vmem>>
          %scatter3A_315 = tpu.memref_squeeze %scatter3A_314 : memref<1x1552x16xf32, #tpu.memory_space<vmem>> -> memref<1552x16xf32, #tpu.memory_space<vmem>>
          tpu.vector_store_idx %scatter3A_315[%add3A_127, %broadcast_in_dim3A_303], %gather3A_310 : memref<1552x16xf32, #tpu.memory_space<vmem>>[vector<16xi32>, vector<16xi32>], vector<16xf32>,
          %gather3A_316 = tpu.vector_load_idx %arg17[%get3A_144, %broadcast_in_dim3A_303] : memref<100x16xf32, #tpu.memory_space<vmem>>[vector<16xi32>, vector<16xi32>], vector<16xf32>,
          %scatter3A_317 = arith.constant 0 : i32
          %scatter3A_318 = arith.constant 0 : i32
          %scatter3A_319 = arith.constant 0 : i32
          %scatter3A_320 = tpu.memref_slice %arg14[%scatter3A_317, %scatter3A_318, %scatter3A_319] : memref<1x1552x16xf32, #tpu.memory_space<vmem>> -> memref<1x1552x16xf32, #tpu.memory_space<vmem>>
          %scatter3A_321 = tpu.memref_squeeze %scatter3A_320 : memref<1x1552x16xf32, #tpu.memory_space<vmem>> -> memref<1552x16xf32, #tpu.memory_space<vmem>>
          tpu.vector_store_idx %scatter3A_321[%add3A_127, %broadcast_in_dim3A_303], %gather3A_316 : memref<1552x16xf32, #tpu.memory_space<vmem>>[vector<16xi32>, vector<16xi32>], vector<16xf32>,
          %broadcast_in_dim3A_322 = arith.constant 9 : i32
          %broadcast_in_dim3A_323 = vector.broadcast %broadcast_in_dim3A_322 : i32 to vector<16xi32>
          %gather3A_324 = tpu.vector_load_idx %arg15[%get3A_132, %broadcast_in_dim3A_323] : memref<10x16xf32, #tpu.memory_space<vmem>>[vector<16xi32>, vector<16xi32>], vector<16xf32>,
          %scatter3A_325 = arith.constant 0 : i32
          %scatter3A_326 = arith.constant 0 : i32
          %scatter3A_327 = arith.constant 0 : i32
          %scatter3A_328 = tpu.memref_slice %arg12[%scatter3A_325, %scatter3A_326, %scatter3A_327] : memref<1x1552x16xf32, #tpu.memory_space<vmem>> -> memref<1x1552x16xf32, #tpu.memory_space<vmem>>
          %scatter3A_329 = tpu.memref_squeeze %scatter3A_328 : memref<1x1552x16xf32, #tpu.memory_space<vmem>> -> memref<1552x16xf32, #tpu.memory_space<vmem>>
          tpu.vector_store_idx %scatter3A_329[%add3A_127, %broadcast_in_dim3A_323], %gather3A_324 : memref<1552x16xf32, #tpu.memory_space<vmem>>[vector<16xi32>, vector<16xi32>], vector<16xf32>,
          %gather3A_330 = tpu.vector_load_idx %arg16[%get3A_138, %broadcast_in_dim3A_323] : memref<3x16xf32, #tpu.memory_space<vmem>>[vector<16xi32>, vector<16xi32>], vector<16xf32>,
          %scatter3A_331 = arith.constant 0 : i32
          %scatter3A_332 = arith.constant 0 : i32
          %scatter3A_333 = arith.constant 0 : i32
          %scatter3A_334 = tpu.memref_slice %arg13[%scatter3A_331, %scatter3A_332, %scatter3A_333] : memref<1x1552x16xf32, #tpu.memory_space<vmem>> -> memref<1x1552x16xf32, #tpu.memory_space<vmem>>
          %scatter3A_335 = tpu.memref_squeeze %scatter3A_334 : memref<1x1552x16xf32, #tpu.memory_space<vmem>> -> memref<1552x16xf32, #tpu.memory_space<vmem>>
          tpu.vector_store_idx %scatter3A_335[%add3A_127, %broadcast_in_dim3A_323], %gather3A_330 : memref<1552x16xf32, #tpu.memory_space<vmem>>[vector<16xi32>, vector<16xi32>], vector<16xf32>,
          %gather3A_336 = tpu.vector_load_idx %arg17[%get3A_144, %broadcast_in_dim3A_323] : memref<100x16xf32, #tpu.memory_space<vmem>>[vector<16xi32>, vector<16xi32>], vector<16xf32>,
          %scatter3A_337 = arith.constant 0 : i32
          %scatter3A_338 = arith.constant 0 : i32
          %scatter3A_339 = arith.constant 0 : i32
          %scatter3A_340 = tpu.memref_slice %arg14[%scatter3A_337, %scatter3A_338, %scatter3A_339] : memref<1x1552x16xf32, #tpu.memory_space<vmem>> -> memref<1x1552x16xf32, #tpu.memory_space<vmem>>
          %scatter3A_341 = tpu.memref_squeeze %scatter3A_340 : memref<1x1552x16xf32, #tpu.memory_space<vmem>> -> memref<1552x16xf32, #tpu.memory_space<vmem>>
          tpu.vector_store_idx %scatter3A_341[%add3A_127, %broadcast_in_dim3A_323], %gather3A_336 : memref<1552x16xf32, #tpu.memory_space<vmem>>[vector<16xi32>, vector<16xi32>], vector<16xf32>,
          %broadcast_in_dim3A_342 = arith.constant 10 : i32
          %broadcast_in_dim3A_343 = vector.broadcast %broadcast_in_dim3A_342 : i32 to vector<16xi32>
          %gather3A_344 = tpu.vector_load_idx %arg15[%get3A_132, %broadcast_in_dim3A_343] : memref<10x16xf32, #tpu.memory_space<vmem>>[vector<16xi32>, vector<16xi32>], vector<16xf32>,
          %scatter3A_345 = arith.constant 0 : i32
          %scatter3A_346 = arith.constant 0 : i32
          %scatter3A_347 = arith.constant 0 : i32
          %scatter3A_348 = tpu.memref_slice %arg12[%scatter3A_345, %scatter3A_346, %scatter3A_347] : memref<1x1552x16xf32, #tpu.memory_space<vmem>> -> memref<1x1552x16xf32, #tpu.memory_space<vmem>>
          %scatter3A_349 = tpu.memref_squeeze %scatter3A_348 : memref<1x1552x16xf32, #tpu.memory_space<vmem>> -> memref<1552x16xf32, #tpu.memory_space<vmem>>
          tpu.vector_store_idx %scatter3A_349[%add3A_127, %broadcast_in_dim3A_343], %gather3A_344 : memref<1552x16xf32, #tpu.memory_space<vmem>>[vector<16xi32>, vector<16xi32>], vector<16xf32>,
          %gather3A_350 = tpu.vector_load_idx %arg16[%get3A_138, %broadcast_in_dim3A_343] : memref<3x16xf32, #tpu.memory_space<vmem>>[vector<16xi32>, vector<16xi32>], vector<16xf32>,
          %scatter3A_351 = arith.constant 0 : i32
          %scatter3A_352 = arith.constant 0 : i32
          %scatter3A_353 = arith.constant 0 : i32
          %scatter3A_354 = tpu.memref_slice %arg13[%scatter3A_351, %scatter3A_352, %scatter3A_353] : memref<1x1552x16xf32, #tpu.memory_space<vmem>> -> memref<1x1552x16xf32, #tpu.memory_space<vmem>>
          %scatter3A_355 = tpu.memref_squeeze %scatter3A_354 : memref<1x1552x16xf32, #tpu.memory_space<vmem>> -> memref<1552x16xf32, #tpu.memory_space<vmem>>
          tpu.vector_store_idx %scatter3A_355[%add3A_127, %broadcast_in_dim3A_343], %gather3A_350 : memref<1552x16xf32, #tpu.memory_space<vmem>>[vector<16xi32>, vector<16xi32>], vector<16xf32>,
          %gather3A_356 = tpu.vector_load_idx %arg17[%get3A_144, %broadcast_in_dim3A_343] : memref<100x16xf32, #tpu.memory_space<vmem>>[vector<16xi32>, vector<16xi32>], vector<16xf32>,
          %scatter3A_357 = arith.constant 0 : i32
          %scatter3A_358 = arith.constant 0 : i32
          %scatter3A_359 = arith.constant 0 : i32
          %scatter3A_360 = tpu.memref_slice %arg14[%scatter3A_357, %scatter3A_358, %scatter3A_359] : memref<1x1552x16xf32, #tpu.memory_space<vmem>> -> memref<1x1552x16xf32, #tpu.memory_space<vmem>>
          %scatter3A_361 = tpu.memref_squeeze %scatter3A_360 : memref<1x1552x16xf32, #tpu.memory_space<vmem>> -> memref<1552x16xf32, #tpu.memory_space<vmem>>
          tpu.vector_store_idx %scatter3A_361[%add3A_127, %broadcast_in_dim3A_343], %gather3A_356 : memref<1552x16xf32, #tpu.memory_space<vmem>>[vector<16xi32>, vector<16xi32>], vector<16xf32>,
          %broadcast_in_dim3A_362 = arith.constant 11 : i32
          %broadcast_in_dim3A_363 = vector.broadcast %broadcast_in_dim3A_362 : i32 to vector<16xi32>
          %gather3A_364 = tpu.vector_load_idx %arg15[%get3A_132, %broadcast_in_dim3A_363] : memref<10x16xf32, #tpu.memory_space<vmem>>[vector<16xi32>, vector<16xi32>], vector<16xf32>,
          %scatter3A_365 = arith.constant 0 : i32
          %scatter3A_366 = arith.constant 0 : i32
          %scatter3A_367 = arith.constant 0 : i32
          %scatter3A_368 = tpu.memref_slice %arg12[%scatter3A_365, %scatter3A_366, %scatter3A_367] : memref<1x1552x16xf32, #tpu.memory_space<vmem>> -> memref<1x1552x16xf32, #tpu.memory_space<vmem>>
          %scatter3A_369 = tpu.memref_squeeze %scatter3A_368 : memref<1x1552x16xf32, #tpu.memory_space<vmem>> -> memref<1552x16xf32, #tpu.memory_space<vmem>>
          tpu.vector_store_idx %scatter3A_369[%add3A_127, %broadcast_in_dim3A_363], %gather3A_364 : memref<1552x16xf32, #tpu.memory_space<vmem>>[vector<16xi32>, vector<16xi32>], vector<16xf32>,
          %gather3A_370 = tpu.vector_load_idx %arg16[%get3A_138, %broadcast_in_dim3A_363] : memref<3x16xf32, #tpu.memory_space<vmem>>[vector<16xi32>, vector<16xi32>], vector<16xf32>,
          %scatter3A_371 = arith.constant 0 : i32
          %scatter3A_372 = arith.constant 0 : i32
          %scatter3A_373 = arith.constant 0 : i32
          %scatter3A_374 = tpu.memref_slice %arg13[%scatter3A_371, %scatter3A_372, %scatter3A_373] : memref<1x1552x16xf32, #tpu.memory_space<vmem>> -> memref<1x1552x16xf32, #tpu.memory_space<vmem>>
          %scatter3A_375 = tpu.memref_squeeze %scatter3A_374 : memref<1x1552x16xf32, #tpu.memory_space<vmem>> -> memref<1552x16xf32, #tpu.memory_space<vmem>>
          tpu.vector_store_idx %scatter3A_375[%add3A_127, %broadcast_in_dim3A_363], %gather3A_370 : memref<1552x16xf32, #tpu.memory_space<vmem>>[vector<16xi32>, vector<16xi32>], vector<16xf32>,
          %gather3A_376 = tpu.vector_load_idx %arg17[%get3A_144, %broadcast_in_dim3A_363] : memref<100x16xf32, #tpu.memory_space<vmem>>[vector<16xi32>, vector<16xi32>], vector<16xf32>,
          %scatter3A_377 = arith.constant 0 : i32
          %scatter3A_378 = arith.constant 0 : i32
          %scatter3A_379 = arith.constant 0 : i32
          %scatter3A_380 = tpu.memref_slice %arg14[%scatter3A_377, %scatter3A_378, %scatter3A_379] : memref<1x1552x16xf32, #tpu.memory_space<vmem>> -> memref<1x1552x16xf32, #tpu.memory_space<vmem>>
          %scatter3A_381 = tpu.memref_squeeze %scatter3A_380 : memref<1x1552x16xf32, #tpu.memory_space<vmem>> -> memref<1552x16xf32, #tpu.memory_space<vmem>>
          tpu.vector_store_idx %scatter3A_381[%add3A_127, %broadcast_in_dim3A_363], %gather3A_376 : memref<1552x16xf32, #tpu.memory_space<vmem>>[vector<16xi32>, vector<16xi32>], vector<16xf32>,
          %broadcast_in_dim3A_382 = arith.constant 12 : i32
          %broadcast_in_dim3A_383 = vector.broadcast %broadcast_in_dim3A_382 : i32 to vector<16xi32>
          %gather3A_384 = tpu.vector_load_idx %arg15[%get3A_132, %broadcast_in_dim3A_383] : memref<10x16xf32, #tpu.memory_space<vmem>>[vector<16xi32>, vector<16xi32>], vector<16xf32>,
          %scatter3A_385 = arith.constant 0 : i32
          %scatter3A_386 = arith.constant 0 : i32
          %scatter3A_387 = arith.constant 0 : i32
          %scatter3A_388 = tpu.memref_slice %arg12[%scatter3A_385, %scatter3A_386, %scatter3A_387] : memref<1x1552x16xf32, #tpu.memory_space<vmem>> -> memref<1x1552x16xf32, #tpu.memory_space<vmem>>
          %scatter3A_389 = tpu.memref_squeeze %scatter3A_388 : memref<1x1552x16xf32, #tpu.memory_space<vmem>> -> memref<1552x16xf32, #tpu.memory_space<vmem>>
          tpu.vector_store_idx %scatter3A_389[%add3A_127, %broadcast_in_dim3A_383], %gather3A_384 : memref<1552x16xf32, #tpu.memory_space<vmem>>[vector<16xi32>, vector<16xi32>], vector<16xf32>,
          %gather3A_390 = tpu.vector_load_idx %arg16[%get3A_138, %broadcast_in_dim3A_383] : memref<3x16xf32, #tpu.memory_space<vmem>>[vector<16xi32>, vector<16xi32>], vector<16xf32>,
          %scatter3A_391 = arith.constant 0 : i32
          %scatter3A_392 = arith.constant 0 : i32
          %scatter3A_393 = arith.constant 0 : i32
          %scatter3A_394 = tpu.memref_slice %arg13[%scatter3A_391, %scatter3A_392, %scatter3A_393] : memref<1x1552x16xf32, #tpu.memory_space<vmem>> -> memref<1x1552x16xf32, #tpu.memory_space<vmem>>
          %scatter3A_395 = tpu.memref_squeeze %scatter3A_394 : memref<1x1552x16xf32, #tpu.memory_space<vmem>> -> memref<1552x16xf32, #tpu.memory_space<vmem>>
          tpu.vector_store_idx %scatter3A_395[%add3A_127, %broadcast_in_dim3A_383], %gather3A_390 : memref<1552x16xf32, #tpu.memory_space<vmem>>[vector<16xi32>, vector<16xi32>], vector<16xf32>,
          %gather3A_396 = tpu.vector_load_idx %arg17[%get3A_144, %broadcast_in_dim3A_383] : memref<100x16xf32, #tpu.memory_space<vmem>>[vector<16xi32>, vector<16xi32>], vector<16xf32>,
          %scatter3A_397 = arith.constant 0 : i32
          %scatter3A_398 = arith.constant 0 : i32
          %scatter3A_399 = arith.constant 0 : i32
          %scatter3A_400 = tpu.memref_slice %arg14[%scatter3A_397, %scatter3A_398, %scatter3A_399] : memref<1x1552x16xf32, #tpu.memory_space<vmem>> -> memref<1x1552x16xf32, #tpu.memory_space<vmem>>
          %scatter3A_401 = tpu.memref_squeeze %scatter3A_400 : memref<1x1552x16xf32, #tpu.memory_space<vmem>> -> memref<1552x16xf32, #tpu.memory_space<vmem>>
          tpu.vector_store_idx %scatter3A_401[%add3A_127, %broadcast_in_dim3A_383], %gather3A_396 : memref<1552x16xf32, #tpu.memory_space<vmem>>[vector<16xi32>, vector<16xi32>], vector<16xf32>,
          %broadcast_in_dim3A_402 = arith.constant 13 : i32
          %broadcast_in_dim3A_403 = vector.broadcast %broadcast_in_dim3A_402 : i32 to vector<16xi32>
          %gather3A_404 = tpu.vector_load_idx %arg15[%get3A_132, %broadcast_in_dim3A_403] : memref<10x16xf32, #tpu.memory_space<vmem>>[vector<16xi32>, vector<16xi32>], vector<16xf32>,
          %scatter3A_405 = arith.constant 0 : i32
          %scatter3A_406 = arith.constant 0 : i32
          %scatter3A_407 = arith.constant 0 : i32
          %scatter3A_408 = tpu.memref_slice %arg12[%scatter3A_405, %scatter3A_406, %scatter3A_407] : memref<1x1552x16xf32, #tpu.memory_space<vmem>> -> memref<1x1552x16xf32, #tpu.memory_space<vmem>>
          %scatter3A_409 = tpu.memref_squeeze %scatter3A_408 : memref<1x1552x16xf32, #tpu.memory_space<vmem>> -> memref<1552x16xf32, #tpu.memory_space<vmem>>
          tpu.vector_store_idx %scatter3A_409[%add3A_127, %broadcast_in_dim3A_403], %gather3A_404 : memref<1552x16xf32, #tpu.memory_space<vmem>>[vector<16xi32>, vector<16xi32>], vector<16xf32>,
          %gather3A_410 = tpu.vector_load_idx %arg16[%get3A_138, %broadcast_in_dim3A_403] : memref<3x16xf32, #tpu.memory_space<vmem>>[vector<16xi32>, vector<16xi32>], vector<16xf32>,
          %scatter3A_411 = arith.constant 0 : i32
          %scatter3A_412 = arith.constant 0 : i32
          %scatter3A_413 = arith.constant 0 : i32
          %scatter3A_414 = tpu.memref_slice %arg13[%scatter3A_411, %scatter3A_412, %scatter3A_413] : memref<1x1552x16xf32, #tpu.memory_space<vmem>> -> memref<1x1552x16xf32, #tpu.memory_space<vmem>>
          %scatter3A_415 = tpu.memref_squeeze %scatter3A_414 : memref<1x1552x16xf32, #tpu.memory_space<vmem>> -> memref<1552x16xf32, #tpu.memory_space<vmem>>
          tpu.vector_store_idx %scatter3A_415[%add3A_127, %broadcast_in_dim3A_403], %gather3A_410 : memref<1552x16xf32, #tpu.memory_space<vmem>>[vector<16xi32>, vector<16xi32>], vector<16xf32>,
          %gather3A_416 = tpu.vector_load_idx %arg17[%get3A_144, %broadcast_in_dim3A_403] : memref<100x16xf32, #tpu.memory_space<vmem>>[vector<16xi32>, vector<16xi32>], vector<16xf32>,
          %scatter3A_417 = arith.constant 0 : i32
          %scatter3A_418 = arith.constant 0 : i32
          %scatter3A_419 = arith.constant 0 : i32
          %scatter3A_420 = tpu.memref_slice %arg14[%scatter3A_417, %scatter3A_418, %scatter3A_419] : memref<1x1552x16xf32, #tpu.memory_space<vmem>> -> memref<1x1552x16xf32, #tpu.memory_space<vmem>>
          %scatter3A_421 = tpu.memref_squeeze %scatter3A_420 : memref<1x1552x16xf32, #tpu.memory_space<vmem>> -> memref<1552x16xf32, #tpu.memory_space<vmem>>
          tpu.vector_store_idx %scatter3A_421[%add3A_127, %broadcast_in_dim3A_403], %gather3A_416 : memref<1552x16xf32, #tpu.memory_space<vmem>>[vector<16xi32>, vector<16xi32>], vector<16xf32>,
          %broadcast_in_dim3A_422 = arith.constant 14 : i32
          %broadcast_in_dim3A_423 = vector.broadcast %broadcast_in_dim3A_422 : i32 to vector<16xi32>
          %gather3A_424 = tpu.vector_load_idx %arg15[%get3A_132, %broadcast_in_dim3A_423] : memref<10x16xf32, #tpu.memory_space<vmem>>[vector<16xi32>, vector<16xi32>], vector<16xf32>,
          %scatter3A_425 = arith.constant 0 : i32
          %scatter3A_426 = arith.constant 0 : i32
          %scatter3A_427 = arith.constant 0 : i32
          %scatter3A_428 = tpu.memref_slice %arg12[%scatter3A_425, %scatter3A_426, %scatter3A_427] : memref<1x1552x16xf32, #tpu.memory_space<vmem>> -> memref<1x1552x16xf32, #tpu.memory_space<vmem>>
          %scatter3A_429 = tpu.memref_squeeze %scatter3A_428 : memref<1x1552x16xf32, #tpu.memory_space<vmem>> -> memref<1552x16xf32, #tpu.memory_space<vmem>>
          tpu.vector_store_idx %scatter3A_429[%add3A_127, %broadcast_in_dim3A_423], %gather3A_424 : memref<1552x16xf32, #tpu.memory_space<vmem>>[vector<16xi32>, vector<16xi32>], vector<16xf32>,
          %gather3A_430 = tpu.vector_load_idx %arg16[%get3A_138, %broadcast_in_dim3A_423] : memref<3x16xf32, #tpu.memory_space<vmem>>[vector<16xi32>, vector<16xi32>], vector<16xf32>,
          %scatter3A_431 = arith.constant 0 : i32
          %scatter3A_432 = arith.constant 0 : i32
          %scatter3A_433 = arith.constant 0 : i32
          %scatter3A_434 = tpu.memref_slice %arg13[%scatter3A_431, %scatter3A_432, %scatter3A_433] : memref<1x1552x16xf32, #tpu.memory_space<vmem>> -> memref<1x1552x16xf32, #tpu.memory_space<vmem>>
          %scatter3A_435 = tpu.memref_squeeze %scatter3A_434 : memref<1x1552x16xf32, #tpu.memory_space<vmem>> -> memref<1552x16xf32, #tpu.memory_space<vmem>>
          tpu.vector_store_idx %scatter3A_435[%add3A_127, %broadcast_in_dim3A_423], %gather3A_430 : memref<1552x16xf32, #tpu.memory_space<vmem>>[vector<16xi32>, vector<16xi32>], vector<16xf32>,
          %gather3A_436 = tpu.vector_load_idx %arg17[%get3A_144, %broadcast_in_dim3A_423] : memref<100x16xf32, #tpu.memory_space<vmem>>[vector<16xi32>, vector<16xi32>], vector<16xf32>,
          %scatter3A_437 = arith.constant 0 : i32
          %scatter3A_438 = arith.constant 0 : i32
          %scatter3A_439 = arith.constant 0 : i32
          %scatter3A_440 = tpu.memref_slice %arg14[%scatter3A_437, %scatter3A_438, %scatter3A_439] : memref<1x1552x16xf32, #tpu.memory_space<vmem>> -> memref<1x1552x16xf32, #tpu.memory_space<vmem>>
          %scatter3A_441 = tpu.memref_squeeze %scatter3A_440 : memref<1x1552x16xf32, #tpu.memory_space<vmem>> -> memref<1552x16xf32, #tpu.memory_space<vmem>>
          tpu.vector_store_idx %scatter3A_441[%add3A_127, %broadcast_in_dim3A_423], %gather3A_436 : memref<1552x16xf32, #tpu.memory_space<vmem>>[vector<16xi32>, vector<16xi32>], vector<16xf32>,
          %broadcast_in_dim3A_442 = arith.constant 15 : i32
          %broadcast_in_dim3A_443 = vector.broadcast %broadcast_in_dim3A_442 : i32 to vector<16xi32>
          %gather3A_444 = tpu.vector_load_idx %arg15[%get3A_132, %broadcast_in_dim3A_443] : memref<10x16xf32, #tpu.memory_space<vmem>>[vector<16xi32>, vector<16xi32>], vector<16xf32>,
          %scatter3A_445 = arith.constant 0 : i32
          %scatter3A_446 = arith.constant 0 : i32
          %scatter3A_447 = arith.constant 0 : i32
          %scatter3A_448 = tpu.memref_slice %arg12[%scatter3A_445, %scatter3A_446, %scatter3A_447] : memref<1x1552x16xf32, #tpu.memory_space<vmem>> -> memref<1x1552x16xf32, #tpu.memory_space<vmem>>
          %scatter3A_449 = tpu.memref_squeeze %scatter3A_448 : memref<1x1552x16xf32, #tpu.memory_space<vmem>> -> memref<1552x16xf32, #tpu.memory_space<vmem>>
          tpu.vector_store_idx %scatter3A_449[%add3A_127, %broadcast_in_dim3A_443], %gather3A_444 : memref<1552x16xf32, #tpu.memory_space<vmem>>[vector<16xi32>, vector<16xi32>], vector<16xf32>,
          %gather3A_450 = tpu.vector_load_idx %arg16[%get3A_138, %broadcast_in_dim3A_443] : memref<3x16xf32, #tpu.memory_space<vmem>>[vector<16xi32>, vector<16xi32>], vector<16xf32>,
          %scatter3A_451 = arith.constant 0 : i32
          %scatter3A_452 = arith.constant 0 : i32
          %scatter3A_453 = arith.constant 0 : i32
          %scatter3A_454 = tpu.memref_slice %arg13[%scatter3A_451, %scatter3A_452, %scatter3A_453] : memref<1x1552x16xf32, #tpu.memory_space<vmem>> -> memref<1x1552x16xf32, #tpu.memory_space<vmem>>
          %scatter3A_455 = tpu.memref_squeeze %scatter3A_454 : memref<1x1552x16xf32, #tpu.memory_space<vmem>> -> memref<1552x16xf32, #tpu.memory_space<vmem>>
          tpu.vector_store_idx %scatter3A_455[%add3A_127, %broadcast_in_dim3A_443], %gather3A_450 : memref<1552x16xf32, #tpu.memory_space<vmem>>[vector<16xi32>, vector<16xi32>], vector<16xf32>,
          %gather3A_456 = tpu.vector_load_idx %arg17[%get3A_144, %broadcast_in_dim3A_443] : memref<100x16xf32, #tpu.memory_space<vmem>>[vector<16xi32>, vector<16xi32>], vector<16xf32>,
          %scatter3A_457 = arith.constant 0 : i32
          %scatter3A_458 = arith.constant 0 : i32
          %scatter3A_459 = arith.constant 0 : i32
          %scatter3A_460 = tpu.memref_slice %arg14[%scatter3A_457, %scatter3A_458, %scatter3A_459] : memref<1x1552x16xf32, #tpu.memory_space<vmem>> -> memref<1x1552x16xf32, #tpu.memory_space<vmem>>
          %scatter3A_461 = tpu.memref_squeeze %scatter3A_460 : memref<1x1552x16xf32, #tpu.memory_space<vmem>> -> memref<1552x16xf32, #tpu.memory_space<vmem>>
          tpu.vector_store_idx %scatter3A_461[%add3A_127, %broadcast_in_dim3A_443], %gather3A_456 : memref<1552x16xf32, #tpu.memory_space<vmem>>[vector<16xi32>, vector<16xi32>], vector<16xf32>,
        }
        %scan3A_76 = arith.constant 97 : i32
        %add3A_77 = arith.constant 0 : i32
        %add3A_78 = arith.addi %add3A_20, %add3A_77 : i32
        %mul3A_79 = arith.constant 1552 : i32
        %mul3A_80 = arith.muli %add3A_78, %mul3A_79 : i32
        %dma_start3A = arith.constant 0 : i32
        %dma_start3A_81 = arith.constant 0 : i32
        %dma_start3A_82 = arith.constant 0 : i32
        %dma_start3A_83 = tpu.memref_slice %arg12[%dma_start3A, %dma_start3A_81, %dma_start3A_82] : memref<1x1552x16xf32, #tpu.memory_space<vmem>> -> memref<1x1552x16xf32, #tpu.memory_space<vmem>>
        %dma_start3A_84 = tpu.memref_squeeze %dma_start3A_83 : memref<1x1552x16xf32, #tpu.memory_space<vmem>> -> memref<1552x16xf32, #tpu.memory_space<vmem>>
        %dma_start3A_85 = arith.constant 0 : i32
        %dma_start3A_86 = tpu.memref_slice %arg8[%mul3A_80, %dma_start3A_85] : memref<50000x128xf32, #tpu.memory_space<hbm>> -> memref<1552x16xf32, #tpu.memory_space<hbm>>
        %dma_start3A_87 = arith.constant 0 : i32
        %dma_start3A_88 = tpu.memref_slice %arg8[%mul3A_80, %dma_start3A_87] : memref<50000x128xf32, #tpu.memory_space<hbm>> -> memref<1552x16xf32, #tpu.memory_space<hbm>>
        %dma_start3A_89 = arith.constant 0 : i32
        %dma_start3A_90 = arith.constant 0 : i32
        %dma_start3A_91 = tpu.memref_slice %arg12[%dma_start3A, %dma_start3A_89, %dma_start3A_90] : memref<1x1552x16xf32, #tpu.memory_space<vmem>> -> memref<1x1552x16xf32, #tpu.memory_space<vmem>>
        %dma_start3A_92 = tpu.memref_squeeze %dma_start3A_91 : memref<1x1552x16xf32, #tpu.memory_space<vmem>> -> memref<1552x16xf32, #tpu.memory_space<vmem>>
        tpu.enqueue_dma source(%dma_start3A_92 : memref<1552x16xf32, #tpu.memory_space<vmem>>) target(%dma_start3A_88 : memref<1552x16xf32, #tpu.memory_space<hbm>>) target_semaphore(%arg19 : memref<!tpu.dma_semaphore, #tpu.memory_space<semaphore_mem>>)
        %dma_start3A_93 = arith.constant 0 : i32
        %dma_start3A_94 = arith.constant 0 : i32
        %dma_start3A_95 = arith.constant 0 : i32
        %dma_start3A_96 = tpu.memref_slice %arg13[%dma_start3A_93, %dma_start3A_94, %dma_start3A_95] : memref<1x1552x16xf32, #tpu.memory_space<vmem>> -> memref<1x1552x16xf32, #tpu.memory_space<vmem>>
        %dma_start3A_97 = tpu.memref_squeeze %dma_start3A_96 : memref<1x1552x16xf32, #tpu.memory_space<vmem>> -> memref<1552x16xf32, #tpu.memory_space<vmem>>
        %dma_start3A_98 = arith.constant 16 : i32
        %dma_start3A_99 = tpu.memref_slice %arg8[%mul3A_80, %dma_start3A_98] : memref<50000x128xf32, #tpu.memory_space<hbm>> -> memref<1552x16xf32, #tpu.memory_space<hbm>>
        %dma_start3A_100 = arith.constant 16 : i32
        %dma_start3A_101 = tpu.memref_slice %arg8[%mul3A_80, %dma_start3A_100] : memref<50000x128xf32, #tpu.memory_space<hbm>> -> memref<1552x16xf32, #tpu.memory_space<hbm>>
        %dma_start3A_102 = arith.constant 0 : i32
        %dma_start3A_103 = arith.constant 0 : i32
        %dma_start3A_104 = tpu.memref_slice %arg13[%dma_start3A_93, %dma_start3A_102, %dma_start3A_103] : memref<1x1552x16xf32, #tpu.memory_space<vmem>> -> memref<1x1552x16xf32, #tpu.memory_space<vmem>>
        %dma_start3A_105 = tpu.memref_squeeze %dma_start3A_104 : memref<1x1552x16xf32, #tpu.memory_space<vmem>> -> memref<1552x16xf32, #tpu.memory_space<vmem>>
        tpu.enqueue_dma source(%dma_start3A_105 : memref<1552x16xf32, #tpu.memory_space<vmem>>) target(%dma_start3A_101 : memref<1552x16xf32, #tpu.memory_space<hbm>>) target_semaphore(%arg19 : memref<!tpu.dma_semaphore, #tpu.memory_space<semaphore_mem>>)
        %dma_start3A_106 = arith.constant 0 : i32
        %dma_start3A_107 = arith.constant 0 : i32
        %dma_start3A_108 = arith.constant 0 : i32
        %dma_start3A_109 = tpu.memref_slice %arg14[%dma_start3A_106, %dma_start3A_107, %dma_start3A_108] : memref<1x1552x16xf32, #tpu.memory_space<vmem>> -> memref<1x1552x16xf32, #tpu.memory_space<vmem>>
        %dma_start3A_110 = tpu.memref_squeeze %dma_start3A_109 : memref<1x1552x16xf32, #tpu.memory_space<vmem>> -> memref<1552x16xf32, #tpu.memory_space<vmem>>
        %dma_start3A_111 = arith.constant 32 : i32
        %dma_start3A_112 = tpu.memref_slice %arg8[%mul3A_80, %dma_start3A_111] : memref<50000x128xf32, #tpu.memory_space<hbm>> -> memref<1552x16xf32, #tpu.memory_space<hbm>>
        %dma_start3A_113 = arith.constant 32 : i32
        %dma_start3A_114 = tpu.memref_slice %arg8[%mul3A_80, %dma_start3A_113] : memref<50000x128xf32, #tpu.memory_space<hbm>> -> memref<1552x16xf32, #tpu.memory_space<hbm>>
        %dma_start3A_115 = arith.constant 0 : i32
        %dma_start3A_116 = arith.constant 0 : i32
        %dma_start3A_117 = tpu.memref_slice %arg14[%dma_start3A_106, %dma_start3A_115, %dma_start3A_116] : memref<1x1552x16xf32, #tpu.memory_space<vmem>> -> memref<1x1552x16xf32, #tpu.memory_space<vmem>>
        %dma_start3A_118 = tpu.memref_squeeze %dma_start3A_117 : memref<1x1552x16xf32, #tpu.memory_space<vmem>> -> memref<1552x16xf32, #tpu.memory_space<vmem>>
        tpu.enqueue_dma source(%dma_start3A_118 : memref<1552x16xf32, #tpu.memory_space<vmem>>) target(%dma_start3A_114 : memref<1552x16xf32, #tpu.memory_space<hbm>>) target_semaphore(%arg19 : memref<!tpu.dma_semaphore, #tpu.memory_space<semaphore_mem>>)
      } else {
      }
      %add3A_34 = arith.constant 0 : i32
      %add3A_35 = arith.addi %add3A_20, %add3A_34 : i32
      %lt3A_36 = arith.constant 32 : i32
      %lt3A_37 = arith.cmpi slt, %add3A_35, %lt3A_36 : i32
      %convert_element_type3A_38 = arith.extui %lt3A_37 : i1 to i32
      %cond3A_39 = arith.constant 0 : i32
      %cond3A_40 = arith.cmpi ne, %convert_element_type3A_38, %cond3A_39 : i32
      scf.if %cond3A_40 {
        %dma_wait3A = arith.constant 0 : i32
        %dma_wait3A_41 = arith.constant 0 : i32
        %dma_wait3A_42 = arith.constant 0 : i32
        %dma_wait3A_43 = tpu.memref_slice %arg12[%dma_wait3A, %dma_wait3A_41, %dma_wait3A_42] : memref<1x1552x16xf32, #tpu.memory_space<vmem>> -> memref<1x1552x16xf32, #tpu.memory_space<vmem>>
        %dma_wait3A_44 = tpu.memref_squeeze %dma_wait3A_43 : memref<1x1552x16xf32, #tpu.memory_space<vmem>> -> memref<1552x16xf32, #tpu.memory_space<vmem>>
        %dma_wait3A_45 = arith.constant 0 : i32
        %dma_wait3A_46 = arith.constant 0 : i32
        %dma_wait3A_47 = tpu.memref_slice %arg8[%dma_wait3A_45, %dma_wait3A_46] : memref<50000x128xf32, #tpu.memory_space<hbm>> -> memref<1552x16xf32, #tpu.memory_space<hbm>>
        %dma_wait3A_48 = arith.constant 0 : i32
        %dma_wait3A_49 = arith.constant 0 : i32
        %dma_wait3A_50 = tpu.memref_slice %arg8[%dma_wait3A_48, %dma_wait3A_49] : memref<50000x128xf32, #tpu.memory_space<hbm>> -> memref<1552x16xf32, #tpu.memory_space<hbm>>
        %dma_wait3A_51 = arith.constant 0 : i32
        %dma_wait3A_52 = arith.constant 0 : i32
        %dma_wait3A_53 = tpu.memref_slice %arg12[%dma_wait3A, %dma_wait3A_51, %dma_wait3A_52] : memref<1x1552x16xf32, #tpu.memory_space<vmem>> -> memref<1x1552x16xf32, #tpu.memory_space<vmem>>
        %dma_wait3A_54 = tpu.memref_squeeze %dma_wait3A_53 : memref<1x1552x16xf32, #tpu.memory_space<vmem>> -> memref<1552x16xf32, #tpu.memory_space<vmem>>
        tpu.wait_dma2 semaphore(%arg19 : memref<!tpu.dma_semaphore, #tpu.memory_space<semaphore_mem>>) src(%dma_wait3A_54 : memref<1552x16xf32, #tpu.memory_space<vmem>>) dst(%dma_wait3A_50 : memref<1552x16xf32, #tpu.memory_space<hbm>>)
        %dma_wait3A_55 = arith.constant 0 : i32
        %dma_wait3A_56 = arith.constant 0 : i32
        %dma_wait3A_57 = arith.constant 0 : i32
        %dma_wait3A_58 = tpu.memref_slice %arg13[%dma_wait3A_55, %dma_wait3A_56, %dma_wait3A_57] : memref<1x1552x16xf32, #tpu.memory_space<vmem>> -> memref<1x1552x16xf32, #tpu.memory_space<vmem>>
        %dma_wait3A_59 = tpu.memref_squeeze %dma_wait3A_58 : memref<1x1552x16xf32, #tpu.memory_space<vmem>> -> memref<1552x16xf32, #tpu.memory_space<vmem>>
        %dma_wait3A_60 = arith.constant 0 : i32
        %dma_wait3A_61 = arith.constant 16 : i32
        %dma_wait3A_62 = tpu.memref_slice %arg8[%dma_wait3A_60, %dma_wait3A_61] : memref<50000x128xf32, #tpu.memory_space<hbm>> -> memref<1552x16xf32, #tpu.memory_space<hbm>>
        %dma_wait3A_63 = arith.constant 0 : i32
        %dma_wait3A_64 = arith.constant 16 : i32
        %dma_wait3A_65 = tpu.memref_slice %arg8[%dma_wait3A_63, %dma_wait3A_64] : memref<50000x128xf32, #tpu.memory_space<hbm>> -> memref<1552x16xf32, #tpu.memory_space<hbm>>
        %dma_wait3A_66 = arith.constant 0 : i32
        %dma_wait3A_67 = arith.constant 0 : i32
        %dma_wait3A_68 = tpu.memref_slice %arg13[%dma_wait3A_55, %dma_wait3A_66, %dma_wait3A_67] : memref<1x1552x16xf32, #tpu.memory_space<vmem>> -> memref<1x1552x16xf32, #tpu.memory_space<vmem>>
        %dma_wait3A_69 = tpu.memref_squeeze %dma_wait3A_68 : memref<1x1552x16xf32, #tpu.memory_space<vmem>> -> memref<1552x16xf32, #tpu.memory_space<vmem>>
        tpu.wait_dma2 semaphore(%arg19 : memref<!tpu.dma_semaphore, #tpu.memory_space<semaphore_mem>>) src(%dma_wait3A_69 : memref<1552x16xf32, #tpu.memory_space<vmem>>) dst(%dma_wait3A_65 : memref<1552x16xf32, #tpu.memory_space<hbm>>)
        %dma_wait3A_70 = arith.constant 0 : i32
        %dma_wait3A_71 = arith.constant 0 : i32
        %dma_wait3A_72 = arith.constant 0 : i32
        %dma_wait3A_73 = tpu.memref_slice %arg14[%dma_wait3A_70, %dma_wait3A_71, %dma_wait3A_72] : memref<1x1552x16xf32, #tpu.memory_space<vmem>> -> memref<1x1552x16xf32, #tpu.memory_space<vmem>>
        %dma_wait3A_74 = tpu.memref_squeeze %dma_wait3A_73 : memref<1x1552x16xf32, #tpu.memory_space<vmem>> -> memref<1552x16xf32, #tpu.memory_space<vmem>>
        %dma_wait3A_75 = arith.constant 0 : i32
        %dma_wait3A_76 = arith.constant 32 : i32
        %dma_wait3A_77 = tpu.memref_slice %arg8[%dma_wait3A_75, %dma_wait3A_76] : memref<50000x128xf32, #tpu.memory_space<hbm>> -> memref<1552x16xf32, #tpu.memory_space<hbm>>
        %dma_wait3A_78 = arith.constant 0 : i32
        %dma_wait3A_79 = arith.constant 32 : i32
        %dma_wait3A_80 = tpu.memref_slice %arg8[%dma_wait3A_78, %dma_wait3A_79] : memref<50000x128xf32, #tpu.memory_space<hbm>> -> memref<1552x16xf32, #tpu.memory_space<hbm>>
        %dma_wait3A_81 = arith.constant 0 : i32
        %dma_wait3A_82 = arith.constant 0 : i32
        %dma_wait3A_83 = tpu.memref_slice %arg14[%dma_wait3A_70, %dma_wait3A_81, %dma_wait3A_82] : memref<1x1552x16xf32, #tpu.memory_space<vmem>> -> memref<1x1552x16xf32, #tpu.memory_space<vmem>>
        %dma_wait3A_84 = tpu.memref_squeeze %dma_wait3A_83 : memref<1x1552x16xf32, #tpu.memory_space<vmem>> -> memref<1552x16xf32, #tpu.memory_space<vmem>>
        tpu.wait_dma2 semaphore(%arg19 : memref<!tpu.dma_semaphore, #tpu.memory_space<semaphore_mem>>) src(%dma_wait3A_84 : memref<1552x16xf32, #tpu.memory_space<vmem>>) dst(%dma_wait3A_80 : memref<1552x16xf32, #tpu.memory_space<hbm>>)
      } else {
      }
    }
    %while3A_15 = arith.constant 1 : i32
    scf.for %while3A_18 = %while3A_13 to %while3A_9 step %while3A_15  : i32 {
      %mul3A_19 = arith.muli %while3A_18, %while3A : i32
      %add3A_20 = arith.addi %add3A, %mul3A_19 : i32
      %add3A_21 = arith.constant 0 : i32
      %add3A_22 = arith.addi %add3A_20, %add3A_21 : i32
      %lt3A = arith.constant 32 : i32
      %lt3A_23 = arith.cmpi slt, %add3A_22, %lt3A : i32
      %convert_element_type3A_24 = arith.extui %lt3A_23 : i1 to i32
      %cond3A_25 = arith.constant 0 : i32
      %cond3A_26 = arith.cmpi ne, %convert_element_type3A_24, %cond3A_25 : i32
      scf.if %cond3A_26 {
        %add3A_41 = arith.constant 0 : i32
        %add3A_42 = arith.addi %add3A_20, %add3A_41 : i32
        %mul3A_43 = arith.constant 1552 : i32
        %mul3A_44 = arith.muli %add3A_42, %mul3A_43 : i32
        %dma_start3A = arith.constant 0 : i32
        %dma_start3A_45 = arith.constant 0 : i32
        %dma_start3A_46 = tpu.memref_slice %arg9[%dma_start3A, %dma_start3A_45] : memref<1x1552xi32, #tpu.memory_space<vmem>> -> memref<1x1552xi32, #tpu.memory_space<vmem>>
        %dma_start3A_47 = tpu.memref_squeeze %dma_start3A_46 : memref<1x1552xi32, #tpu.memory_space<vmem>> -> memref<1552xi32, #tpu.memory_space<vmem>>
        %dma_start3A_48 = tpu.memref_slice %arg2[%mul3A_44] : memref<50000xi32, #tpu.memory_space<hbm>> -> memref<1552xi32, #tpu.memory_space<hbm>>
        %dma_start3A_49 = arith.constant 0 : i32
        %dma_start3A_50 = tpu.memref_slice %arg9[%dma_start3A, %dma_start3A_49] : memref<1x1552xi32, #tpu.memory_space<vmem>> -> memref<1x1552xi32, #tpu.memory_space<vmem>>
        %dma_start3A_51 = tpu.memref_squeeze %dma_start3A_50 : memref<1x1552xi32, #tpu.memory_space<vmem>> -> memref<1552xi32, #tpu.memory_space<vmem>>
        %dma_start3A_52 = tpu.memref_slice %arg2[%mul3A_44] : memref<50000xi32, #tpu.memory_space<hbm>> -> memref<1552xi32, #tpu.memory_space<hbm>>
        tpu.enqueue_dma source(%dma_start3A_52 : memref<1552xi32, #tpu.memory_space<hbm>>) target(%dma_start3A_51 : memref<1552xi32, #tpu.memory_space<vmem>>) target_semaphore(%arg18 : memref<!tpu.dma_semaphore, #tpu.memory_space<semaphore_mem>>)
        %dma_start3A_53 = arith.constant 0 : i32
        %dma_start3A_54 = arith.constant 0 : i32
        %dma_start3A_55 = tpu.memref_slice %arg10[%dma_start3A_53, %dma_start3A_54] : memref<1x1552xi32, #tpu.memory_space<vmem>> -> memref<1x1552xi32, #tpu.memory_space<vmem>>
        %dma_start3A_56 = tpu.memref_squeeze %dma_start3A_55 : memref<1x1552xi32, #tpu.memory_space<vmem>> -> memref<1552xi32, #tpu.memory_space<vmem>>
        %dma_start3A_57 = tpu.memref_slice %arg3[%mul3A_44] : memref<50000xi32, #tpu.memory_space<hbm>> -> memref<1552xi32, #tpu.memory_space<hbm>>
        %dma_start3A_58 = arith.constant 0 : i32
        %dma_start3A_59 = tpu.memref_slice %arg10[%dma_start3A_53, %dma_start3A_58] : memref<1x1552xi32, #tpu.memory_space<vmem>> -> memref<1x1552xi32, #tpu.memory_space<vmem>>
        %dma_start3A_60 = tpu.memref_squeeze %dma_start3A_59 : memref<1x1552xi32, #tpu.memory_space<vmem>> -> memref<1552xi32, #tpu.memory_space<vmem>>
        %dma_start3A_61 = tpu.memref_slice %arg3[%mul3A_44] : memref<50000xi32, #tpu.memory_space<hbm>> -> memref<1552xi32, #tpu.memory_space<hbm>>
        tpu.enqueue_dma source(%dma_start3A_61 : memref<1552xi32, #tpu.memory_space<hbm>>) target(%dma_start3A_60 : memref<1552xi32, #tpu.memory_space<vmem>>) target_semaphore(%arg18 : memref<!tpu.dma_semaphore, #tpu.memory_space<semaphore_mem>>)
        %dma_start3A_62 = arith.constant 0 : i32
        %dma_start3A_63 = arith.constant 0 : i32
        %dma_start3A_64 = tpu.memref_slice %arg11[%dma_start3A_62, %dma_start3A_63] : memref<1x1552xi32, #tpu.memory_space<vmem>> -> memref<1x1552xi32, #tpu.memory_space<vmem>>
        %dma_start3A_65 = tpu.memref_squeeze %dma_start3A_64 : memref<1x1552xi32, #tpu.memory_space<vmem>> -> memref<1552xi32, #tpu.memory_space<vmem>>
        %dma_start3A_66 = tpu.memref_slice %arg4[%mul3A_44] : memref<50000xi32, #tpu.memory_space<hbm>> -> memref<1552xi32, #tpu.memory_space<hbm>>
        %dma_start3A_67 = arith.constant 0 : i32
        %dma_start3A_68 = tpu.memref_slice %arg11[%dma_start3A_62, %dma_start3A_67] : memref<1x1552xi32, #tpu.memory_space<vmem>> -> memref<1x1552xi32, #tpu.memory_space<vmem>>
        %dma_start3A_69 = tpu.memref_squeeze %dma_start3A_68 : memref<1x1552xi32, #tpu.memory_space<vmem>> -> memref<1552xi32, #tpu.memory_space<vmem>>
        %dma_start3A_70 = tpu.memref_slice %arg4[%mul3A_44] : memref<50000xi32, #tpu.memory_space<hbm>> -> memref<1552xi32, #tpu.memory_space<hbm>>
        tpu.enqueue_dma source(%dma_start3A_70 : memref<1552xi32, #tpu.memory_space<hbm>>) target(%dma_start3A_69 : memref<1552xi32, #tpu.memory_space<vmem>>) target_semaphore(%arg18 : memref<!tpu.dma_semaphore, #tpu.memory_space<semaphore_mem>>)
      } else {
      }
      %add3A_27 = arith.constant 0 : i32
      %add3A_28 = arith.addi %add3A_20, %add3A_27 : i32
      %lt3A_29 = arith.constant 32 : i32
      %lt3A_30 = arith.cmpi slt, %add3A_28, %lt3A_29 : i32
      %convert_element_type3A_31 = arith.extui %lt3A_30 : i1 to i32
      %cond3A_32 = arith.constant 0 : i32
      %cond3A_33 = arith.cmpi ne, %convert_element_type3A_31, %cond3A_32 : i32
      scf.if %cond3A_33 {
        %dma_wait3A = arith.constant 0 : i32
        %dma_wait3A_41 = arith.constant 0 : i32
        %dma_wait3A_42 = tpu.memref_slice %arg9[%dma_wait3A, %dma_wait3A_41] : memref<1x1552xi32, #tpu.memory_space<vmem>> -> memref<1x1552xi32, #tpu.memory_space<vmem>>
        %dma_wait3A_43 = tpu.memref_squeeze %dma_wait3A_42 : memref<1x1552xi32, #tpu.memory_space<vmem>> -> memref<1552xi32, #tpu.memory_space<vmem>>
        %dma_wait3A_44 = arith.constant 0 : i32
        %dma_wait3A_45 = tpu.memref_slice %arg2[%dma_wait3A_44] : memref<50000xi32, #tpu.memory_space<hbm>> -> memref<1552xi32, #tpu.memory_space<hbm>>
        %dma_wait3A_46 = arith.constant 0 : i32
        %dma_wait3A_47 = tpu.memref_slice %arg9[%dma_wait3A, %dma_wait3A_46] : memref<1x1552xi32, #tpu.memory_space<vmem>> -> memref<1x1552xi32, #tpu.memory_space<vmem>>
        %dma_wait3A_48 = tpu.memref_squeeze %dma_wait3A_47 : memref<1x1552xi32, #tpu.memory_space<vmem>> -> memref<1552xi32, #tpu.memory_space<vmem>>
        %dma_wait3A_49 = arith.constant 0 : i32
        %dma_wait3A_50 = tpu.memref_slice %arg2[%dma_wait3A_49] : memref<50000xi32, #tpu.memory_space<hbm>> -> memref<1552xi32, #tpu.memory_space<hbm>>
        tpu.wait_dma2 semaphore(%arg18 : memref<!tpu.dma_semaphore, #tpu.memory_space<semaphore_mem>>) src(%dma_wait3A_50 : memref<1552xi32, #tpu.memory_space<hbm>>) dst(%dma_wait3A_48 : memref<1552xi32, #tpu.memory_space<vmem>>)
        %dma_wait3A_51 = arith.constant 0 : i32
        %dma_wait3A_52 = arith.constant 0 : i32
        %dma_wait3A_53 = tpu.memref_slice %arg10[%dma_wait3A_51, %dma_wait3A_52] : memref<1x1552xi32, #tpu.memory_space<vmem>> -> memref<1x1552xi32, #tpu.memory_space<vmem>>
        %dma_wait3A_54 = tpu.memref_squeeze %dma_wait3A_53 : memref<1x1552xi32, #tpu.memory_space<vmem>> -> memref<1552xi32, #tpu.memory_space<vmem>>
        %dma_wait3A_55 = arith.constant 0 : i32
        %dma_wait3A_56 = tpu.memref_slice %arg3[%dma_wait3A_55] : memref<50000xi32, #tpu.memory_space<hbm>> -> memref<1552xi32, #tpu.memory_space<hbm>>
        %dma_wait3A_57 = arith.constant 0 : i32
        %dma_wait3A_58 = tpu.memref_slice %arg10[%dma_wait3A_51, %dma_wait3A_57] : memref<1x1552xi32, #tpu.memory_space<vmem>> -> memref<1x1552xi32, #tpu.memory_space<vmem>>
        %dma_wait3A_59 = tpu.memref_squeeze %dma_wait3A_58 : memref<1x1552xi32, #tpu.memory_space<vmem>> -> memref<1552xi32, #tpu.memory_space<vmem>>
        %dma_wait3A_60 = arith.constant 0 : i32
        %dma_wait3A_61 = tpu.memref_slice %arg3[%dma_wait3A_60] : memref<50000xi32, #tpu.memory_space<hbm>> -> memref<1552xi32, #tpu.memory_space<hbm>>
        tpu.wait_dma2 semaphore(%arg18 : memref<!tpu.dma_semaphore, #tpu.memory_space<semaphore_mem>>) src(%dma_wait3A_61 : memref<1552xi32, #tpu.memory_space<hbm>>) dst(%dma_wait3A_59 : memref<1552xi32, #tpu.memory_space<vmem>>)
        %dma_wait3A_62 = arith.constant 0 : i32
        %dma_wait3A_63 = arith.constant 0 : i32
        %dma_wait3A_64 = tpu.memref_slice %arg11[%dma_wait3A_62, %dma_wait3A_63] : memref<1x1552xi32, #tpu.memory_space<vmem>> -> memref<1x1552xi32, #tpu.memory_space<vmem>>
        %dma_wait3A_65 = tpu.memref_squeeze %dma_wait3A_64 : memref<1x1552xi32, #tpu.memory_space<vmem>> -> memref<1552xi32, #tpu.memory_space<vmem>>
        %dma_wait3A_66 = arith.constant 0 : i32
        %dma_wait3A_67 = tpu.memref_slice %arg4[%dma_wait3A_66] : memref<50000xi32, #tpu.memory_space<hbm>> -> memref<1552xi32, #tpu.memory_space<hbm>>
        %dma_wait3A_68 = arith.constant 0 : i32
        %dma_wait3A_69 = tpu.memref_slice %arg11[%dma_wait3A_62, %dma_wait3A_68] : memref<1x1552xi32, #tpu.memory_space<vmem>> -> memref<1x1552xi32, #tpu.memory_space<vmem>>
        %dma_wait3A_70 = tpu.memref_squeeze %dma_wait3A_69 : memref<1x1552xi32, #tpu.memory_space<vmem>> -> memref<1552xi32, #tpu.memory_space<vmem>>
        %dma_wait3A_71 = arith.constant 0 : i32
        %dma_wait3A_72 = tpu.memref_slice %arg4[%dma_wait3A_71] : memref<50000xi32, #tpu.memory_space<hbm>> -> memref<1552xi32, #tpu.memory_space<hbm>>
        tpu.wait_dma2 semaphore(%arg18 : memref<!tpu.dma_semaphore, #tpu.memory_space<semaphore_mem>>) src(%dma_wait3A_72 : memref<1552xi32, #tpu.memory_space<hbm>>) dst(%dma_wait3A_70 : memref<1552xi32, #tpu.memory_space<vmem>>)
        %iota3A = tpu.iota {dimensions = array<i32: 0>} : vector<16xi32>
        %scan3A = arith.constant 0 : i32
        %scan3A_73 = arith.constant 97 : i32
        %scan3A_74 = arith.addi %scan3A, %scan3A_73 : i32
        %scan3A_75 = arith.constant 1 : i32
        scf.for %scan3A_119 = %scan3A to %scan3A_74 step %scan3A_75  : i32 {
          %mul3A_120 = arith.constant 1 : i32
          %mul3A_121 = arith.muli %scan3A_119, %mul3A_120 : i32
          %add3A_122 = arith.constant 0 : i32
          %add3A_123 = arith.addi %add3A_122, %mul3A_121 : i32
          %mul3A_124 = arith.constant 16 : i32
          %mul3A_125 = arith.muli %add3A_123, %mul3A_124 : i32
          %add3A_126 = vector.broadcast %mul3A_125 : i32 to vector<16xi32>
          %add3A_127 = arith.addi %add3A_126, %iota3A : vector<16xi32>
          %mul3A_128 = arith.constant 16 : i32
          %mul3A_129 = arith.muli %add3A_123, %mul3A_128 : i32
          %get3A = arith.constant 0 : i32
          %get3A_130 = arith.index_cast %get3A : i32 to index
          %get3A_131 = arith.index_cast %mul3A_129 : i32 to index
          %get3A_132 = tpu.vector_load %arg9[%get3A_130, %get3A_131] {strides = array<i32>} : memref<1x1552xi32, #tpu.memory_space<vmem>>, vector<16xi32>,
          %mul3A_133 = arith.constant 16 : i32
          %mul3A_134 = arith.muli %add3A_123, %mul3A_133 : i32
          %get3A_135 = arith.constant 0 : i32
          %get3A_136 = arith.index_cast %get3A_135 : i32 to index
          %get3A_137 = arith.index_cast %mul3A_134 : i32 to index
          %get3A_138 = tpu.vector_load %arg10[%get3A_136, %get3A_137] {strides = array<i32>} : memref<1x1552xi32, #tpu.memory_space<vmem>>, vector<16xi32>,
          %mul3A_139 = arith.constant 16 : i32
          %mul3A_140 = arith.muli %add3A_123, %mul3A_139 : i32
          %get3A_141 = arith.constant 0 : i32
          %get3A_142 = arith.index_cast %get3A_141 : i32 to index
          %get3A_143 = arith.index_cast %mul3A_140 : i32 to index
          %get3A_144 = tpu.vector_load %arg11[%get3A_142, %get3A_143] {strides = array<i32>} : memref<1x1552xi32, #tpu.memory_space<vmem>>, vector<16xi32>,
          %broadcast_in_dim3A = arith.constant 0 : i32
          %broadcast_in_dim3A_145 = vector.broadcast %broadcast_in_dim3A : i32 to vector<16xi32>
          %gather3A = tpu.vector_load_idx %arg15[%get3A_132, %broadcast_in_dim3A_145] : memref<10x16xf32, #tpu.memory_space<vmem>>[vector<16xi32>, vector<16xi32>], vector<16xf32>,
          %scatter3A = arith.constant 0 : i32
          %scatter3A_146 = arith.constant 0 : i32
          %scatter3A_147 = arith.constant 0 : i32
          %scatter3A_148 = tpu.memref_slice %arg12[%scatter3A, %scatter3A_146, %scatter3A_147] : memref<1x1552x16xf32, #tpu.memory_space<vmem>> -> memref<1x1552x16xf32, #tpu.memory_space<vmem>>
          %scatter3A_149 = tpu.memref_squeeze %scatter3A_148 : memref<1x1552x16xf32, #tpu.memory_space<vmem>> -> memref<1552x16xf32, #tpu.memory_space<vmem>>
          tpu.vector_store_idx %scatter3A_149[%add3A_127, %broadcast_in_dim3A_145], %gather3A : memref<1552x16xf32, #tpu.memory_space<vmem>>[vector<16xi32>, vector<16xi32>], vector<16xf32>,
          %gather3A_150 = tpu.vector_load_idx %arg16[%get3A_138, %broadcast_in_dim3A_145] : memref<3x16xf32, #tpu.memory_space<vmem>>[vector<16xi32>, vector<16xi32>], vector<16xf32>,
          %scatter3A_151 = arith.constant 0 : i32
          %scatter3A_152 = arith.constant 0 : i32
          %scatter3A_153 = arith.constant 0 : i32
          %scatter3A_154 = tpu.memref_slice %arg13[%scatter3A_151, %scatter3A_152, %scatter3A_153] : memref<1x1552x16xf32, #tpu.memory_space<vmem>> -> memref<1x1552x16xf32, #tpu.memory_space<vmem>>
          %scatter3A_155 = tpu.memref_squeeze %scatter3A_154 : memref<1x1552x16xf32, #tpu.memory_space<vmem>> -> memref<1552x16xf32, #tpu.memory_space<vmem>>
          tpu.vector_store_idx %scatter3A_155[%add3A_127, %broadcast_in_dim3A_145], %gather3A_150 : memref<1552x16xf32, #tpu.memory_space<vmem>>[vector<16xi32>, vector<16xi32>], vector<16xf32>,
          %gather3A_156 = tpu.vector_load_idx %arg17[%get3A_144, %broadcast_in_dim3A_145] : memref<100x16xf32, #tpu.memory_space<vmem>>[vector<16xi32>, vector<16xi32>], vector<16xf32>,
          %scatter3A_157 = arith.constant 0 : i32
          %scatter3A_158 = arith.constant 0 : i32
          %scatter3A_159 = arith.constant 0 : i32
          %scatter3A_160 = tpu.memref_slice %arg14[%scatter3A_157, %scatter3A_158, %scatter3A_159] : memref<1x1552x16xf32, #tpu.memory_space<vmem>> -> memref<1x1552x16xf32, #tpu.memory_space<vmem>>
          %scatter3A_161 = tpu.memref_squeeze %scatter3A_160 : memref<1x1552x16xf32, #tpu.memory_space<vmem>> -> memref<1552x16xf32, #tpu.memory_space<vmem>>
          tpu.vector_store_idx %scatter3A_161[%add3A_127, %broadcast_in_dim3A_145], %gather3A_156 : memref<1552x16xf32, #tpu.memory_space<vmem>>[vector<16xi32>, vector<16xi32>], vector<16xf32>,
          %broadcast_in_dim3A_162 = arith.constant 1 : i32
          %broadcast_in_dim3A_163 = vector.broadcast %broadcast_in_dim3A_162 : i32 to vector<16xi32>
          %gather3A_164 = tpu.vector_load_idx %arg15[%get3A_132, %broadcast_in_dim3A_163] : memref<10x16xf32, #tpu.memory_space<vmem>>[vector<16xi32>, vector<16xi32>], vector<16xf32>,
          %scatter3A_165 = arith.constant 0 : i32
          %scatter3A_166 = arith.constant 0 : i32
          %scatter3A_167 = arith.constant 0 : i32
          %scatter3A_168 = tpu.memref_slice %arg12[%scatter3A_165, %scatter3A_166, %scatter3A_167] : memref<1x1552x16xf32, #tpu.memory_space<vmem>> -> memref<1x1552x16xf32, #tpu.memory_space<vmem>>
          %scatter3A_169 = tpu.memref_squeeze %scatter3A_168 : memref<1x1552x16xf32, #tpu.memory_space<vmem>> -> memref<1552x16xf32, #tpu.memory_space<vmem>>
          tpu.vector_store_idx %scatter3A_169[%add3A_127, %broadcast_in_dim3A_163], %gather3A_164 : memref<1552x16xf32, #tpu.memory_space<vmem>>[vector<16xi32>, vector<16xi32>], vector<16xf32>,
          %gather3A_170 = tpu.vector_load_idx %arg16[%get3A_138, %broadcast_in_dim3A_163] : memref<3x16xf32, #tpu.memory_space<vmem>>[vector<16xi32>, vector<16xi32>], vector<16xf32>,
          %scatter3A_171 = arith.constant 0 : i32
          %scatter3A_172 = arith.constant 0 : i32
          %scatter3A_173 = arith.constant 0 : i32
          %scatter3A_174 = tpu.memref_slice %arg13[%scatter3A_171, %scatter3A_172, %scatter3A_173] : memref<1x1552x16xf32, #tpu.memory_space<vmem>> -> memref<1x1552x16xf32, #tpu.memory_space<vmem>>
          %scatter3A_175 = tpu.memref_squeeze %scatter3A_174 : memref<1x1552x16xf32, #tpu.memory_space<vmem>> -> memref<1552x16xf32, #tpu.memory_space<vmem>>
          tpu.vector_store_idx %scatter3A_175[%add3A_127, %broadcast_in_dim3A_163], %gather3A_170 : memref<1552x16xf32, #tpu.memory_space<vmem>>[vector<16xi32>, vector<16xi32>], vector<16xf32>,
          %gather3A_176 = tpu.vector_load_idx %arg17[%get3A_144, %broadcast_in_dim3A_163] : memref<100x16xf32, #tpu.memory_space<vmem>>[vector<16xi32>, vector<16xi32>], vector<16xf32>,
          %scatter3A_177 = arith.constant 0 : i32
          %scatter3A_178 = arith.constant 0 : i32
          %scatter3A_179 = arith.constant 0 : i32
          %scatter3A_180 = tpu.memref_slice %arg14[%scatter3A_177, %scatter3A_178, %scatter3A_179] : memref<1x1552x16xf32, #tpu.memory_space<vmem>> -> memref<1x1552x16xf32, #tpu.memory_space<vmem>>
          %scatter3A_181 = tpu.memref_squeeze %scatter3A_180 : memref<1x1552x16xf32, #tpu.memory_space<vmem>> -> memref<1552x16xf32, #tpu.memory_space<vmem>>
          tpu.vector_store_idx %scatter3A_181[%add3A_127, %broadcast_in_dim3A_163], %gather3A_176 : memref<1552x16xf32, #tpu.memory_space<vmem>>[vector<16xi32>, vector<16xi32>], vector<16xf32>,
          %broadcast_in_dim3A_182 = arith.constant 2 : i32
          %broadcast_in_dim3A_183 = vector.broadcast %broadcast_in_dim3A_182 : i32 to vector<16xi32>
          %gather3A_184 = tpu.vector_load_idx %arg15[%get3A_132, %broadcast_in_dim3A_183] : memref<10x16xf32, #tpu.memory_space<vmem>>[vector<16xi32>, vector<16xi32>], vector<16xf32>,
          %scatter3A_185 = arith.constant 0 : i32
          %scatter3A_186 = arith.constant 0 : i32
          %scatter3A_187 = arith.constant 0 : i32
          %scatter3A_188 = tpu.memref_slice %arg12[%scatter3A_185, %scatter3A_186, %scatter3A_187] : memref<1x1552x16xf32, #tpu.memory_space<vmem>> -> memref<1x1552x16xf32, #tpu.memory_space<vmem>>
          %scatter3A_189 = tpu.memref_squeeze %scatter3A_188 : memref<1x1552x16xf32, #tpu.memory_space<vmem>> -> memref<1552x16xf32, #tpu.memory_space<vmem>>
          tpu.vector_store_idx %scatter3A_189[%add3A_127, %broadcast_in_dim3A_183], %gather3A_184 : memref<1552x16xf32, #tpu.memory_space<vmem>>[vector<16xi32>, vector<16xi32>], vector<16xf32>,
          %gather3A_190 = tpu.vector_load_idx %arg16[%get3A_138, %broadcast_in_dim3A_183] : memref<3x16xf32, #tpu.memory_space<vmem>>[vector<16xi32>, vector<16xi32>], vector<16xf32>,
          %scatter3A_191 = arith.constant 0 : i32
          %scatter3A_192 = arith.constant 0 : i32
          %scatter3A_193 = arith.constant 0 : i32
          %scatter3A_194 = tpu.memref_slice %arg13[%scatter3A_191, %scatter3A_192, %scatter3A_193] : memref<1x1552x16xf32, #tpu.memory_space<vmem>> -> memref<1x1552x16xf32, #tpu.memory_space<vmem>>
          %scatter3A_195 = tpu.memref_squeeze %scatter3A_194 : memref<1x1552x16xf32, #tpu.memory_space<vmem>> -> memref<1552x16xf32, #tpu.memory_space<vmem>>
          tpu.vector_store_idx %scatter3A_195[%add3A_127, %broadcast_in_dim3A_183], %gather3A_190 : memref<1552x16xf32, #tpu.memory_space<vmem>>[vector<16xi32>, vector<16xi32>], vector<16xf32>,
          %gather3A_196 = tpu.vector_load_idx %arg17[%get3A_144, %broadcast_in_dim3A_183] : memref<100x16xf32, #tpu.memory_space<vmem>>[vector<16xi32>, vector<16xi32>], vector<16xf32>,
          %scatter3A_197 = arith.constant 0 : i32
          %scatter3A_198 = arith.constant 0 : i32
          %scatter3A_199 = arith.constant 0 : i32
          %scatter3A_200 = tpu.memref_slice %arg14[%scatter3A_197, %scatter3A_198, %scatter3A_199] : memref<1x1552x16xf32, #tpu.memory_space<vmem>> -> memref<1x1552x16xf32, #tpu.memory_space<vmem>>
          %scatter3A_201 = tpu.memref_squeeze %scatter3A_200 : memref<1x1552x16xf32, #tpu.memory_space<vmem>> -> memref<1552x16xf32, #tpu.memory_space<vmem>>
          tpu.vector_store_idx %scatter3A_201[%add3A_127, %broadcast_in_dim3A_183], %gather3A_196 : memref<1552x16xf32, #tpu.memory_space<vmem>>[vector<16xi32>, vector<16xi32>], vector<16xf32>,
          %broadcast_in_dim3A_202 = arith.constant 3 : i32
          %broadcast_in_dim3A_203 = vector.broadcast %broadcast_in_dim3A_202 : i32 to vector<16xi32>
          %gather3A_204 = tpu.vector_load_idx %arg15[%get3A_132, %broadcast_in_dim3A_203] : memref<10x16xf32, #tpu.memory_space<vmem>>[vector<16xi32>, vector<16xi32>], vector<16xf32>,
          %scatter3A_205 = arith.constant 0 : i32
          %scatter3A_206 = arith.constant 0 : i32
          %scatter3A_207 = arith.constant 0 : i32
          %scatter3A_208 = tpu.memref_slice %arg12[%scatter3A_205, %scatter3A_206, %scatter3A_207] : memref<1x1552x16xf32, #tpu.memory_space<vmem>> -> memref<1x1552x16xf32, #tpu.memory_space<vmem>>
          %scatter3A_209 = tpu.memref_squeeze %scatter3A_208 : memref<1x1552x16xf32, #tpu.memory_space<vmem>> -> memref<1552x16xf32, #tpu.memory_space<vmem>>
          tpu.vector_store_idx %scatter3A_209[%add3A_127, %broadcast_in_dim3A_203], %gather3A_204 : memref<1552x16xf32, #tpu.memory_space<vmem>>[vector<16xi32>, vector<16xi32>], vector<16xf32>,
          %gather3A_210 = tpu.vector_load_idx %arg16[%get3A_138, %broadcast_in_dim3A_203] : memref<3x16xf32, #tpu.memory_space<vmem>>[vector<16xi32>, vector<16xi32>], vector<16xf32>,
          %scatter3A_211 = arith.constant 0 : i32
          %scatter3A_212 = arith.constant 0 : i32
          %scatter3A_213 = arith.constant 0 : i32
          %scatter3A_214 = tpu.memref_slice %arg13[%scatter3A_211, %scatter3A_212, %scatter3A_213] : memref<1x1552x16xf32, #tpu.memory_space<vmem>> -> memref<1x1552x16xf32, #tpu.memory_space<vmem>>
          %scatter3A_215 = tpu.memref_squeeze %scatter3A_214 : memref<1x1552x16xf32, #tpu.memory_space<vmem>> -> memref<1552x16xf32, #tpu.memory_space<vmem>>
          tpu.vector_store_idx %scatter3A_215[%add3A_127, %broadcast_in_dim3A_203], %gather3A_210 : memref<1552x16xf32, #tpu.memory_space<vmem>>[vector<16xi32>, vector<16xi32>], vector<16xf32>,
          %gather3A_216 = tpu.vector_load_idx %arg17[%get3A_144, %broadcast_in_dim3A_203] : memref<100x16xf32, #tpu.memory_space<vmem>>[vector<16xi32>, vector<16xi32>], vector<16xf32>,
          %scatter3A_217 = arith.constant 0 : i32
          %scatter3A_218 = arith.constant 0 : i32
          %scatter3A_219 = arith.constant 0 : i32
          %scatter3A_220 = tpu.memref_slice %arg14[%scatter3A_217, %scatter3A_218, %scatter3A_219] : memref<1x1552x16xf32, #tpu.memory_space<vmem>> -> memref<1x1552x16xf32, #tpu.memory_space<vmem>>
          %scatter3A_221 = tpu.memref_squeeze %scatter3A_220 : memref<1x1552x16xf32, #tpu.memory_space<vmem>> -> memref<1552x16xf32, #tpu.memory_space<vmem>>
          tpu.vector_store_idx %scatter3A_221[%add3A_127, %broadcast_in_dim3A_203], %gather3A_216 : memref<1552x16xf32, #tpu.memory_space<vmem>>[vector<16xi32>, vector<16xi32>], vector<16xf32>,
          %broadcast_in_dim3A_222 = arith.constant 4 : i32
          %broadcast_in_dim3A_223 = vector.broadcast %broadcast_in_dim3A_222 : i32 to vector<16xi32>
          %gather3A_224 = tpu.vector_load_idx %arg15[%get3A_132, %broadcast_in_dim3A_223] : memref<10x16xf32, #tpu.memory_space<vmem>>[vector<16xi32>, vector<16xi32>], vector<16xf32>,
          %scatter3A_225 = arith.constant 0 : i32
          %scatter3A_226 = arith.constant 0 : i32
          %scatter3A_227 = arith.constant 0 : i32
          %scatter3A_228 = tpu.memref_slice %arg12[%scatter3A_225, %scatter3A_226, %scatter3A_227] : memref<1x1552x16xf32, #tpu.memory_space<vmem>> -> memref<1x1552x16xf32, #tpu.memory_space<vmem>>
          %scatter3A_229 = tpu.memref_squeeze %scatter3A_228 : memref<1x1552x16xf32, #tpu.memory_space<vmem>> -> memref<1552x16xf32, #tpu.memory_space<vmem>>
          tpu.vector_store_idx %scatter3A_229[%add3A_127, %broadcast_in_dim3A_223], %gather3A_224 : memref<1552x16xf32, #tpu.memory_space<vmem>>[vector<16xi32>, vector<16xi32>], vector<16xf32>,
          %gather3A_230 = tpu.vector_load_idx %arg16[%get3A_138, %broadcast_in_dim3A_223] : memref<3x16xf32, #tpu.memory_space<vmem>>[vector<16xi32>, vector<16xi32>], vector<16xf32>,
          %scatter3A_231 = arith.constant 0 : i32
          %scatter3A_232 = arith.constant 0 : i32
          %scatter3A_233 = arith.constant 0 : i32
          %scatter3A_234 = tpu.memref_slice %arg13[%scatter3A_231, %scatter3A_232, %scatter3A_233] : memref<1x1552x16xf32, #tpu.memory_space<vmem>> -> memref<1x1552x16xf32, #tpu.memory_space<vmem>>
          %scatter3A_235 = tpu.memref_squeeze %scatter3A_234 : memref<1x1552x16xf32, #tpu.memory_space<vmem>> -> memref<1552x16xf32, #tpu.memory_space<vmem>>
          tpu.vector_store_idx %scatter3A_235[%add3A_127, %broadcast_in_dim3A_223], %gather3A_230 : memref<1552x16xf32, #tpu.memory_space<vmem>>[vector<16xi32>, vector<16xi32>], vector<16xf32>,
          %gather3A_236 = tpu.vector_load_idx %arg17[%get3A_144, %broadcast_in_dim3A_223] : memref<100x16xf32, #tpu.memory_space<vmem>>[vector<16xi32>, vector<16xi32>], vector<16xf32>,
          %scatter3A_237 = arith.constant 0 : i32
          %scatter3A_238 = arith.constant 0 : i32
          %scatter3A_239 = arith.constant 0 : i32
          %scatter3A_240 = tpu.memref_slice %arg14[%scatter3A_237, %scatter3A_238, %scatter3A_239] : memref<1x1552x16xf32, #tpu.memory_space<vmem>> -> memref<1x1552x16xf32, #tpu.memory_space<vmem>>
          %scatter3A_241 = tpu.memref_squeeze %scatter3A_240 : memref<1x1552x16xf32, #tpu.memory_space<vmem>> -> memref<1552x16xf32, #tpu.memory_space<vmem>>
          tpu.vector_store_idx %scatter3A_241[%add3A_127, %broadcast_in_dim3A_223], %gather3A_236 : memref<1552x16xf32, #tpu.memory_space<vmem>>[vector<16xi32>, vector<16xi32>], vector<16xf32>,
          %broadcast_in_dim3A_242 = arith.constant 5 : i32
          %broadcast_in_dim3A_243 = vector.broadcast %broadcast_in_dim3A_242 : i32 to vector<16xi32>
          %gather3A_244 = tpu.vector_load_idx %arg15[%get3A_132, %broadcast_in_dim3A_243] : memref<10x16xf32, #tpu.memory_space<vmem>>[vector<16xi32>, vector<16xi32>], vector<16xf32>,
          %scatter3A_245 = arith.constant 0 : i32
          %scatter3A_246 = arith.constant 0 : i32
          %scatter3A_247 = arith.constant 0 : i32
          %scatter3A_248 = tpu.memref_slice %arg12[%scatter3A_245, %scatter3A_246, %scatter3A_247] : memref<1x1552x16xf32, #tpu.memory_space<vmem>> -> memref<1x1552x16xf32, #tpu.memory_space<vmem>>
          %scatter3A_249 = tpu.memref_squeeze %scatter3A_248 : memref<1x1552x16xf32, #tpu.memory_space<vmem>> -> memref<1552x16xf32, #tpu.memory_space<vmem>>
          tpu.vector_store_idx %scatter3A_249[%add3A_127, %broadcast_in_dim3A_243], %gather3A_244 : memref<1552x16xf32, #tpu.memory_space<vmem>>[vector<16xi32>, vector<16xi32>], vector<16xf32>,
          %gather3A_250 = tpu.vector_load_idx %arg16[%get3A_138, %broadcast_in_dim3A_243] : memref<3x16xf32, #tpu.memory_space<vmem>>[vector<16xi32>, vector<16xi32>], vector<16xf32>,
          %scatter3A_251 = arith.constant 0 : i32
          %scatter3A_252 = arith.constant 0 : i32
          %scatter3A_253 = arith.constant 0 : i32
          %scatter3A_254 = tpu.memref_slice %arg13[%scatter3A_251, %scatter3A_252, %scatter3A_253] : memref<1x1552x16xf32, #tpu.memory_space<vmem>> -> memref<1x1552x16xf32, #tpu.memory_space<vmem>>
          %scatter3A_255 = tpu.memref_squeeze %scatter3A_254 : memref<1x1552x16xf32, #tpu.memory_space<vmem>> -> memref<1552x16xf32, #tpu.memory_space<vmem>>
          tpu.vector_store_idx %scatter3A_255[%add3A_127, %broadcast_in_dim3A_243], %gather3A_250 : memref<1552x16xf32, #tpu.memory_space<vmem>>[vector<16xi32>, vector<16xi32>], vector<16xf32>,
          %gather3A_256 = tpu.vector_load_idx %arg17[%get3A_144, %broadcast_in_dim3A_243] : memref<100x16xf32, #tpu.memory_space<vmem>>[vector<16xi32>, vector<16xi32>], vector<16xf32>,
          %scatter3A_257 = arith.constant 0 : i32
          %scatter3A_258 = arith.constant 0 : i32
          %scatter3A_259 = arith.constant 0 : i32
          %scatter3A_260 = tpu.memref_slice %arg14[%scatter3A_257, %scatter3A_258, %scatter3A_259] : memref<1x1552x16xf32, #tpu.memory_space<vmem>> -> memref<1x1552x16xf32, #tpu.memory_space<vmem>>
          %scatter3A_261 = tpu.memref_squeeze %scatter3A_260 : memref<1x1552x16xf32, #tpu.memory_space<vmem>> -> memref<1552x16xf32, #tpu.memory_space<vmem>>
          tpu.vector_store_idx %scatter3A_261[%add3A_127, %broadcast_in_dim3A_243], %gather3A_256 : memref<1552x16xf32, #tpu.memory_space<vmem>>[vector<16xi32>, vector<16xi32>], vector<16xf32>,
          %broadcast_in_dim3A_262 = arith.constant 6 : i32
          %broadcast_in_dim3A_263 = vector.broadcast %broadcast_in_dim3A_262 : i32 to vector<16xi32>
          %gather3A_264 = tpu.vector_load_idx %arg15[%get3A_132, %broadcast_in_dim3A_263] : memref<10x16xf32, #tpu.memory_space<vmem>>[vector<16xi32>, vector<16xi32>], vector<16xf32>,
          %scatter3A_265 = arith.constant 0 : i32
          %scatter3A_266 = arith.constant 0 : i32
          %scatter3A_267 = arith.constant 0 : i32
          %scatter3A_268 = tpu.memref_slice %arg12[%scatter3A_265, %scatter3A_266, %scatter3A_267] : memref<1x1552x16xf32, #tpu.memory_space<vmem>> -> memref<1x1552x16xf32, #tpu.memory_space<vmem>>
          %scatter3A_269 = tpu.memref_squeeze %scatter3A_268 : memref<1x1552x16xf32, #tpu.memory_space<vmem>> -> memref<1552x16xf32, #tpu.memory_space<vmem>>
          tpu.vector_store_idx %scatter3A_269[%add3A_127, %broadcast_in_dim3A_263], %gather3A_264 : memref<1552x16xf32, #tpu.memory_space<vmem>>[vector<16xi32>, vector<16xi32>], vector<16xf32>,
          %gather3A_270 = tpu.vector_load_idx %arg16[%get3A_138, %broadcast_in_dim3A_263] : memref<3x16xf32, #tpu.memory_space<vmem>>[vector<16xi32>, vector<16xi32>], vector<16xf32>,
          %scatter3A_271 = arith.constant 0 : i32
          %scatter3A_272 = arith.constant 0 : i32
          %scatter3A_273 = arith.constant 0 : i32
          %scatter3A_274 = tpu.memref_slice %arg13[%scatter3A_271, %scatter3A_272, %scatter3A_273] : memref<1x1552x16xf32, #tpu.memory_space<vmem>> -> memref<1x1552x16xf32, #tpu.memory_space<vmem>>
          %scatter3A_275 = tpu.memref_squeeze %scatter3A_274 : memref<1x1552x16xf32, #tpu.memory_space<vmem>> -> memref<1552x16xf32, #tpu.memory_space<vmem>>
          tpu.vector_store_idx %scatter3A_275[%add3A_127, %broadcast_in_dim3A_263], %gather3A_270 : memref<1552x16xf32, #tpu.memory_space<vmem>>[vector<16xi32>, vector<16xi32>], vector<16xf32>,
          %gather3A_276 = tpu.vector_load_idx %arg17[%get3A_144, %broadcast_in_dim3A_263] : memref<100x16xf32, #tpu.memory_space<vmem>>[vector<16xi32>, vector<16xi32>], vector<16xf32>,
          %scatter3A_277 = arith.constant 0 : i32
          %scatter3A_278 = arith.constant 0 : i32
          %scatter3A_279 = arith.constant 0 : i32
          %scatter3A_280 = tpu.memref_slice %arg14[%scatter3A_277, %scatter3A_278, %scatter3A_279] : memref<1x1552x16xf32, #tpu.memory_space<vmem>> -> memref<1x1552x16xf32, #tpu.memory_space<vmem>>
          %scatter3A_281 = tpu.memref_squeeze %scatter3A_280 : memref<1x1552x16xf32, #tpu.memory_space<vmem>> -> memref<1552x16xf32, #tpu.memory_space<vmem>>
          tpu.vector_store_idx %scatter3A_281[%add3A_127, %broadcast_in_dim3A_263], %gather3A_276 : memref<1552x16xf32, #tpu.memory_space<vmem>>[vector<16xi32>, vector<16xi32>], vector<16xf32>,
          %broadcast_in_dim3A_282 = arith.constant 7 : i32
          %broadcast_in_dim3A_283 = vector.broadcast %broadcast_in_dim3A_282 : i32 to vector<16xi32>
          %gather3A_284 = tpu.vector_load_idx %arg15[%get3A_132, %broadcast_in_dim3A_283] : memref<10x16xf32, #tpu.memory_space<vmem>>[vector<16xi32>, vector<16xi32>], vector<16xf32>,
          %scatter3A_285 = arith.constant 0 : i32
          %scatter3A_286 = arith.constant 0 : i32
          %scatter3A_287 = arith.constant 0 : i32
          %scatter3A_288 = tpu.memref_slice %arg12[%scatter3A_285, %scatter3A_286, %scatter3A_287] : memref<1x1552x16xf32, #tpu.memory_space<vmem>> -> memref<1x1552x16xf32, #tpu.memory_space<vmem>>
          %scatter3A_289 = tpu.memref_squeeze %scatter3A_288 : memref<1x1552x16xf32, #tpu.memory_space<vmem>> -> memref<1552x16xf32, #tpu.memory_space<vmem>>
          tpu.vector_store_idx %scatter3A_289[%add3A_127, %broadcast_in_dim3A_283], %gather3A_284 : memref<1552x16xf32, #tpu.memory_space<vmem>>[vector<16xi32>, vector<16xi32>], vector<16xf32>,
          %gather3A_290 = tpu.vector_load_idx %arg16[%get3A_138, %broadcast_in_dim3A_283] : memref<3x16xf32, #tpu.memory_space<vmem>>[vector<16xi32>, vector<16xi32>], vector<16xf32>,
          %scatter3A_291 = arith.constant 0 : i32
          %scatter3A_292 = arith.constant 0 : i32
          %scatter3A_293 = arith.constant 0 : i32
          %scatter3A_294 = tpu.memref_slice %arg13[%scatter3A_291, %scatter3A_292, %scatter3A_293] : memref<1x1552x16xf32, #tpu.memory_space<vmem>> -> memref<1x1552x16xf32, #tpu.memory_space<vmem>>
          %scatter3A_295 = tpu.memref_squeeze %scatter3A_294 : memref<1x1552x16xf32, #tpu.memory_space<vmem>> -> memref<1552x16xf32, #tpu.memory_space<vmem>>
          tpu.vector_store_idx %scatter3A_295[%add3A_127, %broadcast_in_dim3A_283], %gather3A_290 : memref<1552x16xf32, #tpu.memory_space<vmem>>[vector<16xi32>, vector<16xi32>], vector<16xf32>,
          %gather3A_296 = tpu.vector_load_idx %arg17[%get3A_144, %broadcast_in_dim3A_283] : memref<100x16xf32, #tpu.memory_space<vmem>>[vector<16xi32>, vector<16xi32>], vector<16xf32>,
          %scatter3A_297 = arith.constant 0 : i32
          %scatter3A_298 = arith.constant 0 : i32
          %scatter3A_299 = arith.constant 0 : i32
          %scatter3A_300 = tpu.memref_slice %arg14[%scatter3A_297, %scatter3A_298, %scatter3A_299] : memref<1x1552x16xf32, #tpu.memory_space<vmem>> -> memref<1x1552x16xf32, #tpu.memory_space<vmem>>
          %scatter3A_301 = tpu.memref_squeeze %scatter3A_300 : memref<1x1552x16xf32, #tpu.memory_space<vmem>> -> memref<1552x16xf32, #tpu.memory_space<vmem>>
          tpu.vector_store_idx %scatter3A_301[%add3A_127, %broadcast_in_dim3A_283], %gather3A_296 : memref<1552x16xf32, #tpu.memory_space<vmem>>[vector<16xi32>, vector<16xi32>], vector<16xf32>,
          %broadcast_in_dim3A_302 = arith.constant 8 : i32
          %broadcast_in_dim3A_303 = vector.broadcast %broadcast_in_dim3A_302 : i32 to vector<16xi32>
          %gather3A_304 = tpu.vector_load_idx %arg15[%get3A_132, %broadcast_in_dim3A_303] : memref<10x16xf32, #tpu.memory_space<vmem>>[vector<16xi32>, vector<16xi32>], vector<16xf32>,
          %scatter3A_305 = arith.constant 0 : i32
          %scatter3A_306 = arith.constant 0 : i32
          %scatter3A_307 = arith.constant 0 : i32
          %scatter3A_308 = tpu.memref_slice %arg12[%scatter3A_305, %scatter3A_306, %scatter3A_307] : memref<1x1552x16xf32, #tpu.memory_space<vmem>> -> memref<1x1552x16xf32, #tpu.memory_space<vmem>>
          %scatter3A_309 = tpu.memref_squeeze %scatter3A_308 : memref<1x1552x16xf32, #tpu.memory_space<vmem>> -> memref<1552x16xf32, #tpu.memory_space<vmem>>
          tpu.vector_store_idx %scatter3A_309[%add3A_127, %broadcast_in_dim3A_303], %gather3A_304 : memref<1552x16xf32, #tpu.memory_space<vmem>>[vector<16xi32>, vector<16xi32>], vector<16xf32>,
          %gather3A_310 = tpu.vector_load_idx %arg16[%get3A_138, %broadcast_in_dim3A_303] : memref<3x16xf32, #tpu.memory_space<vmem>>[vector<16xi32>, vector<16xi32>], vector<16xf32>,
          %scatter3A_311 = arith.constant 0 : i32
          %scatter3A_312 = arith.constant 0 : i32
          %scatter3A_313 = arith.constant 0 : i32
          %scatter3A_314 = tpu.memref_slice %arg13[%scatter3A_311, %scatter3A_312, %scatter3A_313] : memref<1x1552x16xf32, #tpu.memory_space<vmem>> -> memref<1x1552x16xf32, #tpu.memory_space<vmem>>
          %scatter3A_315 = tpu.memref_squeeze %scatter3A_314 : memref<1x1552x16xf32, #tpu.memory_space<vmem>> -> memref<1552x16xf32, #tpu.memory_space<vmem>>
          tpu.vector_store_idx %scatter3A_315[%add3A_127, %broadcast_in_dim3A_303], %gather3A_310 : memref<1552x16xf32, #tpu.memory_space<vmem>>[vector<16xi32>, vector<16xi32>], vector<16xf32>,
          %gather3A_316 = tpu.vector_load_idx %arg17[%get3A_144, %broadcast_in_dim3A_303] : memref<100x16xf32, #tpu.memory_space<vmem>>[vector<16xi32>, vector<16xi32>], vector<16xf32>,
          %scatter3A_317 = arith.constant 0 : i32
          %scatter3A_318 = arith.constant 0 : i32
          %scatter3A_319 = arith.constant 0 : i32
          %scatter3A_320 = tpu.memref_slice %arg14[%scatter3A_317, %scatter3A_318, %scatter3A_319] : memref<1x1552x16xf32, #tpu.memory_space<vmem>> -> memref<1x1552x16xf32, #tpu.memory_space<vmem>>
          %scatter3A_321 = tpu.memref_squeeze %scatter3A_320 : memref<1x1552x16xf32, #tpu.memory_space<vmem>> -> memref<1552x16xf32, #tpu.memory_space<vmem>>
          tpu.vector_store_idx %scatter3A_321[%add3A_127, %broadcast_in_dim3A_303], %gather3A_316 : memref<1552x16xf32, #tpu.memory_space<vmem>>[vector<16xi32>, vector<16xi32>], vector<16xf32>,
          %broadcast_in_dim3A_322 = arith.constant 9 : i32
          %broadcast_in_dim3A_323 = vector.broadcast %broadcast_in_dim3A_322 : i32 to vector<16xi32>
          %gather3A_324 = tpu.vector_load_idx %arg15[%get3A_132, %broadcast_in_dim3A_323] : memref<10x16xf32, #tpu.memory_space<vmem>>[vector<16xi32>, vector<16xi32>], vector<16xf32>,
          %scatter3A_325 = arith.constant 0 : i32
          %scatter3A_326 = arith.constant 0 : i32
          %scatter3A_327 = arith.constant 0 : i32
          %scatter3A_328 = tpu.memref_slice %arg12[%scatter3A_325, %scatter3A_326, %scatter3A_327] : memref<1x1552x16xf32, #tpu.memory_space<vmem>> -> memref<1x1552x16xf32, #tpu.memory_space<vmem>>
          %scatter3A_329 = tpu.memref_squeeze %scatter3A_328 : memref<1x1552x16xf32, #tpu.memory_space<vmem>> -> memref<1552x16xf32, #tpu.memory_space<vmem>>
          tpu.vector_store_idx %scatter3A_329[%add3A_127, %broadcast_in_dim3A_323], %gather3A_324 : memref<1552x16xf32, #tpu.memory_space<vmem>>[vector<16xi32>, vector<16xi32>], vector<16xf32>,
          %gather3A_330 = tpu.vector_load_idx %arg16[%get3A_138, %broadcast_in_dim3A_323] : memref<3x16xf32, #tpu.memory_space<vmem>>[vector<16xi32>, vector<16xi32>], vector<16xf32>,
          %scatter3A_331 = arith.constant 0 : i32
          %scatter3A_332 = arith.constant 0 : i32
          %scatter3A_333 = arith.constant 0 : i32
          %scatter3A_334 = tpu.memref_slice %arg13[%scatter3A_331, %scatter3A_332, %scatter3A_333] : memref<1x1552x16xf32, #tpu.memory_space<vmem>> -> memref<1x1552x16xf32, #tpu.memory_space<vmem>>
          %scatter3A_335 = tpu.memref_squeeze %scatter3A_334 : memref<1x1552x16xf32, #tpu.memory_space<vmem>> -> memref<1552x16xf32, #tpu.memory_space<vmem>>
          tpu.vector_store_idx %scatter3A_335[%add3A_127, %broadcast_in_dim3A_323], %gather3A_330 : memref<1552x16xf32, #tpu.memory_space<vmem>>[vector<16xi32>, vector<16xi32>], vector<16xf32>,
          %gather3A_336 = tpu.vector_load_idx %arg17[%get3A_144, %broadcast_in_dim3A_323] : memref<100x16xf32, #tpu.memory_space<vmem>>[vector<16xi32>, vector<16xi32>], vector<16xf32>,
          %scatter3A_337 = arith.constant 0 : i32
          %scatter3A_338 = arith.constant 0 : i32
          %scatter3A_339 = arith.constant 0 : i32
          %scatter3A_340 = tpu.memref_slice %arg14[%scatter3A_337, %scatter3A_338, %scatter3A_339] : memref<1x1552x16xf32, #tpu.memory_space<vmem>> -> memref<1x1552x16xf32, #tpu.memory_space<vmem>>
          %scatter3A_341 = tpu.memref_squeeze %scatter3A_340 : memref<1x1552x16xf32, #tpu.memory_space<vmem>> -> memref<1552x16xf32, #tpu.memory_space<vmem>>
          tpu.vector_store_idx %scatter3A_341[%add3A_127, %broadcast_in_dim3A_323], %gather3A_336 : memref<1552x16xf32, #tpu.memory_space<vmem>>[vector<16xi32>, vector<16xi32>], vector<16xf32>,
          %broadcast_in_dim3A_342 = arith.constant 10 : i32
          %broadcast_in_dim3A_343 = vector.broadcast %broadcast_in_dim3A_342 : i32 to vector<16xi32>
          %gather3A_344 = tpu.vector_load_idx %arg15[%get3A_132, %broadcast_in_dim3A_343] : memref<10x16xf32, #tpu.memory_space<vmem>>[vector<16xi32>, vector<16xi32>], vector<16xf32>,
          %scatter3A_345 = arith.constant 0 : i32
          %scatter3A_346 = arith.constant 0 : i32
          %scatter3A_347 = arith.constant 0 : i32
          %scatter3A_348 = tpu.memref_slice %arg12[%scatter3A_345, %scatter3A_346, %scatter3A_347] : memref<1x1552x16xf32, #tpu.memory_space<vmem>> -> memref<1x1552x16xf32, #tpu.memory_space<vmem>>
          %scatter3A_349 = tpu.memref_squeeze %scatter3A_348 : memref<1x1552x16xf32, #tpu.memory_space<vmem>> -> memref<1552x16xf32, #tpu.memory_space<vmem>>
          tpu.vector_store_idx %scatter3A_349[%add3A_127, %broadcast_in_dim3A_343], %gather3A_344 : memref<1552x16xf32, #tpu.memory_space<vmem>>[vector<16xi32>, vector<16xi32>], vector<16xf32>,
          %gather3A_350 = tpu.vector_load_idx %arg16[%get3A_138, %broadcast_in_dim3A_343] : memref<3x16xf32, #tpu.memory_space<vmem>>[vector<16xi32>, vector<16xi32>], vector<16xf32>,
          %scatter3A_351 = arith.constant 0 : i32
          %scatter3A_352 = arith.constant 0 : i32
          %scatter3A_353 = arith.constant 0 : i32
          %scatter3A_354 = tpu.memref_slice %arg13[%scatter3A_351, %scatter3A_352, %scatter3A_353] : memref<1x1552x16xf32, #tpu.memory_space<vmem>> -> memref<1x1552x16xf32, #tpu.memory_space<vmem>>
          %scatter3A_355 = tpu.memref_squeeze %scatter3A_354 : memref<1x1552x16xf32, #tpu.memory_space<vmem>> -> memref<1552x16xf32, #tpu.memory_space<vmem>>
          tpu.vector_store_idx %scatter3A_355[%add3A_127, %broadcast_in_dim3A_343], %gather3A_350 : memref<1552x16xf32, #tpu.memory_space<vmem>>[vector<16xi32>, vector<16xi32>], vector<16xf32>,
          %gather3A_356 = tpu.vector_load_idx %arg17[%get3A_144, %broadcast_in_dim3A_343] : memref<100x16xf32, #tpu.memory_space<vmem>>[vector<16xi32>, vector<16xi32>], vector<16xf32>,
          %scatter3A_357 = arith.constant 0 : i32
          %scatter3A_358 = arith.constant 0 : i32
          %scatter3A_359 = arith.constant 0 : i32
          %scatter3A_360 = tpu.memref_slice %arg14[%scatter3A_357, %scatter3A_358, %scatter3A_359] : memref<1x1552x16xf32, #tpu.memory_space<vmem>> -> memref<1x1552x16xf32, #tpu.memory_space<vmem>>
          %scatter3A_361 = tpu.memref_squeeze %scatter3A_360 : memref<1x1552x16xf32, #tpu.memory_space<vmem>> -> memref<1552x16xf32, #tpu.memory_space<vmem>>
          tpu.vector_store_idx %scatter3A_361[%add3A_127, %broadcast_in_dim3A_343], %gather3A_356 : memref<1552x16xf32, #tpu.memory_space<vmem>>[vector<16xi32>, vector<16xi32>], vector<16xf32>,
          %broadcast_in_dim3A_362 = arith.constant 11 : i32
          %broadcast_in_dim3A_363 = vector.broadcast %broadcast_in_dim3A_362 : i32 to vector<16xi32>
          %gather3A_364 = tpu.vector_load_idx %arg15[%get3A_132, %broadcast_in_dim3A_363] : memref<10x16xf32, #tpu.memory_space<vmem>>[vector<16xi32>, vector<16xi32>], vector<16xf32>,
          %scatter3A_365 = arith.constant 0 : i32
          %scatter3A_366 = arith.constant 0 : i32
          %scatter3A_367 = arith.constant 0 : i32
          %scatter3A_368 = tpu.memref_slice %arg12[%scatter3A_365, %scatter3A_366, %scatter3A_367] : memref<1x1552x16xf32, #tpu.memory_space<vmem>> -> memref<1x1552x16xf32, #tpu.memory_space<vmem>>
          %scatter3A_369 = tpu.memref_squeeze %scatter3A_368 : memref<1x1552x16xf32, #tpu.memory_space<vmem>> -> memref<1552x16xf32, #tpu.memory_space<vmem>>
          tpu.vector_store_idx %scatter3A_369[%add3A_127, %broadcast_in_dim3A_363], %gather3A_364 : memref<1552x16xf32, #tpu.memory_space<vmem>>[vector<16xi32>, vector<16xi32>], vector<16xf32>,
          %gather3A_370 = tpu.vector_load_idx %arg16[%get3A_138, %broadcast_in_dim3A_363] : memref<3x16xf32, #tpu.memory_space<vmem>>[vector<16xi32>, vector<16xi32>], vector<16xf32>,
          %scatter3A_371 = arith.constant 0 : i32
          %scatter3A_372 = arith.constant 0 : i32
          %scatter3A_373 = arith.constant 0 : i32
          %scatter3A_374 = tpu.memref_slice %arg13[%scatter3A_371, %scatter3A_372, %scatter3A_373] : memref<1x1552x16xf32, #tpu.memory_space<vmem>> -> memref<1x1552x16xf32, #tpu.memory_space<vmem>>
          %scatter3A_375 = tpu.memref_squeeze %scatter3A_374 : memref<1x1552x16xf32, #tpu.memory_space<vmem>> -> memref<1552x16xf32, #tpu.memory_space<vmem>>
          tpu.vector_store_idx %scatter3A_375[%add3A_127, %broadcast_in_dim3A_363], %gather3A_370 : memref<1552x16xf32, #tpu.memory_space<vmem>>[vector<16xi32>, vector<16xi32>], vector<16xf32>,
          %gather3A_376 = tpu.vector_load_idx %arg17[%get3A_144, %broadcast_in_dim3A_363] : memref<100x16xf32, #tpu.memory_space<vmem>>[vector<16xi32>, vector<16xi32>], vector<16xf32>,
          %scatter3A_377 = arith.constant 0 : i32
          %scatter3A_378 = arith.constant 0 : i32
          %scatter3A_379 = arith.constant 0 : i32
          %scatter3A_380 = tpu.memref_slice %arg14[%scatter3A_377, %scatter3A_378, %scatter3A_379] : memref<1x1552x16xf32, #tpu.memory_space<vmem>> -> memref<1x1552x16xf32, #tpu.memory_space<vmem>>
          %scatter3A_381 = tpu.memref_squeeze %scatter3A_380 : memref<1x1552x16xf32, #tpu.memory_space<vmem>> -> memref<1552x16xf32, #tpu.memory_space<vmem>>
          tpu.vector_store_idx %scatter3A_381[%add3A_127, %broadcast_in_dim3A_363], %gather3A_376 : memref<1552x16xf32, #tpu.memory_space<vmem>>[vector<16xi32>, vector<16xi32>], vector<16xf32>,
          %broadcast_in_dim3A_382 = arith.constant 12 : i32
          %broadcast_in_dim3A_383 = vector.broadcast %broadcast_in_dim3A_382 : i32 to vector<16xi32>
          %gather3A_384 = tpu.vector_load_idx %arg15[%get3A_132, %broadcast_in_dim3A_383] : memref<10x16xf32, #tpu.memory_space<vmem>>[vector<16xi32>, vector<16xi32>], vector<16xf32>,
          %scatter3A_385 = arith.constant 0 : i32
          %scatter3A_386 = arith.constant 0 : i32
          %scatter3A_387 = arith.constant 0 : i32
          %scatter3A_388 = tpu.memref_slice %arg12[%scatter3A_385, %scatter3A_386, %scatter3A_387] : memref<1x1552x16xf32, #tpu.memory_space<vmem>> -> memref<1x1552x16xf32, #tpu.memory_space<vmem>>
          %scatter3A_389 = tpu.memref_squeeze %scatter3A_388 : memref<1x1552x16xf32, #tpu.memory_space<vmem>> -> memref<1552x16xf32, #tpu.memory_space<vmem>>
          tpu.vector_store_idx %scatter3A_389[%add3A_127, %broadcast_in_dim3A_383], %gather3A_384 : memref<1552x16xf32, #tpu.memory_space<vmem>>[vector<16xi32>, vector<16xi32>], vector<16xf32>,
          %gather3A_390 = tpu.vector_load_idx %arg16[%get3A_138, %broadcast_in_dim3A_383] : memref<3x16xf32, #tpu.memory_space<vmem>>[vector<16xi32>, vector<16xi32>], vector<16xf32>,
          %scatter3A_391 = arith.constant 0 : i32
          %scatter3A_392 = arith.constant 0 : i32
          %scatter3A_393 = arith.constant 0 : i32
          %scatter3A_394 = tpu.memref_slice %arg13[%scatter3A_391, %scatter3A_392, %scatter3A_393] : memref<1x1552x16xf32, #tpu.memory_space<vmem>> -> memref<1x1552x16xf32, #tpu.memory_space<vmem>>
          %scatter3A_395 = tpu.memref_squeeze %scatter3A_394 : memref<1x1552x16xf32, #tpu.memory_space<vmem>> -> memref<1552x16xf32, #tpu.memory_space<vmem>>
          tpu.vector_store_idx %scatter3A_395[%add3A_127, %broadcast_in_dim3A_383], %gather3A_390 : memref<1552x16xf32, #tpu.memory_space<vmem>>[vector<16xi32>, vector<16xi32>], vector<16xf32>,
          %gather3A_396 = tpu.vector_load_idx %arg17[%get3A_144, %broadcast_in_dim3A_383] : memref<100x16xf32, #tpu.memory_space<vmem>>[vector<16xi32>, vector<16xi32>], vector<16xf32>,
          %scatter3A_397 = arith.constant 0 : i32
          %scatter3A_398 = arith.constant 0 : i32
          %scatter3A_399 = arith.constant 0 : i32
          %scatter3A_400 = tpu.memref_slice %arg14[%scatter3A_397, %scatter3A_398, %scatter3A_399] : memref<1x1552x16xf32, #tpu.memory_space<vmem>> -> memref<1x1552x16xf32, #tpu.memory_space<vmem>>
          %scatter3A_401 = tpu.memref_squeeze %scatter3A_400 : memref<1x1552x16xf32, #tpu.memory_space<vmem>> -> memref<1552x16xf32, #tpu.memory_space<vmem>>
          tpu.vector_store_idx %scatter3A_401[%add3A_127, %broadcast_in_dim3A_383], %gather3A_396 : memref<1552x16xf32, #tpu.memory_space<vmem>>[vector<16xi32>, vector<16xi32>], vector<16xf32>,
          %broadcast_in_dim3A_402 = arith.constant 13 : i32
          %broadcast_in_dim3A_403 = vector.broadcast %broadcast_in_dim3A_402 : i32 to vector<16xi32>
          %gather3A_404 = tpu.vector_load_idx %arg15[%get3A_132, %broadcast_in_dim3A_403] : memref<10x16xf32, #tpu.memory_space<vmem>>[vector<16xi32>, vector<16xi32>], vector<16xf32>,
          %scatter3A_405 = arith.constant 0 : i32
          %scatter3A_406 = arith.constant 0 : i32
          %scatter3A_407 = arith.constant 0 : i32
          %scatter3A_408 = tpu.memref_slice %arg12[%scatter3A_405, %scatter3A_406, %scatter3A_407] : memref<1x1552x16xf32, #tpu.memory_space<vmem>> -> memref<1x1552x16xf32, #tpu.memory_space<vmem>>
          %scatter3A_409 = tpu.memref_squeeze %scatter3A_408 : memref<1x1552x16xf32, #tpu.memory_space<vmem>> -> memref<1552x16xf32, #tpu.memory_space<vmem>>
          tpu.vector_store_idx %scatter3A_409[%add3A_127, %broadcast_in_dim3A_403], %gather3A_404 : memref<1552x16xf32, #tpu.memory_space<vmem>>[vector<16xi32>, vector<16xi32>], vector<16xf32>,
          %gather3A_410 = tpu.vector_load_idx %arg16[%get3A_138, %broadcast_in_dim3A_403] : memref<3x16xf32, #tpu.memory_space<vmem>>[vector<16xi32>, vector<16xi32>], vector<16xf32>,
          %scatter3A_411 = arith.constant 0 : i32
          %scatter3A_412 = arith.constant 0 : i32
          %scatter3A_413 = arith.constant 0 : i32
          %scatter3A_414 = tpu.memref_slice %arg13[%scatter3A_411, %scatter3A_412, %scatter3A_413] : memref<1x1552x16xf32, #tpu.memory_space<vmem>> -> memref<1x1552x16xf32, #tpu.memory_space<vmem>>
          %scatter3A_415 = tpu.memref_squeeze %scatter3A_414 : memref<1x1552x16xf32, #tpu.memory_space<vmem>> -> memref<1552x16xf32, #tpu.memory_space<vmem>>
          tpu.vector_store_idx %scatter3A_415[%add3A_127, %broadcast_in_dim3A_403], %gather3A_410 : memref<1552x16xf32, #tpu.memory_space<vmem>>[vector<16xi32>, vector<16xi32>], vector<16xf32>,
          %gather3A_416 = tpu.vector_load_idx %arg17[%get3A_144, %broadcast_in_dim3A_403] : memref<100x16xf32, #tpu.memory_space<vmem>>[vector<16xi32>, vector<16xi32>], vector<16xf32>,
          %scatter3A_417 = arith.constant 0 : i32
          %scatter3A_418 = arith.constant 0 : i32
          %scatter3A_419 = arith.constant 0 : i32
          %scatter3A_420 = tpu.memref_slice %arg14[%scatter3A_417, %scatter3A_418, %scatter3A_419] : memref<1x1552x16xf32, #tpu.memory_space<vmem>> -> memref<1x1552x16xf32, #tpu.memory_space<vmem>>
          %scatter3A_421 = tpu.memref_squeeze %scatter3A_420 : memref<1x1552x16xf32, #tpu.memory_space<vmem>> -> memref<1552x16xf32, #tpu.memory_space<vmem>>
          tpu.vector_store_idx %scatter3A_421[%add3A_127, %broadcast_in_dim3A_403], %gather3A_416 : memref<1552x16xf32, #tpu.memory_space<vmem>>[vector<16xi32>, vector<16xi32>], vector<16xf32>,
          %broadcast_in_dim3A_422 = arith.constant 14 : i32
          %broadcast_in_dim3A_423 = vector.broadcast %broadcast_in_dim3A_422 : i32 to vector<16xi32>
          %gather3A_424 = tpu.vector_load_idx %arg15[%get3A_132, %broadcast_in_dim3A_423] : memref<10x16xf32, #tpu.memory_space<vmem>>[vector<16xi32>, vector<16xi32>], vector<16xf32>,
          %scatter3A_425 = arith.constant 0 : i32
          %scatter3A_426 = arith.constant 0 : i32
          %scatter3A_427 = arith.constant 0 : i32
          %scatter3A_428 = tpu.memref_slice %arg12[%scatter3A_425, %scatter3A_426, %scatter3A_427] : memref<1x1552x16xf32, #tpu.memory_space<vmem>> -> memref<1x1552x16xf32, #tpu.memory_space<vmem>>
          %scatter3A_429 = tpu.memref_squeeze %scatter3A_428 : memref<1x1552x16xf32, #tpu.memory_space<vmem>> -> memref<1552x16xf32, #tpu.memory_space<vmem>>
          tpu.vector_store_idx %scatter3A_429[%add3A_127, %broadcast_in_dim3A_423], %gather3A_424 : memref<1552x16xf32, #tpu.memory_space<vmem>>[vector<16xi32>, vector<16xi32>], vector<16xf32>,
          %gather3A_430 = tpu.vector_load_idx %arg16[%get3A_138, %broadcast_in_dim3A_423] : memref<3x16xf32, #tpu.memory_space<vmem>>[vector<16xi32>, vector<16xi32>], vector<16xf32>,
          %scatter3A_431 = arith.constant 0 : i32
          %scatter3A_432 = arith.constant 0 : i32
          %scatter3A_433 = arith.constant 0 : i32
          %scatter3A_434 = tpu.memref_slice %arg13[%scatter3A_431, %scatter3A_432, %scatter3A_433] : memref<1x1552x16xf32, #tpu.memory_space<vmem>> -> memref<1x1552x16xf32, #tpu.memory_space<vmem>>
          %scatter3A_435 = tpu.memref_squeeze %scatter3A_434 : memref<1x1552x16xf32, #tpu.memory_space<vmem>> -> memref<1552x16xf32, #tpu.memory_space<vmem>>
          tpu.vector_store_idx %scatter3A_435[%add3A_127, %broadcast_in_dim3A_423], %gather3A_430 : memref<1552x16xf32, #tpu.memory_space<vmem>>[vector<16xi32>, vector<16xi32>], vector<16xf32>,
          %gather3A_436 = tpu.vector_load_idx %arg17[%get3A_144, %broadcast_in_dim3A_423] : memref<100x16xf32, #tpu.memory_space<vmem>>[vector<16xi32>, vector<16xi32>], vector<16xf32>,
          %scatter3A_437 = arith.constant 0 : i32
          %scatter3A_438 = arith.constant 0 : i32
          %scatter3A_439 = arith.constant 0 : i32
          %scatter3A_440 = tpu.memref_slice %arg14[%scatter3A_437, %scatter3A_438, %scatter3A_439] : memref<1x1552x16xf32, #tpu.memory_space<vmem>> -> memref<1x1552x16xf32, #tpu.memory_space<vmem>>
          %scatter3A_441 = tpu.memref_squeeze %scatter3A_440 : memref<1x1552x16xf32, #tpu.memory_space<vmem>> -> memref<1552x16xf32, #tpu.memory_space<vmem>>
          tpu.vector_store_idx %scatter3A_441[%add3A_127, %broadcast_in_dim3A_423], %gather3A_436 : memref<1552x16xf32, #tpu.memory_space<vmem>>[vector<16xi32>, vector<16xi32>], vector<16xf32>,
          %broadcast_in_dim3A_442 = arith.constant 15 : i32
          %broadcast_in_dim3A_443 = vector.broadcast %broadcast_in_dim3A_442 : i32 to vector<16xi32>
          %gather3A_444 = tpu.vector_load_idx %arg15[%get3A_132, %broadcast_in_dim3A_443] : memref<10x16xf32, #tpu.memory_space<vmem>>[vector<16xi32>, vector<16xi32>], vector<16xf32>,
          %scatter3A_445 = arith.constant 0 : i32
          %scatter3A_446 = arith.constant 0 : i32
          %scatter3A_447 = arith.constant 0 : i32
          %scatter3A_448 = tpu.memref_slice %arg12[%scatter3A_445, %scatter3A_446, %scatter3A_447] : memref<1x1552x16xf32, #tpu.memory_space<vmem>> -> memref<1x1552x16xf32, #tpu.memory_space<vmem>>
          %scatter3A_449 = tpu.memref_squeeze %scatter3A_448 : memref<1x1552x16xf32, #tpu.memory_space<vmem>> -> memref<1552x16xf32, #tpu.memory_space<vmem>>
          tpu.vector_store_idx %scatter3A_449[%add3A_127, %broadcast_in_dim3A_443], %gather3A_444 : memref<1552x16xf32, #tpu.memory_space<vmem>>[vector<16xi32>, vector<16xi32>], vector<16xf32>,
          %gather3A_450 = tpu.vector_load_idx %arg16[%get3A_138, %broadcast_in_dim3A_443] : memref<3x16xf32, #tpu.memory_space<vmem>>[vector<16xi32>, vector<16xi32>], vector<16xf32>,
          %scatter3A_451 = arith.constant 0 : i32
          %scatter3A_452 = arith.constant 0 : i32
          %scatter3A_453 = arith.constant 0 : i32
          %scatter3A_454 = tpu.memref_slice %arg13[%scatter3A_451, %scatter3A_452, %scatter3A_453] : memref<1x1552x16xf32, #tpu.memory_space<vmem>> -> memref<1x1552x16xf32, #tpu.memory_space<vmem>>
          %scatter3A_455 = tpu.memref_squeeze %scatter3A_454 : memref<1x1552x16xf32, #tpu.memory_space<vmem>> -> memref<1552x16xf32, #tpu.memory_space<vmem>>
          tpu.vector_store_idx %scatter3A_455[%add3A_127, %broadcast_in_dim3A_443], %gather3A_450 : memref<1552x16xf32, #tpu.memory_space<vmem>>[vector<16xi32>, vector<16xi32>], vector<16xf32>,
          %gather3A_456 = tpu.vector_load_idx %arg17[%get3A_144, %broadcast_in_dim3A_443] : memref<100x16xf32, #tpu.memory_space<vmem>>[vector<16xi32>, vector<16xi32>], vector<16xf32>,
          %scatter3A_457 = arith.constant 0 : i32
          %scatter3A_458 = arith.constant 0 : i32
          %scatter3A_459 = arith.constant 0 : i32
          %scatter3A_460 = tpu.memref_slice %arg14[%scatter3A_457, %scatter3A_458, %scatter3A_459] : memref<1x1552x16xf32, #tpu.memory_space<vmem>> -> memref<1x1552x16xf32, #tpu.memory_space<vmem>>
          %scatter3A_461 = tpu.memref_squeeze %scatter3A_460 : memref<1x1552x16xf32, #tpu.memory_space<vmem>> -> memref<1552x16xf32, #tpu.memory_space<vmem>>
          tpu.vector_store_idx %scatter3A_461[%add3A_127, %broadcast_in_dim3A_443], %gather3A_456 : memref<1552x16xf32, #tpu.memory_space<vmem>>[vector<16xi32>, vector<16xi32>], vector<16xf32>,
        }
        %scan3A_76 = arith.constant 97 : i32
        %add3A_77 = arith.constant 0 : i32
        %add3A_78 = arith.addi %add3A_20, %add3A_77 : i32
        %mul3A_79 = arith.constant 1552 : i32
        %mul3A_80 = arith.muli %add3A_78, %mul3A_79 : i32
        %dma_start3A = arith.constant 0 : i32
        %dma_start3A_81 = arith.constant 0 : i32
        %dma_start3A_82 = arith.constant 0 : i32
        %dma_start3A_83 = tpu.memref_slice %arg12[%dma_start3A, %dma_start3A_81, %dma_start3A_82] : memref<1x1552x16xf32, #tpu.memory_space<vmem>> -> memref<1x1552x16xf32, #tpu.memory_space<vmem>>
        %dma_start3A_84 = tpu.memref_squeeze %dma_start3A_83 : memref<1x1552x16xf32, #tpu.memory_space<vmem>> -> memref<1552x16xf32, #tpu.memory_space<vmem>>
        %dma_start3A_85 = arith.constant 0 : i32
        %dma_start3A_86 = tpu.memref_slice %arg8[%mul3A_80, %dma_start3A_85] : memref<50000x128xf32, #tpu.memory_space<hbm>> -> memref<1552x16xf32, #tpu.memory_space<hbm>>
        %dma_start3A_87 = arith.constant 0 : i32
        %dma_start3A_88 = tpu.memref_slice %arg8[%mul3A_80, %dma_start3A_87] : memref<50000x128xf32, #tpu.memory_space<hbm>> -> memref<1552x16xf32, #tpu.memory_space<hbm>>
        %dma_start3A_89 = arith.constant 0 : i32
        %dma_start3A_90 = arith.constant 0 : i32
        %dma_start3A_91 = tpu.memref_slice %arg12[%dma_start3A, %dma_start3A_89, %dma_start3A_90] : memref<1x1552x16xf32, #tpu.memory_space<vmem>> -> memref<1x1552x16xf32, #tpu.memory_space<vmem>>
        %dma_start3A_92 = tpu.memref_squeeze %dma_start3A_91 : memref<1x1552x16xf32, #tpu.memory_space<vmem>> -> memref<1552x16xf32, #tpu.memory_space<vmem>>
        tpu.enqueue_dma source(%dma_start3A_92 : memref<1552x16xf32, #tpu.memory_space<vmem>>) target(%dma_start3A_88 : memref<1552x16xf32, #tpu.memory_space<hbm>>) target_semaphore(%arg19 : memref<!tpu.dma_semaphore, #tpu.memory_space<semaphore_mem>>)
        %dma_start3A_93 = arith.constant 0 : i32
        %dma_start3A_94 = arith.constant 0 : i32
        %dma_start3A_95 = arith.constant 0 : i32
        %dma_start3A_96 = tpu.memref_slice %arg13[%dma_start3A_93, %dma_start3A_94, %dma_start3A_95] : memref<1x1552x16xf32, #tpu.memory_space<vmem>> -> memref<1x1552x16xf32, #tpu.memory_space<vmem>>
        %dma_start3A_97 = tpu.memref_squeeze %dma_start3A_96 : memref<1x1552x16xf32, #tpu.memory_space<vmem>> -> memref<1552x16xf32, #tpu.memory_space<vmem>>
        %dma_start3A_98 = arith.constant 16 : i32
        %dma_start3A_99 = tpu.memref_slice %arg8[%mul3A_80, %dma_start3A_98] : memref<50000x128xf32, #tpu.memory_space<hbm>> -> memref<1552x16xf32, #tpu.memory_space<hbm>>
        %dma_start3A_100 = arith.constant 16 : i32
        %dma_start3A_101 = tpu.memref_slice %arg8[%mul3A_80, %dma_start3A_100] : memref<50000x128xf32, #tpu.memory_space<hbm>> -> memref<1552x16xf32, #tpu.memory_space<hbm>>
        %dma_start3A_102 = arith.constant 0 : i32
        %dma_start3A_103 = arith.constant 0 : i32
        %dma_start3A_104 = tpu.memref_slice %arg13[%dma_start3A_93, %dma_start3A_102, %dma_start3A_103] : memref<1x1552x16xf32, #tpu.memory_space<vmem>> -> memref<1x1552x16xf32, #tpu.memory_space<vmem>>
        %dma_start3A_105 = tpu.memref_squeeze %dma_start3A_104 : memref<1x1552x16xf32, #tpu.memory_space<vmem>> -> memref<1552x16xf32, #tpu.memory_space<vmem>>
        tpu.enqueue_dma source(%dma_start3A_105 : memref<1552x16xf32, #tpu.memory_space<vmem>>) target(%dma_start3A_101 : memref<1552x16xf32, #tpu.memory_space<hbm>>) target_semaphore(%arg19 : memref<!tpu.dma_semaphore, #tpu.memory_space<semaphore_mem>>)
        %dma_start3A_106 = arith.constant 0 : i32
        %dma_start3A_107 = arith.constant 0 : i32
        %dma_start3A_108 = arith.constant 0 : i32
        %dma_start3A_109 = tpu.memref_slice %arg14[%dma_start3A_106, %dma_start3A_107, %dma_start3A_108] : memref<1x1552x16xf32, #tpu.memory_space<vmem>> -> memref<1x1552x16xf32, #tpu.memory_space<vmem>>
        %dma_start3A_110 = tpu.memref_squeeze %dma_start3A_109 : memref<1x1552x16xf32, #tpu.memory_space<vmem>> -> memref<1552x16xf32, #tpu.memory_space<vmem>>
        %dma_start3A_111 = arith.constant 32 : i32
        %dma_start3A_112 = tpu.memref_slice %arg8[%mul3A_80, %dma_start3A_111] : memref<50000x128xf32, #tpu.memory_space<hbm>> -> memref<1552x16xf32, #tpu.memory_space<hbm>>
        %dma_start3A_113 = arith.constant 32 : i32
        %dma_start3A_114 = tpu.memref_slice %arg8[%mul3A_80, %dma_start3A_113] : memref<50000x128xf32, #tpu.memory_space<hbm>> -> memref<1552x16xf32, #tpu.memory_space<hbm>>
        %dma_start3A_115 = arith.constant 0 : i32
        %dma_start3A_116 = arith.constant 0 : i32
        %dma_start3A_117 = tpu.memref_slice %arg14[%dma_start3A_106, %dma_start3A_115, %dma_start3A_116] : memref<1x1552x16xf32, #tpu.memory_space<vmem>> -> memref<1x1552x16xf32, #tpu.memory_space<vmem>>
        %dma_start3A_118 = tpu.memref_squeeze %dma_start3A_117 : memref<1x1552x16xf32, #tpu.memory_space<vmem>> -> memref<1552x16xf32, #tpu.memory_space<vmem>>
        tpu.enqueue_dma source(%dma_start3A_118 : memref<1552x16xf32, #tpu.memory_space<vmem>>) target(%dma_start3A_114 : memref<1552x16xf32, #tpu.memory_space<hbm>>) target_semaphore(%arg19 : memref<!tpu.dma_semaphore, #tpu.memory_space<semaphore_mem>>)
      } else {
      }
      %add3A_34 = arith.constant 0 : i32
      %add3A_35 = arith.addi %add3A_20, %add3A_34 : i32
      %lt3A_36 = arith.constant 32 : i32
      %lt3A_37 = arith.cmpi slt, %add3A_35, %lt3A_36 : i32
      %convert_element_type3A_38 = arith.extui %lt3A_37 : i1 to i32
      %cond3A_39 = arith.constant 0 : i32
      %cond3A_40 = arith.cmpi ne, %convert_element_type3A_38, %cond3A_39 : i32
      scf.if %cond3A_40 {
        %dma_wait3A = arith.constant 0 : i32
        %dma_wait3A_41 = arith.constant 0 : i32
        %dma_wait3A_42 = arith.constant 0 : i32
        %dma_wait3A_43 = tpu.memref_slice %arg12[%dma_wait3A, %dma_wait3A_41, %dma_wait3A_42] : memref<1x1552x16xf32, #tpu.memory_space<vmem>> -> memref<1x1552x16xf32, #tpu.memory_space<vmem>>
        %dma_wait3A_44 = tpu.memref_squeeze %dma_wait3A_43 : memref<1x1552x16xf32, #tpu.memory_space<vmem>> -> memref<1552x16xf32, #tpu.memory_space<vmem>>
        %dma_wait3A_45 = arith.constant 0 : i32
        %dma_wait3A_46 = arith.constant 0 : i32
        %dma_wait3A_47 = tpu.memref_slice %arg8[%dma_wait3A_45, %dma_wait3A_46] : memref<50000x128xf32, #tpu.memory_space<hbm>> -> memref<1552x16xf32, #tpu.memory_space<hbm>>
        %dma_wait3A_48 = arith.constant 0 : i32
        %dma_wait3A_49 = arith.constant 0 : i32
        %dma_wait3A_50 = tpu.memref_slice %arg8[%dma_wait3A_48, %dma_wait3A_49] : memref<50000x128xf32, #tpu.memory_space<hbm>> -> memref<1552x16xf32, #tpu.memory_space<hbm>>
        %dma_wait3A_51 = arith.constant 0 : i32
        %dma_wait3A_52 = arith.constant 0 : i32
        %dma_wait3A_53 = tpu.memref_slice %arg12[%dma_wait3A, %dma_wait3A_51, %dma_wait3A_52] : memref<1x1552x16xf32, #tpu.memory_space<vmem>> -> memref<1x1552x16xf32, #tpu.memory_space<vmem>>
        %dma_wait3A_54 = tpu.memref_squeeze %dma_wait3A_53 : memref<1x1552x16xf32, #tpu.memory_space<vmem>> -> memref<1552x16xf32, #tpu.memory_space<vmem>>
        tpu.wait_dma2 semaphore(%arg19 : memref<!tpu.dma_semaphore, #tpu.memory_space<semaphore_mem>>) src(%dma_wait3A_54 : memref<1552x16xf32, #tpu.memory_space<vmem>>) dst(%dma_wait3A_50 : memref<1552x16xf32, #tpu.memory_space<hbm>>)
        %dma_wait3A_55 = arith.constant 0 : i32
        %dma_wait3A_56 = arith.constant 0 : i32
        %dma_wait3A_57 = arith.constant 0 : i32
        %dma_wait3A_58 = tpu.memref_slice %arg13[%dma_wait3A_55, %dma_wait3A_56, %dma_wait3A_57] : memref<1x1552x16xf32, #tpu.memory_space<vmem>> -> memref<1x1552x16xf32, #tpu.memory_space<vmem>>
        %dma_wait3A_59 = tpu.memref_squeeze %dma_wait3A_58 : memref<1x1552x16xf32, #tpu.memory_space<vmem>> -> memref<1552x16xf32, #tpu.memory_space<vmem>>
        %dma_wait3A_60 = arith.constant 0 : i32
        %dma_wait3A_61 = arith.constant 16 : i32
        %dma_wait3A_62 = tpu.memref_slice %arg8[%dma_wait3A_60, %dma_wait3A_61] : memref<50000x128xf32, #tpu.memory_space<hbm>> -> memref<1552x16xf32, #tpu.memory_space<hbm>>
        %dma_wait3A_63 = arith.constant 0 : i32
        %dma_wait3A_64 = arith.constant 16 : i32
        %dma_wait3A_65 = tpu.memref_slice %arg8[%dma_wait3A_63, %dma_wait3A_64] : memref<50000x128xf32, #tpu.memory_space<hbm>> -> memref<1552x16xf32, #tpu.memory_space<hbm>>
        %dma_wait3A_66 = arith.constant 0 : i32
        %dma_wait3A_67 = arith.constant 0 : i32
        %dma_wait3A_68 = tpu.memref_slice %arg13[%dma_wait3A_55, %dma_wait3A_66, %dma_wait3A_67] : memref<1x1552x16xf32, #tpu.memory_space<vmem>> -> memref<1x1552x16xf32, #tpu.memory_space<vmem>>
        %dma_wait3A_69 = tpu.memref_squeeze %dma_wait3A_68 : memref<1x1552x16xf32, #tpu.memory_space<vmem>> -> memref<1552x16xf32, #tpu.memory_space<vmem>>
        tpu.wait_dma2 semaphore(%arg19 : memref<!tpu.dma_semaphore, #tpu.memory_space<semaphore_mem>>) src(%dma_wait3A_69 : memref<1552x16xf32, #tpu.memory_space<vmem>>) dst(%dma_wait3A_65 : memref<1552x16xf32, #tpu.memory_space<hbm>>)
        %dma_wait3A_70 = arith.constant 0 : i32
        %dma_wait3A_71 = arith.constant 0 : i32
        %dma_wait3A_72 = arith.constant 0 : i32
        %dma_wait3A_73 = tpu.memref_slice %arg14[%dma_wait3A_70, %dma_wait3A_71, %dma_wait3A_72] : memref<1x1552x16xf32, #tpu.memory_space<vmem>> -> memref<1x1552x16xf32, #tpu.memory_space<vmem>>
        %dma_wait3A_74 = tpu.memref_squeeze %dma_wait3A_73 : memref<1x1552x16xf32, #tpu.memory_space<vmem>> -> memref<1552x16xf32, #tpu.memory_space<vmem>>
        %dma_wait3A_75 = arith.constant 0 : i32
        %dma_wait3A_76 = arith.constant 32 : i32
        %dma_wait3A_77 = tpu.memref_slice %arg8[%dma_wait3A_75, %dma_wait3A_76] : memref<50000x128xf32, #tpu.memory_space<hbm>> -> memref<1552x16xf32, #tpu.memory_space<hbm>>
        %dma_wait3A_78 = arith.constant 0 : i32
        %dma_wait3A_79 = arith.constant 32 : i32
        %dma_wait3A_80 = tpu.memref_slice %arg8[%dma_wait3A_78, %dma_wait3A_79] : memref<50000x128xf32, #tpu.memory_space<hbm>> -> memref<1552x16xf32, #tpu.memory_space<hbm>>
        %dma_wait3A_81 = arith.constant 0 : i32
        %dma_wait3A_82 = arith.constant 0 : i32
        %dma_wait3A_83 = tpu.memref_slice %arg14[%dma_wait3A_70, %dma_wait3A_81, %dma_wait3A_82] : memref<1x1552x16xf32, #tpu.memory_space<vmem>> -> memref<1x1552x16xf32, #tpu.memory_space<vmem>>
        %dma_wait3A_84 = tpu.memref_squeeze %dma_wait3A_83 : memref<1x1552x16xf32, #tpu.memory_space<vmem>> -> memref<1552x16xf32, #tpu.memory_space<vmem>>
        tpu.wait_dma2 semaphore(%arg19 : memref<!tpu.dma_semaphore, #tpu.memory_space<semaphore_mem>>) src(%dma_wait3A_84 : memref<1552x16xf32, #tpu.memory_space<vmem>>) dst(%dma_wait3A_80 : memref<1552x16xf32, #tpu.memory_space<hbm>>)
      } else {
      }
    }
    %eq3A = arith.constant 31 : i32
    %eq3A_16 = arith.cmpi eq, %add3A, %eq3A : i32
    %convert_element_type3A = arith.extui %eq3A_16 : i1 to i32
    %cond3A = arith.constant 0 : i32
    %cond3A_17 = arith.cmpi ne, %convert_element_type3A, %cond3A : i32
    scf.if %cond3A_17 {
      %dma_start3A = arith.constant 0 : i32
      %dma_start3A_18 = arith.constant 0 : i32
      %dma_start3A_19 = tpu.memref_slice %arg9[%dma_start3A, %dma_start3A_18] : memref<1x1552xi32, #tpu.memory_space<vmem>> -> memref<1x336xi32, #tpu.memory_space<vmem>>
      %dma_start3A_20 = tpu.memref_squeeze %dma_start3A_19 : memref<1x336xi32, #tpu.memory_space<vmem>> -> memref<336xi32, #tpu.memory_space<vmem>>
      %dma_start3A_21 = arith.constant 49664 : i32
      %dma_start3A_22 = tpu.memref_slice %arg2[%dma_start3A_21] : memref<50000xi32, #tpu.memory_space<hbm>> -> memref<336xi32, #tpu.memory_space<hbm>>
      %dma_start3A_23 = arith.constant 0 : i32
      %dma_start3A_24 = tpu.memref_slice %arg9[%dma_start3A, %dma_start3A_23] : memref<1x1552xi32, #tpu.memory_space<vmem>> -> memref<1x336xi32, #tpu.memory_space<vmem>>
      %dma_start3A_25 = tpu.memref_squeeze %dma_start3A_24 : memref<1x336xi32, #tpu.memory_space<vmem>> -> memref<336xi32, #tpu.memory_space<vmem>>
      %dma_start3A_26 = arith.constant 49664 : i32
      %dma_start3A_27 = tpu.memref_slice %arg2[%dma_start3A_26] : memref<50000xi32, #tpu.memory_space<hbm>> -> memref<336xi32, #tpu.memory_space<hbm>>
      tpu.enqueue_dma source(%dma_start3A_27 : memref<336xi32, #tpu.memory_space<hbm>>) target(%dma_start3A_25 : memref<336xi32, #tpu.memory_space<vmem>>) target_semaphore(%arg18 : memref<!tpu.dma_semaphore, #tpu.memory_space<semaphore_mem>>)
      %dma_start3A_28 = arith.constant 0 : i32
      %dma_start3A_29 = arith.constant 0 : i32
      %dma_start3A_30 = tpu.memref_slice %arg10[%dma_start3A_28, %dma_start3A_29] : memref<1x1552xi32, #tpu.memory_space<vmem>> -> memref<1x336xi32, #tpu.memory_space<vmem>>
      %dma_start3A_31 = tpu.memref_squeeze %dma_start3A_30 : memref<1x336xi32, #tpu.memory_space<vmem>> -> memref<336xi32, #tpu.memory_space<vmem>>
      %dma_start3A_32 = arith.constant 49664 : i32
      %dma_start3A_33 = tpu.memref_slice %arg3[%dma_start3A_32] : memref<50000xi32, #tpu.memory_space<hbm>> -> memref<336xi32, #tpu.memory_space<hbm>>
      %dma_start3A_34 = arith.constant 0 : i32
      %dma_start3A_35 = tpu.memref_slice %arg10[%dma_start3A_28, %dma_start3A_34] : memref<1x1552xi32, #tpu.memory_space<vmem>> -> memref<1x336xi32, #tpu.memory_space<vmem>>
      %dma_start3A_36 = tpu.memref_squeeze %dma_start3A_35 : memref<1x336xi32, #tpu.memory_space<vmem>> -> memref<336xi32, #tpu.memory_space<vmem>>
      %dma_start3A_37 = arith.constant 49664 : i32
      %dma_start3A_38 = tpu.memref_slice %arg3[%dma_start3A_37] : memref<50000xi32, #tpu.memory_space<hbm>> -> memref<336xi32, #tpu.memory_space<hbm>>
      tpu.enqueue_dma source(%dma_start3A_38 : memref<336xi32, #tpu.memory_space<hbm>>) target(%dma_start3A_36 : memref<336xi32, #tpu.memory_space<vmem>>) target_semaphore(%arg18 : memref<!tpu.dma_semaphore, #tpu.memory_space<semaphore_mem>>)
      %dma_start3A_39 = arith.constant 0 : i32
      %dma_start3A_40 = arith.constant 0 : i32
      %dma_start3A_41 = tpu.memref_slice %arg11[%dma_start3A_39, %dma_start3A_40] : memref<1x1552xi32, #tpu.memory_space<vmem>> -> memref<1x336xi32, #tpu.memory_space<vmem>>
      %dma_start3A_42 = tpu.memref_squeeze %dma_start3A_41 : memref<1x336xi32, #tpu.memory_space<vmem>> -> memref<336xi32, #tpu.memory_space<vmem>>
      %dma_start3A_43 = arith.constant 49664 : i32
      %dma_start3A_44 = tpu.memref_slice %arg4[%dma_start3A_43] : memref<50000xi32, #tpu.memory_space<hbm>> -> memref<336xi32, #tpu.memory_space<hbm>>
      %dma_start3A_45 = arith.constant 0 : i32
      %dma_start3A_46 = tpu.memref_slice %arg11[%dma_start3A_39, %dma_start3A_45] : memref<1x1552xi32, #tpu.memory_space<vmem>> -> memref<1x336xi32, #tpu.memory_space<vmem>>
      %dma_start3A_47 = tpu.memref_squeeze %dma_start3A_46 : memref<1x336xi32, #tpu.memory_space<vmem>> -> memref<336xi32, #tpu.memory_space<vmem>>
      %dma_start3A_48 = arith.constant 49664 : i32
      %dma_start3A_49 = tpu.memref_slice %arg4[%dma_start3A_48] : memref<50000xi32, #tpu.memory_space<hbm>> -> memref<336xi32, #tpu.memory_space<hbm>>
      tpu.enqueue_dma source(%dma_start3A_49 : memref<336xi32, #tpu.memory_space<hbm>>) target(%dma_start3A_47 : memref<336xi32, #tpu.memory_space<vmem>>) target_semaphore(%arg18 : memref<!tpu.dma_semaphore, #tpu.memory_space<semaphore_mem>>)
      %dma_wait3A = arith.constant 0 : i32
      %dma_wait3A_50 = arith.constant 0 : i32
      %dma_wait3A_51 = tpu.memref_slice %arg9[%dma_wait3A, %dma_wait3A_50] : memref<1x1552xi32, #tpu.memory_space<vmem>> -> memref<1x336xi32, #tpu.memory_space<vmem>>
      %dma_wait3A_52 = tpu.memref_squeeze %dma_wait3A_51 : memref<1x336xi32, #tpu.memory_space<vmem>> -> memref<336xi32, #tpu.memory_space<vmem>>
      %dma_wait3A_53 = arith.constant 0 : i32
      %dma_wait3A_54 = tpu.memref_slice %arg2[%dma_wait3A_53] : memref<50000xi32, #tpu.memory_space<hbm>> -> memref<336xi32, #tpu.memory_space<hbm>>
      %dma_wait3A_55 = arith.constant 0 : i32
      %dma_wait3A_56 = tpu.memref_slice %arg9[%dma_wait3A, %dma_wait3A_55] : memref<1x1552xi32, #tpu.memory_space<vmem>> -> memref<1x336xi32, #tpu.memory_space<vmem>>
      %dma_wait3A_57 = tpu.memref_squeeze %dma_wait3A_56 : memref<1x336xi32, #tpu.memory_space<vmem>> -> memref<336xi32, #tpu.memory_space<vmem>>
      %dma_wait3A_58 = arith.constant 0 : i32
      %dma_wait3A_59 = tpu.memref_slice %arg2[%dma_wait3A_58] : memref<50000xi32, #tpu.memory_space<hbm>> -> memref<336xi32, #tpu.memory_space<hbm>>
      tpu.wait_dma2 semaphore(%arg18 : memref<!tpu.dma_semaphore, #tpu.memory_space<semaphore_mem>>) src(%dma_wait3A_59 : memref<336xi32, #tpu.memory_space<hbm>>) dst(%dma_wait3A_57 : memref<336xi32, #tpu.memory_space<vmem>>)
      %dma_wait3A_60 = arith.constant 0 : i32
      %dma_wait3A_61 = arith.constant 0 : i32
      %dma_wait3A_62 = tpu.memref_slice %arg10[%dma_wait3A_60, %dma_wait3A_61] : memref<1x1552xi32, #tpu.memory_space<vmem>> -> memref<1x336xi32, #tpu.memory_space<vmem>>
      %dma_wait3A_63 = tpu.memref_squeeze %dma_wait3A_62 : memref<1x336xi32, #tpu.memory_space<vmem>> -> memref<336xi32, #tpu.memory_space<vmem>>
      %dma_wait3A_64 = arith.constant 0 : i32
      %dma_wait3A_65 = tpu.memref_slice %arg3[%dma_wait3A_64] : memref<50000xi32, #tpu.memory_space<hbm>> -> memref<336xi32, #tpu.memory_space<hbm>>
      %dma_wait3A_66 = arith.constant 0 : i32
      %dma_wait3A_67 = tpu.memref_slice %arg10[%dma_wait3A_60, %dma_wait3A_66] : memref<1x1552xi32, #tpu.memory_space<vmem>> -> memref<1x336xi32, #tpu.memory_space<vmem>>
      %dma_wait3A_68 = tpu.memref_squeeze %dma_wait3A_67 : memref<1x336xi32, #tpu.memory_space<vmem>> -> memref<336xi32, #tpu.memory_space<vmem>>
      %dma_wait3A_69 = arith.constant 0 : i32
      %dma_wait3A_70 = tpu.memref_slice %arg3[%dma_wait3A_69] : memref<50000xi32, #tpu.memory_space<hbm>> -> memref<336xi32, #tpu.memory_space<hbm>>
      tpu.wait_dma2 semaphore(%arg18 : memref<!tpu.dma_semaphore, #tpu.memory_space<semaphore_mem>>) src(%dma_wait3A_70 : memref<336xi32, #tpu.memory_space<hbm>>) dst(%dma_wait3A_68 : memref<336xi32, #tpu.memory_space<vmem>>)
      %dma_wait3A_71 = arith.constant 0 : i32
      %dma_wait3A_72 = arith.constant 0 : i32
      %dma_wait3A_73 = tpu.memref_slice %arg11[%dma_wait3A_71, %dma_wait3A_72] : memref<1x1552xi32, #tpu.memory_space<vmem>> -> memref<1x336xi32, #tpu.memory_space<vmem>>
      %dma_wait3A_74 = tpu.memref_squeeze %dma_wait3A_73 : memref<1x336xi32, #tpu.memory_space<vmem>> -> memref<336xi32, #tpu.memory_space<vmem>>
      %dma_wait3A_75 = arith.constant 0 : i32
      %dma_wait3A_76 = tpu.memref_slice %arg4[%dma_wait3A_75] : memref<50000xi32, #tpu.memory_space<hbm>> -> memref<336xi32, #tpu.memory_space<hbm>>
      %dma_wait3A_77 = arith.constant 0 : i32
      %dma_wait3A_78 = tpu.memref_slice %arg11[%dma_wait3A_71, %dma_wait3A_77] : memref<1x1552xi32, #tpu.memory_space<vmem>> -> memref<1x336xi32, #tpu.memory_space<vmem>>
      %dma_wait3A_79 = tpu.memref_squeeze %dma_wait3A_78 : memref<1x336xi32, #tpu.memory_space<vmem>> -> memref<336xi32, #tpu.memory_space<vmem>>
      %dma_wait3A_80 = arith.constant 0 : i32
      %dma_wait3A_81 = tpu.memref_slice %arg4[%dma_wait3A_80] : memref<50000xi32, #tpu.memory_space<hbm>> -> memref<336xi32, #tpu.memory_space<hbm>>
      tpu.wait_dma2 semaphore(%arg18 : memref<!tpu.dma_semaphore, #tpu.memory_space<semaphore_mem>>) src(%dma_wait3A_81 : memref<336xi32, #tpu.memory_space<hbm>>) dst(%dma_wait3A_79 : memref<336xi32, #tpu.memory_space<vmem>>)
      %iota3A = tpu.iota {dimensions = array<i32: 0>} : vector<16xi32>
      %scan3A = arith.constant 0 : i32
      %scan3A_82 = arith.constant 21 : i32
      %scan3A_83 = arith.addi %scan3A, %scan3A_82 : i32
      %scan3A_84 = arith.constant 1 : i32
      scf.for %scan3A_176 = %scan3A to %scan3A_83 step %scan3A_84  : i32 {
        %mul3A_177 = arith.constant 1 : i32
        %mul3A_178 = arith.muli %scan3A_176, %mul3A_177 : i32
        %add3A_179 = arith.constant 0 : i32
        %add3A_180 = arith.addi %add3A_179, %mul3A_178 : i32
        %mul3A_181 = arith.constant 16 : i32
        %mul3A_182 = arith.muli %add3A_180, %mul3A_181 : i32
        %add3A_183 = vector.broadcast %mul3A_182 : i32 to vector<16xi32>
        %add3A_184 = arith.addi %add3A_183, %iota3A : vector<16xi32>
        %mul3A_185 = arith.constant 16 : i32
        %mul3A_186 = arith.muli %add3A_180, %mul3A_185 : i32
        %get3A = arith.constant 0 : i32
        %get3A_187 = arith.index_cast %get3A : i32 to index
        %get3A_188 = arith.index_cast %mul3A_186 : i32 to index
        %get3A_189 = tpu.vector_load %arg9[%get3A_187, %get3A_188] {strides = array<i32>} : memref<1x1552xi32, #tpu.memory_space<vmem>>, vector<16xi32>,
        %mul3A_190 = arith.constant 16 : i32
        %mul3A_191 = arith.muli %add3A_180, %mul3A_190 : i32
        %get3A_192 = arith.constant 0 : i32
        %get3A_193 = arith.index_cast %get3A_192 : i32 to index
        %get3A_194 = arith.index_cast %mul3A_191 : i32 to index
        %get3A_195 = tpu.vector_load %arg10[%get3A_193, %get3A_194] {strides = array<i32>} : memref<1x1552xi32, #tpu.memory_space<vmem>>, vector<16xi32>,
        %mul3A_196 = arith.constant 16 : i32
        %mul3A_197 = arith.muli %add3A_180, %mul3A_196 : i32
        %get3A_198 = arith.constant 0 : i32
        %get3A_199 = arith.index_cast %get3A_198 : i32 to index
        %get3A_200 = arith.index_cast %mul3A_197 : i32 to index
        %get3A_201 = tpu.vector_load %arg11[%get3A_199, %get3A_200] {strides = array<i32>} : memref<1x1552xi32, #tpu.memory_space<vmem>>, vector<16xi32>,
        %broadcast_in_dim3A = arith.constant 0 : i32
        %broadcast_in_dim3A_202 = vector.broadcast %broadcast_in_dim3A : i32 to vector<16xi32>
        %gather3A = tpu.vector_load_idx %arg15[%get3A_189, %broadcast_in_dim3A_202] : memref<10x16xf32, #tpu.memory_space<vmem>>[vector<16xi32>, vector<16xi32>], vector<16xf32>,
        %scatter3A = arith.constant 0 : i32
        %scatter3A_203 = arith.constant 0 : i32
        %scatter3A_204 = arith.constant 0 : i32
        %scatter3A_205 = tpu.memref_slice %arg12[%scatter3A, %scatter3A_203, %scatter3A_204] : memref<1x1552x16xf32, #tpu.memory_space<vmem>> -> memref<1x1552x16xf32, #tpu.memory_space<vmem>>
        %scatter3A_206 = tpu.memref_squeeze %scatter3A_205 : memref<1x1552x16xf32, #tpu.memory_space<vmem>> -> memref<1552x16xf32, #tpu.memory_space<vmem>>
        tpu.vector_store_idx %scatter3A_206[%add3A_184, %broadcast_in_dim3A_202], %gather3A : memref<1552x16xf32, #tpu.memory_space<vmem>>[vector<16xi32>, vector<16xi32>], vector<16xf32>,
        %gather3A_207 = tpu.vector_load_idx %arg16[%get3A_195, %broadcast_in_dim3A_202] : memref<3x16xf32, #tpu.memory_space<vmem>>[vector<16xi32>, vector<16xi32>], vector<16xf32>,
        %scatter3A_208 = arith.constant 0 : i32
        %scatter3A_209 = arith.constant 0 : i32
        %scatter3A_210 = arith.constant 0 : i32
        %scatter3A_211 = tpu.memref_slice %arg13[%scatter3A_208, %scatter3A_209, %scatter3A_210] : memref<1x1552x16xf32, #tpu.memory_space<vmem>> -> memref<1x1552x16xf32, #tpu.memory_space<vmem>>
        %scatter3A_212 = tpu.memref_squeeze %scatter3A_211 : memref<1x1552x16xf32, #tpu.memory_space<vmem>> -> memref<1552x16xf32, #tpu.memory_space<vmem>>
        tpu.vector_store_idx %scatter3A_212[%add3A_184, %broadcast_in_dim3A_202], %gather3A_207 : memref<1552x16xf32, #tpu.memory_space<vmem>>[vector<16xi32>, vector<16xi32>], vector<16xf32>,
        %gather3A_213 = tpu.vector_load_idx %arg17[%get3A_201, %broadcast_in_dim3A_202] : memref<100x16xf32, #tpu.memory_space<vmem>>[vector<16xi32>, vector<16xi32>], vector<16xf32>,
        %scatter3A_214 = arith.constant 0 : i32
        %scatter3A_215 = arith.constant 0 : i32
        %scatter3A_216 = arith.constant 0 : i32
        %scatter3A_217 = tpu.memref_slice %arg14[%scatter3A_214, %scatter3A_215, %scatter3A_216] : memref<1x1552x16xf32, #tpu.memory_space<vmem>> -> memref<1x1552x16xf32, #tpu.memory_space<vmem>>
        %scatter3A_218 = tpu.memref_squeeze %scatter3A_217 : memref<1x1552x16xf32, #tpu.memory_space<vmem>> -> memref<1552x16xf32, #tpu.memory_space<vmem>>
        tpu.vector_store_idx %scatter3A_218[%add3A_184, %broadcast_in_dim3A_202], %gather3A_213 : memref<1552x16xf32, #tpu.memory_space<vmem>>[vector<16xi32>, vector<16xi32>], vector<16xf32>,
        %broadcast_in_dim3A_219 = arith.constant 1 : i32
        %broadcast_in_dim3A_220 = vector.broadcast %broadcast_in_dim3A_219 : i32 to vector<16xi32>
        %gather3A_221 = tpu.vector_load_idx %arg15[%get3A_189, %broadcast_in_dim3A_220] : memref<10x16xf32, #tpu.memory_space<vmem>>[vector<16xi32>, vector<16xi32>], vector<16xf32>,
        %scatter3A_222 = arith.constant 0 : i32
        %scatter3A_223 = arith.constant 0 : i32
        %scatter3A_224 = arith.constant 0 : i32
        %scatter3A_225 = tpu.memref_slice %arg12[%scatter3A_222, %scatter3A_223, %scatter3A_224] : memref<1x1552x16xf32, #tpu.memory_space<vmem>> -> memref<1x1552x16xf32, #tpu.memory_space<vmem>>
        %scatter3A_226 = tpu.memref_squeeze %scatter3A_225 : memref<1x1552x16xf32, #tpu.memory_space<vmem>> -> memref<1552x16xf32, #tpu.memory_space<vmem>>
        tpu.vector_store_idx %scatter3A_226[%add3A_184, %broadcast_in_dim3A_220], %gather3A_221 : memref<1552x16xf32, #tpu.memory_space<vmem>>[vector<16xi32>, vector<16xi32>], vector<16xf32>,
        %gather3A_227 = tpu.vector_load_idx %arg16[%get3A_195, %broadcast_in_dim3A_220] : memref<3x16xf32, #tpu.memory_space<vmem>>[vector<16xi32>, vector<16xi32>], vector<16xf32>,
        %scatter3A_228 = arith.constant 0 : i32
        %scatter3A_229 = arith.constant 0 : i32
        %scatter3A_230 = arith.constant 0 : i32
        %scatter3A_231 = tpu.memref_slice %arg13[%scatter3A_228, %scatter3A_229, %scatter3A_230] : memref<1x1552x16xf32, #tpu.memory_space<vmem>> -> memref<1x1552x16xf32, #tpu.memory_space<vmem>>
        %scatter3A_232 = tpu.memref_squeeze %scatter3A_231 : memref<1x1552x16xf32, #tpu.memory_space<vmem>> -> memref<1552x16xf32, #tpu.memory_space<vmem>>
        tpu.vector_store_idx %scatter3A_232[%add3A_184, %broadcast_in_dim3A_220], %gather3A_227 : memref<1552x16xf32, #tpu.memory_space<vmem>>[vector<16xi32>, vector<16xi32>], vector<16xf32>,
        %gather3A_233 = tpu.vector_load_idx %arg17[%get3A_201, %broadcast_in_dim3A_220] : memref<100x16xf32, #tpu.memory_space<vmem>>[vector<16xi32>, vector<16xi32>], vector<16xf32>,
        %scatter3A_234 = arith.constant 0 : i32
        %scatter3A_235 = arith.constant 0 : i32
        %scatter3A_236 = arith.constant 0 : i32
        %scatter3A_237 = tpu.memref_slice %arg14[%scatter3A_234, %scatter3A_235, %scatter3A_236] : memref<1x1552x16xf32, #tpu.memory_space<vmem>> -> memref<1x1552x16xf32, #tpu.memory_space<vmem>>
        %scatter3A_238 = tpu.memref_squeeze %scatter3A_237 : memref<1x1552x16xf32, #tpu.memory_space<vmem>> -> memref<1552x16xf32, #tpu.memory_space<vmem>>
        tpu.vector_store_idx %scatter3A_238[%add3A_184, %broadcast_in_dim3A_220], %gather3A_233 : memref<1552x16xf32, #tpu.memory_space<vmem>>[vector<16xi32>, vector<16xi32>], vector<16xf32>,
        %broadcast_in_dim3A_239 = arith.constant 2 : i32
        %broadcast_in_dim3A_240 = vector.broadcast %broadcast_in_dim3A_239 : i32 to vector<16xi32>
        %gather3A_241 = tpu.vector_load_idx %arg15[%get3A_189, %broadcast_in_dim3A_240] : memref<10x16xf32, #tpu.memory_space<vmem>>[vector<16xi32>, vector<16xi32>], vector<16xf32>,
        %scatter3A_242 = arith.constant 0 : i32
        %scatter3A_243 = arith.constant 0 : i32
        %scatter3A_244 = arith.constant 0 : i32
        %scatter3A_245 = tpu.memref_slice %arg12[%scatter3A_242, %scatter3A_243, %scatter3A_244] : memref<1x1552x16xf32, #tpu.memory_space<vmem>> -> memref<1x1552x16xf32, #tpu.memory_space<vmem>>
        %scatter3A_246 = tpu.memref_squeeze %scatter3A_245 : memref<1x1552x16xf32, #tpu.memory_space<vmem>> -> memref<1552x16xf32, #tpu.memory_space<vmem>>
        tpu.vector_store_idx %scatter3A_246[%add3A_184, %broadcast_in_dim3A_240], %gather3A_241 : memref<1552x16xf32, #tpu.memory_space<vmem>>[vector<16xi32>, vector<16xi32>], vector<16xf32>,
        %gather3A_247 = tpu.vector_load_idx %arg16[%get3A_195, %broadcast_in_dim3A_240] : memref<3x16xf32, #tpu.memory_space<vmem>>[vector<16xi32>, vector<16xi32>], vector<16xf32>,
        %scatter3A_248 = arith.constant 0 : i32
        %scatter3A_249 = arith.constant 0 : i32
        %scatter3A_250 = arith.constant 0 : i32
        %scatter3A_251 = tpu.memref_slice %arg13[%scatter3A_248, %scatter3A_249, %scatter3A_250] : memref<1x1552x16xf32, #tpu.memory_space<vmem>> -> memref<1x1552x16xf32, #tpu.memory_space<vmem>>
        %scatter3A_252 = tpu.memref_squeeze %scatter3A_251 : memref<1x1552x16xf32, #tpu.memory_space<vmem>> -> memref<1552x16xf32, #tpu.memory_space<vmem>>
        tpu.vector_store_idx %scatter3A_252[%add3A_184, %broadcast_in_dim3A_240], %gather3A_247 : memref<1552x16xf32, #tpu.memory_space<vmem>>[vector<16xi32>, vector<16xi32>], vector<16xf32>,
        %gather3A_253 = tpu.vector_load_idx %arg17[%get3A_201, %broadcast_in_dim3A_240] : memref<100x16xf32, #tpu.memory_space<vmem>>[vector<16xi32>, vector<16xi32>], vector<16xf32>,
        %scatter3A_254 = arith.constant 0 : i32
        %scatter3A_255 = arith.constant 0 : i32
        %scatter3A_256 = arith.constant 0 : i32
        %scatter3A_257 = tpu.memref_slice %arg14[%scatter3A_254, %scatter3A_255, %scatter3A_256] : memref<1x1552x16xf32, #tpu.memory_space<vmem>> -> memref<1x1552x16xf32, #tpu.memory_space<vmem>>
        %scatter3A_258 = tpu.memref_squeeze %scatter3A_257 : memref<1x1552x16xf32, #tpu.memory_space<vmem>> -> memref<1552x16xf32, #tpu.memory_space<vmem>>
        tpu.vector_store_idx %scatter3A_258[%add3A_184, %broadcast_in_dim3A_240], %gather3A_253 : memref<1552x16xf32, #tpu.memory_space<vmem>>[vector<16xi32>, vector<16xi32>], vector<16xf32>,
        %broadcast_in_dim3A_259 = arith.constant 3 : i32
        %broadcast_in_dim3A_260 = vector.broadcast %broadcast_in_dim3A_259 : i32 to vector<16xi32>
        %gather3A_261 = tpu.vector_load_idx %arg15[%get3A_189, %broadcast_in_dim3A_260] : memref<10x16xf32, #tpu.memory_space<vmem>>[vector<16xi32>, vector<16xi32>], vector<16xf32>,
        %scatter3A_262 = arith.constant 0 : i32
        %scatter3A_263 = arith.constant 0 : i32
        %scatter3A_264 = arith.constant 0 : i32
        %scatter3A_265 = tpu.memref_slice %arg12[%scatter3A_262, %scatter3A_263, %scatter3A_264] : memref<1x1552x16xf32, #tpu.memory_space<vmem>> -> memref<1x1552x16xf32, #tpu.memory_space<vmem>>
        %scatter3A_266 = tpu.memref_squeeze %scatter3A_265 : memref<1x1552x16xf32, #tpu.memory_space<vmem>> -> memref<1552x16xf32, #tpu.memory_space<vmem>>
        tpu.vector_store_idx %scatter3A_266[%add3A_184, %broadcast_in_dim3A_260], %gather3A_261 : memref<1552x16xf32, #tpu.memory_space<vmem>>[vector<16xi32>, vector<16xi32>], vector<16xf32>,
        %gather3A_267 = tpu.vector_load_idx %arg16[%get3A_195, %broadcast_in_dim3A_260] : memref<3x16xf32, #tpu.memory_space<vmem>>[vector<16xi32>, vector<16xi32>], vector<16xf32>,
        %scatter3A_268 = arith.constant 0 : i32
        %scatter3A_269 = arith.constant 0 : i32
        %scatter3A_270 = arith.constant 0 : i32
        %scatter3A_271 = tpu.memref_slice %arg13[%scatter3A_268, %scatter3A_269, %scatter3A_270] : memref<1x1552x16xf32, #tpu.memory_space<vmem>> -> memref<1x1552x16xf32, #tpu.memory_space<vmem>>
        %scatter3A_272 = tpu.memref_squeeze %scatter3A_271 : memref<1x1552x16xf32, #tpu.memory_space<vmem>> -> memref<1552x16xf32, #tpu.memory_space<vmem>>
        tpu.vector_store_idx %scatter3A_272[%add3A_184, %broadcast_in_dim3A_260], %gather3A_267 : memref<1552x16xf32, #tpu.memory_space<vmem>>[vector<16xi32>, vector<16xi32>], vector<16xf32>,
        %gather3A_273 = tpu.vector_load_idx %arg17[%get3A_201, %broadcast_in_dim3A_260] : memref<100x16xf32, #tpu.memory_space<vmem>>[vector<16xi32>, vector<16xi32>], vector<16xf32>,
        %scatter3A_274 = arith.constant 0 : i32
        %scatter3A_275 = arith.constant 0 : i32
        %scatter3A_276 = arith.constant 0 : i32
        %scatter3A_277 = tpu.memref_slice %arg14[%scatter3A_274, %scatter3A_275, %scatter3A_276] : memref<1x1552x16xf32, #tpu.memory_space<vmem>> -> memref<1x1552x16xf32, #tpu.memory_space<vmem>>
        %scatter3A_278 = tpu.memref_squeeze %scatter3A_277 : memref<1x1552x16xf32, #tpu.memory_space<vmem>> -> memref<1552x16xf32, #tpu.memory_space<vmem>>
        tpu.vector_store_idx %scatter3A_278[%add3A_184, %broadcast_in_dim3A_260], %gather3A_273 : memref<1552x16xf32, #tpu.memory_space<vmem>>[vector<16xi32>, vector<16xi32>], vector<16xf32>,
        %broadcast_in_dim3A_279 = arith.constant 4 : i32
        %broadcast_in_dim3A_280 = vector.broadcast %broadcast_in_dim3A_279 : i32 to vector<16xi32>
        %gather3A_281 = tpu.vector_load_idx %arg15[%get3A_189, %broadcast_in_dim3A_280] : memref<10x16xf32, #tpu.memory_space<vmem>>[vector<16xi32>, vector<16xi32>], vector<16xf32>,
        %scatter3A_282 = arith.constant 0 : i32
        %scatter3A_283 = arith.constant 0 : i32
        %scatter3A_284 = arith.constant 0 : i32
        %scatter3A_285 = tpu.memref_slice %arg12[%scatter3A_282, %scatter3A_283, %scatter3A_284] : memref<1x1552x16xf32, #tpu.memory_space<vmem>> -> memref<1x1552x16xf32, #tpu.memory_space<vmem>>
        %scatter3A_286 = tpu.memref_squeeze %scatter3A_285 : memref<1x1552x16xf32, #tpu.memory_space<vmem>> -> memref<1552x16xf32, #tpu.memory_space<vmem>>
        tpu.vector_store_idx %scatter3A_286[%add3A_184, %broadcast_in_dim3A_280], %gather3A_281 : memref<1552x16xf32, #tpu.memory_space<vmem>>[vector<16xi32>, vector<16xi32>], vector<16xf32>,
        %gather3A_287 = tpu.vector_load_idx %arg16[%get3A_195, %broadcast_in_dim3A_280] : memref<3x16xf32, #tpu.memory_space<vmem>>[vector<16xi32>, vector<16xi32>], vector<16xf32>,
        %scatter3A_288 = arith.constant 0 : i32
        %scatter3A_289 = arith.constant 0 : i32
        %scatter3A_290 = arith.constant 0 : i32
        %scatter3A_291 = tpu.memref_slice %arg13[%scatter3A_288, %scatter3A_289, %scatter3A_290] : memref<1x1552x16xf32, #tpu.memory_space<vmem>> -> memref<1x1552x16xf32, #tpu.memory_space<vmem>>
        %scatter3A_292 = tpu.memref_squeeze %scatter3A_291 : memref<1x1552x16xf32, #tpu.memory_space<vmem>> -> memref<1552x16xf32, #tpu.memory_space<vmem>>
        tpu.vector_store_idx %scatter3A_292[%add3A_184, %broadcast_in_dim3A_280], %gather3A_287 : memref<1552x16xf32, #tpu.memory_space<vmem>>[vector<16xi32>, vector<16xi32>], vector<16xf32>,
        %gather3A_293 = tpu.vector_load_idx %arg17[%get3A_201, %broadcast_in_dim3A_280] : memref<100x16xf32, #tpu.memory_space<vmem>>[vector<16xi32>, vector<16xi32>], vector<16xf32>,
        %scatter3A_294 = arith.constant 0 : i32
        %scatter3A_295 = arith.constant 0 : i32
        %scatter3A_296 = arith.constant 0 : i32
        %scatter3A_297 = tpu.memref_slice %arg14[%scatter3A_294, %scatter3A_295, %scatter3A_296] : memref<1x1552x16xf32, #tpu.memory_space<vmem>> -> memref<1x1552x16xf32, #tpu.memory_space<vmem>>
        %scatter3A_298 = tpu.memref_squeeze %scatter3A_297 : memref<1x1552x16xf32, #tpu.memory_space<vmem>> -> memref<1552x16xf32, #tpu.memory_space<vmem>>
        tpu.vector_store_idx %scatter3A_298[%add3A_184, %broadcast_in_dim3A_280], %gather3A_293 : memref<1552x16xf32, #tpu.memory_space<vmem>>[vector<16xi32>, vector<16xi32>], vector<16xf32>,
        %broadcast_in_dim3A_299 = arith.constant 5 : i32
        %broadcast_in_dim3A_300 = vector.broadcast %broadcast_in_dim3A_299 : i32 to vector<16xi32>
        %gather3A_301 = tpu.vector_load_idx %arg15[%get3A_189, %broadcast_in_dim3A_300] : memref<10x16xf32, #tpu.memory_space<vmem>>[vector<16xi32>, vector<16xi32>], vector<16xf32>,
        %scatter3A_302 = arith.constant 0 : i32
        %scatter3A_303 = arith.constant 0 : i32
        %scatter3A_304 = arith.constant 0 : i32
        %scatter3A_305 = tpu.memref_slice %arg12[%scatter3A_302, %scatter3A_303, %scatter3A_304] : memref<1x1552x16xf32, #tpu.memory_space<vmem>> -> memref<1x1552x16xf32, #tpu.memory_space<vmem>>
        %scatter3A_306 = tpu.memref_squeeze %scatter3A_305 : memref<1x1552x16xf32, #tpu.memory_space<vmem>> -> memref<1552x16xf32, #tpu.memory_space<vmem>>
        tpu.vector_store_idx %scatter3A_306[%add3A_184, %broadcast_in_dim3A_300], %gather3A_301 : memref<1552x16xf32, #tpu.memory_space<vmem>>[vector<16xi32>, vector<16xi32>], vector<16xf32>,
        %gather3A_307 = tpu.vector_load_idx %arg16[%get3A_195, %broadcast_in_dim3A_300] : memref<3x16xf32, #tpu.memory_space<vmem>>[vector<16xi32>, vector<16xi32>], vector<16xf32>,
        %scatter3A_308 = arith.constant 0 : i32
        %scatter3A_309 = arith.constant 0 : i32
        %scatter3A_310 = arith.constant 0 : i32
        %scatter3A_311 = tpu.memref_slice %arg13[%scatter3A_308, %scatter3A_309, %scatter3A_310] : memref<1x1552x16xf32, #tpu.memory_space<vmem>> -> memref<1x1552x16xf32, #tpu.memory_space<vmem>>
        %scatter3A_312 = tpu.memref_squeeze %scatter3A_311 : memref<1x1552x16xf32, #tpu.memory_space<vmem>> -> memref<1552x16xf32, #tpu.memory_space<vmem>>
        tpu.vector_store_idx %scatter3A_312[%add3A_184, %broadcast_in_dim3A_300], %gather3A_307 : memref<1552x16xf32, #tpu.memory_space<vmem>>[vector<16xi32>, vector<16xi32>], vector<16xf32>,
        %gather3A_313 = tpu.vector_load_idx %arg17[%get3A_201, %broadcast_in_dim3A_300] : memref<100x16xf32, #tpu.memory_space<vmem>>[vector<16xi32>, vector<16xi32>], vector<16xf32>,
        %scatter3A_314 = arith.constant 0 : i32
        %scatter3A_315 = arith.constant 0 : i32
        %scatter3A_316 = arith.constant 0 : i32
        %scatter3A_317 = tpu.memref_slice %arg14[%scatter3A_314, %scatter3A_315, %scatter3A_316] : memref<1x1552x16xf32, #tpu.memory_space<vmem>> -> memref<1x1552x16xf32, #tpu.memory_space<vmem>>
        %scatter3A_318 = tpu.memref_squeeze %scatter3A_317 : memref<1x1552x16xf32, #tpu.memory_space<vmem>> -> memref<1552x16xf32, #tpu.memory_space<vmem>>
        tpu.vector_store_idx %scatter3A_318[%add3A_184, %broadcast_in_dim3A_300], %gather3A_313 : memref<1552x16xf32, #tpu.memory_space<vmem>>[vector<16xi32>, vector<16xi32>], vector<16xf32>,
        %broadcast_in_dim3A_319 = arith.constant 6 : i32
        %broadcast_in_dim3A_320 = vector.broadcast %broadcast_in_dim3A_319 : i32 to vector<16xi32>
        %gather3A_321 = tpu.vector_load_idx %arg15[%get3A_189, %broadcast_in_dim3A_320] : memref<10x16xf32, #tpu.memory_space<vmem>>[vector<16xi32>, vector<16xi32>], vector<16xf32>,
        %scatter3A_322 = arith.constant 0 : i32
        %scatter3A_323 = arith.constant 0 : i32
        %scatter3A_324 = arith.constant 0 : i32
        %scatter3A_325 = tpu.memref_slice %arg12[%scatter3A_322, %scatter3A_323, %scatter3A_324] : memref<1x1552x16xf32, #tpu.memory_space<vmem>> -> memref<1x1552x16xf32, #tpu.memory_space<vmem>>
        %scatter3A_326 = tpu.memref_squeeze %scatter3A_325 : memref<1x1552x16xf32, #tpu.memory_space<vmem>> -> memref<1552x16xf32, #tpu.memory_space<vmem>>
        tpu.vector_store_idx %scatter3A_326[%add3A_184, %broadcast_in_dim3A_320], %gather3A_321 : memref<1552x16xf32, #tpu.memory_space<vmem>>[vector<16xi32>, vector<16xi32>], vector<16xf32>,
        %gather3A_327 = tpu.vector_load_idx %arg16[%get3A_195, %broadcast_in_dim3A_320] : memref<3x16xf32, #tpu.memory_space<vmem>>[vector<16xi32>, vector<16xi32>], vector<16xf32>,
        %scatter3A_328 = arith.constant 0 : i32
        %scatter3A_329 = arith.constant 0 : i32
        %scatter3A_330 = arith.constant 0 : i32
        %scatter3A_331 = tpu.memref_slice %arg13[%scatter3A_328, %scatter3A_329, %scatter3A_330] : memref<1x1552x16xf32, #tpu.memory_space<vmem>> -> memref<1x1552x16xf32, #tpu.memory_space<vmem>>
        %scatter3A_332 = tpu.memref_squeeze %scatter3A_331 : memref<1x1552x16xf32, #tpu.memory_space<vmem>> -> memref<1552x16xf32, #tpu.memory_space<vmem>>
        tpu.vector_store_idx %scatter3A_332[%add3A_184, %broadcast_in_dim3A_320], %gather3A_327 : memref<1552x16xf32, #tpu.memory_space<vmem>>[vector<16xi32>, vector<16xi32>], vector<16xf32>,
        %gather3A_333 = tpu.vector_load_idx %arg17[%get3A_201, %broadcast_in_dim3A_320] : memref<100x16xf32, #tpu.memory_space<vmem>>[vector<16xi32>, vector<16xi32>], vector<16xf32>,
        %scatter3A_334 = arith.constant 0 : i32
        %scatter3A_335 = arith.constant 0 : i32
        %scatter3A_336 = arith.constant 0 : i32
        %scatter3A_337 = tpu.memref_slice %arg14[%scatter3A_334, %scatter3A_335, %scatter3A_336] : memref<1x1552x16xf32, #tpu.memory_space<vmem>> -> memref<1x1552x16xf32, #tpu.memory_space<vmem>>
        %scatter3A_338 = tpu.memref_squeeze %scatter3A_337 : memref<1x1552x16xf32, #tpu.memory_space<vmem>> -> memref<1552x16xf32, #tpu.memory_space<vmem>>
        tpu.vector_store_idx %scatter3A_338[%add3A_184, %broadcast_in_dim3A_320], %gather3A_333 : memref<1552x16xf32, #tpu.memory_space<vmem>>[vector<16xi32>, vector<16xi32>], vector<16xf32>,
        %broadcast_in_dim3A_339 = arith.constant 7 : i32
        %broadcast_in_dim3A_340 = vector.broadcast %broadcast_in_dim3A_339 : i32 to vector<16xi32>
        %gather3A_341 = tpu.vector_load_idx %arg15[%get3A_189, %broadcast_in_dim3A_340] : memref<10x16xf32, #tpu.memory_space<vmem>>[vector<16xi32>, vector<16xi32>], vector<16xf32>,
        %scatter3A_342 = arith.constant 0 : i32
        %scatter3A_343 = arith.constant 0 : i32
        %scatter3A_344 = arith.constant 0 : i32
        %scatter3A_345 = tpu.memref_slice %arg12[%scatter3A_342, %scatter3A_343, %scatter3A_344] : memref<1x1552x16xf32, #tpu.memory_space<vmem>> -> memref<1x1552x16xf32, #tpu.memory_space<vmem>>
        %scatter3A_346 = tpu.memref_squeeze %scatter3A_345 : memref<1x1552x16xf32, #tpu.memory_space<vmem>> -> memref<1552x16xf32, #tpu.memory_space<vmem>>
        tpu.vector_store_idx %scatter3A_346[%add3A_184, %broadcast_in_dim3A_340], %gather3A_341 : memref<1552x16xf32, #tpu.memory_space<vmem>>[vector<16xi32>, vector<16xi32>], vector<16xf32>,
        %gather3A_347 = tpu.vector_load_idx %arg16[%get3A_195, %broadcast_in_dim3A_340] : memref<3x16xf32, #tpu.memory_space<vmem>>[vector<16xi32>, vector<16xi32>], vector<16xf32>,
        %scatter3A_348 = arith.constant 0 : i32
        %scatter3A_349 = arith.constant 0 : i32
        %scatter3A_350 = arith.constant 0 : i32
        %scatter3A_351 = tpu.memref_slice %arg13[%scatter3A_348, %scatter3A_349, %scatter3A_350] : memref<1x1552x16xf32, #tpu.memory_space<vmem>> -> memref<1x1552x16xf32, #tpu.memory_space<vmem>>
        %scatter3A_352 = tpu.memref_squeeze %scatter3A_351 : memref<1x1552x16xf32, #tpu.memory_space<vmem>> -> memref<1552x16xf32, #tpu.memory_space<vmem>>
        tpu.vector_store_idx %scatter3A_352[%add3A_184, %broadcast_in_dim3A_340], %gather3A_347 : memref<1552x16xf32, #tpu.memory_space<vmem>>[vector<16xi32>, vector<16xi32>], vector<16xf32>,
        %gather3A_353 = tpu.vector_load_idx %arg17[%get3A_201, %broadcast_in_dim3A_340] : memref<100x16xf32, #tpu.memory_space<vmem>>[vector<16xi32>, vector<16xi32>], vector<16xf32>,
        %scatter3A_354 = arith.constant 0 : i32
        %scatter3A_355 = arith.constant 0 : i32
        %scatter3A_356 = arith.constant 0 : i32
        %scatter3A_357 = tpu.memref_slice %arg14[%scatter3A_354, %scatter3A_355, %scatter3A_356] : memref<1x1552x16xf32, #tpu.memory_space<vmem>> -> memref<1x1552x16xf32, #tpu.memory_space<vmem>>
        %scatter3A_358 = tpu.memref_squeeze %scatter3A_357 : memref<1x1552x16xf32, #tpu.memory_space<vmem>> -> memref<1552x16xf32, #tpu.memory_space<vmem>>
        tpu.vector_store_idx %scatter3A_358[%add3A_184, %broadcast_in_dim3A_340], %gather3A_353 : memref<1552x16xf32, #tpu.memory_space<vmem>>[vector<16xi32>, vector<16xi32>], vector<16xf32>,
        %broadcast_in_dim3A_359 = arith.constant 8 : i32
        %broadcast_in_dim3A_360 = vector.broadcast %broadcast_in_dim3A_359 : i32 to vector<16xi32>
        %gather3A_361 = tpu.vector_load_idx %arg15[%get3A_189, %broadcast_in_dim3A_360] : memref<10x16xf32, #tpu.memory_space<vmem>>[vector<16xi32>, vector<16xi32>], vector<16xf32>,
        %scatter3A_362 = arith.constant 0 : i32
        %scatter3A_363 = arith.constant 0 : i32
        %scatter3A_364 = arith.constant 0 : i32
        %scatter3A_365 = tpu.memref_slice %arg12[%scatter3A_362, %scatter3A_363, %scatter3A_364] : memref<1x1552x16xf32, #tpu.memory_space<vmem>> -> memref<1x1552x16xf32, #tpu.memory_space<vmem>>
        %scatter3A_366 = tpu.memref_squeeze %scatter3A_365 : memref<1x1552x16xf32, #tpu.memory_space<vmem>> -> memref<1552x16xf32, #tpu.memory_space<vmem>>
        tpu.vector_store_idx %scatter3A_366[%add3A_184, %broadcast_in_dim3A_360], %gather3A_361 : memref<1552x16xf32, #tpu.memory_space<vmem>>[vector<16xi32>, vector<16xi32>], vector<16xf32>,
        %gather3A_367 = tpu.vector_load_idx %arg16[%get3A_195, %broadcast_in_dim3A_360] : memref<3x16xf32, #tpu.memory_space<vmem>>[vector<16xi32>, vector<16xi32>], vector<16xf32>,
        %scatter3A_368 = arith.constant 0 : i32
        %scatter3A_369 = arith.constant 0 : i32
        %scatter3A_370 = arith.constant 0 : i32
        %scatter3A_371 = tpu.memref_slice %arg13[%scatter3A_368, %scatter3A_369, %scatter3A_370] : memref<1x1552x16xf32, #tpu.memory_space<vmem>> -> memref<1x1552x16xf32, #tpu.memory_space<vmem>>
        %scatter3A_372 = tpu.memref_squeeze %scatter3A_371 : memref<1x1552x16xf32, #tpu.memory_space<vmem>> -> memref<1552x16xf32, #tpu.memory_space<vmem>>
        tpu.vector_store_idx %scatter3A_372[%add3A_184, %broadcast_in_dim3A_360], %gather3A_367 : memref<1552x16xf32, #tpu.memory_space<vmem>>[vector<16xi32>, vector<16xi32>], vector<16xf32>,
        %gather3A_373 = tpu.vector_load_idx %arg17[%get3A_201, %broadcast_in_dim3A_360] : memref<100x16xf32, #tpu.memory_space<vmem>>[vector<16xi32>, vector<16xi32>], vector<16xf32>,
        %scatter3A_374 = arith.constant 0 : i32
        %scatter3A_375 = arith.constant 0 : i32
        %scatter3A_376 = arith.constant 0 : i32
        %scatter3A_377 = tpu.memref_slice %arg14[%scatter3A_374, %scatter3A_375, %scatter3A_376] : memref<1x1552x16xf32, #tpu.memory_space<vmem>> -> memref<1x1552x16xf32, #tpu.memory_space<vmem>>
        %scatter3A_378 = tpu.memref_squeeze %scatter3A_377 : memref<1x1552x16xf32, #tpu.memory_space<vmem>> -> memref<1552x16xf32, #tpu.memory_space<vmem>>
        tpu.vector_store_idx %scatter3A_378[%add3A_184, %broadcast_in_dim3A_360], %gather3A_373 : memref<1552x16xf32, #tpu.memory_space<vmem>>[vector<16xi32>, vector<16xi32>], vector<16xf32>,
        %broadcast_in_dim3A_379 = arith.constant 9 : i32
        %broadcast_in_dim3A_380 = vector.broadcast %broadcast_in_dim3A_379 : i32 to vector<16xi32>
        %gather3A_381 = tpu.vector_load_idx %arg15[%get3A_189, %broadcast_in_dim3A_380] : memref<10x16xf32, #tpu.memory_space<vmem>>[vector<16xi32>, vector<16xi32>], vector<16xf32>,
        %scatter3A_382 = arith.constant 0 : i32
        %scatter3A_383 = arith.constant 0 : i32
        %scatter3A_384 = arith.constant 0 : i32
        %scatter3A_385 = tpu.memref_slice %arg12[%scatter3A_382, %scatter3A_383, %scatter3A_384] : memref<1x1552x16xf32, #tpu.memory_space<vmem>> -> memref<1x1552x16xf32, #tpu.memory_space<vmem>>
        %scatter3A_386 = tpu.memref_squeeze %scatter3A_385 : memref<1x1552x16xf32, #tpu.memory_space<vmem>> -> memref<1552x16xf32, #tpu.memory_space<vmem>>
        tpu.vector_store_idx %scatter3A_386[%add3A_184, %broadcast_in_dim3A_380], %gather3A_381 : memref<1552x16xf32, #tpu.memory_space<vmem>>[vector<16xi32>, vector<16xi32>], vector<16xf32>,
        %gather3A_387 = tpu.vector_load_idx %arg16[%get3A_195, %broadcast_in_dim3A_380] : memref<3x16xf32, #tpu.memory_space<vmem>>[vector<16xi32>, vector<16xi32>], vector<16xf32>,
        %scatter3A_388 = arith.constant 0 : i32
        %scatter3A_389 = arith.constant 0 : i32
        %scatter3A_390 = arith.constant 0 : i32
        %scatter3A_391 = tpu.memref_slice %arg13[%scatter3A_388, %scatter3A_389, %scatter3A_390] : memref<1x1552x16xf32, #tpu.memory_space<vmem>> -> memref<1x1552x16xf32, #tpu.memory_space<vmem>>
        %scatter3A_392 = tpu.memref_squeeze %scatter3A_391 : memref<1x1552x16xf32, #tpu.memory_space<vmem>> -> memref<1552x16xf32, #tpu.memory_space<vmem>>
        tpu.vector_store_idx %scatter3A_392[%add3A_184, %broadcast_in_dim3A_380], %gather3A_387 : memref<1552x16xf32, #tpu.memory_space<vmem>>[vector<16xi32>, vector<16xi32>], vector<16xf32>,
        %gather3A_393 = tpu.vector_load_idx %arg17[%get3A_201, %broadcast_in_dim3A_380] : memref<100x16xf32, #tpu.memory_space<vmem>>[vector<16xi32>, vector<16xi32>], vector<16xf32>,
        %scatter3A_394 = arith.constant 0 : i32
        %scatter3A_395 = arith.constant 0 : i32
        %scatter3A_396 = arith.constant 0 : i32
        %scatter3A_397 = tpu.memref_slice %arg14[%scatter3A_394, %scatter3A_395, %scatter3A_396] : memref<1x1552x16xf32, #tpu.memory_space<vmem>> -> memref<1x1552x16xf32, #tpu.memory_space<vmem>>
        %scatter3A_398 = tpu.memref_squeeze %scatter3A_397 : memref<1x1552x16xf32, #tpu.memory_space<vmem>> -> memref<1552x16xf32, #tpu.memory_space<vmem>>
        tpu.vector_store_idx %scatter3A_398[%add3A_184, %broadcast_in_dim3A_380], %gather3A_393 : memref<1552x16xf32, #tpu.memory_space<vmem>>[vector<16xi32>, vector<16xi32>], vector<16xf32>,
        %broadcast_in_dim3A_399 = arith.constant 10 : i32
        %broadcast_in_dim3A_400 = vector.broadcast %broadcast_in_dim3A_399 : i32 to vector<16xi32>
        %gather3A_401 = tpu.vector_load_idx %arg15[%get3A_189, %broadcast_in_dim3A_400] : memref<10x16xf32, #tpu.memory_space<vmem>>[vector<16xi32>, vector<16xi32>], vector<16xf32>,
        %scatter3A_402 = arith.constant 0 : i32
        %scatter3A_403 = arith.constant 0 : i32
        %scatter3A_404 = arith.constant 0 : i32
        %scatter3A_405 = tpu.memref_slice %arg12[%scatter3A_402, %scatter3A_403, %scatter3A_404] : memref<1x1552x16xf32, #tpu.memory_space<vmem>> -> memref<1x1552x16xf32, #tpu.memory_space<vmem>>
        %scatter3A_406 = tpu.memref_squeeze %scatter3A_405 : memref<1x1552x16xf32, #tpu.memory_space<vmem>> -> memref<1552x16xf32, #tpu.memory_space<vmem>>
        tpu.vector_store_idx %scatter3A_406[%add3A_184, %broadcast_in_dim3A_400], %gather3A_401 : memref<1552x16xf32, #tpu.memory_space<vmem>>[vector<16xi32>, vector<16xi32>], vector<16xf32>,
        %gather3A_407 = tpu.vector_load_idx %arg16[%get3A_195, %broadcast_in_dim3A_400] : memref<3x16xf32, #tpu.memory_space<vmem>>[vector<16xi32>, vector<16xi32>], vector<16xf32>,
        %scatter3A_408 = arith.constant 0 : i32
        %scatter3A_409 = arith.constant 0 : i32
        %scatter3A_410 = arith.constant 0 : i32
        %scatter3A_411 = tpu.memref_slice %arg13[%scatter3A_408, %scatter3A_409, %scatter3A_410] : memref<1x1552x16xf32, #tpu.memory_space<vmem>> -> memref<1x1552x16xf32, #tpu.memory_space<vmem>>
        %scatter3A_412 = tpu.memref_squeeze %scatter3A_411 : memref<1x1552x16xf32, #tpu.memory_space<vmem>> -> memref<1552x16xf32, #tpu.memory_space<vmem>>
        tpu.vector_store_idx %scatter3A_412[%add3A_184, %broadcast_in_dim3A_400], %gather3A_407 : memref<1552x16xf32, #tpu.memory_space<vmem>>[vector<16xi32>, vector<16xi32>], vector<16xf32>,
        %gather3A_413 = tpu.vector_load_idx %arg17[%get3A_201, %broadcast_in_dim3A_400] : memref<100x16xf32, #tpu.memory_space<vmem>>[vector<16xi32>, vector<16xi32>], vector<16xf32>,
        %scatter3A_414 = arith.constant 0 : i32
        %scatter3A_415 = arith.constant 0 : i32
        %scatter3A_416 = arith.constant 0 : i32
        %scatter3A_417 = tpu.memref_slice %arg14[%scatter3A_414, %scatter3A_415, %scatter3A_416] : memref<1x1552x16xf32, #tpu.memory_space<vmem>> -> memref<1x1552x16xf32, #tpu.memory_space<vmem>>
        %scatter3A_418 = tpu.memref_squeeze %scatter3A_417 : memref<1x1552x16xf32, #tpu.memory_space<vmem>> -> memref<1552x16xf32, #tpu.memory_space<vmem>>
        tpu.vector_store_idx %scatter3A_418[%add3A_184, %broadcast_in_dim3A_400], %gather3A_413 : memref<1552x16xf32, #tpu.memory_space<vmem>>[vector<16xi32>, vector<16xi32>], vector<16xf32>,
        %broadcast_in_dim3A_419 = arith.constant 11 : i32
        %broadcast_in_dim3A_420 = vector.broadcast %broadcast_in_dim3A_419 : i32 to vector<16xi32>
        %gather3A_421 = tpu.vector_load_idx %arg15[%get3A_189, %broadcast_in_dim3A_420] : memref<10x16xf32, #tpu.memory_space<vmem>>[vector<16xi32>, vector<16xi32>], vector<16xf32>,
        %scatter3A_422 = arith.constant 0 : i32
        %scatter3A_423 = arith.constant 0 : i32
        %scatter3A_424 = arith.constant 0 : i32
        %scatter3A_425 = tpu.memref_slice %arg12[%scatter3A_422, %scatter3A_423, %scatter3A_424] : memref<1x1552x16xf32, #tpu.memory_space<vmem>> -> memref<1x1552x16xf32, #tpu.memory_space<vmem>>
        %scatter3A_426 = tpu.memref_squeeze %scatter3A_425 : memref<1x1552x16xf32, #tpu.memory_space<vmem>> -> memref<1552x16xf32, #tpu.memory_space<vmem>>
        tpu.vector_store_idx %scatter3A_426[%add3A_184, %broadcast_in_dim3A_420], %gather3A_421 : memref<1552x16xf32, #tpu.memory_space<vmem>>[vector<16xi32>, vector<16xi32>], vector<16xf32>,
        %gather3A_427 = tpu.vector_load_idx %arg16[%get3A_195, %broadcast_in_dim3A_420] : memref<3x16xf32, #tpu.memory_space<vmem>>[vector<16xi32>, vector<16xi32>], vector<16xf32>,
        %scatter3A_428 = arith.constant 0 : i32
        %scatter3A_429 = arith.constant 0 : i32
        %scatter3A_430 = arith.constant 0 : i32
        %scatter3A_431 = tpu.memref_slice %arg13[%scatter3A_428, %scatter3A_429, %scatter3A_430] : memref<1x1552x16xf32, #tpu.memory_space<vmem>> -> memref<1x1552x16xf32, #tpu.memory_space<vmem>>
        %scatter3A_432 = tpu.memref_squeeze %scatter3A_431 : memref<1x1552x16xf32, #tpu.memory_space<vmem>> -> memref<1552x16xf32, #tpu.memory_space<vmem>>
        tpu.vector_store_idx %scatter3A_432[%add3A_184, %broadcast_in_dim3A_420], %gather3A_427 : memref<1552x16xf32, #tpu.memory_space<vmem>>[vector<16xi32>, vector<16xi32>], vector<16xf32>,
        %gather3A_433 = tpu.vector_load_idx %arg17[%get3A_201, %broadcast_in_dim3A_420] : memref<100x16xf32, #tpu.memory_space<vmem>>[vector<16xi32>, vector<16xi32>], vector<16xf32>,
        %scatter3A_434 = arith.constant 0 : i32
        %scatter3A_435 = arith.constant 0 : i32
        %scatter3A_436 = arith.constant 0 : i32
        %scatter3A_437 = tpu.memref_slice %arg14[%scatter3A_434, %scatter3A_435, %scatter3A_436] : memref<1x1552x16xf32, #tpu.memory_space<vmem>> -> memref<1x1552x16xf32, #tpu.memory_space<vmem>>
        %scatter3A_438 = tpu.memref_squeeze %scatter3A_437 : memref<1x1552x16xf32, #tpu.memory_space<vmem>> -> memref<1552x16xf32, #tpu.memory_space<vmem>>
        tpu.vector_store_idx %scatter3A_438[%add3A_184, %broadcast_in_dim3A_420], %gather3A_433 : memref<1552x16xf32, #tpu.memory_space<vmem>>[vector<16xi32>, vector<16xi32>], vector<16xf32>,
        %broadcast_in_dim3A_439 = arith.constant 12 : i32
        %broadcast_in_dim3A_440 = vector.broadcast %broadcast_in_dim3A_439 : i32 to vector<16xi32>
        %gather3A_441 = tpu.vector_load_idx %arg15[%get3A_189, %broadcast_in_dim3A_440] : memref<10x16xf32, #tpu.memory_space<vmem>>[vector<16xi32>, vector<16xi32>], vector<16xf32>,
        %scatter3A_442 = arith.constant 0 : i32
        %scatter3A_443 = arith.constant 0 : i32
        %scatter3A_444 = arith.constant 0 : i32
        %scatter3A_445 = tpu.memref_slice %arg12[%scatter3A_442, %scatter3A_443, %scatter3A_444] : memref<1x1552x16xf32, #tpu.memory_space<vmem>> -> memref<1x1552x16xf32, #tpu.memory_space<vmem>>
        %scatter3A_446 = tpu.memref_squeeze %scatter3A_445 : memref<1x1552x16xf32, #tpu.memory_space<vmem>> -> memref<1552x16xf32, #tpu.memory_space<vmem>>
        tpu.vector_store_idx %scatter3A_446[%add3A_184, %broadcast_in_dim3A_440], %gather3A_441 : memref<1552x16xf32, #tpu.memory_space<vmem>>[vector<16xi32>, vector<16xi32>], vector<16xf32>,
        %gather3A_447 = tpu.vector_load_idx %arg16[%get3A_195, %broadcast_in_dim3A_440] : memref<3x16xf32, #tpu.memory_space<vmem>>[vector<16xi32>, vector<16xi32>], vector<16xf32>,
        %scatter3A_448 = arith.constant 0 : i32
        %scatter3A_449 = arith.constant 0 : i32
        %scatter3A_450 = arith.constant 0 : i32
        %scatter3A_451 = tpu.memref_slice %arg13[%scatter3A_448, %scatter3A_449, %scatter3A_450] : memref<1x1552x16xf32, #tpu.memory_space<vmem>> -> memref<1x1552x16xf32, #tpu.memory_space<vmem>>
        %scatter3A_452 = tpu.memref_squeeze %scatter3A_451 : memref<1x1552x16xf32, #tpu.memory_space<vmem>> -> memref<1552x16xf32, #tpu.memory_space<vmem>>
        tpu.vector_store_idx %scatter3A_452[%add3A_184, %broadcast_in_dim3A_440], %gather3A_447 : memref<1552x16xf32, #tpu.memory_space<vmem>>[vector<16xi32>, vector<16xi32>], vector<16xf32>,
        %gather3A_453 = tpu.vector_load_idx %arg17[%get3A_201, %broadcast_in_dim3A_440] : memref<100x16xf32, #tpu.memory_space<vmem>>[vector<16xi32>, vector<16xi32>], vector<16xf32>,
        %scatter3A_454 = arith.constant 0 : i32
        %scatter3A_455 = arith.constant 0 : i32
        %scatter3A_456 = arith.constant 0 : i32
        %scatter3A_457 = tpu.memref_slice %arg14[%scatter3A_454, %scatter3A_455, %scatter3A_456] : memref<1x1552x16xf32, #tpu.memory_space<vmem>> -> memref<1x1552x16xf32, #tpu.memory_space<vmem>>
        %scatter3A_458 = tpu.memref_squeeze %scatter3A_457 : memref<1x1552x16xf32, #tpu.memory_space<vmem>> -> memref<1552x16xf32, #tpu.memory_space<vmem>>
        tpu.vector_store_idx %scatter3A_458[%add3A_184, %broadcast_in_dim3A_440], %gather3A_453 : memref<1552x16xf32, #tpu.memory_space<vmem>>[vector<16xi32>, vector<16xi32>], vector<16xf32>,
        %broadcast_in_dim3A_459 = arith.constant 13 : i32
        %broadcast_in_dim3A_460 = vector.broadcast %broadcast_in_dim3A_459 : i32 to vector<16xi32>
        %gather3A_461 = tpu.vector_load_idx %arg15[%get3A_189, %broadcast_in_dim3A_460] : memref<10x16xf32, #tpu.memory_space<vmem>>[vector<16xi32>, vector<16xi32>], vector<16xf32>,
        %scatter3A_462 = arith.constant 0 : i32
        %scatter3A_463 = arith.constant 0 : i32
        %scatter3A_464 = arith.constant 0 : i32
        %scatter3A_465 = tpu.memref_slice %arg12[%scatter3A_462, %scatter3A_463, %scatter3A_464] : memref<1x1552x16xf32, #tpu.memory_space<vmem>> -> memref<1x1552x16xf32, #tpu.memory_space<vmem>>
        %scatter3A_466 = tpu.memref_squeeze %scatter3A_465 : memref<1x1552x16xf32, #tpu.memory_space<vmem>> -> memref<1552x16xf32, #tpu.memory_space<vmem>>
        tpu.vector_store_idx %scatter3A_466[%add3A_184, %broadcast_in_dim3A_460], %gather3A_461 : memref<1552x16xf32, #tpu.memory_space<vmem>>[vector<16xi32>, vector<16xi32>], vector<16xf32>,
        %gather3A_467 = tpu.vector_load_idx %arg16[%get3A_195, %broadcast_in_dim3A_460] : memref<3x16xf32, #tpu.memory_space<vmem>>[vector<16xi32>, vector<16xi32>], vector<16xf32>,
        %scatter3A_468 = arith.constant 0 : i32
        %scatter3A_469 = arith.constant 0 : i32
        %scatter3A_470 = arith.constant 0 : i32
        %scatter3A_471 = tpu.memref_slice %arg13[%scatter3A_468, %scatter3A_469, %scatter3A_470] : memref<1x1552x16xf32, #tpu.memory_space<vmem>> -> memref<1x1552x16xf32, #tpu.memory_space<vmem>>
        %scatter3A_472 = tpu.memref_squeeze %scatter3A_471 : memref<1x1552x16xf32, #tpu.memory_space<vmem>> -> memref<1552x16xf32, #tpu.memory_space<vmem>>
        tpu.vector_store_idx %scatter3A_472[%add3A_184, %broadcast_in_dim3A_460], %gather3A_467 : memref<1552x16xf32, #tpu.memory_space<vmem>>[vector<16xi32>, vector<16xi32>], vector<16xf32>,
        %gather3A_473 = tpu.vector_load_idx %arg17[%get3A_201, %broadcast_in_dim3A_460] : memref<100x16xf32, #tpu.memory_space<vmem>>[vector<16xi32>, vector<16xi32>], vector<16xf32>,
        %scatter3A_474 = arith.constant 0 : i32
        %scatter3A_475 = arith.constant 0 : i32
        %scatter3A_476 = arith.constant 0 : i32
        %scatter3A_477 = tpu.memref_slice %arg14[%scatter3A_474, %scatter3A_475, %scatter3A_476] : memref<1x1552x16xf32, #tpu.memory_space<vmem>> -> memref<1x1552x16xf32, #tpu.memory_space<vmem>>
        %scatter3A_478 = tpu.memref_squeeze %scatter3A_477 : memref<1x1552x16xf32, #tpu.memory_space<vmem>> -> memref<1552x16xf32, #tpu.memory_space<vmem>>
        tpu.vector_store_idx %scatter3A_478[%add3A_184, %broadcast_in_dim3A_460], %gather3A_473 : memref<1552x16xf32, #tpu.memory_space<vmem>>[vector<16xi32>, vector<16xi32>], vector<16xf32>,
        %broadcast_in_dim3A_479 = arith.constant 14 : i32
        %broadcast_in_dim3A_480 = vector.broadcast %broadcast_in_dim3A_479 : i32 to vector<16xi32>
        %gather3A_481 = tpu.vector_load_idx %arg15[%get3A_189, %broadcast_in_dim3A_480] : memref<10x16xf32, #tpu.memory_space<vmem>>[vector<16xi32>, vector<16xi32>], vector<16xf32>,
        %scatter3A_482 = arith.constant 0 : i32
        %scatter3A_483 = arith.constant 0 : i32
        %scatter3A_484 = arith.constant 0 : i32
        %scatter3A_485 = tpu.memref_slice %arg12[%scatter3A_482, %scatter3A_483, %scatter3A_484] : memref<1x1552x16xf32, #tpu.memory_space<vmem>> -> memref<1x1552x16xf32, #tpu.memory_space<vmem>>
        %scatter3A_486 = tpu.memref_squeeze %scatter3A_485 : memref<1x1552x16xf32, #tpu.memory_space<vmem>> -> memref<1552x16xf32, #tpu.memory_space<vmem>>
        tpu.vector_store_idx %scatter3A_486[%add3A_184, %broadcast_in_dim3A_480], %gather3A_481 : memref<1552x16xf32, #tpu.memory_space<vmem>>[vector<16xi32>, vector<16xi32>], vector<16xf32>,
        %gather3A_487 = tpu.vector_load_idx %arg16[%get3A_195, %broadcast_in_dim3A_480] : memref<3x16xf32, #tpu.memory_space<vmem>>[vector<16xi32>, vector<16xi32>], vector<16xf32>,
        %scatter3A_488 = arith.constant 0 : i32
        %scatter3A_489 = arith.constant 0 : i32
        %scatter3A_490 = arith.constant 0 : i32
        %scatter3A_491 = tpu.memref_slice %arg13[%scatter3A_488, %scatter3A_489, %scatter3A_490] : memref<1x1552x16xf32, #tpu.memory_space<vmem>> -> memref<1x1552x16xf32, #tpu.memory_space<vmem>>
        %scatter3A_492 = tpu.memref_squeeze %scatter3A_491 : memref<1x1552x16xf32, #tpu.memory_space<vmem>> -> memref<1552x16xf32, #tpu.memory_space<vmem>>
        tpu.vector_store_idx %scatter3A_492[%add3A_184, %broadcast_in_dim3A_480], %gather3A_487 : memref<1552x16xf32, #tpu.memory_space<vmem>>[vector<16xi32>, vector<16xi32>], vector<16xf32>,
        %gather3A_493 = tpu.vector_load_idx %arg17[%get3A_201, %broadcast_in_dim3A_480] : memref<100x16xf32, #tpu.memory_space<vmem>>[vector<16xi32>, vector<16xi32>], vector<16xf32>,
        %scatter3A_494 = arith.constant 0 : i32
        %scatter3A_495 = arith.constant 0 : i32
        %scatter3A_496 = arith.constant 0 : i32
        %scatter3A_497 = tpu.memref_slice %arg14[%scatter3A_494, %scatter3A_495, %scatter3A_496] : memref<1x1552x16xf32, #tpu.memory_space<vmem>> -> memref<1x1552x16xf32, #tpu.memory_space<vmem>>
        %scatter3A_498 = tpu.memref_squeeze %scatter3A_497 : memref<1x1552x16xf32, #tpu.memory_space<vmem>> -> memref<1552x16xf32, #tpu.memory_space<vmem>>
        tpu.vector_store_idx %scatter3A_498[%add3A_184, %broadcast_in_dim3A_480], %gather3A_493 : memref<1552x16xf32, #tpu.memory_space<vmem>>[vector<16xi32>, vector<16xi32>], vector<16xf32>,
        %broadcast_in_dim3A_499 = arith.constant 15 : i32
        %broadcast_in_dim3A_500 = vector.broadcast %broadcast_in_dim3A_499 : i32 to vector<16xi32>
        %gather3A_501 = tpu.vector_load_idx %arg15[%get3A_189, %broadcast_in_dim3A_500] : memref<10x16xf32, #tpu.memory_space<vmem>>[vector<16xi32>, vector<16xi32>], vector<16xf32>,
        %scatter3A_502 = arith.constant 0 : i32
        %scatter3A_503 = arith.constant 0 : i32
        %scatter3A_504 = arith.constant 0 : i32
        %scatter3A_505 = tpu.memref_slice %arg12[%scatter3A_502, %scatter3A_503, %scatter3A_504] : memref<1x1552x16xf32, #tpu.memory_space<vmem>> -> memref<1x1552x16xf32, #tpu.memory_space<vmem>>
        %scatter3A_506 = tpu.memref_squeeze %scatter3A_505 : memref<1x1552x16xf32, #tpu.memory_space<vmem>> -> memref<1552x16xf32, #tpu.memory_space<vmem>>
        tpu.vector_store_idx %scatter3A_506[%add3A_184, %broadcast_in_dim3A_500], %gather3A_501 : memref<1552x16xf32, #tpu.memory_space<vmem>>[vector<16xi32>, vector<16xi32>], vector<16xf32>,
        %gather3A_507 = tpu.vector_load_idx %arg16[%get3A_195, %broadcast_in_dim3A_500] : memref<3x16xf32, #tpu.memory_space<vmem>>[vector<16xi32>, vector<16xi32>], vector<16xf32>,
        %scatter3A_508 = arith.constant 0 : i32
        %scatter3A_509 = arith.constant 0 : i32
        %scatter3A_510 = arith.constant 0 : i32
        %scatter3A_511 = tpu.memref_slice %arg13[%scatter3A_508, %scatter3A_509, %scatter3A_510] : memref<1x1552x16xf32, #tpu.memory_space<vmem>> -> memref<1x1552x16xf32, #tpu.memory_space<vmem>>
        %scatter3A_512 = tpu.memref_squeeze %scatter3A_511 : memref<1x1552x16xf32, #tpu.memory_space<vmem>> -> memref<1552x16xf32, #tpu.memory_space<vmem>>
        tpu.vector_store_idx %scatter3A_512[%add3A_184, %broadcast_in_dim3A_500], %gather3A_507 : memref<1552x16xf32, #tpu.memory_space<vmem>>[vector<16xi32>, vector<16xi32>], vector<16xf32>,
        %gather3A_513 = tpu.vector_load_idx %arg17[%get3A_201, %broadcast_in_dim3A_500] : memref<100x16xf32, #tpu.memory_space<vmem>>[vector<16xi32>, vector<16xi32>], vector<16xf32>,
        %scatter3A_514 = arith.constant 0 : i32
        %scatter3A_515 = arith.constant 0 : i32
        %scatter3A_516 = arith.constant 0 : i32
        %scatter3A_517 = tpu.memref_slice %arg14[%scatter3A_514, %scatter3A_515, %scatter3A_516] : memref<1x1552x16xf32, #tpu.memory_space<vmem>> -> memref<1x1552x16xf32, #tpu.memory_space<vmem>>
        %scatter3A_518 = tpu.memref_squeeze %scatter3A_517 : memref<1x1552x16xf32, #tpu.memory_space<vmem>> -> memref<1552x16xf32, #tpu.memory_space<vmem>>
        tpu.vector_store_idx %scatter3A_518[%add3A_184, %broadcast_in_dim3A_500], %gather3A_513 : memref<1552x16xf32, #tpu.memory_space<vmem>>[vector<16xi32>, vector<16xi32>], vector<16xf32>,
      }
      %scan3A_85 = arith.constant 21 : i32
      %dma_start3A_86 = arith.constant 0 : i32
      %dma_start3A_87 = arith.constant 0 : i32
      %dma_start3A_88 = arith.constant 0 : i32
      %dma_start3A_89 = tpu.memref_slice %arg12[%dma_start3A_86, %dma_start3A_87, %dma_start3A_88] : memref<1x1552x16xf32, #tpu.memory_space<vmem>> -> memref<1x336x16xf32, #tpu.memory_space<vmem>>
      %dma_start3A_90 = tpu.memref_squeeze %dma_start3A_89 : memref<1x336x16xf32, #tpu.memory_space<vmem>> -> memref<336x16xf32, #tpu.memory_space<vmem>>
      %dma_start3A_91 = arith.constant 49664 : i32
      %dma_start3A_92 = arith.constant 0 : i32
      %dma_start3A_93 = tpu.memref_slice %arg8[%dma_start3A_91, %dma_start3A_92] : memref<50000x128xf32, #tpu.memory_space<hbm>> -> memref<336x16xf32, #tpu.memory_space<hbm>>
      %dma_start3A_94 = arith.constant 49664 : i32
      %dma_start3A_95 = arith.constant 0 : i32
      %dma_start3A_96 = tpu.memref_slice %arg8[%dma_start3A_94, %dma_start3A_95] : memref<50000x128xf32, #tpu.memory_space<hbm>> -> memref<336x16xf32, #tpu.memory_space<hbm>>
      %dma_start3A_97 = arith.constant 0 : i32
      %dma_start3A_98 = arith.constant 0 : i32
      %dma_start3A_99 = tpu.memref_slice %arg12[%dma_start3A_86, %dma_start3A_97, %dma_start3A_98] : memref<1x1552x16xf32, #tpu.memory_space<vmem>> -> memref<1x336x16xf32, #tpu.memory_space<vmem>>
      %dma_start3A_100 = tpu.memref_squeeze %dma_start3A_99 : memref<1x336x16xf32, #tpu.memory_space<vmem>> -> memref<336x16xf32, #tpu.memory_space<vmem>>
      tpu.enqueue_dma source(%dma_start3A_100 : memref<336x16xf32, #tpu.memory_space<vmem>>) target(%dma_start3A_96 : memref<336x16xf32, #tpu.memory_space<hbm>>) target_semaphore(%arg19 : memref<!tpu.dma_semaphore, #tpu.memory_space<semaphore_mem>>)
      %dma_start3A_101 = arith.constant 0 : i32
      %dma_start3A_102 = arith.constant 0 : i32
      %dma_start3A_103 = arith.constant 0 : i32
      %dma_start3A_104 = tpu.memref_slice %arg13[%dma_start3A_101, %dma_start3A_102, %dma_start3A_103] : memref<1x1552x16xf32, #tpu.memory_space<vmem>> -> memref<1x336x16xf32, #tpu.memory_space<vmem>>
      %dma_start3A_105 = tpu.memref_squeeze %dma_start3A_104 : memref<1x336x16xf32, #tpu.memory_space<vmem>> -> memref<336x16xf32, #tpu.memory_space<vmem>>
      %dma_start3A_106 = arith.constant 49664 : i32
      %dma_start3A_107 = arith.constant 16 : i32
      %dma_start3A_108 = tpu.memref_slice %arg8[%dma_start3A_106, %dma_start3A_107] : memref<50000x128xf32, #tpu.memory_space<hbm>> -> memref<336x16xf32, #tpu.memory_space<hbm>>
      %dma_start3A_109 = arith.constant 49664 : i32
      %dma_start3A_110 = arith.constant 16 : i32
      %dma_start3A_111 = tpu.memref_slice %arg8[%dma_start3A_109, %dma_start3A_110] : memref<50000x128xf32, #tpu.memory_space<hbm>> -> memref<336x16xf32, #tpu.memory_space<hbm>>
      %dma_start3A_112 = arith.constant 0 : i32
      %dma_start3A_113 = arith.constant 0 : i32
      %dma_start3A_114 = tpu.memref_slice %arg13[%dma_start3A_101, %dma_start3A_112, %dma_start3A_113] : memref<1x1552x16xf32, #tpu.memory_space<vmem>> -> memref<1x336x16xf32, #tpu.memory_space<vmem>>
      %dma_start3A_115 = tpu.memref_squeeze %dma_start3A_114 : memref<1x336x16xf32, #tpu.memory_space<vmem>> -> memref<336x16xf32, #tpu.memory_space<vmem>>
      tpu.enqueue_dma source(%dma_start3A_115 : memref<336x16xf32, #tpu.memory_space<vmem>>) target(%dma_start3A_111 : memref<336x16xf32, #tpu.memory_space<hbm>>) target_semaphore(%arg19 : memref<!tpu.dma_semaphore, #tpu.memory_space<semaphore_mem>>)
      %dma_start3A_116 = arith.constant 0 : i32
      %dma_start3A_117 = arith.constant 0 : i32
      %dma_start3A_118 = arith.constant 0 : i32
      %dma_start3A_119 = tpu.memref_slice %arg14[%dma_start3A_116, %dma_start3A_117, %dma_start3A_118] : memref<1x1552x16xf32, #tpu.memory_space<vmem>> -> memref<1x336x16xf32, #tpu.memory_space<vmem>>
      %dma_start3A_120 = tpu.memref_squeeze %dma_start3A_119 : memref<1x336x16xf32, #tpu.memory_space<vmem>> -> memref<336x16xf32, #tpu.memory_space<vmem>>
      %dma_start3A_121 = arith.constant 49664 : i32
      %dma_start3A_122 = arith.constant 32 : i32
      %dma_start3A_123 = tpu.memref_slice %arg8[%dma_start3A_121, %dma_start3A_122] : memref<50000x128xf32, #tpu.memory_space<hbm>> -> memref<336x16xf32, #tpu.memory_space<hbm>>
      %dma_start3A_124 = arith.constant 49664 : i32
      %dma_start3A_125 = arith.constant 32 : i32
      %dma_start3A_126 = tpu.memref_slice %arg8[%dma_start3A_124, %dma_start3A_125] : memref<50000x128xf32, #tpu.memory_space<hbm>> -> memref<336x16xf32, #tpu.memory_space<hbm>>
      %dma_start3A_127 = arith.constant 0 : i32
      %dma_start3A_128 = arith.constant 0 : i32
      %dma_start3A_129 = tpu.memref_slice %arg14[%dma_start3A_116, %dma_start3A_127, %dma_start3A_128] : memref<1x1552x16xf32, #tpu.memory_space<vmem>> -> memref<1x336x16xf32, #tpu.memory_space<vmem>>
      %dma_start3A_130 = tpu.memref_squeeze %dma_start3A_129 : memref<1x336x16xf32, #tpu.memory_space<vmem>> -> memref<336x16xf32, #tpu.memory_space<vmem>>
      tpu.enqueue_dma source(%dma_start3A_130 : memref<336x16xf32, #tpu.memory_space<vmem>>) target(%dma_start3A_126 : memref<336x16xf32, #tpu.memory_space<hbm>>) target_semaphore(%arg19 : memref<!tpu.dma_semaphore, #tpu.memory_space<semaphore_mem>>)
      %dma_wait3A_131 = arith.constant 0 : i32
      %dma_wait3A_132 = arith.constant 0 : i32
      %dma_wait3A_133 = arith.constant 0 : i32
      %dma_wait3A_134 = tpu.memref_slice %arg12[%dma_wait3A_131, %dma_wait3A_132, %dma_wait3A_133] : memref<1x1552x16xf32, #tpu.memory_space<vmem>> -> memref<1x336x16xf32, #tpu.memory_space<vmem>>
      %dma_wait3A_135 = tpu.memref_squeeze %dma_wait3A_134 : memref<1x336x16xf32, #tpu.memory_space<vmem>> -> memref<336x16xf32, #tpu.memory_space<vmem>>
      %dma_wait3A_136 = arith.constant 0 : i32
      %dma_wait3A_137 = arith.constant 0 : i32
      %dma_wait3A_138 = tpu.memref_slice %arg8[%dma_wait3A_136, %dma_wait3A_137] : memref<50000x128xf32, #tpu.memory_space<hbm>> -> memref<336x16xf32, #tpu.memory_space<hbm>>
      %dma_wait3A_139 = arith.constant 0 : i32
      %dma_wait3A_140 = arith.constant 0 : i32
      %dma_wait3A_141 = tpu.memref_slice %arg8[%dma_wait3A_139, %dma_wait3A_140] : memref<50000x128xf32, #tpu.memory_space<hbm>> -> memref<336x16xf32, #tpu.memory_space<hbm>>
      %dma_wait3A_142 = arith.constant 0 : i32
      %dma_wait3A_143 = arith.constant 0 : i32
      %dma_wait3A_144 = tpu.memref_slice %arg12[%dma_wait3A_131, %dma_wait3A_142, %dma_wait3A_143] : memref<1x1552x16xf32, #tpu.memory_space<vmem>> -> memref<1x336x16xf32, #tpu.memory_space<vmem>>
      %dma_wait3A_145 = tpu.memref_squeeze %dma_wait3A_144 : memref<1x336x16xf32, #tpu.memory_space<vmem>> -> memref<336x16xf32, #tpu.memory_space<vmem>>
      tpu.wait_dma2 semaphore(%arg19 : memref<!tpu.dma_semaphore, #tpu.memory_space<semaphore_mem>>) src(%dma_wait3A_145 : memref<336x16xf32, #tpu.memory_space<vmem>>) dst(%dma_wait3A_141 : memref<336x16xf32, #tpu.memory_space<hbm>>)
      %dma_wait3A_146 = arith.constant 0 : i32
      %dma_wait3A_147 = arith.constant 0 : i32
      %dma_wait3A_148 = arith.constant 0 : i32
      %dma_wait3A_149 = tpu.memref_slice %arg13[%dma_wait3A_146, %dma_wait3A_147, %dma_wait3A_148] : memref<1x1552x16xf32, #tpu.memory_space<vmem>> -> memref<1x336x16xf32, #tpu.memory_space<vmem>>
      %dma_wait3A_150 = tpu.memref_squeeze %dma_wait3A_149 : memref<1x336x16xf32, #tpu.memory_space<vmem>> -> memref<336x16xf32, #tpu.memory_space<vmem>>
      %dma_wait3A_151 = arith.constant 0 : i32
      %dma_wait3A_152 = arith.constant 16 : i32
      %dma_wait3A_153 = tpu.memref_slice %arg8[%dma_wait3A_151, %dma_wait3A_152] : memref<50000x128xf32, #tpu.memory_space<hbm>> -> memref<336x16xf32, #tpu.memory_space<hbm>>
      %dma_wait3A_154 = arith.constant 0 : i32
      %dma_wait3A_155 = arith.constant 16 : i32
      %dma_wait3A_156 = tpu.memref_slice %arg8[%dma_wait3A_154, %dma_wait3A_155] : memref<50000x128xf32, #tpu.memory_space<hbm>> -> memref<336x16xf32, #tpu.memory_space<hbm>>
      %dma_wait3A_157 = arith.constant 0 : i32
      %dma_wait3A_158 = arith.constant 0 : i32
      %dma_wait3A_159 = tpu.memref_slice %arg13[%dma_wait3A_146, %dma_wait3A_157, %dma_wait3A_158] : memref<1x1552x16xf32, #tpu.memory_space<vmem>> -> memref<1x336x16xf32, #tpu.memory_space<vmem>>
      %dma_wait3A_160 = tpu.memref_squeeze %dma_wait3A_159 : memref<1x336x16xf32, #tpu.memory_space<vmem>> -> memref<336x16xf32, #tpu.memory_space<vmem>>
      tpu.wait_dma2 semaphore(%arg19 : memref<!tpu.dma_semaphore, #tpu.memory_space<semaphore_mem>>) src(%dma_wait3A_160 : memref<336x16xf32, #tpu.memory_space<vmem>>) dst(%dma_wait3A_156 : memref<336x16xf32, #tpu.memory_space<hbm>>)
      %dma_wait3A_161 = arith.constant 0 : i32
      %dma_wait3A_162 = arith.constant 0 : i32
      %dma_wait3A_163 = arith.constant 0 : i32
      %dma_wait3A_164 = tpu.memref_slice %arg14[%dma_wait3A_161, %dma_wait3A_162, %dma_wait3A_163] : memref<1x1552x16xf32, #tpu.memory_space<vmem>> -> memref<1x336x16xf32, #tpu.memory_space<vmem>>
      %dma_wait3A_165 = tpu.memref_squeeze %dma_wait3A_164 : memref<1x336x16xf32, #tpu.memory_space<vmem>> -> memref<336x16xf32, #tpu.memory_space<vmem>>
      %dma_wait3A_166 = arith.constant 0 : i32
      %dma_wait3A_167 = arith.constant 32 : i32
      %dma_wait3A_168 = tpu.memref_slice %arg8[%dma_wait3A_166, %dma_wait3A_167] : memref<50000x128xf32, #tpu.memory_space<hbm>> -> memref<336x16xf32, #tpu.memory_space<hbm>>
      %dma_wait3A_169 = arith.constant 0 : i32
      %dma_wait3A_170 = arith.constant 32 : i32
      %dma_wait3A_171 = tpu.memref_slice %arg8[%dma_wait3A_169, %dma_wait3A_170] : memref<50000x128xf32, #tpu.memory_space<hbm>> -> memref<336x16xf32, #tpu.memory_space<hbm>>
      %dma_wait3A_172 = arith.constant 0 : i32
      %dma_wait3A_173 = arith.constant 0 : i32
      %dma_wait3A_174 = tpu.memref_slice %arg14[%dma_wait3A_161, %dma_wait3A_172, %dma_wait3A_173] : memref<1x1552x16xf32, #tpu.memory_space<vmem>> -> memref<1x336x16xf32, #tpu.memory_space<vmem>>
      %dma_wait3A_175 = tpu.memref_squeeze %dma_wait3A_174 : memref<1x336x16xf32, #tpu.memory_space<vmem>> -> memref<336x16xf32, #tpu.memory_space<vmem>>
      tpu.wait_dma2 semaphore(%arg19 : memref<!tpu.dma_semaphore, #tpu.memory_space<semaphore_mem>>) src(%dma_wait3A_175 : memref<336x16xf32, #tpu.memory_space<vmem>>) dst(%dma_wait3A_171 : memref<336x16xf32, #tpu.memory_space<hbm>>)
    } else {
    }
    return
  }
}

#map = affine_map<(d0, d1) -> (0)>
#map1 = affine_map<(d0, d1) -> (0, 0)>
module attributes {stable_mosaic.version = 14 : i64} {
  func.func @_sc_body(%arg0: i32, %arg1: i32, %arg2: memref<50000xi32, #tpu.memory_space<hbm>>, %arg3: memref<50000xi32, #tpu.memory_space<hbm>>, %arg4: memref<50000xi32, #tpu.memory_space<hbm>>, %arg5: memref<10x16xf32, #tpu.memory_space<hbm>>, %arg6: memref<3x16xf32, #tpu.memory_space<hbm>>, %arg7: memref<100x16xf32, #tpu.memory_space<hbm>>, %arg8: memref<50000x128xf32, #tpu.memory_space<hbm>>, %arg9: memref<1x1552xi32, #tpu.memory_space<vmem>>, %arg10: memref<1x1552xi32, #tpu.memory_space<vmem>>, %arg11: memref<1x1552xi32, #tpu.memory_space<vmem>>, %arg12: memref<1x1552x16xf32, #tpu.memory_space<vmem>>, %arg13: memref<1x1552x16xf32, #tpu.memory_space<vmem>>, %arg14: memref<1x1552x16xf32, #tpu.memory_space<vmem>>, %arg15: memref<10x16xf32, #tpu.memory_space<vmem>>, %arg16: memref<3x16xf32, #tpu.memory_space<vmem>>, %arg17: memref<100x16xf32, #tpu.memory_space<vmem>>, %arg18: memref<!tpu.dma_semaphore, #tpu.memory_space<semaphore_mem>>, %arg19: memref<!tpu.dma_semaphore, #tpu.memory_space<semaphore_mem>>) attributes {dimension_semantics = [#tpu.dimension_semantics<core_parallel>, #tpu.dimension_semantics<subcore_parallel>], iteration_bounds = array<i64: 2, 16>, scalar_prefetch = 0 : i64, scratch_operands = 11 : i64, tpu.core_type = #tpu.core_type<sc_vector_subcore>, window_params = [{transform_indices = #map}, {transform_indices = #map}, {transform_indices = #map}, {transform_indices = #map1}, {transform_indices = #map1}, {transform_indices = #map1}, {transform_indices = #map1}]} {
    %mul3A = arith.constant 2 : i32
    %mul3A_0 = arith.muli %arg1, %mul3A : i32
    %add3A = arith.addi %mul3A_0, %arg0 : i32
    "tpu.region"() ({
      %run_scoped3A = tpu.sem_alloc : memref<!tpu.dma_semaphore, #tpu.memory_space<semaphore_mem>>
      tpu.enqueue_dma source(%arg5 : memref<10x16xf32, #tpu.memory_space<hbm>>) target(%arg15 : memref<10x16xf32, #tpu.memory_space<vmem>>) target_semaphore(%run_scoped3A : memref<!tpu.dma_semaphore, #tpu.memory_space<semaphore_mem>>)
      tpu.wait_dma2 semaphore(%run_scoped3A : memref<!tpu.dma_semaphore, #tpu.memory_space<semaphore_mem>>) src(%arg5 : memref<10x16xf32, #tpu.memory_space<hbm>>) dst(%arg15 : memref<10x16xf32, #tpu.memory_space<vmem>>)
      tpu.yield
    }) : () -> ()
    "tpu.region"() ({
      %run_scoped3A = tpu.sem_alloc : memref<!tpu.dma_semaphore, #tpu.memory_space<semaphore_mem>>
      tpu.enqueue_dma source(%arg6 : memref<3x16xf32, #tpu.memory_space<hbm>>) target(%arg16 : memref<3x16xf32, #tpu.memory_space<vmem>>) target_semaphore(%run_scoped3A : memref<!tpu.dma_semaphore, #tpu.memory_space<semaphore_mem>>)
      tpu.wait_dma2 semaphore(%run_scoped3A : memref<!tpu.dma_semaphore, #tpu.memory_space<semaphore_mem>>) src(%arg6 : memref<3x16xf32, #tpu.memory_space<hbm>>) dst(%arg16 : memref<3x16xf32, #tpu.memory_space<vmem>>)
      tpu.yield
    }) : () -> ()
    "tpu.region"() ({
      %run_scoped3A = tpu.sem_alloc : memref<!tpu.dma_semaphore, #tpu.memory_space<semaphore_mem>>
      tpu.enqueue_dma source(%arg7 : memref<100x16xf32, #tpu.memory_space<hbm>>) target(%arg17 : memref<100x16xf32, #tpu.memory_space<vmem>>) target_semaphore(%run_scoped3A : memref<!tpu.dma_semaphore, #tpu.memory_space<semaphore_mem>>)
      tpu.wait_dma2 semaphore(%run_scoped3A : memref<!tpu.dma_semaphore, #tpu.memory_space<semaphore_mem>>) src(%arg7 : memref<100x16xf32, #tpu.memory_space<hbm>>) dst(%arg17 : memref<100x16xf32, #tpu.memory_space<vmem>>)
      tpu.yield
    }) : () -> ()
    %sub3A = arith.constant 32 : i32
    %sub3A_1 = arith.subi %sub3A, %add3A : i32
    %sub3A_2 = arith.constant 32 : i32
    %sub3A_3 = arith.constant 1 : i32
    %sub3A_4 = arith.subi %sub3A_2, %sub3A_3 : i32
    %add3A_5 = arith.addi %sub3A_1, %sub3A_4 : i32
    %div3A = arith.constant 32 : i32
    %div3A_6 = arith.divsi %add3A_5, %div3A : i32
    %while3A = arith.constant 32 : i32
    %while3A_7 = arith.constant 0 : i32
    %while3A_8 = arith.subi %div3A_6, %while3A_7 : i32
    %while3A_9 = arith.addi %while3A_7, %while3A_8 : i32
    %while3A_10 = arith.constant 1 : i32
    %while3A_11 = arith.divsi %while3A_8, %while3A_10 : i32
    %while3A_12 = arith.muli %while3A_11, %while3A_10 : i32
    %while3A_13 = arith.addi %while3A_7, %while3A_12 : i32
    %while3A_14 = arith.constant 1 : i32
    scf.for %while3A_18 = %while3A_7 to %while3A_13 step %while3A_14  : i32 {
      %mul3A_19 = arith.muli %while3A_18, %while3A : i32
      %add3A_20 = arith.addi %add3A, %mul3A_19 : i32
      %add3A_21 = arith.constant 0 : i32
      %add3A_22 = arith.addi %add3A_20, %add3A_21 : i32
      %lt3A = arith.constant 32 : i32
      %lt3A_23 = arith.cmpi slt, %add3A_22, %lt3A : i32
      %convert_element_type3A_24 = arith.extui %lt3A_23 : i1 to i32
      %cond3A_25 = arith.constant 0 : i32
      %cond3A_26 = arith.cmpi ne, %convert_element_type3A_24, %cond3A_25 : i32
      scf.if %cond3A_26 {
        %add3A_41 = arith.constant 0 : i32
        %add3A_42 = arith.addi %add3A_20, %add3A_41 : i32
        %mul3A_43 = arith.constant 1552 : i32
        %mul3A_44 = arith.muli %add3A_42, %mul3A_43 : i32
        %dma_start3A = arith.constant 0 : i32
        %dma_start3A_45 = arith.constant 0 : i32
        %dma_start3A_46 = tpu.memref_slice %arg9[%dma_start3A, %dma_start3A_45] : memref<1x1552xi32, #tpu.memory_space<vmem>> -> memref<1x1552xi32, #tpu.memory_space<vmem>>
        %dma_start3A_47 = tpu.memref_squeeze %dma_start3A_46 : memref<1x1552xi32, #tpu.memory_space<vmem>> -> memref<1552xi32, #tpu.memory_space<vmem>>
        %dma_start3A_48 = tpu.memref_slice %arg2[%mul3A_44] : memref<50000xi32, #tpu.memory_space<hbm>> -> memref<1552xi32, #tpu.memory_space<hbm>>
        %dma_start3A_49 = arith.constant 0 : i32
        %dma_start3A_50 = tpu.memref_slice %arg9[%dma_start3A, %dma_start3A_49] : memref<1x1552xi32, #tpu.memory_space<vmem>> -> memref<1x1552xi32, #tpu.memory_space<vmem>>
        %dma_start3A_51 = tpu.memref_squeeze %dma_start3A_50 : memref<1x1552xi32, #tpu.memory_space<vmem>> -> memref<1552xi32, #tpu.memory_space<vmem>>
        %dma_start3A_52 = tpu.memref_slice %arg2[%mul3A_44] : memref<50000xi32, #tpu.memory_space<hbm>> -> memref<1552xi32, #tpu.memory_space<hbm>>
        tpu.enqueue_dma source(%dma_start3A_52 : memref<1552xi32, #tpu.memory_space<hbm>>) target(%dma_start3A_51 : memref<1552xi32, #tpu.memory_space<vmem>>) target_semaphore(%arg18 : memref<!tpu.dma_semaphore, #tpu.memory_space<semaphore_mem>>)
        %dma_start3A_53 = arith.constant 0 : i32
        %dma_start3A_54 = arith.constant 0 : i32
        %dma_start3A_55 = tpu.memref_slice %arg10[%dma_start3A_53, %dma_start3A_54] : memref<1x1552xi32, #tpu.memory_space<vmem>> -> memref<1x1552xi32, #tpu.memory_space<vmem>>
        %dma_start3A_56 = tpu.memref_squeeze %dma_start3A_55 : memref<1x1552xi32, #tpu.memory_space<vmem>> -> memref<1552xi32, #tpu.memory_space<vmem>>
        %dma_start3A_57 = tpu.memref_slice %arg3[%mul3A_44] : memref<50000xi32, #tpu.memory_space<hbm>> -> memref<1552xi32, #tpu.memory_space<hbm>>
        %dma_start3A_58 = arith.constant 0 : i32
        %dma_start3A_59 = tpu.memref_slice %arg10[%dma_start3A_53, %dma_start3A_58] : memref<1x1552xi32, #tpu.memory_space<vmem>> -> memref<1x1552xi32, #tpu.memory_space<vmem>>
        %dma_start3A_60 = tpu.memref_squeeze %dma_start3A_59 : memref<1x1552xi32, #tpu.memory_space<vmem>> -> memref<1552xi32, #tpu.memory_space<vmem>>
        %dma_start3A_61 = tpu.memref_slice %arg3[%mul3A_44] : memref<50000xi32, #tpu.memory_space<hbm>> -> memref<1552xi32, #tpu.memory_space<hbm>>
        tpu.enqueue_dma source(%dma_start3A_61 : memref<1552xi32, #tpu.memory_space<hbm>>) target(%dma_start3A_60 : memref<1552xi32, #tpu.memory_space<vmem>>) target_semaphore(%arg18 : memref<!tpu.dma_semaphore, #tpu.memory_space<semaphore_mem>>)
        %dma_start3A_62 = arith.constant 0 : i32
        %dma_start3A_63 = arith.constant 0 : i32
        %dma_start3A_64 = tpu.memref_slice %arg11[%dma_start3A_62, %dma_start3A_63] : memref<1x1552xi32, #tpu.memory_space<vmem>> -> memref<1x1552xi32, #tpu.memory_space<vmem>>
        %dma_start3A_65 = tpu.memref_squeeze %dma_start3A_64 : memref<1x1552xi32, #tpu.memory_space<vmem>> -> memref<1552xi32, #tpu.memory_space<vmem>>
        %dma_start3A_66 = tpu.memref_slice %arg4[%mul3A_44] : memref<50000xi32, #tpu.memory_space<hbm>> -> memref<1552xi32, #tpu.memory_space<hbm>>
        %dma_start3A_67 = arith.constant 0 : i32
        %dma_start3A_68 = tpu.memref_slice %arg11[%dma_start3A_62, %dma_start3A_67] : memref<1x1552xi32, #tpu.memory_space<vmem>> -> memref<1x1552xi32, #tpu.memory_space<vmem>>
        %dma_start3A_69 = tpu.memref_squeeze %dma_start3A_68 : memref<1x1552xi32, #tpu.memory_space<vmem>> -> memref<1552xi32, #tpu.memory_space<vmem>>
        %dma_start3A_70 = tpu.memref_slice %arg4[%mul3A_44] : memref<50000xi32, #tpu.memory_space<hbm>> -> memref<1552xi32, #tpu.memory_space<hbm>>
        tpu.enqueue_dma source(%dma_start3A_70 : memref<1552xi32, #tpu.memory_space<hbm>>) target(%dma_start3A_69 : memref<1552xi32, #tpu.memory_space<vmem>>) target_semaphore(%arg18 : memref<!tpu.dma_semaphore, #tpu.memory_space<semaphore_mem>>)
      } else {
      }
      %add3A_27 = arith.constant 0 : i32
      %add3A_28 = arith.addi %add3A_20, %add3A_27 : i32
      %lt3A_29 = arith.constant 32 : i32
      %lt3A_30 = arith.cmpi slt, %add3A_28, %lt3A_29 : i32
      %convert_element_type3A_31 = arith.extui %lt3A_30 : i1 to i32
      %cond3A_32 = arith.constant 0 : i32
      %cond3A_33 = arith.cmpi ne, %convert_element_type3A_31, %cond3A_32 : i32
      scf.if %cond3A_33 {
        %dma_wait3A = arith.constant 0 : i32
        %dma_wait3A_41 = arith.constant 0 : i32
        %dma_wait3A_42 = tpu.memref_slice %arg9[%dma_wait3A, %dma_wait3A_41] : memref<1x1552xi32, #tpu.memory_space<vmem>> -> memref<1x1552xi32, #tpu.memory_space<vmem>>
        %dma_wait3A_43 = tpu.memref_squeeze %dma_wait3A_42 : memref<1x1552xi32, #tpu.memory_space<vmem>> -> memref<1552xi32, #tpu.memory_space<vmem>>
        %dma_wait3A_44 = arith.constant 0 : i32
        %dma_wait3A_45 = tpu.memref_slice %arg2[%dma_wait3A_44] : memref<50000xi32, #tpu.memory_space<hbm>> -> memref<1552xi32, #tpu.memory_space<hbm>>
        %dma_wait3A_46 = arith.constant 0 : i32
        %dma_wait3A_47 = tpu.memref_slice %arg9[%dma_wait3A, %dma_wait3A_46] : memref<1x1552xi32, #tpu.memory_space<vmem>> -> memref<1x1552xi32, #tpu.memory_space<vmem>>
        %dma_wait3A_48 = tpu.memref_squeeze %dma_wait3A_47 : memref<1x1552xi32, #tpu.memory_space<vmem>> -> memref<1552xi32, #tpu.memory_space<vmem>>
        %dma_wait3A_49 = arith.constant 0 : i32
        %dma_wait3A_50 = tpu.memref_slice %arg2[%dma_wait3A_49] : memref<50000xi32, #tpu.memory_space<hbm>> -> memref<1552xi32, #tpu.memory_space<hbm>>
        tpu.wait_dma2 semaphore(%arg18 : memref<!tpu.dma_semaphore, #tpu.memory_space<semaphore_mem>>) src(%dma_wait3A_50 : memref<1552xi32, #tpu.memory_space<hbm>>) dst(%dma_wait3A_48 : memref<1552xi32, #tpu.memory_space<vmem>>)
        %dma_wait3A_51 = arith.constant 0 : i32
        %dma_wait3A_52 = arith.constant 0 : i32
        %dma_wait3A_53 = tpu.memref_slice %arg10[%dma_wait3A_51, %dma_wait3A_52] : memref<1x1552xi32, #tpu.memory_space<vmem>> -> memref<1x1552xi32, #tpu.memory_space<vmem>>
        %dma_wait3A_54 = tpu.memref_squeeze %dma_wait3A_53 : memref<1x1552xi32, #tpu.memory_space<vmem>> -> memref<1552xi32, #tpu.memory_space<vmem>>
        %dma_wait3A_55 = arith.constant 0 : i32
        %dma_wait3A_56 = tpu.memref_slice %arg3[%dma_wait3A_55] : memref<50000xi32, #tpu.memory_space<hbm>> -> memref<1552xi32, #tpu.memory_space<hbm>>
        %dma_wait3A_57 = arith.constant 0 : i32
        %dma_wait3A_58 = tpu.memref_slice %arg10[%dma_wait3A_51, %dma_wait3A_57] : memref<1x1552xi32, #tpu.memory_space<vmem>> -> memref<1x1552xi32, #tpu.memory_space<vmem>>
        %dma_wait3A_59 = tpu.memref_squeeze %dma_wait3A_58 : memref<1x1552xi32, #tpu.memory_space<vmem>> -> memref<1552xi32, #tpu.memory_space<vmem>>
        %dma_wait3A_60 = arith.constant 0 : i32
        %dma_wait3A_61 = tpu.memref_slice %arg3[%dma_wait3A_60] : memref<50000xi32, #tpu.memory_space<hbm>> -> memref<1552xi32, #tpu.memory_space<hbm>>
        tpu.wait_dma2 semaphore(%arg18 : memref<!tpu.dma_semaphore, #tpu.memory_space<semaphore_mem>>) src(%dma_wait3A_61 : memref<1552xi32, #tpu.memory_space<hbm>>) dst(%dma_wait3A_59 : memref<1552xi32, #tpu.memory_space<vmem>>)
        %dma_wait3A_62 = arith.constant 0 : i32
        %dma_wait3A_63 = arith.constant 0 : i32
        %dma_wait3A_64 = tpu.memref_slice %arg11[%dma_wait3A_62, %dma_wait3A_63] : memref<1x1552xi32, #tpu.memory_space<vmem>> -> memref<1x1552xi32, #tpu.memory_space<vmem>>
        %dma_wait3A_65 = tpu.memref_squeeze %dma_wait3A_64 : memref<1x1552xi32, #tpu.memory_space<vmem>> -> memref<1552xi32, #tpu.memory_space<vmem>>
        %dma_wait3A_66 = arith.constant 0 : i32
        %dma_wait3A_67 = tpu.memref_slice %arg4[%dma_wait3A_66] : memref<50000xi32, #tpu.memory_space<hbm>> -> memref<1552xi32, #tpu.memory_space<hbm>>
        %dma_wait3A_68 = arith.constant 0 : i32
        %dma_wait3A_69 = tpu.memref_slice %arg11[%dma_wait3A_62, %dma_wait3A_68] : memref<1x1552xi32, #tpu.memory_space<vmem>> -> memref<1x1552xi32, #tpu.memory_space<vmem>>
        %dma_wait3A_70 = tpu.memref_squeeze %dma_wait3A_69 : memref<1x1552xi32, #tpu.memory_space<vmem>> -> memref<1552xi32, #tpu.memory_space<vmem>>
        %dma_wait3A_71 = arith.constant 0 : i32
        %dma_wait3A_72 = tpu.memref_slice %arg4[%dma_wait3A_71] : memref<50000xi32, #tpu.memory_space<hbm>> -> memref<1552xi32, #tpu.memory_space<hbm>>
        tpu.wait_dma2 semaphore(%arg18 : memref<!tpu.dma_semaphore, #tpu.memory_space<semaphore_mem>>) src(%dma_wait3A_72 : memref<1552xi32, #tpu.memory_space<hbm>>) dst(%dma_wait3A_70 : memref<1552xi32, #tpu.memory_space<vmem>>)
        %iota3A = tpu.iota {dimensions = array<i32: 0>} : vector<16xi32>
        %scan3A = arith.constant 0 : i32
        %scan3A_73 = arith.constant 97 : i32
        %scan3A_74 = arith.addi %scan3A, %scan3A_73 : i32
        %scan3A_75 = arith.constant 1 : i32
        scf.for %scan3A_119 = %scan3A to %scan3A_74 step %scan3A_75  : i32 {
          %mul3A_120 = arith.constant 1 : i32
          %mul3A_121 = arith.muli %scan3A_119, %mul3A_120 : i32
          %add3A_122 = arith.constant 0 : i32
          %add3A_123 = arith.addi %add3A_122, %mul3A_121 : i32
          %mul3A_124 = arith.constant 16 : i32
          %mul3A_125 = arith.muli %add3A_123, %mul3A_124 : i32
          %add3A_126 = vector.broadcast %mul3A_125 : i32 to vector<16xi32>
          %add3A_127 = arith.addi %add3A_126, %iota3A : vector<16xi32>
          %mul3A_128 = arith.constant 16 : i32
          %mul3A_129 = arith.muli %add3A_123, %mul3A_128 : i32
          %get3A = arith.constant 0 : i32
          %get3A_130 = arith.index_cast %get3A : i32 to index
          %get3A_131 = arith.index_cast %mul3A_129 : i32 to index
          %get3A_132 = tpu.vector_load %arg9[%get3A_130, %get3A_131] {strides = array<i32>} : memref<1x1552xi32, #tpu.memory_space<vmem>>, vector<16xi32>,
          %mul3A_133 = arith.constant 16 : i32
          %mul3A_134 = arith.muli %add3A_123, %mul3A_133 : i32
          %get3A_135 = arith.constant 0 : i32
          %get3A_136 = arith.index_cast %get3A_135 : i32 to index
          %get3A_137 = arith.index_cast %mul3A_134 : i32 to index
          %get3A_138 = tpu.vector_load %arg10[%get3A_136, %get3A_137] {strides = array<i32>} : memref<1x1552xi32, #tpu.memory_space<vmem>>, vector<16xi32>,
          %mul3A_139 = arith.constant 16 : i32
          %mul3A_140 = arith.muli %add3A_123, %mul3A_139 : i32
          %get3A_141 = arith.constant 0 : i32
          %get3A_142 = arith.index_cast %get3A_141 : i32 to index
          %get3A_143 = arith.index_cast %mul3A_140 : i32 to index
          %get3A_144 = tpu.vector_load %arg11[%get3A_142, %get3A_143] {strides = array<i32>} : memref<1x1552xi32, #tpu.memory_space<vmem>>, vector<16xi32>,
          %broadcast_in_dim3A = arith.constant 0 : i32
          %broadcast_in_dim3A_145 = vector.broadcast %broadcast_in_dim3A : i32 to vector<16xi32>
          %gather3A = tpu.vector_load_idx %arg15[%get3A_132, %broadcast_in_dim3A_145] : memref<10x16xf32, #tpu.memory_space<vmem>>[vector<16xi32>, vector<16xi32>], vector<16xf32>,
          %scatter3A = arith.constant 0 : i32
          %scatter3A_146 = arith.constant 0 : i32
          %scatter3A_147 = arith.constant 0 : i32
          %scatter3A_148 = tpu.memref_slice %arg12[%scatter3A, %scatter3A_146, %scatter3A_147] : memref<1x1552x16xf32, #tpu.memory_space<vmem>> -> memref<1x1552x16xf32, #tpu.memory_space<vmem>>
          %scatter3A_149 = tpu.memref_squeeze %scatter3A_148 : memref<1x1552x16xf32, #tpu.memory_space<vmem>> -> memref<1552x16xf32, #tpu.memory_space<vmem>>
          tpu.vector_store_idx %scatter3A_149[%add3A_127, %broadcast_in_dim3A_145], %gather3A : memref<1552x16xf32, #tpu.memory_space<vmem>>[vector<16xi32>, vector<16xi32>], vector<16xf32>,
          %gather3A_150 = tpu.vector_load_idx %arg16[%get3A_138, %broadcast_in_dim3A_145] : memref<3x16xf32, #tpu.memory_space<vmem>>[vector<16xi32>, vector<16xi32>], vector<16xf32>,
          %scatter3A_151 = arith.constant 0 : i32
          %scatter3A_152 = arith.constant 0 : i32
          %scatter3A_153 = arith.constant 0 : i32
          %scatter3A_154 = tpu.memref_slice %arg13[%scatter3A_151, %scatter3A_152, %scatter3A_153] : memref<1x1552x16xf32, #tpu.memory_space<vmem>> -> memref<1x1552x16xf32, #tpu.memory_space<vmem>>
          %scatter3A_155 = tpu.memref_squeeze %scatter3A_154 : memref<1x1552x16xf32, #tpu.memory_space<vmem>> -> memref<1552x16xf32, #tpu.memory_space<vmem>>
          tpu.vector_store_idx %scatter3A_155[%add3A_127, %broadcast_in_dim3A_145], %gather3A_150 : memref<1552x16xf32, #tpu.memory_space<vmem>>[vector<16xi32>, vector<16xi32>], vector<16xf32>,
          %gather3A_156 = tpu.vector_load_idx %arg17[%get3A_144, %broadcast_in_dim3A_145] : memref<100x16xf32, #tpu.memory_space<vmem>>[vector<16xi32>, vector<16xi32>], vector<16xf32>,
          %scatter3A_157 = arith.constant 0 : i32
          %scatter3A_158 = arith.constant 0 : i32
          %scatter3A_159 = arith.constant 0 : i32
          %scatter3A_160 = tpu.memref_slice %arg14[%scatter3A_157, %scatter3A_158, %scatter3A_159] : memref<1x1552x16xf32, #tpu.memory_space<vmem>> -> memref<1x1552x16xf32, #tpu.memory_space<vmem>>
          %scatter3A_161 = tpu.memref_squeeze %scatter3A_160 : memref<1x1552x16xf32, #tpu.memory_space<vmem>> -> memref<1552x16xf32, #tpu.memory_space<vmem>>
          tpu.vector_store_idx %scatter3A_161[%add3A_127, %broadcast_in_dim3A_145], %gather3A_156 : memref<1552x16xf32, #tpu.memory_space<vmem>>[vector<16xi32>, vector<16xi32>], vector<16xf32>,
          %broadcast_in_dim3A_162 = arith.constant 1 : i32
          %broadcast_in_dim3A_163 = vector.broadcast %broadcast_in_dim3A_162 : i32 to vector<16xi32>
          %gather3A_164 = tpu.vector_load_idx %arg15[%get3A_132, %broadcast_in_dim3A_163] : memref<10x16xf32, #tpu.memory_space<vmem>>[vector<16xi32>, vector<16xi32>], vector<16xf32>,
          %scatter3A_165 = arith.constant 0 : i32
          %scatter3A_166 = arith.constant 0 : i32
          %scatter3A_167 = arith.constant 0 : i32
          %scatter3A_168 = tpu.memref_slice %arg12[%scatter3A_165, %scatter3A_166, %scatter3A_167] : memref<1x1552x16xf32, #tpu.memory_space<vmem>> -> memref<1x1552x16xf32, #tpu.memory_space<vmem>>
          %scatter3A_169 = tpu.memref_squeeze %scatter3A_168 : memref<1x1552x16xf32, #tpu.memory_space<vmem>> -> memref<1552x16xf32, #tpu.memory_space<vmem>>
          tpu.vector_store_idx %scatter3A_169[%add3A_127, %broadcast_in_dim3A_163], %gather3A_164 : memref<1552x16xf32, #tpu.memory_space<vmem>>[vector<16xi32>, vector<16xi32>], vector<16xf32>,
          %gather3A_170 = tpu.vector_load_idx %arg16[%get3A_138, %broadcast_in_dim3A_163] : memref<3x16xf32, #tpu.memory_space<vmem>>[vector<16xi32>, vector<16xi32>], vector<16xf32>,
          %scatter3A_171 = arith.constant 0 : i32
          %scatter3A_172 = arith.constant 0 : i32
          %scatter3A_173 = arith.constant 0 : i32
          %scatter3A_174 = tpu.memref_slice %arg13[%scatter3A_171, %scatter3A_172, %scatter3A_173] : memref<1x1552x16xf32, #tpu.memory_space<vmem>> -> memref<1x1552x16xf32, #tpu.memory_space<vmem>>
          %scatter3A_175 = tpu.memref_squeeze %scatter3A_174 : memref<1x1552x16xf32, #tpu.memory_space<vmem>> -> memref<1552x16xf32, #tpu.memory_space<vmem>>
          tpu.vector_store_idx %scatter3A_175[%add3A_127, %broadcast_in_dim3A_163], %gather3A_170 : memref<1552x16xf32, #tpu.memory_space<vmem>>[vector<16xi32>, vector<16xi32>], vector<16xf32>,
          %gather3A_176 = tpu.vector_load_idx %arg17[%get3A_144, %broadcast_in_dim3A_163] : memref<100x16xf32, #tpu.memory_space<vmem>>[vector<16xi32>, vector<16xi32>], vector<16xf32>,
          %scatter3A_177 = arith.constant 0 : i32
          %scatter3A_178 = arith.constant 0 : i32
          %scatter3A_179 = arith.constant 0 : i32
          %scatter3A_180 = tpu.memref_slice %arg14[%scatter3A_177, %scatter3A_178, %scatter3A_179] : memref<1x1552x16xf32, #tpu.memory_space<vmem>> -> memref<1x1552x16xf32, #tpu.memory_space<vmem>>
          %scatter3A_181 = tpu.memref_squeeze %scatter3A_180 : memref<1x1552x16xf32, #tpu.memory_space<vmem>> -> memref<1552x16xf32, #tpu.memory_space<vmem>>
          tpu.vector_store_idx %scatter3A_181[%add3A_127, %broadcast_in_dim3A_163], %gather3A_176 : memref<1552x16xf32, #tpu.memory_space<vmem>>[vector<16xi32>, vector<16xi32>], vector<16xf32>,
          %broadcast_in_dim3A_182 = arith.constant 2 : i32
          %broadcast_in_dim3A_183 = vector.broadcast %broadcast_in_dim3A_182 : i32 to vector<16xi32>
          %gather3A_184 = tpu.vector_load_idx %arg15[%get3A_132, %broadcast_in_dim3A_183] : memref<10x16xf32, #tpu.memory_space<vmem>>[vector<16xi32>, vector<16xi32>], vector<16xf32>,
          %scatter3A_185 = arith.constant 0 : i32
          %scatter3A_186 = arith.constant 0 : i32
          %scatter3A_187 = arith.constant 0 : i32
          %scatter3A_188 = tpu.memref_slice %arg12[%scatter3A_185, %scatter3A_186, %scatter3A_187] : memref<1x1552x16xf32, #tpu.memory_space<vmem>> -> memref<1x1552x16xf32, #tpu.memory_space<vmem>>
          %scatter3A_189 = tpu.memref_squeeze %scatter3A_188 : memref<1x1552x16xf32, #tpu.memory_space<vmem>> -> memref<1552x16xf32, #tpu.memory_space<vmem>>
          tpu.vector_store_idx %scatter3A_189[%add3A_127, %broadcast_in_dim3A_183], %gather3A_184 : memref<1552x16xf32, #tpu.memory_space<vmem>>[vector<16xi32>, vector<16xi32>], vector<16xf32>,
          %gather3A_190 = tpu.vector_load_idx %arg16[%get3A_138, %broadcast_in_dim3A_183] : memref<3x16xf32, #tpu.memory_space<vmem>>[vector<16xi32>, vector<16xi32>], vector<16xf32>,
          %scatter3A_191 = arith.constant 0 : i32
          %scatter3A_192 = arith.constant 0 : i32
          %scatter3A_193 = arith.constant 0 : i32
          %scatter3A_194 = tpu.memref_slice %arg13[%scatter3A_191, %scatter3A_192, %scatter3A_193] : memref<1x1552x16xf32, #tpu.memory_space<vmem>> -> memref<1x1552x16xf32, #tpu.memory_space<vmem>>
          %scatter3A_195 = tpu.memref_squeeze %scatter3A_194 : memref<1x1552x16xf32, #tpu.memory_space<vmem>> -> memref<1552x16xf32, #tpu.memory_space<vmem>>
          tpu.vector_store_idx %scatter3A_195[%add3A_127, %broadcast_in_dim3A_183], %gather3A_190 : memref<1552x16xf32, #tpu.memory_space<vmem>>[vector<16xi32>, vector<16xi32>], vector<16xf32>,
          %gather3A_196 = tpu.vector_load_idx %arg17[%get3A_144, %broadcast_in_dim3A_183] : memref<100x16xf32, #tpu.memory_space<vmem>>[vector<16xi32>, vector<16xi32>], vector<16xf32>,
          %scatter3A_197 = arith.constant 0 : i32
          %scatter3A_198 = arith.constant 0 : i32
          %scatter3A_199 = arith.constant 0 : i32
          %scatter3A_200 = tpu.memref_slice %arg14[%scatter3A_197, %scatter3A_198, %scatter3A_199] : memref<1x1552x16xf32, #tpu.memory_space<vmem>> -> memref<1x1552x16xf32, #tpu.memory_space<vmem>>
          %scatter3A_201 = tpu.memref_squeeze %scatter3A_200 : memref<1x1552x16xf32, #tpu.memory_space<vmem>> -> memref<1552x16xf32, #tpu.memory_space<vmem>>
          tpu.vector_store_idx %scatter3A_201[%add3A_127, %broadcast_in_dim3A_183], %gather3A_196 : memref<1552x16xf32, #tpu.memory_space<vmem>>[vector<16xi32>, vector<16xi32>], vector<16xf32>,
          %broadcast_in_dim3A_202 = arith.constant 3 : i32
          %broadcast_in_dim3A_203 = vector.broadcast %broadcast_in_dim3A_202 : i32 to vector<16xi32>
          %gather3A_204 = tpu.vector_load_idx %arg15[%get3A_132, %broadcast_in_dim3A_203] : memref<10x16xf32, #tpu.memory_space<vmem>>[vector<16xi32>, vector<16xi32>], vector<16xf32>,
          %scatter3A_205 = arith.constant 0 : i32
          %scatter3A_206 = arith.constant 0 : i32
          %scatter3A_207 = arith.constant 0 : i32
          %scatter3A_208 = tpu.memref_slice %arg12[%scatter3A_205, %scatter3A_206, %scatter3A_207] : memref<1x1552x16xf32, #tpu.memory_space<vmem>> -> memref<1x1552x16xf32, #tpu.memory_space<vmem>>
          %scatter3A_209 = tpu.memref_squeeze %scatter3A_208 : memref<1x1552x16xf32, #tpu.memory_space<vmem>> -> memref<1552x16xf32, #tpu.memory_space<vmem>>
          tpu.vector_store_idx %scatter3A_209[%add3A_127, %broadcast_in_dim3A_203], %gather3A_204 : memref<1552x16xf32, #tpu.memory_space<vmem>>[vector<16xi32>, vector<16xi32>], vector<16xf32>,
          %gather3A_210 = tpu.vector_load_idx %arg16[%get3A_138, %broadcast_in_dim3A_203] : memref<3x16xf32, #tpu.memory_space<vmem>>[vector<16xi32>, vector<16xi32>], vector<16xf32>,
          %scatter3A_211 = arith.constant 0 : i32
          %scatter3A_212 = arith.constant 0 : i32
          %scatter3A_213 = arith.constant 0 : i32
          %scatter3A_214 = tpu.memref_slice %arg13[%scatter3A_211, %scatter3A_212, %scatter3A_213] : memref<1x1552x16xf32, #tpu.memory_space<vmem>> -> memref<1x1552x16xf32, #tpu.memory_space<vmem>>
          %scatter3A_215 = tpu.memref_squeeze %scatter3A_214 : memref<1x1552x16xf32, #tpu.memory_space<vmem>> -> memref<1552x16xf32, #tpu.memory_space<vmem>>
          tpu.vector_store_idx %scatter3A_215[%add3A_127, %broadcast_in_dim3A_203], %gather3A_210 : memref<1552x16xf32, #tpu.memory_space<vmem>>[vector<16xi32>, vector<16xi32>], vector<16xf32>,
          %gather3A_216 = tpu.vector_load_idx %arg17[%get3A_144, %broadcast_in_dim3A_203] : memref<100x16xf32, #tpu.memory_space<vmem>>[vector<16xi32>, vector<16xi32>], vector<16xf32>,
          %scatter3A_217 = arith.constant 0 : i32
          %scatter3A_218 = arith.constant 0 : i32
          %scatter3A_219 = arith.constant 0 : i32
          %scatter3A_220 = tpu.memref_slice %arg14[%scatter3A_217, %scatter3A_218, %scatter3A_219] : memref<1x1552x16xf32, #tpu.memory_space<vmem>> -> memref<1x1552x16xf32, #tpu.memory_space<vmem>>
          %scatter3A_221 = tpu.memref_squeeze %scatter3A_220 : memref<1x1552x16xf32, #tpu.memory_space<vmem>> -> memref<1552x16xf32, #tpu.memory_space<vmem>>
          tpu.vector_store_idx %scatter3A_221[%add3A_127, %broadcast_in_dim3A_203], %gather3A_216 : memref<1552x16xf32, #tpu.memory_space<vmem>>[vector<16xi32>, vector<16xi32>], vector<16xf32>,
          %broadcast_in_dim3A_222 = arith.constant 4 : i32
          %broadcast_in_dim3A_223 = vector.broadcast %broadcast_in_dim3A_222 : i32 to vector<16xi32>
          %gather3A_224 = tpu.vector_load_idx %arg15[%get3A_132, %broadcast_in_dim3A_223] : memref<10x16xf32, #tpu.memory_space<vmem>>[vector<16xi32>, vector<16xi32>], vector<16xf32>,
          %scatter3A_225 = arith.constant 0 : i32
          %scatter3A_226 = arith.constant 0 : i32
          %scatter3A_227 = arith.constant 0 : i32
          %scatter3A_228 = tpu.memref_slice %arg12[%scatter3A_225, %scatter3A_226, %scatter3A_227] : memref<1x1552x16xf32, #tpu.memory_space<vmem>> -> memref<1x1552x16xf32, #tpu.memory_space<vmem>>
          %scatter3A_229 = tpu.memref_squeeze %scatter3A_228 : memref<1x1552x16xf32, #tpu.memory_space<vmem>> -> memref<1552x16xf32, #tpu.memory_space<vmem>>
          tpu.vector_store_idx %scatter3A_229[%add3A_127, %broadcast_in_dim3A_223], %gather3A_224 : memref<1552x16xf32, #tpu.memory_space<vmem>>[vector<16xi32>, vector<16xi32>], vector<16xf32>,
          %gather3A_230 = tpu.vector_load_idx %arg16[%get3A_138, %broadcast_in_dim3A_223] : memref<3x16xf32, #tpu.memory_space<vmem>>[vector<16xi32>, vector<16xi32>], vector<16xf32>,
          %scatter3A_231 = arith.constant 0 : i32
          %scatter3A_232 = arith.constant 0 : i32
          %scatter3A_233 = arith.constant 0 : i32
          %scatter3A_234 = tpu.memref_slice %arg13[%scatter3A_231, %scatter3A_232, %scatter3A_233] : memref<1x1552x16xf32, #tpu.memory_space<vmem>> -> memref<1x1552x16xf32, #tpu.memory_space<vmem>>
          %scatter3A_235 = tpu.memref_squeeze %scatter3A_234 : memref<1x1552x16xf32, #tpu.memory_space<vmem>> -> memref<1552x16xf32, #tpu.memory_space<vmem>>
          tpu.vector_store_idx %scatter3A_235[%add3A_127, %broadcast_in_dim3A_223], %gather3A_230 : memref<1552x16xf32, #tpu.memory_space<vmem>>[vector<16xi32>, vector<16xi32>], vector<16xf32>,
          %gather3A_236 = tpu.vector_load_idx %arg17[%get3A_144, %broadcast_in_dim3A_223] : memref<100x16xf32, #tpu.memory_space<vmem>>[vector<16xi32>, vector<16xi32>], vector<16xf32>,
          %scatter3A_237 = arith.constant 0 : i32
          %scatter3A_238 = arith.constant 0 : i32
          %scatter3A_239 = arith.constant 0 : i32
          %scatter3A_240 = tpu.memref_slice %arg14[%scatter3A_237, %scatter3A_238, %scatter3A_239] : memref<1x1552x16xf32, #tpu.memory_space<vmem>> -> memref<1x1552x16xf32, #tpu.memory_space<vmem>>
          %scatter3A_241 = tpu.memref_squeeze %scatter3A_240 : memref<1x1552x16xf32, #tpu.memory_space<vmem>> -> memref<1552x16xf32, #tpu.memory_space<vmem>>
          tpu.vector_store_idx %scatter3A_241[%add3A_127, %broadcast_in_dim3A_223], %gather3A_236 : memref<1552x16xf32, #tpu.memory_space<vmem>>[vector<16xi32>, vector<16xi32>], vector<16xf32>,
          %broadcast_in_dim3A_242 = arith.constant 5 : i32
          %broadcast_in_dim3A_243 = vector.broadcast %broadcast_in_dim3A_242 : i32 to vector<16xi32>
          %gather3A_244 = tpu.vector_load_idx %arg15[%get3A_132, %broadcast_in_dim3A_243] : memref<10x16xf32, #tpu.memory_space<vmem>>[vector<16xi32>, vector<16xi32>], vector<16xf32>,
          %scatter3A_245 = arith.constant 0 : i32
          %scatter3A_246 = arith.constant 0 : i32
          %scatter3A_247 = arith.constant 0 : i32
          %scatter3A_248 = tpu.memref_slice %arg12[%scatter3A_245, %scatter3A_246, %scatter3A_247] : memref<1x1552x16xf32, #tpu.memory_space<vmem>> -> memref<1x1552x16xf32, #tpu.memory_space<vmem>>
          %scatter3A_249 = tpu.memref_squeeze %scatter3A_248 : memref<1x1552x16xf32, #tpu.memory_space<vmem>> -> memref<1552x16xf32, #tpu.memory_space<vmem>>
          tpu.vector_store_idx %scatter3A_249[%add3A_127, %broadcast_in_dim3A_243], %gather3A_244 : memref<1552x16xf32, #tpu.memory_space<vmem>>[vector<16xi32>, vector<16xi32>], vector<16xf32>,
          %gather3A_250 = tpu.vector_load_idx %arg16[%get3A_138, %broadcast_in_dim3A_243] : memref<3x16xf32, #tpu.memory_space<vmem>>[vector<16xi32>, vector<16xi32>], vector<16xf32>,
          %scatter3A_251 = arith.constant 0 : i32
          %scatter3A_252 = arith.constant 0 : i32
          %scatter3A_253 = arith.constant 0 : i32
          %scatter3A_254 = tpu.memref_slice %arg13[%scatter3A_251, %scatter3A_252, %scatter3A_253] : memref<1x1552x16xf32, #tpu.memory_space<vmem>> -> memref<1x1552x16xf32, #tpu.memory_space<vmem>>
          %scatter3A_255 = tpu.memref_squeeze %scatter3A_254 : memref<1x1552x16xf32, #tpu.memory_space<vmem>> -> memref<1552x16xf32, #tpu.memory_space<vmem>>
          tpu.vector_store_idx %scatter3A_255[%add3A_127, %broadcast_in_dim3A_243], %gather3A_250 : memref<1552x16xf32, #tpu.memory_space<vmem>>[vector<16xi32>, vector<16xi32>], vector<16xf32>,
          %gather3A_256 = tpu.vector_load_idx %arg17[%get3A_144, %broadcast_in_dim3A_243] : memref<100x16xf32, #tpu.memory_space<vmem>>[vector<16xi32>, vector<16xi32>], vector<16xf32>,
          %scatter3A_257 = arith.constant 0 : i32
          %scatter3A_258 = arith.constant 0 : i32
          %scatter3A_259 = arith.constant 0 : i32
          %scatter3A_260 = tpu.memref_slice %arg14[%scatter3A_257, %scatter3A_258, %scatter3A_259] : memref<1x1552x16xf32, #tpu.memory_space<vmem>> -> memref<1x1552x16xf32, #tpu.memory_space<vmem>>
          %scatter3A_261 = tpu.memref_squeeze %scatter3A_260 : memref<1x1552x16xf32, #tpu.memory_space<vmem>> -> memref<1552x16xf32, #tpu.memory_space<vmem>>
          tpu.vector_store_idx %scatter3A_261[%add3A_127, %broadcast_in_dim3A_243], %gather3A_256 : memref<1552x16xf32, #tpu.memory_space<vmem>>[vector<16xi32>, vector<16xi32>], vector<16xf32>,
          %broadcast_in_dim3A_262 = arith.constant 6 : i32
          %broadcast_in_dim3A_263 = vector.broadcast %broadcast_in_dim3A_262 : i32 to vector<16xi32>
          %gather3A_264 = tpu.vector_load_idx %arg15[%get3A_132, %broadcast_in_dim3A_263] : memref<10x16xf32, #tpu.memory_space<vmem>>[vector<16xi32>, vector<16xi32>], vector<16xf32>,
          %scatter3A_265 = arith.constant 0 : i32
          %scatter3A_266 = arith.constant 0 : i32
          %scatter3A_267 = arith.constant 0 : i32
          %scatter3A_268 = tpu.memref_slice %arg12[%scatter3A_265, %scatter3A_266, %scatter3A_267] : memref<1x1552x16xf32, #tpu.memory_space<vmem>> -> memref<1x1552x16xf32, #tpu.memory_space<vmem>>
          %scatter3A_269 = tpu.memref_squeeze %scatter3A_268 : memref<1x1552x16xf32, #tpu.memory_space<vmem>> -> memref<1552x16xf32, #tpu.memory_space<vmem>>
          tpu.vector_store_idx %scatter3A_269[%add3A_127, %broadcast_in_dim3A_263], %gather3A_264 : memref<1552x16xf32, #tpu.memory_space<vmem>>[vector<16xi32>, vector<16xi32>], vector<16xf32>,
          %gather3A_270 = tpu.vector_load_idx %arg16[%get3A_138, %broadcast_in_dim3A_263] : memref<3x16xf32, #tpu.memory_space<vmem>>[vector<16xi32>, vector<16xi32>], vector<16xf32>,
          %scatter3A_271 = arith.constant 0 : i32
          %scatter3A_272 = arith.constant 0 : i32
          %scatter3A_273 = arith.constant 0 : i32
          %scatter3A_274 = tpu.memref_slice %arg13[%scatter3A_271, %scatter3A_272, %scatter3A_273] : memref<1x1552x16xf32, #tpu.memory_space<vmem>> -> memref<1x1552x16xf32, #tpu.memory_space<vmem>>
          %scatter3A_275 = tpu.memref_squeeze %scatter3A_274 : memref<1x1552x16xf32, #tpu.memory_space<vmem>> -> memref<1552x16xf32, #tpu.memory_space<vmem>>
          tpu.vector_store_idx %scatter3A_275[%add3A_127, %broadcast_in_dim3A_263], %gather3A_270 : memref<1552x16xf32, #tpu.memory_space<vmem>>[vector<16xi32>, vector<16xi32>], vector<16xf32>,
          %gather3A_276 = tpu.vector_load_idx %arg17[%get3A_144, %broadcast_in_dim3A_263] : memref<100x16xf32, #tpu.memory_space<vmem>>[vector<16xi32>, vector<16xi32>], vector<16xf32>,
          %scatter3A_277 = arith.constant 0 : i32
          %scatter3A_278 = arith.constant 0 : i32
          %scatter3A_279 = arith.constant 0 : i32
          %scatter3A_280 = tpu.memref_slice %arg14[%scatter3A_277, %scatter3A_278, %scatter3A_279] : memref<1x1552x16xf32, #tpu.memory_space<vmem>> -> memref<1x1552x16xf32, #tpu.memory_space<vmem>>
          %scatter3A_281 = tpu.memref_squeeze %scatter3A_280 : memref<1x1552x16xf32, #tpu.memory_space<vmem>> -> memref<1552x16xf32, #tpu.memory_space<vmem>>
          tpu.vector_store_idx %scatter3A_281[%add3A_127, %broadcast_in_dim3A_263], %gather3A_276 : memref<1552x16xf32, #tpu.memory_space<vmem>>[vector<16xi32>, vector<16xi32>], vector<16xf32>,
          %broadcast_in_dim3A_282 = arith.constant 7 : i32
          %broadcast_in_dim3A_283 = vector.broadcast %broadcast_in_dim3A_282 : i32 to vector<16xi32>
          %gather3A_284 = tpu.vector_load_idx %arg15[%get3A_132, %broadcast_in_dim3A_283] : memref<10x16xf32, #tpu.memory_space<vmem>>[vector<16xi32>, vector<16xi32>], vector<16xf32>,
          %scatter3A_285 = arith.constant 0 : i32
          %scatter3A_286 = arith.constant 0 : i32
          %scatter3A_287 = arith.constant 0 : i32
          %scatter3A_288 = tpu.memref_slice %arg12[%scatter3A_285, %scatter3A_286, %scatter3A_287] : memref<1x1552x16xf32, #tpu.memory_space<vmem>> -> memref<1x1552x16xf32, #tpu.memory_space<vmem>>
          %scatter3A_289 = tpu.memref_squeeze %scatter3A_288 : memref<1x1552x16xf32, #tpu.memory_space<vmem>> -> memref<1552x16xf32, #tpu.memory_space<vmem>>
          tpu.vector_store_idx %scatter3A_289[%add3A_127, %broadcast_in_dim3A_283], %gather3A_284 : memref<1552x16xf32, #tpu.memory_space<vmem>>[vector<16xi32>, vector<16xi32>], vector<16xf32>,
          %gather3A_290 = tpu.vector_load_idx %arg16[%get3A_138, %broadcast_in_dim3A_283] : memref<3x16xf32, #tpu.memory_space<vmem>>[vector<16xi32>, vector<16xi32>], vector<16xf32>,
          %scatter3A_291 = arith.constant 0 : i32
          %scatter3A_292 = arith.constant 0 : i32
          %scatter3A_293 = arith.constant 0 : i32
          %scatter3A_294 = tpu.memref_slice %arg13[%scatter3A_291, %scatter3A_292, %scatter3A_293] : memref<1x1552x16xf32, #tpu.memory_space<vmem>> -> memref<1x1552x16xf32, #tpu.memory_space<vmem>>
          %scatter3A_295 = tpu.memref_squeeze %scatter3A_294 : memref<1x1552x16xf32, #tpu.memory_space<vmem>> -> memref<1552x16xf32, #tpu.memory_space<vmem>>
          tpu.vector_store_idx %scatter3A_295[%add3A_127, %broadcast_in_dim3A_283], %gather3A_290 : memref<1552x16xf32, #tpu.memory_space<vmem>>[vector<16xi32>, vector<16xi32>], vector<16xf32>,
          %gather3A_296 = tpu.vector_load_idx %arg17[%get3A_144, %broadcast_in_dim3A_283] : memref<100x16xf32, #tpu.memory_space<vmem>>[vector<16xi32>, vector<16xi32>], vector<16xf32>,
          %scatter3A_297 = arith.constant 0 : i32
          %scatter3A_298 = arith.constant 0 : i32
          %scatter3A_299 = arith.constant 0 : i32
          %scatter3A_300 = tpu.memref_slice %arg14[%scatter3A_297, %scatter3A_298, %scatter3A_299] : memref<1x1552x16xf32, #tpu.memory_space<vmem>> -> memref<1x1552x16xf32, #tpu.memory_space<vmem>>
          %scatter3A_301 = tpu.memref_squeeze %scatter3A_300 : memref<1x1552x16xf32, #tpu.memory_space<vmem>> -> memref<1552x16xf32, #tpu.memory_space<vmem>>
          tpu.vector_store_idx %scatter3A_301[%add3A_127, %broadcast_in_dim3A_283], %gather3A_296 : memref<1552x16xf32, #tpu.memory_space<vmem>>[vector<16xi32>, vector<16xi32>], vector<16xf32>,
          %broadcast_in_dim3A_302 = arith.constant 8 : i32
          %broadcast_in_dim3A_303 = vector.broadcast %broadcast_in_dim3A_302 : i32 to vector<16xi32>
          %gather3A_304 = tpu.vector_load_idx %arg15[%get3A_132, %broadcast_in_dim3A_303] : memref<10x16xf32, #tpu.memory_space<vmem>>[vector<16xi32>, vector<16xi32>], vector<16xf32>,
          %scatter3A_305 = arith.constant 0 : i32
          %scatter3A_306 = arith.constant 0 : i32
          %scatter3A_307 = arith.constant 0 : i32
          %scatter3A_308 = tpu.memref_slice %arg12[%scatter3A_305, %scatter3A_306, %scatter3A_307] : memref<1x1552x16xf32, #tpu.memory_space<vmem>> -> memref<1x1552x16xf32, #tpu.memory_space<vmem>>
          %scatter3A_309 = tpu.memref_squeeze %scatter3A_308 : memref<1x1552x16xf32, #tpu.memory_space<vmem>> -> memref<1552x16xf32, #tpu.memory_space<vmem>>
          tpu.vector_store_idx %scatter3A_309[%add3A_127, %broadcast_in_dim3A_303], %gather3A_304 : memref<1552x16xf32, #tpu.memory_space<vmem>>[vector<16xi32>, vector<16xi32>], vector<16xf32>,
          %gather3A_310 = tpu.vector_load_idx %arg16[%get3A_138, %broadcast_in_dim3A_303] : memref<3x16xf32, #tpu.memory_space<vmem>>[vector<16xi32>, vector<16xi32>], vector<16xf32>,
          %scatter3A_311 = arith.constant 0 : i32
          %scatter3A_312 = arith.constant 0 : i32
          %scatter3A_313 = arith.constant 0 : i32
          %scatter3A_314 = tpu.memref_slice %arg13[%scatter3A_311, %scatter3A_312, %scatter3A_313] : memref<1x1552x16xf32, #tpu.memory_space<vmem>> -> memref<1x1552x16xf32, #tpu.memory_space<vmem>>
          %scatter3A_315 = tpu.memref_squeeze %scatter3A_314 : memref<1x1552x16xf32, #tpu.memory_space<vmem>> -> memref<1552x16xf32, #tpu.memory_space<vmem>>
          tpu.vector_store_idx %scatter3A_315[%add3A_127, %broadcast_in_dim3A_303], %gather3A_310 : memref<1552x16xf32, #tpu.memory_space<vmem>>[vector<16xi32>, vector<16xi32>], vector<16xf32>,
          %gather3A_316 = tpu.vector_load_idx %arg17[%get3A_144, %broadcast_in_dim3A_303] : memref<100x16xf32, #tpu.memory_space<vmem>>[vector<16xi32>, vector<16xi32>], vector<16xf32>,
          %scatter3A_317 = arith.constant 0 : i32
          %scatter3A_318 = arith.constant 0 : i32
          %scatter3A_319 = arith.constant 0 : i32
          %scatter3A_320 = tpu.memref_slice %arg14[%scatter3A_317, %scatter3A_318, %scatter3A_319] : memref<1x1552x16xf32, #tpu.memory_space<vmem>> -> memref<1x1552x16xf32, #tpu.memory_space<vmem>>
          %scatter3A_321 = tpu.memref_squeeze %scatter3A_320 : memref<1x1552x16xf32, #tpu.memory_space<vmem>> -> memref<1552x16xf32, #tpu.memory_space<vmem>>
          tpu.vector_store_idx %scatter3A_321[%add3A_127, %broadcast_in_dim3A_303], %gather3A_316 : memref<1552x16xf32, #tpu.memory_space<vmem>>[vector<16xi32>, vector<16xi32>], vector<16xf32>,
          %broadcast_in_dim3A_322 = arith.constant 9 : i32
          %broadcast_in_dim3A_323 = vector.broadcast %broadcast_in_dim3A_322 : i32 to vector<16xi32>
          %gather3A_324 = tpu.vector_load_idx %arg15[%get3A_132, %broadcast_in_dim3A_323] : memref<10x16xf32, #tpu.memory_space<vmem>>[vector<16xi32>, vector<16xi32>], vector<16xf32>,
          %scatter3A_325 = arith.constant 0 : i32
          %scatter3A_326 = arith.constant 0 : i32
          %scatter3A_327 = arith.constant 0 : i32
          %scatter3A_328 = tpu.memref_slice %arg12[%scatter3A_325, %scatter3A_326, %scatter3A_327] : memref<1x1552x16xf32, #tpu.memory_space<vmem>> -> memref<1x1552x16xf32, #tpu.memory_space<vmem>>
          %scatter3A_329 = tpu.memref_squeeze %scatter3A_328 : memref<1x1552x16xf32, #tpu.memory_space<vmem>> -> memref<1552x16xf32, #tpu.memory_space<vmem>>
          tpu.vector_store_idx %scatter3A_329[%add3A_127, %broadcast_in_dim3A_323], %gather3A_324 : memref<1552x16xf32, #tpu.memory_space<vmem>>[vector<16xi32>, vector<16xi32>], vector<16xf32>,
          %gather3A_330 = tpu.vector_load_idx %arg16[%get3A_138, %broadcast_in_dim3A_323] : memref<3x16xf32, #tpu.memory_space<vmem>>[vector<16xi32>, vector<16xi32>], vector<16xf32>,
          %scatter3A_331 = arith.constant 0 : i32
          %scatter3A_332 = arith.constant 0 : i32
          %scatter3A_333 = arith.constant 0 : i32
          %scatter3A_334 = tpu.memref_slice %arg13[%scatter3A_331, %scatter3A_332, %scatter3A_333] : memref<1x1552x16xf32, #tpu.memory_space<vmem>> -> memref<1x1552x16xf32, #tpu.memory_space<vmem>>
          %scatter3A_335 = tpu.memref_squeeze %scatter3A_334 : memref<1x1552x16xf32, #tpu.memory_space<vmem>> -> memref<1552x16xf32, #tpu.memory_space<vmem>>
          tpu.vector_store_idx %scatter3A_335[%add3A_127, %broadcast_in_dim3A_323], %gather3A_330 : memref<1552x16xf32, #tpu.memory_space<vmem>>[vector<16xi32>, vector<16xi32>], vector<16xf32>,
          %gather3A_336 = tpu.vector_load_idx %arg17[%get3A_144, %broadcast_in_dim3A_323] : memref<100x16xf32, #tpu.memory_space<vmem>>[vector<16xi32>, vector<16xi32>], vector<16xf32>,
          %scatter3A_337 = arith.constant 0 : i32
          %scatter3A_338 = arith.constant 0 : i32
          %scatter3A_339 = arith.constant 0 : i32
          %scatter3A_340 = tpu.memref_slice %arg14[%scatter3A_337, %scatter3A_338, %scatter3A_339] : memref<1x1552x16xf32, #tpu.memory_space<vmem>> -> memref<1x1552x16xf32, #tpu.memory_space<vmem>>
          %scatter3A_341 = tpu.memref_squeeze %scatter3A_340 : memref<1x1552x16xf32, #tpu.memory_space<vmem>> -> memref<1552x16xf32, #tpu.memory_space<vmem>>
          tpu.vector_store_idx %scatter3A_341[%add3A_127, %broadcast_in_dim3A_323], %gather3A_336 : memref<1552x16xf32, #tpu.memory_space<vmem>>[vector<16xi32>, vector<16xi32>], vector<16xf32>,
          %broadcast_in_dim3A_342 = arith.constant 10 : i32
          %broadcast_in_dim3A_343 = vector.broadcast %broadcast_in_dim3A_342 : i32 to vector<16xi32>
          %gather3A_344 = tpu.vector_load_idx %arg15[%get3A_132, %broadcast_in_dim3A_343] : memref<10x16xf32, #tpu.memory_space<vmem>>[vector<16xi32>, vector<16xi32>], vector<16xf32>,
          %scatter3A_345 = arith.constant 0 : i32
          %scatter3A_346 = arith.constant 0 : i32
          %scatter3A_347 = arith.constant 0 : i32
          %scatter3A_348 = tpu.memref_slice %arg12[%scatter3A_345, %scatter3A_346, %scatter3A_347] : memref<1x1552x16xf32, #tpu.memory_space<vmem>> -> memref<1x1552x16xf32, #tpu.memory_space<vmem>>
          %scatter3A_349 = tpu.memref_squeeze %scatter3A_348 : memref<1x1552x16xf32, #tpu.memory_space<vmem>> -> memref<1552x16xf32, #tpu.memory_space<vmem>>
          tpu.vector_store_idx %scatter3A_349[%add3A_127, %broadcast_in_dim3A_343], %gather3A_344 : memref<1552x16xf32, #tpu.memory_space<vmem>>[vector<16xi32>, vector<16xi32>], vector<16xf32>,
          %gather3A_350 = tpu.vector_load_idx %arg16[%get3A_138, %broadcast_in_dim3A_343] : memref<3x16xf32, #tpu.memory_space<vmem>>[vector<16xi32>, vector<16xi32>], vector<16xf32>,
          %scatter3A_351 = arith.constant 0 : i32
          %scatter3A_352 = arith.constant 0 : i32
          %scatter3A_353 = arith.constant 0 : i32
          %scatter3A_354 = tpu.memref_slice %arg13[%scatter3A_351, %scatter3A_352, %scatter3A_353] : memref<1x1552x16xf32, #tpu.memory_space<vmem>> -> memref<1x1552x16xf32, #tpu.memory_space<vmem>>
          %scatter3A_355 = tpu.memref_squeeze %scatter3A_354 : memref<1x1552x16xf32, #tpu.memory_space<vmem>> -> memref<1552x16xf32, #tpu.memory_space<vmem>>
          tpu.vector_store_idx %scatter3A_355[%add3A_127, %broadcast_in_dim3A_343], %gather3A_350 : memref<1552x16xf32, #tpu.memory_space<vmem>>[vector<16xi32>, vector<16xi32>], vector<16xf32>,
          %gather3A_356 = tpu.vector_load_idx %arg17[%get3A_144, %broadcast_in_dim3A_343] : memref<100x16xf32, #tpu.memory_space<vmem>>[vector<16xi32>, vector<16xi32>], vector<16xf32>,
          %scatter3A_357 = arith.constant 0 : i32
          %scatter3A_358 = arith.constant 0 : i32
          %scatter3A_359 = arith.constant 0 : i32
          %scatter3A_360 = tpu.memref_slice %arg14[%scatter3A_357, %scatter3A_358, %scatter3A_359] : memref<1x1552x16xf32, #tpu.memory_space<vmem>> -> memref<1x1552x16xf32, #tpu.memory_space<vmem>>
          %scatter3A_361 = tpu.memref_squeeze %scatter3A_360 : memref<1x1552x16xf32, #tpu.memory_space<vmem>> -> memref<1552x16xf32, #tpu.memory_space<vmem>>
          tpu.vector_store_idx %scatter3A_361[%add3A_127, %broadcast_in_dim3A_343], %gather3A_356 : memref<1552x16xf32, #tpu.memory_space<vmem>>[vector<16xi32>, vector<16xi32>], vector<16xf32>,
          %broadcast_in_dim3A_362 = arith.constant 11 : i32
          %broadcast_in_dim3A_363 = vector.broadcast %broadcast_in_dim3A_362 : i32 to vector<16xi32>
          %gather3A_364 = tpu.vector_load_idx %arg15[%get3A_132, %broadcast_in_dim3A_363] : memref<10x16xf32, #tpu.memory_space<vmem>>[vector<16xi32>, vector<16xi32>], vector<16xf32>,
          %scatter3A_365 = arith.constant 0 : i32
          %scatter3A_366 = arith.constant 0 : i32
          %scatter3A_367 = arith.constant 0 : i32
          %scatter3A_368 = tpu.memref_slice %arg12[%scatter3A_365, %scatter3A_366, %scatter3A_367] : memref<1x1552x16xf32, #tpu.memory_space<vmem>> -> memref<1x1552x16xf32, #tpu.memory_space<vmem>>
          %scatter3A_369 = tpu.memref_squeeze %scatter3A_368 : memref<1x1552x16xf32, #tpu.memory_space<vmem>> -> memref<1552x16xf32, #tpu.memory_space<vmem>>
          tpu.vector_store_idx %scatter3A_369[%add3A_127, %broadcast_in_dim3A_363], %gather3A_364 : memref<1552x16xf32, #tpu.memory_space<vmem>>[vector<16xi32>, vector<16xi32>], vector<16xf32>,
          %gather3A_370 = tpu.vector_load_idx %arg16[%get3A_138, %broadcast_in_dim3A_363] : memref<3x16xf32, #tpu.memory_space<vmem>>[vector<16xi32>, vector<16xi32>], vector<16xf32>,
          %scatter3A_371 = arith.constant 0 : i32
          %scatter3A_372 = arith.constant 0 : i32
          %scatter3A_373 = arith.constant 0 : i32
          %scatter3A_374 = tpu.memref_slice %arg13[%scatter3A_371, %scatter3A_372, %scatter3A_373] : memref<1x1552x16xf32, #tpu.memory_space<vmem>> -> memref<1x1552x16xf32, #tpu.memory_space<vmem>>
          %scatter3A_375 = tpu.memref_squeeze %scatter3A_374 : memref<1x1552x16xf32, #tpu.memory_space<vmem>> -> memref<1552x16xf32, #tpu.memory_space<vmem>>
          tpu.vector_store_idx %scatter3A_375[%add3A_127, %broadcast_in_dim3A_363], %gather3A_370 : memref<1552x16xf32, #tpu.memory_space<vmem>>[vector<16xi32>, vector<16xi32>], vector<16xf32>,
          %gather3A_376 = tpu.vector_load_idx %arg17[%get3A_144, %broadcast_in_dim3A_363] : memref<100x16xf32, #tpu.memory_space<vmem>>[vector<16xi32>, vector<16xi32>], vector<16xf32>,
          %scatter3A_377 = arith.constant 0 : i32
          %scatter3A_378 = arith.constant 0 : i32
          %scatter3A_379 = arith.constant 0 : i32
          %scatter3A_380 = tpu.memref_slice %arg14[%scatter3A_377, %scatter3A_378, %scatter3A_379] : memref<1x1552x16xf32, #tpu.memory_space<vmem>> -> memref<1x1552x16xf32, #tpu.memory_space<vmem>>
          %scatter3A_381 = tpu.memref_squeeze %scatter3A_380 : memref<1x1552x16xf32, #tpu.memory_space<vmem>> -> memref<1552x16xf32, #tpu.memory_space<vmem>>
          tpu.vector_store_idx %scatter3A_381[%add3A_127, %broadcast_in_dim3A_363], %gather3A_376 : memref<1552x16xf32, #tpu.memory_space<vmem>>[vector<16xi32>, vector<16xi32>], vector<16xf32>,
          %broadcast_in_dim3A_382 = arith.constant 12 : i32
          %broadcast_in_dim3A_383 = vector.broadcast %broadcast_in_dim3A_382 : i32 to vector<16xi32>
          %gather3A_384 = tpu.vector_load_idx %arg15[%get3A_132, %broadcast_in_dim3A_383] : memref<10x16xf32, #tpu.memory_space<vmem>>[vector<16xi32>, vector<16xi32>], vector<16xf32>,
          %scatter3A_385 = arith.constant 0 : i32
          %scatter3A_386 = arith.constant 0 : i32
          %scatter3A_387 = arith.constant 0 : i32
          %scatter3A_388 = tpu.memref_slice %arg12[%scatter3A_385, %scatter3A_386, %scatter3A_387] : memref<1x1552x16xf32, #tpu.memory_space<vmem>> -> memref<1x1552x16xf32, #tpu.memory_space<vmem>>
          %scatter3A_389 = tpu.memref_squeeze %scatter3A_388 : memref<1x1552x16xf32, #tpu.memory_space<vmem>> -> memref<1552x16xf32, #tpu.memory_space<vmem>>
          tpu.vector_store_idx %scatter3A_389[%add3A_127, %broadcast_in_dim3A_383], %gather3A_384 : memref<1552x16xf32, #tpu.memory_space<vmem>>[vector<16xi32>, vector<16xi32>], vector<16xf32>,
          %gather3A_390 = tpu.vector_load_idx %arg16[%get3A_138, %broadcast_in_dim3A_383] : memref<3x16xf32, #tpu.memory_space<vmem>>[vector<16xi32>, vector<16xi32>], vector<16xf32>,
          %scatter3A_391 = arith.constant 0 : i32
          %scatter3A_392 = arith.constant 0 : i32
          %scatter3A_393 = arith.constant 0 : i32
          %scatter3A_394 = tpu.memref_slice %arg13[%scatter3A_391, %scatter3A_392, %scatter3A_393] : memref<1x1552x16xf32, #tpu.memory_space<vmem>> -> memref<1x1552x16xf32, #tpu.memory_space<vmem>>
          %scatter3A_395 = tpu.memref_squeeze %scatter3A_394 : memref<1x1552x16xf32, #tpu.memory_space<vmem>> -> memref<1552x16xf32, #tpu.memory_space<vmem>>
          tpu.vector_store_idx %scatter3A_395[%add3A_127, %broadcast_in_dim3A_383], %gather3A_390 : memref<1552x16xf32, #tpu.memory_space<vmem>>[vector<16xi32>, vector<16xi32>], vector<16xf32>,
          %gather3A_396 = tpu.vector_load_idx %arg17[%get3A_144, %broadcast_in_dim3A_383] : memref<100x16xf32, #tpu.memory_space<vmem>>[vector<16xi32>, vector<16xi32>], vector<16xf32>,
          %scatter3A_397 = arith.constant 0 : i32
          %scatter3A_398 = arith.constant 0 : i32
          %scatter3A_399 = arith.constant 0 : i32
          %scatter3A_400 = tpu.memref_slice %arg14[%scatter3A_397, %scatter3A_398, %scatter3A_399] : memref<1x1552x16xf32, #tpu.memory_space<vmem>> -> memref<1x1552x16xf32, #tpu.memory_space<vmem>>
          %scatter3A_401 = tpu.memref_squeeze %scatter3A_400 : memref<1x1552x16xf32, #tpu.memory_space<vmem>> -> memref<1552x16xf32, #tpu.memory_space<vmem>>
          tpu.vector_store_idx %scatter3A_401[%add3A_127, %broadcast_in_dim3A_383], %gather3A_396 : memref<1552x16xf32, #tpu.memory_space<vmem>>[vector<16xi32>, vector<16xi32>], vector<16xf32>,
          %broadcast_in_dim3A_402 = arith.constant 13 : i32
          %broadcast_in_dim3A_403 = vector.broadcast %broadcast_in_dim3A_402 : i32 to vector<16xi32>
          %gather3A_404 = tpu.vector_load_idx %arg15[%get3A_132, %broadcast_in_dim3A_403] : memref<10x16xf32, #tpu.memory_space<vmem>>[vector<16xi32>, vector<16xi32>], vector<16xf32>,
          %scatter3A_405 = arith.constant 0 : i32
          %scatter3A_406 = arith.constant 0 : i32
          %scatter3A_407 = arith.constant 0 : i32
          %scatter3A_408 = tpu.memref_slice %arg12[%scatter3A_405, %scatter3A_406, %scatter3A_407] : memref<1x1552x16xf32, #tpu.memory_space<vmem>> -> memref<1x1552x16xf32, #tpu.memory_space<vmem>>
          %scatter3A_409 = tpu.memref_squeeze %scatter3A_408 : memref<1x1552x16xf32, #tpu.memory_space<vmem>> -> memref<1552x16xf32, #tpu.memory_space<vmem>>
          tpu.vector_store_idx %scatter3A_409[%add3A_127, %broadcast_in_dim3A_403], %gather3A_404 : memref<1552x16xf32, #tpu.memory_space<vmem>>[vector<16xi32>, vector<16xi32>], vector<16xf32>,
          %gather3A_410 = tpu.vector_load_idx %arg16[%get3A_138, %broadcast_in_dim3A_403] : memref<3x16xf32, #tpu.memory_space<vmem>>[vector<16xi32>, vector<16xi32>], vector<16xf32>,
          %scatter3A_411 = arith.constant 0 : i32
          %scatter3A_412 = arith.constant 0 : i32
          %scatter3A_413 = arith.constant 0 : i32
          %scatter3A_414 = tpu.memref_slice %arg13[%scatter3A_411, %scatter3A_412, %scatter3A_413] : memref<1x1552x16xf32, #tpu.memory_space<vmem>> -> memref<1x1552x16xf32, #tpu.memory_space<vmem>>
          %scatter3A_415 = tpu.memref_squeeze %scatter3A_414 : memref<1x1552x16xf32, #tpu.memory_space<vmem>> -> memref<1552x16xf32, #tpu.memory_space<vmem>>
          tpu.vector_store_idx %scatter3A_415[%add3A_127, %broadcast_in_dim3A_403], %gather3A_410 : memref<1552x16xf32, #tpu.memory_space<vmem>>[vector<16xi32>, vector<16xi32>], vector<16xf32>,
          %gather3A_416 = tpu.vector_load_idx %arg17[%get3A_144, %broadcast_in_dim3A_403] : memref<100x16xf32, #tpu.memory_space<vmem>>[vector<16xi32>, vector<16xi32>], vector<16xf32>,
          %scatter3A_417 = arith.constant 0 : i32
          %scatter3A_418 = arith.constant 0 : i32
          %scatter3A_419 = arith.constant 0 : i32
          %scatter3A_420 = tpu.memref_slice %arg14[%scatter3A_417, %scatter3A_418, %scatter3A_419] : memref<1x1552x16xf32, #tpu.memory_space<vmem>> -> memref<1x1552x16xf32, #tpu.memory_space<vmem>>
          %scatter3A_421 = tpu.memref_squeeze %scatter3A_420 : memref<1x1552x16xf32, #tpu.memory_space<vmem>> -> memref<1552x16xf32, #tpu.memory_space<vmem>>
          tpu.vector_store_idx %scatter3A_421[%add3A_127, %broadcast_in_dim3A_403], %gather3A_416 : memref<1552x16xf32, #tpu.memory_space<vmem>>[vector<16xi32>, vector<16xi32>], vector<16xf32>,
          %broadcast_in_dim3A_422 = arith.constant 14 : i32
          %broadcast_in_dim3A_423 = vector.broadcast %broadcast_in_dim3A_422 : i32 to vector<16xi32>
          %gather3A_424 = tpu.vector_load_idx %arg15[%get3A_132, %broadcast_in_dim3A_423] : memref<10x16xf32, #tpu.memory_space<vmem>>[vector<16xi32>, vector<16xi32>], vector<16xf32>,
          %scatter3A_425 = arith.constant 0 : i32
          %scatter3A_426 = arith.constant 0 : i32
          %scatter3A_427 = arith.constant 0 : i32
          %scatter3A_428 = tpu.memref_slice %arg12[%scatter3A_425, %scatter3A_426, %scatter3A_427] : memref<1x1552x16xf32, #tpu.memory_space<vmem>> -> memref<1x1552x16xf32, #tpu.memory_space<vmem>>
          %scatter3A_429 = tpu.memref_squeeze %scatter3A_428 : memref<1x1552x16xf32, #tpu.memory_space<vmem>> -> memref<1552x16xf32, #tpu.memory_space<vmem>>
          tpu.vector_store_idx %scatter3A_429[%add3A_127, %broadcast_in_dim3A_423], %gather3A_424 : memref<1552x16xf32, #tpu.memory_space<vmem>>[vector<16xi32>, vector<16xi32>], vector<16xf32>,
          %gather3A_430 = tpu.vector_load_idx %arg16[%get3A_138, %broadcast_in_dim3A_423] : memref<3x16xf32, #tpu.memory_space<vmem>>[vector<16xi32>, vector<16xi32>], vector<16xf32>,
          %scatter3A_431 = arith.constant 0 : i32
          %scatter3A_432 = arith.constant 0 : i32
          %scatter3A_433 = arith.constant 0 : i32
          %scatter3A_434 = tpu.memref_slice %arg13[%scatter3A_431, %scatter3A_432, %scatter3A_433] : memref<1x1552x16xf32, #tpu.memory_space<vmem>> -> memref<1x1552x16xf32, #tpu.memory_space<vmem>>
          %scatter3A_435 = tpu.memref_squeeze %scatter3A_434 : memref<1x1552x16xf32, #tpu.memory_space<vmem>> -> memref<1552x16xf32, #tpu.memory_space<vmem>>
          tpu.vector_store_idx %scatter3A_435[%add3A_127, %broadcast_in_dim3A_423], %gather3A_430 : memref<1552x16xf32, #tpu.memory_space<vmem>>[vector<16xi32>, vector<16xi32>], vector<16xf32>,
          %gather3A_436 = tpu.vector_load_idx %arg17[%get3A_144, %broadcast_in_dim3A_423] : memref<100x16xf32, #tpu.memory_space<vmem>>[vector<16xi32>, vector<16xi32>], vector<16xf32>,
          %scatter3A_437 = arith.constant 0 : i32
          %scatter3A_438 = arith.constant 0 : i32
          %scatter3A_439 = arith.constant 0 : i32
          %scatter3A_440 = tpu.memref_slice %arg14[%scatter3A_437, %scatter3A_438, %scatter3A_439] : memref<1x1552x16xf32, #tpu.memory_space<vmem>> -> memref<1x1552x16xf32, #tpu.memory_space<vmem>>
          %scatter3A_441 = tpu.memref_squeeze %scatter3A_440 : memref<1x1552x16xf32, #tpu.memory_space<vmem>> -> memref<1552x16xf32, #tpu.memory_space<vmem>>
          tpu.vector_store_idx %scatter3A_441[%add3A_127, %broadcast_in_dim3A_423], %gather3A_436 : memref<1552x16xf32, #tpu.memory_space<vmem>>[vector<16xi32>, vector<16xi32>], vector<16xf32>,
          %broadcast_in_dim3A_442 = arith.constant 15 : i32
          %broadcast_in_dim3A_443 = vector.broadcast %broadcast_in_dim3A_442 : i32 to vector<16xi32>
          %gather3A_444 = tpu.vector_load_idx %arg15[%get3A_132, %broadcast_in_dim3A_443] : memref<10x16xf32, #tpu.memory_space<vmem>>[vector<16xi32>, vector<16xi32>], vector<16xf32>,
          %scatter3A_445 = arith.constant 0 : i32
          %scatter3A_446 = arith.constant 0 : i32
          %scatter3A_447 = arith.constant 0 : i32
          %scatter3A_448 = tpu.memref_slice %arg12[%scatter3A_445, %scatter3A_446, %scatter3A_447] : memref<1x1552x16xf32, #tpu.memory_space<vmem>> -> memref<1x1552x16xf32, #tpu.memory_space<vmem>>
          %scatter3A_449 = tpu.memref_squeeze %scatter3A_448 : memref<1x1552x16xf32, #tpu.memory_space<vmem>> -> memref<1552x16xf32, #tpu.memory_space<vmem>>
          tpu.vector_store_idx %scatter3A_449[%add3A_127, %broadcast_in_dim3A_443], %gather3A_444 : memref<1552x16xf32, #tpu.memory_space<vmem>>[vector<16xi32>, vector<16xi32>], vector<16xf32>,
          %gather3A_450 = tpu.vector_load_idx %arg16[%get3A_138, %broadcast_in_dim3A_443] : memref<3x16xf32, #tpu.memory_space<vmem>>[vector<16xi32>, vector<16xi32>], vector<16xf32>,
          %scatter3A_451 = arith.constant 0 : i32
          %scatter3A_452 = arith.constant 0 : i32
          %scatter3A_453 = arith.constant 0 : i32
          %scatter3A_454 = tpu.memref_slice %arg13[%scatter3A_451, %scatter3A_452, %scatter3A_453] : memref<1x1552x16xf32, #tpu.memory_space<vmem>> -> memref<1x1552x16xf32, #tpu.memory_space<vmem>>
          %scatter3A_455 = tpu.memref_squeeze %scatter3A_454 : memref<1x1552x16xf32, #tpu.memory_space<vmem>> -> memref<1552x16xf32, #tpu.memory_space<vmem>>
          tpu.vector_store_idx %scatter3A_455[%add3A_127, %broadcast_in_dim3A_443], %gather3A_450 : memref<1552x16xf32, #tpu.memory_space<vmem>>[vector<16xi32>, vector<16xi32>], vector<16xf32>,
          %gather3A_456 = tpu.vector_load_idx %arg17[%get3A_144, %broadcast_in_dim3A_443] : memref<100x16xf32, #tpu.memory_space<vmem>>[vector<16xi32>, vector<16xi32>], vector<16xf32>,
          %scatter3A_457 = arith.constant 0 : i32
          %scatter3A_458 = arith.constant 0 : i32
          %scatter3A_459 = arith.constant 0 : i32
          %scatter3A_460 = tpu.memref_slice %arg14[%scatter3A_457, %scatter3A_458, %scatter3A_459] : memref<1x1552x16xf32, #tpu.memory_space<vmem>> -> memref<1x1552x16xf32, #tpu.memory_space<vmem>>
          %scatter3A_461 = tpu.memref_squeeze %scatter3A_460 : memref<1x1552x16xf32, #tpu.memory_space<vmem>> -> memref<1552x16xf32, #tpu.memory_space<vmem>>
          tpu.vector_store_idx %scatter3A_461[%add3A_127, %broadcast_in_dim3A_443], %gather3A_456 : memref<1552x16xf32, #tpu.memory_space<vmem>>[vector<16xi32>, vector<16xi32>], vector<16xf32>,
        }
        %scan3A_76 = arith.constant 97 : i32
        %add3A_77 = arith.constant 0 : i32
        %add3A_78 = arith.addi %add3A_20, %add3A_77 : i32
        %mul3A_79 = arith.constant 1552 : i32
        %mul3A_80 = arith.muli %add3A_78, %mul3A_79 : i32
        %dma_start3A = arith.constant 0 : i32
        %dma_start3A_81 = arith.constant 0 : i32
        %dma_start3A_82 = arith.constant 0 : i32
        %dma_start3A_83 = tpu.memref_slice %arg12[%dma_start3A, %dma_start3A_81, %dma_start3A_82] : memref<1x1552x16xf32, #tpu.memory_space<vmem>> -> memref<1x1552x16xf32, #tpu.memory_space<vmem>>
        %dma_start3A_84 = tpu.memref_squeeze %dma_start3A_83 : memref<1x1552x16xf32, #tpu.memory_space<vmem>> -> memref<1552x16xf32, #tpu.memory_space<vmem>>
        %dma_start3A_85 = arith.constant 0 : i32
        %dma_start3A_86 = tpu.memref_slice %arg8[%mul3A_80, %dma_start3A_85] : memref<50000x128xf32, #tpu.memory_space<hbm>> -> memref<1552x16xf32, #tpu.memory_space<hbm>>
        %dma_start3A_87 = arith.constant 0 : i32
        %dma_start3A_88 = tpu.memref_slice %arg8[%mul3A_80, %dma_start3A_87] : memref<50000x128xf32, #tpu.memory_space<hbm>> -> memref<1552x16xf32, #tpu.memory_space<hbm>>
        %dma_start3A_89 = arith.constant 0 : i32
        %dma_start3A_90 = arith.constant 0 : i32
        %dma_start3A_91 = tpu.memref_slice %arg12[%dma_start3A, %dma_start3A_89, %dma_start3A_90] : memref<1x1552x16xf32, #tpu.memory_space<vmem>> -> memref<1x1552x16xf32, #tpu.memory_space<vmem>>
        %dma_start3A_92 = tpu.memref_squeeze %dma_start3A_91 : memref<1x1552x16xf32, #tpu.memory_space<vmem>> -> memref<1552x16xf32, #tpu.memory_space<vmem>>
        tpu.enqueue_dma source(%dma_start3A_92 : memref<1552x16xf32, #tpu.memory_space<vmem>>) target(%dma_start3A_88 : memref<1552x16xf32, #tpu.memory_space<hbm>>) target_semaphore(%arg19 : memref<!tpu.dma_semaphore, #tpu.memory_space<semaphore_mem>>)
        %dma_start3A_93 = arith.constant 0 : i32
        %dma_start3A_94 = arith.constant 0 : i32
        %dma_start3A_95 = arith.constant 0 : i32
        %dma_start3A_96 = tpu.memref_slice %arg13[%dma_start3A_93, %dma_start3A_94, %dma_start3A_95] : memref<1x1552x16xf32, #tpu.memory_space<vmem>> -> memref<1x1552x16xf32, #tpu.memory_space<vmem>>
        %dma_start3A_97 = tpu.memref_squeeze %dma_start3A_96 : memref<1x1552x16xf32, #tpu.memory_space<vmem>> -> memref<1552x16xf32, #tpu.memory_space<vmem>>
        %dma_start3A_98 = arith.constant 16 : i32
        %dma_start3A_99 = tpu.memref_slice %arg8[%mul3A_80, %dma_start3A_98] : memref<50000x128xf32, #tpu.memory_space<hbm>> -> memref<1552x16xf32, #tpu.memory_space<hbm>>
        %dma_start3A_100 = arith.constant 16 : i32
        %dma_start3A_101 = tpu.memref_slice %arg8[%mul3A_80, %dma_start3A_100] : memref<50000x128xf32, #tpu.memory_space<hbm>> -> memref<1552x16xf32, #tpu.memory_space<hbm>>
        %dma_start3A_102 = arith.constant 0 : i32
        %dma_start3A_103 = arith.constant 0 : i32
        %dma_start3A_104 = tpu.memref_slice %arg13[%dma_start3A_93, %dma_start3A_102, %dma_start3A_103] : memref<1x1552x16xf32, #tpu.memory_space<vmem>> -> memref<1x1552x16xf32, #tpu.memory_space<vmem>>
        %dma_start3A_105 = tpu.memref_squeeze %dma_start3A_104 : memref<1x1552x16xf32, #tpu.memory_space<vmem>> -> memref<1552x16xf32, #tpu.memory_space<vmem>>
        tpu.enqueue_dma source(%dma_start3A_105 : memref<1552x16xf32, #tpu.memory_space<vmem>>) target(%dma_start3A_101 : memref<1552x16xf32, #tpu.memory_space<hbm>>) target_semaphore(%arg19 : memref<!tpu.dma_semaphore, #tpu.memory_space<semaphore_mem>>)
        %dma_start3A_106 = arith.constant 0 : i32
        %dma_start3A_107 = arith.constant 0 : i32
        %dma_start3A_108 = arith.constant 0 : i32
        %dma_start3A_109 = tpu.memref_slice %arg14[%dma_start3A_106, %dma_start3A_107, %dma_start3A_108] : memref<1x1552x16xf32, #tpu.memory_space<vmem>> -> memref<1x1552x16xf32, #tpu.memory_space<vmem>>
        %dma_start3A_110 = tpu.memref_squeeze %dma_start3A_109 : memref<1x1552x16xf32, #tpu.memory_space<vmem>> -> memref<1552x16xf32, #tpu.memory_space<vmem>>
        %dma_start3A_111 = arith.constant 32 : i32
        %dma_start3A_112 = tpu.memref_slice %arg8[%mul3A_80, %dma_start3A_111] : memref<50000x128xf32, #tpu.memory_space<hbm>> -> memref<1552x16xf32, #tpu.memory_space<hbm>>
        %dma_start3A_113 = arith.constant 32 : i32
        %dma_start3A_114 = tpu.memref_slice %arg8[%mul3A_80, %dma_start3A_113] : memref<50000x128xf32, #tpu.memory_space<hbm>> -> memref<1552x16xf32, #tpu.memory_space<hbm>>
        %dma_start3A_115 = arith.constant 0 : i32
        %dma_start3A_116 = arith.constant 0 : i32
        %dma_start3A_117 = tpu.memref_slice %arg14[%dma_start3A_106, %dma_start3A_115, %dma_start3A_116] : memref<1x1552x16xf32, #tpu.memory_space<vmem>> -> memref<1x1552x16xf32, #tpu.memory_space<vmem>>
        %dma_start3A_118 = tpu.memref_squeeze %dma_start3A_117 : memref<1x1552x16xf32, #tpu.memory_space<vmem>> -> memref<1552x16xf32, #tpu.memory_space<vmem>>
        tpu.enqueue_dma source(%dma_start3A_118 : memref<1552x16xf32, #tpu.memory_space<vmem>>) target(%dma_start3A_114 : memref<1552x16xf32, #tpu.memory_space<hbm>>) target_semaphore(%arg19 : memref<!tpu.dma_semaphore, #tpu.memory_space<semaphore_mem>>)
      } else {
      }
      %add3A_34 = arith.constant 0 : i32
      %add3A_35 = arith.addi %add3A_20, %add3A_34 : i32
      %lt3A_36 = arith.constant 32 : i32
      %lt3A_37 = arith.cmpi slt, %add3A_35, %lt3A_36 : i32
      %convert_element_type3A_38 = arith.extui %lt3A_37 : i1 to i32
      %cond3A_39 = arith.constant 0 : i32
      %cond3A_40 = arith.cmpi ne, %convert_element_type3A_38, %cond3A_39 : i32
      scf.if %cond3A_40 {
        %dma_wait3A = arith.constant 0 : i32
        %dma_wait3A_41 = arith.constant 0 : i32
        %dma_wait3A_42 = arith.constant 0 : i32
        %dma_wait3A_43 = tpu.memref_slice %arg12[%dma_wait3A, %dma_wait3A_41, %dma_wait3A_42] : memref<1x1552x16xf32, #tpu.memory_space<vmem>> -> memref<1x1552x16xf32, #tpu.memory_space<vmem>>
        %dma_wait3A_44 = tpu.memref_squeeze %dma_wait3A_43 : memref<1x1552x16xf32, #tpu.memory_space<vmem>> -> memref<1552x16xf32, #tpu.memory_space<vmem>>
        %dma_wait3A_45 = arith.constant 0 : i32
        %dma_wait3A_46 = arith.constant 0 : i32
        %dma_wait3A_47 = tpu.memref_slice %arg8[%dma_wait3A_45, %dma_wait3A_46] : memref<50000x128xf32, #tpu.memory_space<hbm>> -> memref<1552x16xf32, #tpu.memory_space<hbm>>
        %dma_wait3A_48 = arith.constant 0 : i32
        %dma_wait3A_49 = arith.constant 0 : i32
        %dma_wait3A_50 = tpu.memref_slice %arg8[%dma_wait3A_48, %dma_wait3A_49] : memref<50000x128xf32, #tpu.memory_space<hbm>> -> memref<1552x16xf32, #tpu.memory_space<hbm>>
        %dma_wait3A_51 = arith.constant 0 : i32
        %dma_wait3A_52 = arith.constant 0 : i32
        %dma_wait3A_53 = tpu.memref_slice %arg12[%dma_wait3A, %dma_wait3A_51, %dma_wait3A_52] : memref<1x1552x16xf32, #tpu.memory_space<vmem>> -> memref<1x1552x16xf32, #tpu.memory_space<vmem>>
        %dma_wait3A_54 = tpu.memref_squeeze %dma_wait3A_53 : memref<1x1552x16xf32, #tpu.memory_space<vmem>> -> memref<1552x16xf32, #tpu.memory_space<vmem>>
        tpu.wait_dma2 semaphore(%arg19 : memref<!tpu.dma_semaphore, #tpu.memory_space<semaphore_mem>>) src(%dma_wait3A_54 : memref<1552x16xf32, #tpu.memory_space<vmem>>) dst(%dma_wait3A_50 : memref<1552x16xf32, #tpu.memory_space<hbm>>)
        %dma_wait3A_55 = arith.constant 0 : i32
        %dma_wait3A_56 = arith.constant 0 : i32
        %dma_wait3A_57 = arith.constant 0 : i32
        %dma_wait3A_58 = tpu.memref_slice %arg13[%dma_wait3A_55, %dma_wait3A_56, %dma_wait3A_57] : memref<1x1552x16xf32, #tpu.memory_space<vmem>> -> memref<1x1552x16xf32, #tpu.memory_space<vmem>>
        %dma_wait3A_59 = tpu.memref_squeeze %dma_wait3A_58 : memref<1x1552x16xf32, #tpu.memory_space<vmem>> -> memref<1552x16xf32, #tpu.memory_space<vmem>>
        %dma_wait3A_60 = arith.constant 0 : i32
        %dma_wait3A_61 = arith.constant 16 : i32
        %dma_wait3A_62 = tpu.memref_slice %arg8[%dma_wait3A_60, %dma_wait3A_61] : memref<50000x128xf32, #tpu.memory_space<hbm>> -> memref<1552x16xf32, #tpu.memory_space<hbm>>
        %dma_wait3A_63 = arith.constant 0 : i32
        %dma_wait3A_64 = arith.constant 16 : i32
        %dma_wait3A_65 = tpu.memref_slice %arg8[%dma_wait3A_63, %dma_wait3A_64] : memref<50000x128xf32, #tpu.memory_space<hbm>> -> memref<1552x16xf32, #tpu.memory_space<hbm>>
        %dma_wait3A_66 = arith.constant 0 : i32
        %dma_wait3A_67 = arith.constant 0 : i32
        %dma_wait3A_68 = tpu.memref_slice %arg13[%dma_wait3A_55, %dma_wait3A_66, %dma_wait3A_67] : memref<1x1552x16xf32, #tpu.memory_space<vmem>> -> memref<1x1552x16xf32, #tpu.memory_space<vmem>>
        %dma_wait3A_69 = tpu.memref_squeeze %dma_wait3A_68 : memref<1x1552x16xf32, #tpu.memory_space<vmem>> -> memref<1552x16xf32, #tpu.memory_space<vmem>>
        tpu.wait_dma2 semaphore(%arg19 : memref<!tpu.dma_semaphore, #tpu.memory_space<semaphore_mem>>) src(%dma_wait3A_69 : memref<1552x16xf32, #tpu.memory_space<vmem>>) dst(%dma_wait3A_65 : memref<1552x16xf32, #tpu.memory_space<hbm>>)
        %dma_wait3A_70 = arith.constant 0 : i32
        %dma_wait3A_71 = arith.constant 0 : i32
        %dma_wait3A_72 = arith.constant 0 : i32
        %dma_wait3A_73 = tpu.memref_slice %arg14[%dma_wait3A_70, %dma_wait3A_71, %dma_wait3A_72] : memref<1x1552x16xf32, #tpu.memory_space<vmem>> -> memref<1x1552x16xf32, #tpu.memory_space<vmem>>
        %dma_wait3A_74 = tpu.memref_squeeze %dma_wait3A_73 : memref<1x1552x16xf32, #tpu.memory_space<vmem>> -> memref<1552x16xf32, #tpu.memory_space<vmem>>
        %dma_wait3A_75 = arith.constant 0 : i32
        %dma_wait3A_76 = arith.constant 32 : i32
        %dma_wait3A_77 = tpu.memref_slice %arg8[%dma_wait3A_75, %dma_wait3A_76] : memref<50000x128xf32, #tpu.memory_space<hbm>> -> memref<1552x16xf32, #tpu.memory_space<hbm>>
        %dma_wait3A_78 = arith.constant 0 : i32
        %dma_wait3A_79 = arith.constant 32 : i32
        %dma_wait3A_80 = tpu.memref_slice %arg8[%dma_wait3A_78, %dma_wait3A_79] : memref<50000x128xf32, #tpu.memory_space<hbm>> -> memref<1552x16xf32, #tpu.memory_space<hbm>>
        %dma_wait3A_81 = arith.constant 0 : i32
        %dma_wait3A_82 = arith.constant 0 : i32
        %dma_wait3A_83 = tpu.memref_slice %arg14[%dma_wait3A_70, %dma_wait3A_81, %dma_wait3A_82] : memref<1x1552x16xf32, #tpu.memory_space<vmem>> -> memref<1x1552x16xf32, #tpu.memory_space<vmem>>
        %dma_wait3A_84 = tpu.memref_squeeze %dma_wait3A_83 : memref<1x1552x16xf32, #tpu.memory_space<vmem>> -> memref<1552x16xf32, #tpu.memory_space<vmem>>
        tpu.wait_dma2 semaphore(%arg19 : memref<!tpu.dma_semaphore, #tpu.memory_space<semaphore_mem>>) src(%dma_wait3A_84 : memref<1552x16xf32, #tpu.memory_space<vmem>>) dst(%dma_wait3A_80 : memref<1552x16xf32, #tpu.memory_space<hbm>>)
      } else {
      }
    }
    %while3A_15 = arith.constant 1 : i32
    scf.for %while3A_18 = %while3A_13 to %while3A_9 step %while3A_15  : i32 {
      %mul3A_19 = arith.muli %while3A_18, %while3A : i32
      %add3A_20 = arith.addi %add3A, %mul3A_19 : i32
      %add3A_21 = arith.constant 0 : i32
      %add3A_22 = arith.addi %add3A_20, %add3A_21 : i32
      %lt3A = arith.constant 32 : i32
      %lt3A_23 = arith.cmpi slt, %add3A_22, %lt3A : i32
      %convert_element_type3A_24 = arith.extui %lt3A_23 : i1 to i32
      %cond3A_25 = arith.constant 0 : i32
      %cond3A_26 = arith.cmpi ne, %convert_element_type3A_24, %cond3A_25 : i32
      scf.if %cond3A_26 {
        %add3A_41 = arith.constant 0 : i32
        %add3A_42 = arith.addi %add3A_20, %add3A_41 : i32
        %mul3A_43 = arith.constant 1552 : i32
        %mul3A_44 = arith.muli %add3A_42, %mul3A_43 : i32
        %dma_start3A = arith.constant 0 : i32
        %dma_start3A_45 = arith.constant 0 : i32
        %dma_start3A_46 = tpu.memref_slice %arg9[%dma_start3A, %dma_start3A_45] : memref<1x1552xi32, #tpu.memory_space<vmem>> -> memref<1x1552xi32, #tpu.memory_space<vmem>>
        %dma_start3A_47 = tpu.memref_squeeze %dma_start3A_46 : memref<1x1552xi32, #tpu.memory_space<vmem>> -> memref<1552xi32, #tpu.memory_space<vmem>>
        %dma_start3A_48 = tpu.memref_slice %arg2[%mul3A_44] : memref<50000xi32, #tpu.memory_space<hbm>> -> memref<1552xi32, #tpu.memory_space<hbm>>
        %dma_start3A_49 = arith.constant 0 : i32
        %dma_start3A_50 = tpu.memref_slice %arg9[%dma_start3A, %dma_start3A_49] : memref<1x1552xi32, #tpu.memory_space<vmem>> -> memref<1x1552xi32, #tpu.memory_space<vmem>>
        %dma_start3A_51 = tpu.memref_squeeze %dma_start3A_50 : memref<1x1552xi32, #tpu.memory_space<vmem>> -> memref<1552xi32, #tpu.memory_space<vmem>>
        %dma_start3A_52 = tpu.memref_slice %arg2[%mul3A_44] : memref<50000xi32, #tpu.memory_space<hbm>> -> memref<1552xi32, #tpu.memory_space<hbm>>
        tpu.enqueue_dma source(%dma_start3A_52 : memref<1552xi32, #tpu.memory_space<hbm>>) target(%dma_start3A_51 : memref<1552xi32, #tpu.memory_space<vmem>>) target_semaphore(%arg18 : memref<!tpu.dma_semaphore, #tpu.memory_space<semaphore_mem>>)
        %dma_start3A_53 = arith.constant 0 : i32
        %dma_start3A_54 = arith.constant 0 : i32
        %dma_start3A_55 = tpu.memref_slice %arg10[%dma_start3A_53, %dma_start3A_54] : memref<1x1552xi32, #tpu.memory_space<vmem>> -> memref<1x1552xi32, #tpu.memory_space<vmem>>
        %dma_start3A_56 = tpu.memref_squeeze %dma_start3A_55 : memref<1x1552xi32, #tpu.memory_space<vmem>> -> memref<1552xi32, #tpu.memory_space<vmem>>
        %dma_start3A_57 = tpu.memref_slice %arg3[%mul3A_44] : memref<50000xi32, #tpu.memory_space<hbm>> -> memref<1552xi32, #tpu.memory_space<hbm>>
        %dma_start3A_58 = arith.constant 0 : i32
        %dma_start3A_59 = tpu.memref_slice %arg10[%dma_start3A_53, %dma_start3A_58] : memref<1x1552xi32, #tpu.memory_space<vmem>> -> memref<1x1552xi32, #tpu.memory_space<vmem>>
        %dma_start3A_60 = tpu.memref_squeeze %dma_start3A_59 : memref<1x1552xi32, #tpu.memory_space<vmem>> -> memref<1552xi32, #tpu.memory_space<vmem>>
        %dma_start3A_61 = tpu.memref_slice %arg3[%mul3A_44] : memref<50000xi32, #tpu.memory_space<hbm>> -> memref<1552xi32, #tpu.memory_space<hbm>>
        tpu.enqueue_dma source(%dma_start3A_61 : memref<1552xi32, #tpu.memory_space<hbm>>) target(%dma_start3A_60 : memref<1552xi32, #tpu.memory_space<vmem>>) target_semaphore(%arg18 : memref<!tpu.dma_semaphore, #tpu.memory_space<semaphore_mem>>)
        %dma_start3A_62 = arith.constant 0 : i32
        %dma_start3A_63 = arith.constant 0 : i32
        %dma_start3A_64 = tpu.memref_slice %arg11[%dma_start3A_62, %dma_start3A_63] : memref<1x1552xi32, #tpu.memory_space<vmem>> -> memref<1x1552xi32, #tpu.memory_space<vmem>>
        %dma_start3A_65 = tpu.memref_squeeze %dma_start3A_64 : memref<1x1552xi32, #tpu.memory_space<vmem>> -> memref<1552xi32, #tpu.memory_space<vmem>>
        %dma_start3A_66 = tpu.memref_slice %arg4[%mul3A_44] : memref<50000xi32, #tpu.memory_space<hbm>> -> memref<1552xi32, #tpu.memory_space<hbm>>
        %dma_start3A_67 = arith.constant 0 : i32
        %dma_start3A_68 = tpu.memref_slice %arg11[%dma_start3A_62, %dma_start3A_67] : memref<1x1552xi32, #tpu.memory_space<vmem>> -> memref<1x1552xi32, #tpu.memory_space<vmem>>
        %dma_start3A_69 = tpu.memref_squeeze %dma_start3A_68 : memref<1x1552xi32, #tpu.memory_space<vmem>> -> memref<1552xi32, #tpu.memory_space<vmem>>
        %dma_start3A_70 = tpu.memref_slice %arg4[%mul3A_44] : memref<50000xi32, #tpu.memory_space<hbm>> -> memref<1552xi32, #tpu.memory_space<hbm>>
        tpu.enqueue_dma source(%dma_start3A_70 : memref<1552xi32, #tpu.memory_space<hbm>>) target(%dma_start3A_69 : memref<1552xi32, #tpu.memory_space<vmem>>) target_semaphore(%arg18 : memref<!tpu.dma_semaphore, #tpu.memory_space<semaphore_mem>>)
      } else {
      }
      %add3A_27 = arith.constant 0 : i32
      %add3A_28 = arith.addi %add3A_20, %add3A_27 : i32
      %lt3A_29 = arith.constant 32 : i32
      %lt3A_30 = arith.cmpi slt, %add3A_28, %lt3A_29 : i32
      %convert_element_type3A_31 = arith.extui %lt3A_30 : i1 to i32
      %cond3A_32 = arith.constant 0 : i32
      %cond3A_33 = arith.cmpi ne, %convert_element_type3A_31, %cond3A_32 : i32
      scf.if %cond3A_33 {
        %dma_wait3A = arith.constant 0 : i32
        %dma_wait3A_41 = arith.constant 0 : i32
        %dma_wait3A_42 = tpu.memref_slice %arg9[%dma_wait3A, %dma_wait3A_41] : memref<1x1552xi32, #tpu.memory_space<vmem>> -> memref<1x1552xi32, #tpu.memory_space<vmem>>
        %dma_wait3A_43 = tpu.memref_squeeze %dma_wait3A_42 : memref<1x1552xi32, #tpu.memory_space<vmem>> -> memref<1552xi32, #tpu.memory_space<vmem>>
        %dma_wait3A_44 = arith.constant 0 : i32
        %dma_wait3A_45 = tpu.memref_slice %arg2[%dma_wait3A_44] : memref<50000xi32, #tpu.memory_space<hbm>> -> memref<1552xi32, #tpu.memory_space<hbm>>
        %dma_wait3A_46 = arith.constant 0 : i32
        %dma_wait3A_47 = tpu.memref_slice %arg9[%dma_wait3A, %dma_wait3A_46] : memref<1x1552xi32, #tpu.memory_space<vmem>> -> memref<1x1552xi32, #tpu.memory_space<vmem>>
        %dma_wait3A_48 = tpu.memref_squeeze %dma_wait3A_47 : memref<1x1552xi32, #tpu.memory_space<vmem>> -> memref<1552xi32, #tpu.memory_space<vmem>>
        %dma_wait3A_49 = arith.constant 0 : i32
        %dma_wait3A_50 = tpu.memref_slice %arg2[%dma_wait3A_49] : memref<50000xi32, #tpu.memory_space<hbm>> -> memref<1552xi32, #tpu.memory_space<hbm>>
        tpu.wait_dma2 semaphore(%arg18 : memref<!tpu.dma_semaphore, #tpu.memory_space<semaphore_mem>>) src(%dma_wait3A_50 : memref<1552xi32, #tpu.memory_space<hbm>>) dst(%dma_wait3A_48 : memref<1552xi32, #tpu.memory_space<vmem>>)
        %dma_wait3A_51 = arith.constant 0 : i32
        %dma_wait3A_52 = arith.constant 0 : i32
        %dma_wait3A_53 = tpu.memref_slice %arg10[%dma_wait3A_51, %dma_wait3A_52] : memref<1x1552xi32, #tpu.memory_space<vmem>> -> memref<1x1552xi32, #tpu.memory_space<vmem>>
        %dma_wait3A_54 = tpu.memref_squeeze %dma_wait3A_53 : memref<1x1552xi32, #tpu.memory_space<vmem>> -> memref<1552xi32, #tpu.memory_space<vmem>>
        %dma_wait3A_55 = arith.constant 0 : i32
        %dma_wait3A_56 = tpu.memref_slice %arg3[%dma_wait3A_55] : memref<50000xi32, #tpu.memory_space<hbm>> -> memref<1552xi32, #tpu.memory_space<hbm>>
        %dma_wait3A_57 = arith.constant 0 : i32
        %dma_wait3A_58 = tpu.memref_slice %arg10[%dma_wait3A_51, %dma_wait3A_57] : memref<1x1552xi32, #tpu.memory_space<vmem>> -> memref<1x1552xi32, #tpu.memory_space<vmem>>
        %dma_wait3A_59 = tpu.memref_squeeze %dma_wait3A_58 : memref<1x1552xi32, #tpu.memory_space<vmem>> -> memref<1552xi32, #tpu.memory_space<vmem>>
        %dma_wait3A_60 = arith.constant 0 : i32
        %dma_wait3A_61 = tpu.memref_slice %arg3[%dma_wait3A_60] : memref<50000xi32, #tpu.memory_space<hbm>> -> memref<1552xi32, #tpu.memory_space<hbm>>
        tpu.wait_dma2 semaphore(%arg18 : memref<!tpu.dma_semaphore, #tpu.memory_space<semaphore_mem>>) src(%dma_wait3A_61 : memref<1552xi32, #tpu.memory_space<hbm>>) dst(%dma_wait3A_59 : memref<1552xi32, #tpu.memory_space<vmem>>)
        %dma_wait3A_62 = arith.constant 0 : i32
        %dma_wait3A_63 = arith.constant 0 : i32
        %dma_wait3A_64 = tpu.memref_slice %arg11[%dma_wait3A_62, %dma_wait3A_63] : memref<1x1552xi32, #tpu.memory_space<vmem>> -> memref<1x1552xi32, #tpu.memory_space<vmem>>
        %dma_wait3A_65 = tpu.memref_squeeze %dma_wait3A_64 : memref<1x1552xi32, #tpu.memory_space<vmem>> -> memref<1552xi32, #tpu.memory_space<vmem>>
        %dma_wait3A_66 = arith.constant 0 : i32
        %dma_wait3A_67 = tpu.memref_slice %arg4[%dma_wait3A_66] : memref<50000xi32, #tpu.memory_space<hbm>> -> memref<1552xi32, #tpu.memory_space<hbm>>
        %dma_wait3A_68 = arith.constant 0 : i32
        %dma_wait3A_69 = tpu.memref_slice %arg11[%dma_wait3A_62, %dma_wait3A_68] : memref<1x1552xi32, #tpu.memory_space<vmem>> -> memref<1x1552xi32, #tpu.memory_space<vmem>>
        %dma_wait3A_70 = tpu.memref_squeeze %dma_wait3A_69 : memref<1x1552xi32, #tpu.memory_space<vmem>> -> memref<1552xi32, #tpu.memory_space<vmem>>
        %dma_wait3A_71 = arith.constant 0 : i32
        %dma_wait3A_72 = tpu.memref_slice %arg4[%dma_wait3A_71] : memref<50000xi32, #tpu.memory_space<hbm>> -> memref<1552xi32, #tpu.memory_space<hbm>>
        tpu.wait_dma2 semaphore(%arg18 : memref<!tpu.dma_semaphore, #tpu.memory_space<semaphore_mem>>) src(%dma_wait3A_72 : memref<1552xi32, #tpu.memory_space<hbm>>) dst(%dma_wait3A_70 : memref<1552xi32, #tpu.memory_space<vmem>>)
        %iota3A = tpu.iota {dimensions = array<i32: 0>} : vector<16xi32>
        %scan3A = arith.constant 0 : i32
        %scan3A_73 = arith.constant 97 : i32
        %scan3A_74 = arith.addi %scan3A, %scan3A_73 : i32
        %scan3A_75 = arith.constant 1 : i32
        scf.for %scan3A_119 = %scan3A to %scan3A_74 step %scan3A_75  : i32 {
          %mul3A_120 = arith.constant 1 : i32
          %mul3A_121 = arith.muli %scan3A_119, %mul3A_120 : i32
          %add3A_122 = arith.constant 0 : i32
          %add3A_123 = arith.addi %add3A_122, %mul3A_121 : i32
          %mul3A_124 = arith.constant 16 : i32
          %mul3A_125 = arith.muli %add3A_123, %mul3A_124 : i32
          %add3A_126 = vector.broadcast %mul3A_125 : i32 to vector<16xi32>
          %add3A_127 = arith.addi %add3A_126, %iota3A : vector<16xi32>
          %mul3A_128 = arith.constant 16 : i32
          %mul3A_129 = arith.muli %add3A_123, %mul3A_128 : i32
          %get3A = arith.constant 0 : i32
          %get3A_130 = arith.index_cast %get3A : i32 to index
          %get3A_131 = arith.index_cast %mul3A_129 : i32 to index
          %get3A_132 = tpu.vector_load %arg9[%get3A_130, %get3A_131] {strides = array<i32>} : memref<1x1552xi32, #tpu.memory_space<vmem>>, vector<16xi32>,
          %mul3A_133 = arith.constant 16 : i32
          %mul3A_134 = arith.muli %add3A_123, %mul3A_133 : i32
          %get3A_135 = arith.constant 0 : i32
          %get3A_136 = arith.index_cast %get3A_135 : i32 to index
          %get3A_137 = arith.index_cast %mul3A_134 : i32 to index
          %get3A_138 = tpu.vector_load %arg10[%get3A_136, %get3A_137] {strides = array<i32>} : memref<1x1552xi32, #tpu.memory_space<vmem>>, vector<16xi32>,
          %mul3A_139 = arith.constant 16 : i32
          %mul3A_140 = arith.muli %add3A_123, %mul3A_139 : i32
          %get3A_141 = arith.constant 0 : i32
          %get3A_142 = arith.index_cast %get3A_141 : i32 to index
          %get3A_143 = arith.index_cast %mul3A_140 : i32 to index
          %get3A_144 = tpu.vector_load %arg11[%get3A_142, %get3A_143] {strides = array<i32>} : memref<1x1552xi32, #tpu.memory_space<vmem>>, vector<16xi32>,
          %broadcast_in_dim3A = arith.constant 0 : i32
          %broadcast_in_dim3A_145 = vector.broadcast %broadcast_in_dim3A : i32 to vector<16xi32>
          %gather3A = tpu.vector_load_idx %arg15[%get3A_132, %broadcast_in_dim3A_145] : memref<10x16xf32, #tpu.memory_space<vmem>>[vector<16xi32>, vector<16xi32>], vector<16xf32>,
          %scatter3A = arith.constant 0 : i32
          %scatter3A_146 = arith.constant 0 : i32
          %scatter3A_147 = arith.constant 0 : i32
          %scatter3A_148 = tpu.memref_slice %arg12[%scatter3A, %scatter3A_146, %scatter3A_147] : memref<1x1552x16xf32, #tpu.memory_space<vmem>> -> memref<1x1552x16xf32, #tpu.memory_space<vmem>>
          %scatter3A_149 = tpu.memref_squeeze %scatter3A_148 : memref<1x1552x16xf32, #tpu.memory_space<vmem>> -> memref<1552x16xf32, #tpu.memory_space<vmem>>
          tpu.vector_store_idx %scatter3A_149[%add3A_127, %broadcast_in_dim3A_145], %gather3A : memref<1552x16xf32, #tpu.memory_space<vmem>>[vector<16xi32>, vector<16xi32>], vector<16xf32>,
          %gather3A_150 = tpu.vector_load_idx %arg16[%get3A_138, %broadcast_in_dim3A_145] : memref<3x16xf32, #tpu.memory_space<vmem>>[vector<16xi32>, vector<16xi32>], vector<16xf32>,
          %scatter3A_151 = arith.constant 0 : i32
          %scatter3A_152 = arith.constant 0 : i32
          %scatter3A_153 = arith.constant 0 : i32
          %scatter3A_154 = tpu.memref_slice %arg13[%scatter3A_151, %scatter3A_152, %scatter3A_153] : memref<1x1552x16xf32, #tpu.memory_space<vmem>> -> memref<1x1552x16xf32, #tpu.memory_space<vmem>>
          %scatter3A_155 = tpu.memref_squeeze %scatter3A_154 : memref<1x1552x16xf32, #tpu.memory_space<vmem>> -> memref<1552x16xf32, #tpu.memory_space<vmem>>
          tpu.vector_store_idx %scatter3A_155[%add3A_127, %broadcast_in_dim3A_145], %gather3A_150 : memref<1552x16xf32, #tpu.memory_space<vmem>>[vector<16xi32>, vector<16xi32>], vector<16xf32>,
          %gather3A_156 = tpu.vector_load_idx %arg17[%get3A_144, %broadcast_in_dim3A_145] : memref<100x16xf32, #tpu.memory_space<vmem>>[vector<16xi32>, vector<16xi32>], vector<16xf32>,
          %scatter3A_157 = arith.constant 0 : i32
          %scatter3A_158 = arith.constant 0 : i32
          %scatter3A_159 = arith.constant 0 : i32
          %scatter3A_160 = tpu.memref_slice %arg14[%scatter3A_157, %scatter3A_158, %scatter3A_159] : memref<1x1552x16xf32, #tpu.memory_space<vmem>> -> memref<1x1552x16xf32, #tpu.memory_space<vmem>>
          %scatter3A_161 = tpu.memref_squeeze %scatter3A_160 : memref<1x1552x16xf32, #tpu.memory_space<vmem>> -> memref<1552x16xf32, #tpu.memory_space<vmem>>
          tpu.vector_store_idx %scatter3A_161[%add3A_127, %broadcast_in_dim3A_145], %gather3A_156 : memref<1552x16xf32, #tpu.memory_space<vmem>>[vector<16xi32>, vector<16xi32>], vector<16xf32>,
          %broadcast_in_dim3A_162 = arith.constant 1 : i32
          %broadcast_in_dim3A_163 = vector.broadcast %broadcast_in_dim3A_162 : i32 to vector<16xi32>
          %gather3A_164 = tpu.vector_load_idx %arg15[%get3A_132, %broadcast_in_dim3A_163] : memref<10x16xf32, #tpu.memory_space<vmem>>[vector<16xi32>, vector<16xi32>], vector<16xf32>,
          %scatter3A_165 = arith.constant 0 : i32
          %scatter3A_166 = arith.constant 0 : i32
          %scatter3A_167 = arith.constant 0 : i32
          %scatter3A_168 = tpu.memref_slice %arg12[%scatter3A_165, %scatter3A_166, %scatter3A_167] : memref<1x1552x16xf32, #tpu.memory_space<vmem>> -> memref<1x1552x16xf32, #tpu.memory_space<vmem>>
          %scatter3A_169 = tpu.memref_squeeze %scatter3A_168 : memref<1x1552x16xf32, #tpu.memory_space<vmem>> -> memref<1552x16xf32, #tpu.memory_space<vmem>>
          tpu.vector_store_idx %scatter3A_169[%add3A_127, %broadcast_in_dim3A_163], %gather3A_164 : memref<1552x16xf32, #tpu.memory_space<vmem>>[vector<16xi32>, vector<16xi32>], vector<16xf32>,
          %gather3A_170 = tpu.vector_load_idx %arg16[%get3A_138, %broadcast_in_dim3A_163] : memref<3x16xf32, #tpu.memory_space<vmem>>[vector<16xi32>, vector<16xi32>], vector<16xf32>,
          %scatter3A_171 = arith.constant 0 : i32
          %scatter3A_172 = arith.constant 0 : i32
          %scatter3A_173 = arith.constant 0 : i32
          %scatter3A_174 = tpu.memref_slice %arg13[%scatter3A_171, %scatter3A_172, %scatter3A_173] : memref<1x1552x16xf32, #tpu.memory_space<vmem>> -> memref<1x1552x16xf32, #tpu.memory_space<vmem>>
          %scatter3A_175 = tpu.memref_squeeze %scatter3A_174 : memref<1x1552x16xf32, #tpu.memory_space<vmem>> -> memref<1552x16xf32, #tpu.memory_space<vmem>>
          tpu.vector_store_idx %scatter3A_175[%add3A_127, %broadcast_in_dim3A_163], %gather3A_170 : memref<1552x16xf32, #tpu.memory_space<vmem>>[vector<16xi32>, vector<16xi32>], vector<16xf32>,
          %gather3A_176 = tpu.vector_load_idx %arg17[%get3A_144, %broadcast_in_dim3A_163] : memref<100x16xf32, #tpu.memory_space<vmem>>[vector<16xi32>, vector<16xi32>], vector<16xf32>,
          %scatter3A_177 = arith.constant 0 : i32
          %scatter3A_178 = arith.constant 0 : i32
          %scatter3A_179 = arith.constant 0 : i32
          %scatter3A_180 = tpu.memref_slice %arg14[%scatter3A_177, %scatter3A_178, %scatter3A_179] : memref<1x1552x16xf32, #tpu.memory_space<vmem>> -> memref<1x1552x16xf32, #tpu.memory_space<vmem>>
          %scatter3A_181 = tpu.memref_squeeze %scatter3A_180 : memref<1x1552x16xf32, #tpu.memory_space<vmem>> -> memref<1552x16xf32, #tpu.memory_space<vmem>>
          tpu.vector_store_idx %scatter3A_181[%add3A_127, %broadcast_in_dim3A_163], %gather3A_176 : memref<1552x16xf32, #tpu.memory_space<vmem>>[vector<16xi32>, vector<16xi32>], vector<16xf32>,
          %broadcast_in_dim3A_182 = arith.constant 2 : i32
          %broadcast_in_dim3A_183 = vector.broadcast %broadcast_in_dim3A_182 : i32 to vector<16xi32>
          %gather3A_184 = tpu.vector_load_idx %arg15[%get3A_132, %broadcast_in_dim3A_183] : memref<10x16xf32, #tpu.memory_space<vmem>>[vector<16xi32>, vector<16xi32>], vector<16xf32>,
          %scatter3A_185 = arith.constant 0 : i32
          %scatter3A_186 = arith.constant 0 : i32
          %scatter3A_187 = arith.constant 0 : i32
          %scatter3A_188 = tpu.memref_slice %arg12[%scatter3A_185, %scatter3A_186, %scatter3A_187] : memref<1x1552x16xf32, #tpu.memory_space<vmem>> -> memref<1x1552x16xf32, #tpu.memory_space<vmem>>
          %scatter3A_189 = tpu.memref_squeeze %scatter3A_188 : memref<1x1552x16xf32, #tpu.memory_space<vmem>> -> memref<1552x16xf32, #tpu.memory_space<vmem>>
          tpu.vector_store_idx %scatter3A_189[%add3A_127, %broadcast_in_dim3A_183], %gather3A_184 : memref<1552x16xf32, #tpu.memory_space<vmem>>[vector<16xi32>, vector<16xi32>], vector<16xf32>,
          %gather3A_190 = tpu.vector_load_idx %arg16[%get3A_138, %broadcast_in_dim3A_183] : memref<3x16xf32, #tpu.memory_space<vmem>>[vector<16xi32>, vector<16xi32>], vector<16xf32>,
          %scatter3A_191 = arith.constant 0 : i32
          %scatter3A_192 = arith.constant 0 : i32
          %scatter3A_193 = arith.constant 0 : i32
          %scatter3A_194 = tpu.memref_slice %arg13[%scatter3A_191, %scatter3A_192, %scatter3A_193] : memref<1x1552x16xf32, #tpu.memory_space<vmem>> -> memref<1x1552x16xf32, #tpu.memory_space<vmem>>
          %scatter3A_195 = tpu.memref_squeeze %scatter3A_194 : memref<1x1552x16xf32, #tpu.memory_space<vmem>> -> memref<1552x16xf32, #tpu.memory_space<vmem>>
          tpu.vector_store_idx %scatter3A_195[%add3A_127, %broadcast_in_dim3A_183], %gather3A_190 : memref<1552x16xf32, #tpu.memory_space<vmem>>[vector<16xi32>, vector<16xi32>], vector<16xf32>,
          %gather3A_196 = tpu.vector_load_idx %arg17[%get3A_144, %broadcast_in_dim3A_183] : memref<100x16xf32, #tpu.memory_space<vmem>>[vector<16xi32>, vector<16xi32>], vector<16xf32>,
          %scatter3A_197 = arith.constant 0 : i32
          %scatter3A_198 = arith.constant 0 : i32
          %scatter3A_199 = arith.constant 0 : i32
          %scatter3A_200 = tpu.memref_slice %arg14[%scatter3A_197, %scatter3A_198, %scatter3A_199] : memref<1x1552x16xf32, #tpu.memory_space<vmem>> -> memref<1x1552x16xf32, #tpu.memory_space<vmem>>
          %scatter3A_201 = tpu.memref_squeeze %scatter3A_200 : memref<1x1552x16xf32, #tpu.memory_space<vmem>> -> memref<1552x16xf32, #tpu.memory_space<vmem>>
          tpu.vector_store_idx %scatter3A_201[%add3A_127, %broadcast_in_dim3A_183], %gather3A_196 : memref<1552x16xf32, #tpu.memory_space<vmem>>[vector<16xi32>, vector<16xi32>], vector<16xf32>,
          %broadcast_in_dim3A_202 = arith.constant 3 : i32
          %broadcast_in_dim3A_203 = vector.broadcast %broadcast_in_dim3A_202 : i32 to vector<16xi32>
          %gather3A_204 = tpu.vector_load_idx %arg15[%get3A_132, %broadcast_in_dim3A_203] : memref<10x16xf32, #tpu.memory_space<vmem>>[vector<16xi32>, vector<16xi32>], vector<16xf32>,
          %scatter3A_205 = arith.constant 0 : i32
          %scatter3A_206 = arith.constant 0 : i32
          %scatter3A_207 = arith.constant 0 : i32
          %scatter3A_208 = tpu.memref_slice %arg12[%scatter3A_205, %scatter3A_206, %scatter3A_207] : memref<1x1552x16xf32, #tpu.memory_space<vmem>> -> memref<1x1552x16xf32, #tpu.memory_space<vmem>>
          %scatter3A_209 = tpu.memref_squeeze %scatter3A_208 : memref<1x1552x16xf32, #tpu.memory_space<vmem>> -> memref<1552x16xf32, #tpu.memory_space<vmem>>
          tpu.vector_store_idx %scatter3A_209[%add3A_127, %broadcast_in_dim3A_203], %gather3A_204 : memref<1552x16xf32, #tpu.memory_space<vmem>>[vector<16xi32>, vector<16xi32>], vector<16xf32>,
          %gather3A_210 = tpu.vector_load_idx %arg16[%get3A_138, %broadcast_in_dim3A_203] : memref<3x16xf32, #tpu.memory_space<vmem>>[vector<16xi32>, vector<16xi32>], vector<16xf32>,
          %scatter3A_211 = arith.constant 0 : i32
          %scatter3A_212 = arith.constant 0 : i32
          %scatter3A_213 = arith.constant 0 : i32
          %scatter3A_214 = tpu.memref_slice %arg13[%scatter3A_211, %scatter3A_212, %scatter3A_213] : memref<1x1552x16xf32, #tpu.memory_space<vmem>> -> memref<1x1552x16xf32, #tpu.memory_space<vmem>>
          %scatter3A_215 = tpu.memref_squeeze %scatter3A_214 : memref<1x1552x16xf32, #tpu.memory_space<vmem>> -> memref<1552x16xf32, #tpu.memory_space<vmem>>
          tpu.vector_store_idx %scatter3A_215[%add3A_127, %broadcast_in_dim3A_203], %gather3A_210 : memref<1552x16xf32, #tpu.memory_space<vmem>>[vector<16xi32>, vector<16xi32>], vector<16xf32>,
          %gather3A_216 = tpu.vector_load_idx %arg17[%get3A_144, %broadcast_in_dim3A_203] : memref<100x16xf32, #tpu.memory_space<vmem>>[vector<16xi32>, vector<16xi32>], vector<16xf32>,
          %scatter3A_217 = arith.constant 0 : i32
          %scatter3A_218 = arith.constant 0 : i32
          %scatter3A_219 = arith.constant 0 : i32
          %scatter3A_220 = tpu.memref_slice %arg14[%scatter3A_217, %scatter3A_218, %scatter3A_219] : memref<1x1552x16xf32, #tpu.memory_space<vmem>> -> memref<1x1552x16xf32, #tpu.memory_space<vmem>>
          %scatter3A_221 = tpu.memref_squeeze %scatter3A_220 : memref<1x1552x16xf32, #tpu.memory_space<vmem>> -> memref<1552x16xf32, #tpu.memory_space<vmem>>
          tpu.vector_store_idx %scatter3A_221[%add3A_127, %broadcast_in_dim3A_203], %gather3A_216 : memref<1552x16xf32, #tpu.memory_space<vmem>>[vector<16xi32>, vector<16xi32>], vector<16xf32>,
          %broadcast_in_dim3A_222 = arith.constant 4 : i32
          %broadcast_in_dim3A_223 = vector.broadcast %broadcast_in_dim3A_222 : i32 to vector<16xi32>
          %gather3A_224 = tpu.vector_load_idx %arg15[%get3A_132, %broadcast_in_dim3A_223] : memref<10x16xf32, #tpu.memory_space<vmem>>[vector<16xi32>, vector<16xi32>], vector<16xf32>,
          %scatter3A_225 = arith.constant 0 : i32
          %scatter3A_226 = arith.constant 0 : i32
          %scatter3A_227 = arith.constant 0 : i32
          %scatter3A_228 = tpu.memref_slice %arg12[%scatter3A_225, %scatter3A_226, %scatter3A_227] : memref<1x1552x16xf32, #tpu.memory_space<vmem>> -> memref<1x1552x16xf32, #tpu.memory_space<vmem>>
          %scatter3A_229 = tpu.memref_squeeze %scatter3A_228 : memref<1x1552x16xf32, #tpu.memory_space<vmem>> -> memref<1552x16xf32, #tpu.memory_space<vmem>>
          tpu.vector_store_idx %scatter3A_229[%add3A_127, %broadcast_in_dim3A_223], %gather3A_224 : memref<1552x16xf32, #tpu.memory_space<vmem>>[vector<16xi32>, vector<16xi32>], vector<16xf32>,
          %gather3A_230 = tpu.vector_load_idx %arg16[%get3A_138, %broadcast_in_dim3A_223] : memref<3x16xf32, #tpu.memory_space<vmem>>[vector<16xi32>, vector<16xi32>], vector<16xf32>,
          %scatter3A_231 = arith.constant 0 : i32
          %scatter3A_232 = arith.constant 0 : i32
          %scatter3A_233 = arith.constant 0 : i32
          %scatter3A_234 = tpu.memref_slice %arg13[%scatter3A_231, %scatter3A_232, %scatter3A_233] : memref<1x1552x16xf32, #tpu.memory_space<vmem>> -> memref<1x1552x16xf32, #tpu.memory_space<vmem>>
          %scatter3A_235 = tpu.memref_squeeze %scatter3A_234 : memref<1x1552x16xf32, #tpu.memory_space<vmem>> -> memref<1552x16xf32, #tpu.memory_space<vmem>>
          tpu.vector_store_idx %scatter3A_235[%add3A_127, %broadcast_in_dim3A_223], %gather3A_230 : memref<1552x16xf32, #tpu.memory_space<vmem>>[vector<16xi32>, vector<16xi32>], vector<16xf32>,
          %gather3A_236 = tpu.vector_load_idx %arg17[%get3A_144, %broadcast_in_dim3A_223] : memref<100x16xf32, #tpu.memory_space<vmem>>[vector<16xi32>, vector<16xi32>], vector<16xf32>,
          %scatter3A_237 = arith.constant 0 : i32
          %scatter3A_238 = arith.constant 0 : i32
          %scatter3A_239 = arith.constant 0 : i32
          %scatter3A_240 = tpu.memref_slice %arg14[%scatter3A_237, %scatter3A_238, %scatter3A_239] : memref<1x1552x16xf32, #tpu.memory_space<vmem>> -> memref<1x1552x16xf32, #tpu.memory_space<vmem>>
          %scatter3A_241 = tpu.memref_squeeze %scatter3A_240 : memref<1x1552x16xf32, #tpu.memory_space<vmem>> -> memref<1552x16xf32, #tpu.memory_space<vmem>>
          tpu.vector_store_idx %scatter3A_241[%add3A_127, %broadcast_in_dim3A_223], %gather3A_236 : memref<1552x16xf32, #tpu.memory_space<vmem>>[vector<16xi32>, vector<16xi32>], vector<16xf32>,
          %broadcast_in_dim3A_242 = arith.constant 5 : i32
          %broadcast_in_dim3A_243 = vector.broadcast %broadcast_in_dim3A_242 : i32 to vector<16xi32>
          %gather3A_244 = tpu.vector_load_idx %arg15[%get3A_132, %broadcast_in_dim3A_243] : memref<10x16xf32, #tpu.memory_space<vmem>>[vector<16xi32>, vector<16xi32>], vector<16xf32>,
          %scatter3A_245 = arith.constant 0 : i32
          %scatter3A_246 = arith.constant 0 : i32
          %scatter3A_247 = arith.constant 0 : i32
          %scatter3A_248 = tpu.memref_slice %arg12[%scatter3A_245, %scatter3A_246, %scatter3A_247] : memref<1x1552x16xf32, #tpu.memory_space<vmem>> -> memref<1x1552x16xf32, #tpu.memory_space<vmem>>
          %scatter3A_249 = tpu.memref_squeeze %scatter3A_248 : memref<1x1552x16xf32, #tpu.memory_space<vmem>> -> memref<1552x16xf32, #tpu.memory_space<vmem>>
          tpu.vector_store_idx %scatter3A_249[%add3A_127, %broadcast_in_dim3A_243], %gather3A_244 : memref<1552x16xf32, #tpu.memory_space<vmem>>[vector<16xi32>, vector<16xi32>], vector<16xf32>,
          %gather3A_250 = tpu.vector_load_idx %arg16[%get3A_138, %broadcast_in_dim3A_243] : memref<3x16xf32, #tpu.memory_space<vmem>>[vector<16xi32>, vector<16xi32>], vector<16xf32>,
          %scatter3A_251 = arith.constant 0 : i32
          %scatter3A_252 = arith.constant 0 : i32
          %scatter3A_253 = arith.constant 0 : i32
          %scatter3A_254 = tpu.memref_slice %arg13[%scatter3A_251, %scatter3A_252, %scatter3A_253] : memref<1x1552x16xf32, #tpu.memory_space<vmem>> -> memref<1x1552x16xf32, #tpu.memory_space<vmem>>
          %scatter3A_255 = tpu.memref_squeeze %scatter3A_254 : memref<1x1552x16xf32, #tpu.memory_space<vmem>> -> memref<1552x16xf32, #tpu.memory_space<vmem>>
          tpu.vector_store_idx %scatter3A_255[%add3A_127, %broadcast_in_dim3A_243], %gather3A_250 : memref<1552x16xf32, #tpu.memory_space<vmem>>[vector<16xi32>, vector<16xi32>], vector<16xf32>,
          %gather3A_256 = tpu.vector_load_idx %arg17[%get3A_144, %broadcast_in_dim3A_243] : memref<100x16xf32, #tpu.memory_space<vmem>>[vector<16xi32>, vector<16xi32>], vector<16xf32>,
          %scatter3A_257 = arith.constant 0 : i32
          %scatter3A_258 = arith.constant 0 : i32
          %scatter3A_259 = arith.constant 0 : i32
          %scatter3A_260 = tpu.memref_slice %arg14[%scatter3A_257, %scatter3A_258, %scatter3A_259] : memref<1x1552x16xf32, #tpu.memory_space<vmem>> -> memref<1x1552x16xf32, #tpu.memory_space<vmem>>
          %scatter3A_261 = tpu.memref_squeeze %scatter3A_260 : memref<1x1552x16xf32, #tpu.memory_space<vmem>> -> memref<1552x16xf32, #tpu.memory_space<vmem>>
          tpu.vector_store_idx %scatter3A_261[%add3A_127, %broadcast_in_dim3A_243], %gather3A_256 : memref<1552x16xf32, #tpu.memory_space<vmem>>[vector<16xi32>, vector<16xi32>], vector<16xf32>,
          %broadcast_in_dim3A_262 = arith.constant 6 : i32
          %broadcast_in_dim3A_263 = vector.broadcast %broadcast_in_dim3A_262 : i32 to vector<16xi32>
          %gather3A_264 = tpu.vector_load_idx %arg15[%get3A_132, %broadcast_in_dim3A_263] : memref<10x16xf32, #tpu.memory_space<vmem>>[vector<16xi32>, vector<16xi32>], vector<16xf32>,
          %scatter3A_265 = arith.constant 0 : i32
          %scatter3A_266 = arith.constant 0 : i32
          %scatter3A_267 = arith.constant 0 : i32
          %scatter3A_268 = tpu.memref_slice %arg12[%scatter3A_265, %scatter3A_266, %scatter3A_267] : memref<1x1552x16xf32, #tpu.memory_space<vmem>> -> memref<1x1552x16xf32, #tpu.memory_space<vmem>>
          %scatter3A_269 = tpu.memref_squeeze %scatter3A_268 : memref<1x1552x16xf32, #tpu.memory_space<vmem>> -> memref<1552x16xf32, #tpu.memory_space<vmem>>
          tpu.vector_store_idx %scatter3A_269[%add3A_127, %broadcast_in_dim3A_263], %gather3A_264 : memref<1552x16xf32, #tpu.memory_space<vmem>>[vector<16xi32>, vector<16xi32>], vector<16xf32>,
          %gather3A_270 = tpu.vector_load_idx %arg16[%get3A_138, %broadcast_in_dim3A_263] : memref<3x16xf32, #tpu.memory_space<vmem>>[vector<16xi32>, vector<16xi32>], vector<16xf32>,
          %scatter3A_271 = arith.constant 0 : i32
          %scatter3A_272 = arith.constant 0 : i32
          %scatter3A_273 = arith.constant 0 : i32
          %scatter3A_274 = tpu.memref_slice %arg13[%scatter3A_271, %scatter3A_272, %scatter3A_273] : memref<1x1552x16xf32, #tpu.memory_space<vmem>> -> memref<1x1552x16xf32, #tpu.memory_space<vmem>>
          %scatter3A_275 = tpu.memref_squeeze %scatter3A_274 : memref<1x1552x16xf32, #tpu.memory_space<vmem>> -> memref<1552x16xf32, #tpu.memory_space<vmem>>
          tpu.vector_store_idx %scatter3A_275[%add3A_127, %broadcast_in_dim3A_263], %gather3A_270 : memref<1552x16xf32, #tpu.memory_space<vmem>>[vector<16xi32>, vector<16xi32>], vector<16xf32>,
          %gather3A_276 = tpu.vector_load_idx %arg17[%get3A_144, %broadcast_in_dim3A_263] : memref<100x16xf32, #tpu.memory_space<vmem>>[vector<16xi32>, vector<16xi32>], vector<16xf32>,
          %scatter3A_277 = arith.constant 0 : i32
          %scatter3A_278 = arith.constant 0 : i32
          %scatter3A_279 = arith.constant 0 : i32
          %scatter3A_280 = tpu.memref_slice %arg14[%scatter3A_277, %scatter3A_278, %scatter3A_279] : memref<1x1552x16xf32, #tpu.memory_space<vmem>> -> memref<1x1552x16xf32, #tpu.memory_space<vmem>>
          %scatter3A_281 = tpu.memref_squeeze %scatter3A_280 : memref<1x1552x16xf32, #tpu.memory_space<vmem>> -> memref<1552x16xf32, #tpu.memory_space<vmem>>
          tpu.vector_store_idx %scatter3A_281[%add3A_127, %broadcast_in_dim3A_263], %gather3A_276 : memref<1552x16xf32, #tpu.memory_space<vmem>>[vector<16xi32>, vector<16xi32>], vector<16xf32>,
          %broadcast_in_dim3A_282 = arith.constant 7 : i32
          %broadcast_in_dim3A_283 = vector.broadcast %broadcast_in_dim3A_282 : i32 to vector<16xi32>
          %gather3A_284 = tpu.vector_load_idx %arg15[%get3A_132, %broadcast_in_dim3A_283] : memref<10x16xf32, #tpu.memory_space<vmem>>[vector<16xi32>, vector<16xi32>], vector<16xf32>,
          %scatter3A_285 = arith.constant 0 : i32
          %scatter3A_286 = arith.constant 0 : i32
          %scatter3A_287 = arith.constant 0 : i32
          %scatter3A_288 = tpu.memref_slice %arg12[%scatter3A_285, %scatter3A_286, %scatter3A_287] : memref<1x1552x16xf32, #tpu.memory_space<vmem>> -> memref<1x1552x16xf32, #tpu.memory_space<vmem>>
          %scatter3A_289 = tpu.memref_squeeze %scatter3A_288 : memref<1x1552x16xf32, #tpu.memory_space<vmem>> -> memref<1552x16xf32, #tpu.memory_space<vmem>>
          tpu.vector_store_idx %scatter3A_289[%add3A_127, %broadcast_in_dim3A_283], %gather3A_284 : memref<1552x16xf32, #tpu.memory_space<vmem>>[vector<16xi32>, vector<16xi32>], vector<16xf32>,
          %gather3A_290 = tpu.vector_load_idx %arg16[%get3A_138, %broadcast_in_dim3A_283] : memref<3x16xf32, #tpu.memory_space<vmem>>[vector<16xi32>, vector<16xi32>], vector<16xf32>,
          %scatter3A_291 = arith.constant 0 : i32
          %scatter3A_292 = arith.constant 0 : i32
          %scatter3A_293 = arith.constant 0 : i32
          %scatter3A_294 = tpu.memref_slice %arg13[%scatter3A_291, %scatter3A_292, %scatter3A_293] : memref<1x1552x16xf32, #tpu.memory_space<vmem>> -> memref<1x1552x16xf32, #tpu.memory_space<vmem>>
          %scatter3A_295 = tpu.memref_squeeze %scatter3A_294 : memref<1x1552x16xf32, #tpu.memory_space<vmem>> -> memref<1552x16xf32, #tpu.memory_space<vmem>>
          tpu.vector_store_idx %scatter3A_295[%add3A_127, %broadcast_in_dim3A_283], %gather3A_290 : memref<1552x16xf32, #tpu.memory_space<vmem>>[vector<16xi32>, vector<16xi32>], vector<16xf32>,
          %gather3A_296 = tpu.vector_load_idx %arg17[%get3A_144, %broadcast_in_dim3A_283] : memref<100x16xf32, #tpu.memory_space<vmem>>[vector<16xi32>, vector<16xi32>], vector<16xf32>,
          %scatter3A_297 = arith.constant 0 : i32
          %scatter3A_298 = arith.constant 0 : i32
          %scatter3A_299 = arith.constant 0 : i32
          %scatter3A_300 = tpu.memref_slice %arg14[%scatter3A_297, %scatter3A_298, %scatter3A_299] : memref<1x1552x16xf32, #tpu.memory_space<vmem>> -> memref<1x1552x16xf32, #tpu.memory_space<vmem>>
          %scatter3A_301 = tpu.memref_squeeze %scatter3A_300 : memref<1x1552x16xf32, #tpu.memory_space<vmem>> -> memref<1552x16xf32, #tpu.memory_space<vmem>>
          tpu.vector_store_idx %scatter3A_301[%add3A_127, %broadcast_in_dim3A_283], %gather3A_296 : memref<1552x16xf32, #tpu.memory_space<vmem>>[vector<16xi32>, vector<16xi32>], vector<16xf32>,
          %broadcast_in_dim3A_302 = arith.constant 8 : i32
          %broadcast_in_dim3A_303 = vector.broadcast %broadcast_in_dim3A_302 : i32 to vector<16xi32>
          %gather3A_304 = tpu.vector_load_idx %arg15[%get3A_132, %broadcast_in_dim3A_303] : memref<10x16xf32, #tpu.memory_space<vmem>>[vector<16xi32>, vector<16xi32>], vector<16xf32>,
          %scatter3A_305 = arith.constant 0 : i32
          %scatter3A_306 = arith.constant 0 : i32
          %scatter3A_307 = arith.constant 0 : i32
          %scatter3A_308 = tpu.memref_slice %arg12[%scatter3A_305, %scatter3A_306, %scatter3A_307] : memref<1x1552x16xf32, #tpu.memory_space<vmem>> -> memref<1x1552x16xf32, #tpu.memory_space<vmem>>
          %scatter3A_309 = tpu.memref_squeeze %scatter3A_308 : memref<1x1552x16xf32, #tpu.memory_space<vmem>> -> memref<1552x16xf32, #tpu.memory_space<vmem>>
          tpu.vector_store_idx %scatter3A_309[%add3A_127, %broadcast_in_dim3A_303], %gather3A_304 : memref<1552x16xf32, #tpu.memory_space<vmem>>[vector<16xi32>, vector<16xi32>], vector<16xf32>,
          %gather3A_310 = tpu.vector_load_idx %arg16[%get3A_138, %broadcast_in_dim3A_303] : memref<3x16xf32, #tpu.memory_space<vmem>>[vector<16xi32>, vector<16xi32>], vector<16xf32>,
          %scatter3A_311 = arith.constant 0 : i32
          %scatter3A_312 = arith.constant 0 : i32
          %scatter3A_313 = arith.constant 0 : i32
          %scatter3A_314 = tpu.memref_slice %arg13[%scatter3A_311, %scatter3A_312, %scatter3A_313] : memref<1x1552x16xf32, #tpu.memory_space<vmem>> -> memref<1x1552x16xf32, #tpu.memory_space<vmem>>
          %scatter3A_315 = tpu.memref_squeeze %scatter3A_314 : memref<1x1552x16xf32, #tpu.memory_space<vmem>> -> memref<1552x16xf32, #tpu.memory_space<vmem>>
          tpu.vector_store_idx %scatter3A_315[%add3A_127, %broadcast_in_dim3A_303], %gather3A_310 : memref<1552x16xf32, #tpu.memory_space<vmem>>[vector<16xi32>, vector<16xi32>], vector<16xf32>,
          %gather3A_316 = tpu.vector_load_idx %arg17[%get3A_144, %broadcast_in_dim3A_303] : memref<100x16xf32, #tpu.memory_space<vmem>>[vector<16xi32>, vector<16xi32>], vector<16xf32>,
          %scatter3A_317 = arith.constant 0 : i32
          %scatter3A_318 = arith.constant 0 : i32
          %scatter3A_319 = arith.constant 0 : i32
          %scatter3A_320 = tpu.memref_slice %arg14[%scatter3A_317, %scatter3A_318, %scatter3A_319] : memref<1x1552x16xf32, #tpu.memory_space<vmem>> -> memref<1x1552x16xf32, #tpu.memory_space<vmem>>
          %scatter3A_321 = tpu.memref_squeeze %scatter3A_320 : memref<1x1552x16xf32, #tpu.memory_space<vmem>> -> memref<1552x16xf32, #tpu.memory_space<vmem>>
          tpu.vector_store_idx %scatter3A_321[%add3A_127, %broadcast_in_dim3A_303], %gather3A_316 : memref<1552x16xf32, #tpu.memory_space<vmem>>[vector<16xi32>, vector<16xi32>], vector<16xf32>,
          %broadcast_in_dim3A_322 = arith.constant 9 : i32
          %broadcast_in_dim3A_323 = vector.broadcast %broadcast_in_dim3A_322 : i32 to vector<16xi32>
          %gather3A_324 = tpu.vector_load_idx %arg15[%get3A_132, %broadcast_in_dim3A_323] : memref<10x16xf32, #tpu.memory_space<vmem>>[vector<16xi32>, vector<16xi32>], vector<16xf32>,
          %scatter3A_325 = arith.constant 0 : i32
          %scatter3A_326 = arith.constant 0 : i32
          %scatter3A_327 = arith.constant 0 : i32
          %scatter3A_328 = tpu.memref_slice %arg12[%scatter3A_325, %scatter3A_326, %scatter3A_327] : memref<1x1552x16xf32, #tpu.memory_space<vmem>> -> memref<1x1552x16xf32, #tpu.memory_space<vmem>>
          %scatter3A_329 = tpu.memref_squeeze %scatter3A_328 : memref<1x1552x16xf32, #tpu.memory_space<vmem>> -> memref<1552x16xf32, #tpu.memory_space<vmem>>
          tpu.vector_store_idx %scatter3A_329[%add3A_127, %broadcast_in_dim3A_323], %gather3A_324 : memref<1552x16xf32, #tpu.memory_space<vmem>>[vector<16xi32>, vector<16xi32>], vector<16xf32>,
          %gather3A_330 = tpu.vector_load_idx %arg16[%get3A_138, %broadcast_in_dim3A_323] : memref<3x16xf32, #tpu.memory_space<vmem>>[vector<16xi32>, vector<16xi32>], vector<16xf32>,
          %scatter3A_331 = arith.constant 0 : i32
          %scatter3A_332 = arith.constant 0 : i32
          %scatter3A_333 = arith.constant 0 : i32
          %scatter3A_334 = tpu.memref_slice %arg13[%scatter3A_331, %scatter3A_332, %scatter3A_333] : memref<1x1552x16xf32, #tpu.memory_space<vmem>> -> memref<1x1552x16xf32, #tpu.memory_space<vmem>>
          %scatter3A_335 = tpu.memref_squeeze %scatter3A_334 : memref<1x1552x16xf32, #tpu.memory_space<vmem>> -> memref<1552x16xf32, #tpu.memory_space<vmem>>
          tpu.vector_store_idx %scatter3A_335[%add3A_127, %broadcast_in_dim3A_323], %gather3A_330 : memref<1552x16xf32, #tpu.memory_space<vmem>>[vector<16xi32>, vector<16xi32>], vector<16xf32>,
          %gather3A_336 = tpu.vector_load_idx %arg17[%get3A_144, %broadcast_in_dim3A_323] : memref<100x16xf32, #tpu.memory_space<vmem>>[vector<16xi32>, vector<16xi32>], vector<16xf32>,
          %scatter3A_337 = arith.constant 0 : i32
          %scatter3A_338 = arith.constant 0 : i32
          %scatter3A_339 = arith.constant 0 : i32
          %scatter3A_340 = tpu.memref_slice %arg14[%scatter3A_337, %scatter3A_338, %scatter3A_339] : memref<1x1552x16xf32, #tpu.memory_space<vmem>> -> memref<1x1552x16xf32, #tpu.memory_space<vmem>>
          %scatter3A_341 = tpu.memref_squeeze %scatter3A_340 : memref<1x1552x16xf32, #tpu.memory_space<vmem>> -> memref<1552x16xf32, #tpu.memory_space<vmem>>
          tpu.vector_store_idx %scatter3A_341[%add3A_127, %broadcast_in_dim3A_323], %gather3A_336 : memref<1552x16xf32, #tpu.memory_space<vmem>>[vector<16xi32>, vector<16xi32>], vector<16xf32>,
          %broadcast_in_dim3A_342 = arith.constant 10 : i32
          %broadcast_in_dim3A_343 = vector.broadcast %broadcast_in_dim3A_342 : i32 to vector<16xi32>
          %gather3A_344 = tpu.vector_load_idx %arg15[%get3A_132, %broadcast_in_dim3A_343] : memref<10x16xf32, #tpu.memory_space<vmem>>[vector<16xi32>, vector<16xi32>], vector<16xf32>,
          %scatter3A_345 = arith.constant 0 : i32
          %scatter3A_346 = arith.constant 0 : i32
          %scatter3A_347 = arith.constant 0 : i32
          %scatter3A_348 = tpu.memref_slice %arg12[%scatter3A_345, %scatter3A_346, %scatter3A_347] : memref<1x1552x16xf32, #tpu.memory_space<vmem>> -> memref<1x1552x16xf32, #tpu.memory_space<vmem>>
          %scatter3A_349 = tpu.memref_squeeze %scatter3A_348 : memref<1x1552x16xf32, #tpu.memory_space<vmem>> -> memref<1552x16xf32, #tpu.memory_space<vmem>>
          tpu.vector_store_idx %scatter3A_349[%add3A_127, %broadcast_in_dim3A_343], %gather3A_344 : memref<1552x16xf32, #tpu.memory_space<vmem>>[vector<16xi32>, vector<16xi32>], vector<16xf32>,
          %gather3A_350 = tpu.vector_load_idx %arg16[%get3A_138, %broadcast_in_dim3A_343] : memref<3x16xf32, #tpu.memory_space<vmem>>[vector<16xi32>, vector<16xi32>], vector<16xf32>,
          %scatter3A_351 = arith.constant 0 : i32
          %scatter3A_352 = arith.constant 0 : i32
          %scatter3A_353 = arith.constant 0 : i32
          %scatter3A_354 = tpu.memref_slice %arg13[%scatter3A_351, %scatter3A_352, %scatter3A_353] : memref<1x1552x16xf32, #tpu.memory_space<vmem>> -> memref<1x1552x16xf32, #tpu.memory_space<vmem>>
          %scatter3A_355 = tpu.memref_squeeze %scatter3A_354 : memref<1x1552x16xf32, #tpu.memory_space<vmem>> -> memref<1552x16xf32, #tpu.memory_space<vmem>>
          tpu.vector_store_idx %scatter3A_355[%add3A_127, %broadcast_in_dim3A_343], %gather3A_350 : memref<1552x16xf32, #tpu.memory_space<vmem>>[vector<16xi32>, vector<16xi32>], vector<16xf32>,
          %gather3A_356 = tpu.vector_load_idx %arg17[%get3A_144, %broadcast_in_dim3A_343] : memref<100x16xf32, #tpu.memory_space<vmem>>[vector<16xi32>, vector<16xi32>], vector<16xf32>,
          %scatter3A_357 = arith.constant 0 : i32
          %scatter3A_358 = arith.constant 0 : i32
          %scatter3A_359 = arith.constant 0 : i32
          %scatter3A_360 = tpu.memref_slice %arg14[%scatter3A_357, %scatter3A_358, %scatter3A_359] : memref<1x1552x16xf32, #tpu.memory_space<vmem>> -> memref<1x1552x16xf32, #tpu.memory_space<vmem>>
          %scatter3A_361 = tpu.memref_squeeze %scatter3A_360 : memref<1x1552x16xf32, #tpu.memory_space<vmem>> -> memref<1552x16xf32, #tpu.memory_space<vmem>>
          tpu.vector_store_idx %scatter3A_361[%add3A_127, %broadcast_in_dim3A_343], %gather3A_356 : memref<1552x16xf32, #tpu.memory_space<vmem>>[vector<16xi32>, vector<16xi32>], vector<16xf32>,
          %broadcast_in_dim3A_362 = arith.constant 11 : i32
          %broadcast_in_dim3A_363 = vector.broadcast %broadcast_in_dim3A_362 : i32 to vector<16xi32>
          %gather3A_364 = tpu.vector_load_idx %arg15[%get3A_132, %broadcast_in_dim3A_363] : memref<10x16xf32, #tpu.memory_space<vmem>>[vector<16xi32>, vector<16xi32>], vector<16xf32>,
          %scatter3A_365 = arith.constant 0 : i32
          %scatter3A_366 = arith.constant 0 : i32
          %scatter3A_367 = arith.constant 0 : i32
          %scatter3A_368 = tpu.memref_slice %arg12[%scatter3A_365, %scatter3A_366, %scatter3A_367] : memref<1x1552x16xf32, #tpu.memory_space<vmem>> -> memref<1x1552x16xf32, #tpu.memory_space<vmem>>
          %scatter3A_369 = tpu.memref_squeeze %scatter3A_368 : memref<1x1552x16xf32, #tpu.memory_space<vmem>> -> memref<1552x16xf32, #tpu.memory_space<vmem>>
          tpu.vector_store_idx %scatter3A_369[%add3A_127, %broadcast_in_dim3A_363], %gather3A_364 : memref<1552x16xf32, #tpu.memory_space<vmem>>[vector<16xi32>, vector<16xi32>], vector<16xf32>,
          %gather3A_370 = tpu.vector_load_idx %arg16[%get3A_138, %broadcast_in_dim3A_363] : memref<3x16xf32, #tpu.memory_space<vmem>>[vector<16xi32>, vector<16xi32>], vector<16xf32>,
          %scatter3A_371 = arith.constant 0 : i32
          %scatter3A_372 = arith.constant 0 : i32
          %scatter3A_373 = arith.constant 0 : i32
          %scatter3A_374 = tpu.memref_slice %arg13[%scatter3A_371, %scatter3A_372, %scatter3A_373] : memref<1x1552x16xf32, #tpu.memory_space<vmem>> -> memref<1x1552x16xf32, #tpu.memory_space<vmem>>
          %scatter3A_375 = tpu.memref_squeeze %scatter3A_374 : memref<1x1552x16xf32, #tpu.memory_space<vmem>> -> memref<1552x16xf32, #tpu.memory_space<vmem>>
          tpu.vector_store_idx %scatter3A_375[%add3A_127, %broadcast_in_dim3A_363], %gather3A_370 : memref<1552x16xf32, #tpu.memory_space<vmem>>[vector<16xi32>, vector<16xi32>], vector<16xf32>,
          %gather3A_376 = tpu.vector_load_idx %arg17[%get3A_144, %broadcast_in_dim3A_363] : memref<100x16xf32, #tpu.memory_space<vmem>>[vector<16xi32>, vector<16xi32>], vector<16xf32>,
          %scatter3A_377 = arith.constant 0 : i32
          %scatter3A_378 = arith.constant 0 : i32
          %scatter3A_379 = arith.constant 0 : i32
          %scatter3A_380 = tpu.memref_slice %arg14[%scatter3A_377, %scatter3A_378, %scatter3A_379] : memref<1x1552x16xf32, #tpu.memory_space<vmem>> -> memref<1x1552x16xf32, #tpu.memory_space<vmem>>
          %scatter3A_381 = tpu.memref_squeeze %scatter3A_380 : memref<1x1552x16xf32, #tpu.memory_space<vmem>> -> memref<1552x16xf32, #tpu.memory_space<vmem>>
          tpu.vector_store_idx %scatter3A_381[%add3A_127, %broadcast_in_dim3A_363], %gather3A_376 : memref<1552x16xf32, #tpu.memory_space<vmem>>[vector<16xi32>, vector<16xi32>], vector<16xf32>,
          %broadcast_in_dim3A_382 = arith.constant 12 : i32
          %broadcast_in_dim3A_383 = vector.broadcast %broadcast_in_dim3A_382 : i32 to vector<16xi32>
          %gather3A_384 = tpu.vector_load_idx %arg15[%get3A_132, %broadcast_in_dim3A_383] : memref<10x16xf32, #tpu.memory_space<vmem>>[vector<16xi32>, vector<16xi32>], vector<16xf32>,
          %scatter3A_385 = arith.constant 0 : i32
          %scatter3A_386 = arith.constant 0 : i32
          %scatter3A_387 = arith.constant 0 : i32
          %scatter3A_388 = tpu.memref_slice %arg12[%scatter3A_385, %scatter3A_386, %scatter3A_387] : memref<1x1552x16xf32, #tpu.memory_space<vmem>> -> memref<1x1552x16xf32, #tpu.memory_space<vmem>>
          %scatter3A_389 = tpu.memref_squeeze %scatter3A_388 : memref<1x1552x16xf32, #tpu.memory_space<vmem>> -> memref<1552x16xf32, #tpu.memory_space<vmem>>
          tpu.vector_store_idx %scatter3A_389[%add3A_127, %broadcast_in_dim3A_383], %gather3A_384 : memref<1552x16xf32, #tpu.memory_space<vmem>>[vector<16xi32>, vector<16xi32>], vector<16xf32>,
          %gather3A_390 = tpu.vector_load_idx %arg16[%get3A_138, %broadcast_in_dim3A_383] : memref<3x16xf32, #tpu.memory_space<vmem>>[vector<16xi32>, vector<16xi32>], vector<16xf32>,
          %scatter3A_391 = arith.constant 0 : i32
          %scatter3A_392 = arith.constant 0 : i32
          %scatter3A_393 = arith.constant 0 : i32
          %scatter3A_394 = tpu.memref_slice %arg13[%scatter3A_391, %scatter3A_392, %scatter3A_393] : memref<1x1552x16xf32, #tpu.memory_space<vmem>> -> memref<1x1552x16xf32, #tpu.memory_space<vmem>>
          %scatter3A_395 = tpu.memref_squeeze %scatter3A_394 : memref<1x1552x16xf32, #tpu.memory_space<vmem>> -> memref<1552x16xf32, #tpu.memory_space<vmem>>
          tpu.vector_store_idx %scatter3A_395[%add3A_127, %broadcast_in_dim3A_383], %gather3A_390 : memref<1552x16xf32, #tpu.memory_space<vmem>>[vector<16xi32>, vector<16xi32>], vector<16xf32>,
          %gather3A_396 = tpu.vector_load_idx %arg17[%get3A_144, %broadcast_in_dim3A_383] : memref<100x16xf32, #tpu.memory_space<vmem>>[vector<16xi32>, vector<16xi32>], vector<16xf32>,
          %scatter3A_397 = arith.constant 0 : i32
          %scatter3A_398 = arith.constant 0 : i32
          %scatter3A_399 = arith.constant 0 : i32
          %scatter3A_400 = tpu.memref_slice %arg14[%scatter3A_397, %scatter3A_398, %scatter3A_399] : memref<1x1552x16xf32, #tpu.memory_space<vmem>> -> memref<1x1552x16xf32, #tpu.memory_space<vmem>>
          %scatter3A_401 = tpu.memref_squeeze %scatter3A_400 : memref<1x1552x16xf32, #tpu.memory_space<vmem>> -> memref<1552x16xf32, #tpu.memory_space<vmem>>
          tpu.vector_store_idx %scatter3A_401[%add3A_127, %broadcast_in_dim3A_383], %gather3A_396 : memref<1552x16xf32, #tpu.memory_space<vmem>>[vector<16xi32>, vector<16xi32>], vector<16xf32>,
          %broadcast_in_dim3A_402 = arith.constant 13 : i32
          %broadcast_in_dim3A_403 = vector.broadcast %broadcast_in_dim3A_402 : i32 to vector<16xi32>
          %gather3A_404 = tpu.vector_load_idx %arg15[%get3A_132, %broadcast_in_dim3A_403] : memref<10x16xf32, #tpu.memory_space<vmem>>[vector<16xi32>, vector<16xi32>], vector<16xf32>,
          %scatter3A_405 = arith.constant 0 : i32
          %scatter3A_406 = arith.constant 0 : i32
          %scatter3A_407 = arith.constant 0 : i32
          %scatter3A_408 = tpu.memref_slice %arg12[%scatter3A_405, %scatter3A_406, %scatter3A_407] : memref<1x1552x16xf32, #tpu.memory_space<vmem>> -> memref<1x1552x16xf32, #tpu.memory_space<vmem>>
          %scatter3A_409 = tpu.memref_squeeze %scatter3A_408 : memref<1x1552x16xf32, #tpu.memory_space<vmem>> -> memref<1552x16xf32, #tpu.memory_space<vmem>>
          tpu.vector_store_idx %scatter3A_409[%add3A_127, %broadcast_in_dim3A_403], %gather3A_404 : memref<1552x16xf32, #tpu.memory_space<vmem>>[vector<16xi32>, vector<16xi32>], vector<16xf32>,
          %gather3A_410 = tpu.vector_load_idx %arg16[%get3A_138, %broadcast_in_dim3A_403] : memref<3x16xf32, #tpu.memory_space<vmem>>[vector<16xi32>, vector<16xi32>], vector<16xf32>,
          %scatter3A_411 = arith.constant 0 : i32
          %scatter3A_412 = arith.constant 0 : i32
          %scatter3A_413 = arith.constant 0 : i32
          %scatter3A_414 = tpu.memref_slice %arg13[%scatter3A_411, %scatter3A_412, %scatter3A_413] : memref<1x1552x16xf32, #tpu.memory_space<vmem>> -> memref<1x1552x16xf32, #tpu.memory_space<vmem>>
          %scatter3A_415 = tpu.memref_squeeze %scatter3A_414 : memref<1x1552x16xf32, #tpu.memory_space<vmem>> -> memref<1552x16xf32, #tpu.memory_space<vmem>>
          tpu.vector_store_idx %scatter3A_415[%add3A_127, %broadcast_in_dim3A_403], %gather3A_410 : memref<1552x16xf32, #tpu.memory_space<vmem>>[vector<16xi32>, vector<16xi32>], vector<16xf32>,
          %gather3A_416 = tpu.vector_load_idx %arg17[%get3A_144, %broadcast_in_dim3A_403] : memref<100x16xf32, #tpu.memory_space<vmem>>[vector<16xi32>, vector<16xi32>], vector<16xf32>,
          %scatter3A_417 = arith.constant 0 : i32
          %scatter3A_418 = arith.constant 0 : i32
          %scatter3A_419 = arith.constant 0 : i32
          %scatter3A_420 = tpu.memref_slice %arg14[%scatter3A_417, %scatter3A_418, %scatter3A_419] : memref<1x1552x16xf32, #tpu.memory_space<vmem>> -> memref<1x1552x16xf32, #tpu.memory_space<vmem>>
          %scatter3A_421 = tpu.memref_squeeze %scatter3A_420 : memref<1x1552x16xf32, #tpu.memory_space<vmem>> -> memref<1552x16xf32, #tpu.memory_space<vmem>>
          tpu.vector_store_idx %scatter3A_421[%add3A_127, %broadcast_in_dim3A_403], %gather3A_416 : memref<1552x16xf32, #tpu.memory_space<vmem>>[vector<16xi32>, vector<16xi32>], vector<16xf32>,
          %broadcast_in_dim3A_422 = arith.constant 14 : i32
          %broadcast_in_dim3A_423 = vector.broadcast %broadcast_in_dim3A_422 : i32 to vector<16xi32>
          %gather3A_424 = tpu.vector_load_idx %arg15[%get3A_132, %broadcast_in_dim3A_423] : memref<10x16xf32, #tpu.memory_space<vmem>>[vector<16xi32>, vector<16xi32>], vector<16xf32>,
          %scatter3A_425 = arith.constant 0 : i32
          %scatter3A_426 = arith.constant 0 : i32
          %scatter3A_427 = arith.constant 0 : i32
          %scatter3A_428 = tpu.memref_slice %arg12[%scatter3A_425, %scatter3A_426, %scatter3A_427] : memref<1x1552x16xf32, #tpu.memory_space<vmem>> -> memref<1x1552x16xf32, #tpu.memory_space<vmem>>
          %scatter3A_429 = tpu.memref_squeeze %scatter3A_428 : memref<1x1552x16xf32, #tpu.memory_space<vmem>> -> memref<1552x16xf32, #tpu.memory_space<vmem>>
          tpu.vector_store_idx %scatter3A_429[%add3A_127, %broadcast_in_dim3A_423], %gather3A_424 : memref<1552x16xf32, #tpu.memory_space<vmem>>[vector<16xi32>, vector<16xi32>], vector<16xf32>,
          %gather3A_430 = tpu.vector_load_idx %arg16[%get3A_138, %broadcast_in_dim3A_423] : memref<3x16xf32, #tpu.memory_space<vmem>>[vector<16xi32>, vector<16xi32>], vector<16xf32>,
          %scatter3A_431 = arith.constant 0 : i32
          %scatter3A_432 = arith.constant 0 : i32
          %scatter3A_433 = arith.constant 0 : i32
          %scatter3A_434 = tpu.memref_slice %arg13[%scatter3A_431, %scatter3A_432, %scatter3A_433] : memref<1x1552x16xf32, #tpu.memory_space<vmem>> -> memref<1x1552x16xf32, #tpu.memory_space<vmem>>
          %scatter3A_435 = tpu.memref_squeeze %scatter3A_434 : memref<1x1552x16xf32, #tpu.memory_space<vmem>> -> memref<1552x16xf32, #tpu.memory_space<vmem>>
          tpu.vector_store_idx %scatter3A_435[%add3A_127, %broadcast_in_dim3A_423], %gather3A_430 : memref<1552x16xf32, #tpu.memory_space<vmem>>[vector<16xi32>, vector<16xi32>], vector<16xf32>,
          %gather3A_436 = tpu.vector_load_idx %arg17[%get3A_144, %broadcast_in_dim3A_423] : memref<100x16xf32, #tpu.memory_space<vmem>>[vector<16xi32>, vector<16xi32>], vector<16xf32>,
          %scatter3A_437 = arith.constant 0 : i32
          %scatter3A_438 = arith.constant 0 : i32
          %scatter3A_439 = arith.constant 0 : i32
          %scatter3A_440 = tpu.memref_slice %arg14[%scatter3A_437, %scatter3A_438, %scatter3A_439] : memref<1x1552x16xf32, #tpu.memory_space<vmem>> -> memref<1x1552x16xf32, #tpu.memory_space<vmem>>
          %scatter3A_441 = tpu.memref_squeeze %scatter3A_440 : memref<1x1552x16xf32, #tpu.memory_space<vmem>> -> memref<1552x16xf32, #tpu.memory_space<vmem>>
          tpu.vector_store_idx %scatter3A_441[%add3A_127, %broadcast_in_dim3A_423], %gather3A_436 : memref<1552x16xf32, #tpu.memory_space<vmem>>[vector<16xi32>, vector<16xi32>], vector<16xf32>,
          %broadcast_in_dim3A_442 = arith.constant 15 : i32
          %broadcast_in_dim3A_443 = vector.broadcast %broadcast_in_dim3A_442 : i32 to vector<16xi32>
          %gather3A_444 = tpu.vector_load_idx %arg15[%get3A_132, %broadcast_in_dim3A_443] : memref<10x16xf32, #tpu.memory_space<vmem>>[vector<16xi32>, vector<16xi32>], vector<16xf32>,
          %scatter3A_445 = arith.constant 0 : i32
          %scatter3A_446 = arith.constant 0 : i32
          %scatter3A_447 = arith.constant 0 : i32
          %scatter3A_448 = tpu.memref_slice %arg12[%scatter3A_445, %scatter3A_446, %scatter3A_447] : memref<1x1552x16xf32, #tpu.memory_space<vmem>> -> memref<1x1552x16xf32, #tpu.memory_space<vmem>>
          %scatter3A_449 = tpu.memref_squeeze %scatter3A_448 : memref<1x1552x16xf32, #tpu.memory_space<vmem>> -> memref<1552x16xf32, #tpu.memory_space<vmem>>
          tpu.vector_store_idx %scatter3A_449[%add3A_127, %broadcast_in_dim3A_443], %gather3A_444 : memref<1552x16xf32, #tpu.memory_space<vmem>>[vector<16xi32>, vector<16xi32>], vector<16xf32>,
          %gather3A_450 = tpu.vector_load_idx %arg16[%get3A_138, %broadcast_in_dim3A_443] : memref<3x16xf32, #tpu.memory_space<vmem>>[vector<16xi32>, vector<16xi32>], vector<16xf32>,
          %scatter3A_451 = arith.constant 0 : i32
          %scatter3A_452 = arith.constant 0 : i32
          %scatter3A_453 = arith.constant 0 : i32
          %scatter3A_454 = tpu.memref_slice %arg13[%scatter3A_451, %scatter3A_452, %scatter3A_453] : memref<1x1552x16xf32, #tpu.memory_space<vmem>> -> memref<1x1552x16xf32, #tpu.memory_space<vmem>>
          %scatter3A_455 = tpu.memref_squeeze %scatter3A_454 : memref<1x1552x16xf32, #tpu.memory_space<vmem>> -> memref<1552x16xf32, #tpu.memory_space<vmem>>
          tpu.vector_store_idx %scatter3A_455[%add3A_127, %broadcast_in_dim3A_443], %gather3A_450 : memref<1552x16xf32, #tpu.memory_space<vmem>>[vector<16xi32>, vector<16xi32>], vector<16xf32>,
          %gather3A_456 = tpu.vector_load_idx %arg17[%get3A_144, %broadcast_in_dim3A_443] : memref<100x16xf32, #tpu.memory_space<vmem>>[vector<16xi32>, vector<16xi32>], vector<16xf32>,
          %scatter3A_457 = arith.constant 0 : i32
          %scatter3A_458 = arith.constant 0 : i32
          %scatter3A_459 = arith.constant 0 : i32
          %scatter3A_460 = tpu.memref_slice %arg14[%scatter3A_457, %scatter3A_458, %scatter3A_459] : memref<1x1552x16xf32, #tpu.memory_space<vmem>> -> memref<1x1552x16xf32, #tpu.memory_space<vmem>>
          %scatter3A_461 = tpu.memref_squeeze %scatter3A_460 : memref<1x1552x16xf32, #tpu.memory_space<vmem>> -> memref<1552x16xf32, #tpu.memory_space<vmem>>
          tpu.vector_store_idx %scatter3A_461[%add3A_127, %broadcast_in_dim3A_443], %gather3A_456 : memref<1552x16xf32, #tpu.memory_space<vmem>>[vector<16xi32>, vector<16xi32>], vector<16xf32>,
        }
        %scan3A_76 = arith.constant 97 : i32
        %add3A_77 = arith.constant 0 : i32
        %add3A_78 = arith.addi %add3A_20, %add3A_77 : i32
        %mul3A_79 = arith.constant 1552 : i32
        %mul3A_80 = arith.muli %add3A_78, %mul3A_79 : i32
        %dma_start3A = arith.constant 0 : i32
        %dma_start3A_81 = arith.constant 0 : i32
        %dma_start3A_82 = arith.constant 0 : i32
        %dma_start3A_83 = tpu.memref_slice %arg12[%dma_start3A, %dma_start3A_81, %dma_start3A_82] : memref<1x1552x16xf32, #tpu.memory_space<vmem>> -> memref<1x1552x16xf32, #tpu.memory_space<vmem>>
        %dma_start3A_84 = tpu.memref_squeeze %dma_start3A_83 : memref<1x1552x16xf32, #tpu.memory_space<vmem>> -> memref<1552x16xf32, #tpu.memory_space<vmem>>
        %dma_start3A_85 = arith.constant 0 : i32
        %dma_start3A_86 = tpu.memref_slice %arg8[%mul3A_80, %dma_start3A_85] : memref<50000x128xf32, #tpu.memory_space<hbm>> -> memref<1552x16xf32, #tpu.memory_space<hbm>>
        %dma_start3A_87 = arith.constant 0 : i32
        %dma_start3A_88 = tpu.memref_slice %arg8[%mul3A_80, %dma_start3A_87] : memref<50000x128xf32, #tpu.memory_space<hbm>> -> memref<1552x16xf32, #tpu.memory_space<hbm>>
        %dma_start3A_89 = arith.constant 0 : i32
        %dma_start3A_90 = arith.constant 0 : i32
        %dma_start3A_91 = tpu.memref_slice %arg12[%dma_start3A, %dma_start3A_89, %dma_start3A_90] : memref<1x1552x16xf32, #tpu.memory_space<vmem>> -> memref<1x1552x16xf32, #tpu.memory_space<vmem>>
        %dma_start3A_92 = tpu.memref_squeeze %dma_start3A_91 : memref<1x1552x16xf32, #tpu.memory_space<vmem>> -> memref<1552x16xf32, #tpu.memory_space<vmem>>
        tpu.enqueue_dma source(%dma_start3A_92 : memref<1552x16xf32, #tpu.memory_space<vmem>>) target(%dma_start3A_88 : memref<1552x16xf32, #tpu.memory_space<hbm>>) target_semaphore(%arg19 : memref<!tpu.dma_semaphore, #tpu.memory_space<semaphore_mem>>)
        %dma_start3A_93 = arith.constant 0 : i32
        %dma_start3A_94 = arith.constant 0 : i32
        %dma_start3A_95 = arith.constant 0 : i32
        %dma_start3A_96 = tpu.memref_slice %arg13[%dma_start3A_93, %dma_start3A_94, %dma_start3A_95] : memref<1x1552x16xf32, #tpu.memory_space<vmem>> -> memref<1x1552x16xf32, #tpu.memory_space<vmem>>
        %dma_start3A_97 = tpu.memref_squeeze %dma_start3A_96 : memref<1x1552x16xf32, #tpu.memory_space<vmem>> -> memref<1552x16xf32, #tpu.memory_space<vmem>>
        %dma_start3A_98 = arith.constant 16 : i32
        %dma_start3A_99 = tpu.memref_slice %arg8[%mul3A_80, %dma_start3A_98] : memref<50000x128xf32, #tpu.memory_space<hbm>> -> memref<1552x16xf32, #tpu.memory_space<hbm>>
        %dma_start3A_100 = arith.constant 16 : i32
        %dma_start3A_101 = tpu.memref_slice %arg8[%mul3A_80, %dma_start3A_100] : memref<50000x128xf32, #tpu.memory_space<hbm>> -> memref<1552x16xf32, #tpu.memory_space<hbm>>
        %dma_start3A_102 = arith.constant 0 : i32
        %dma_start3A_103 = arith.constant 0 : i32
        %dma_start3A_104 = tpu.memref_slice %arg13[%dma_start3A_93, %dma_start3A_102, %dma_start3A_103] : memref<1x1552x16xf32, #tpu.memory_space<vmem>> -> memref<1x1552x16xf32, #tpu.memory_space<vmem>>
        %dma_start3A_105 = tpu.memref_squeeze %dma_start3A_104 : memref<1x1552x16xf32, #tpu.memory_space<vmem>> -> memref<1552x16xf32, #tpu.memory_space<vmem>>
        tpu.enqueue_dma source(%dma_start3A_105 : memref<1552x16xf32, #tpu.memory_space<vmem>>) target(%dma_start3A_101 : memref<1552x16xf32, #tpu.memory_space<hbm>>) target_semaphore(%arg19 : memref<!tpu.dma_semaphore, #tpu.memory_space<semaphore_mem>>)
        %dma_start3A_106 = arith.constant 0 : i32
        %dma_start3A_107 = arith.constant 0 : i32
        %dma_start3A_108 = arith.constant 0 : i32
        %dma_start3A_109 = tpu.memref_slice %arg14[%dma_start3A_106, %dma_start3A_107, %dma_start3A_108] : memref<1x1552x16xf32, #tpu.memory_space<vmem>> -> memref<1x1552x16xf32, #tpu.memory_space<vmem>>
        %dma_start3A_110 = tpu.memref_squeeze %dma_start3A_109 : memref<1x1552x16xf32, #tpu.memory_space<vmem>> -> memref<1552x16xf32, #tpu.memory_space<vmem>>
        %dma_start3A_111 = arith.constant 32 : i32
        %dma_start3A_112 = tpu.memref_slice %arg8[%mul3A_80, %dma_start3A_111] : memref<50000x128xf32, #tpu.memory_space<hbm>> -> memref<1552x16xf32, #tpu.memory_space<hbm>>
        %dma_start3A_113 = arith.constant 32 : i32
        %dma_start3A_114 = tpu.memref_slice %arg8[%mul3A_80, %dma_start3A_113] : memref<50000x128xf32, #tpu.memory_space<hbm>> -> memref<1552x16xf32, #tpu.memory_space<hbm>>
        %dma_start3A_115 = arith.constant 0 : i32
        %dma_start3A_116 = arith.constant 0 : i32
        %dma_start3A_117 = tpu.memref_slice %arg14[%dma_start3A_106, %dma_start3A_115, %dma_start3A_116] : memref<1x1552x16xf32, #tpu.memory_space<vmem>> -> memref<1x1552x16xf32, #tpu.memory_space<vmem>>
        %dma_start3A_118 = tpu.memref_squeeze %dma_start3A_117 : memref<1x1552x16xf32, #tpu.memory_space<vmem>> -> memref<1552x16xf32, #tpu.memory_space<vmem>>
        tpu.enqueue_dma source(%dma_start3A_118 : memref<1552x16xf32, #tpu.memory_space<vmem>>) target(%dma_start3A_114 : memref<1552x16xf32, #tpu.memory_space<hbm>>) target_semaphore(%arg19 : memref<!tpu.dma_semaphore, #tpu.memory_space<semaphore_mem>>)
      } else {
      }
      %add3A_34 = arith.constant 0 : i32
      %add3A_35 = arith.addi %add3A_20, %add3A_34 : i32
      %lt3A_36 = arith.constant 32 : i32
      %lt3A_37 = arith.cmpi slt, %add3A_35, %lt3A_36 : i32
      %convert_element_type3A_38 = arith.extui %lt3A_37 : i1 to i32
      %cond3A_39 = arith.constant 0 : i32
      %cond3A_40 = arith.cmpi ne, %convert_element_type3A_38, %cond3A_39 : i32
      scf.if %cond3A_40 {
        %dma_wait3A = arith.constant 0 : i32
        %dma_wait3A_41 = arith.constant 0 : i32
        %dma_wait3A_42 = arith.constant 0 : i32
        %dma_wait3A_43 = tpu.memref_slice %arg12[%dma_wait3A, %dma_wait3A_41, %dma_wait3A_42] : memref<1x1552x16xf32, #tpu.memory_space<vmem>> -> memref<1x1552x16xf32, #tpu.memory_space<vmem>>
        %dma_wait3A_44 = tpu.memref_squeeze %dma_wait3A_43 : memref<1x1552x16xf32, #tpu.memory_space<vmem>> -> memref<1552x16xf32, #tpu.memory_space<vmem>>
        %dma_wait3A_45 = arith.constant 0 : i32
        %dma_wait3A_46 = arith.constant 0 : i32
        %dma_wait3A_47 = tpu.memref_slice %arg8[%dma_wait3A_45, %dma_wait3A_46] : memref<50000x128xf32, #tpu.memory_space<hbm>> -> memref<1552x16xf32, #tpu.memory_space<hbm>>
        %dma_wait3A_48 = arith.constant 0 : i32
        %dma_wait3A_49 = arith.constant 0 : i32
        %dma_wait3A_50 = tpu.memref_slice %arg8[%dma_wait3A_48, %dma_wait3A_49] : memref<50000x128xf32, #tpu.memory_space<hbm>> -> memref<1552x16xf32, #tpu.memory_space<hbm>>
        %dma_wait3A_51 = arith.constant 0 : i32
        %dma_wait3A_52 = arith.constant 0 : i32
        %dma_wait3A_53 = tpu.memref_slice %arg12[%dma_wait3A, %dma_wait3A_51, %dma_wait3A_52] : memref<1x1552x16xf32, #tpu.memory_space<vmem>> -> memref<1x1552x16xf32, #tpu.memory_space<vmem>>
        %dma_wait3A_54 = tpu.memref_squeeze %dma_wait3A_53 : memref<1x1552x16xf32, #tpu.memory_space<vmem>> -> memref<1552x16xf32, #tpu.memory_space<vmem>>
        tpu.wait_dma2 semaphore(%arg19 : memref<!tpu.dma_semaphore, #tpu.memory_space<semaphore_mem>>) src(%dma_wait3A_54 : memref<1552x16xf32, #tpu.memory_space<vmem>>) dst(%dma_wait3A_50 : memref<1552x16xf32, #tpu.memory_space<hbm>>)
        %dma_wait3A_55 = arith.constant 0 : i32
        %dma_wait3A_56 = arith.constant 0 : i32
        %dma_wait3A_57 = arith.constant 0 : i32
        %dma_wait3A_58 = tpu.memref_slice %arg13[%dma_wait3A_55, %dma_wait3A_56, %dma_wait3A_57] : memref<1x1552x16xf32, #tpu.memory_space<vmem>> -> memref<1x1552x16xf32, #tpu.memory_space<vmem>>
        %dma_wait3A_59 = tpu.memref_squeeze %dma_wait3A_58 : memref<1x1552x16xf32, #tpu.memory_space<vmem>> -> memref<1552x16xf32, #tpu.memory_space<vmem>>
        %dma_wait3A_60 = arith.constant 0 : i32
        %dma_wait3A_61 = arith.constant 16 : i32
        %dma_wait3A_62 = tpu.memref_slice %arg8[%dma_wait3A_60, %dma_wait3A_61] : memref<50000x128xf32, #tpu.memory_space<hbm>> -> memref<1552x16xf32, #tpu.memory_space<hbm>>
        %dma_wait3A_63 = arith.constant 0 : i32
        %dma_wait3A_64 = arith.constant 16 : i32
        %dma_wait3A_65 = tpu.memref_slice %arg8[%dma_wait3A_63, %dma_wait3A_64] : memref<50000x128xf32, #tpu.memory_space<hbm>> -> memref<1552x16xf32, #tpu.memory_space<hbm>>
        %dma_wait3A_66 = arith.constant 0 : i32
        %dma_wait3A_67 = arith.constant 0 : i32
        %dma_wait3A_68 = tpu.memref_slice %arg13[%dma_wait3A_55, %dma_wait3A_66, %dma_wait3A_67] : memref<1x1552x16xf32, #tpu.memory_space<vmem>> -> memref<1x1552x16xf32, #tpu.memory_space<vmem>>
        %dma_wait3A_69 = tpu.memref_squeeze %dma_wait3A_68 : memref<1x1552x16xf32, #tpu.memory_space<vmem>> -> memref<1552x16xf32, #tpu.memory_space<vmem>>
        tpu.wait_dma2 semaphore(%arg19 : memref<!tpu.dma_semaphore, #tpu.memory_space<semaphore_mem>>) src(%dma_wait3A_69 : memref<1552x16xf32, #tpu.memory_space<vmem>>) dst(%dma_wait3A_65 : memref<1552x16xf32, #tpu.memory_space<hbm>>)
        %dma_wait3A_70 = arith.constant 0 : i32
        %dma_wait3A_71 = arith.constant 0 : i32
        %dma_wait3A_72 = arith.constant 0 : i32
        %dma_wait3A_73 = tpu.memref_slice %arg14[%dma_wait3A_70, %dma_wait3A_71, %dma_wait3A_72] : memref<1x1552x16xf32, #tpu.memory_space<vmem>> -> memref<1x1552x16xf32, #tpu.memory_space<vmem>>
        %dma_wait3A_74 = tpu.memref_squeeze %dma_wait3A_73 : memref<1x1552x16xf32, #tpu.memory_space<vmem>> -> memref<1552x16xf32, #tpu.memory_space<vmem>>
        %dma_wait3A_75 = arith.constant 0 : i32
        %dma_wait3A_76 = arith.constant 32 : i32
        %dma_wait3A_77 = tpu.memref_slice %arg8[%dma_wait3A_75, %dma_wait3A_76] : memref<50000x128xf32, #tpu.memory_space<hbm>> -> memref<1552x16xf32, #tpu.memory_space<hbm>>
        %dma_wait3A_78 = arith.constant 0 : i32
        %dma_wait3A_79 = arith.constant 32 : i32
        %dma_wait3A_80 = tpu.memref_slice %arg8[%dma_wait3A_78, %dma_wait3A_79] : memref<50000x128xf32, #tpu.memory_space<hbm>> -> memref<1552x16xf32, #tpu.memory_space<hbm>>
        %dma_wait3A_81 = arith.constant 0 : i32
        %dma_wait3A_82 = arith.constant 0 : i32
        %dma_wait3A_83 = tpu.memref_slice %arg14[%dma_wait3A_70, %dma_wait3A_81, %dma_wait3A_82] : memref<1x1552x16xf32, #tpu.memory_space<vmem>> -> memref<1x1552x16xf32, #tpu.memory_space<vmem>>
        %dma_wait3A_84 = tpu.memref_squeeze %dma_wait3A_83 : memref<1x1552x16xf32, #tpu.memory_space<vmem>> -> memref<1552x16xf32, #tpu.memory_space<vmem>>
        tpu.wait_dma2 semaphore(%arg19 : memref<!tpu.dma_semaphore, #tpu.memory_space<semaphore_mem>>) src(%dma_wait3A_84 : memref<1552x16xf32, #tpu.memory_space<vmem>>) dst(%dma_wait3A_80 : memref<1552x16xf32, #tpu.memory_space<hbm>>)
      } else {
      }
    }
    %eq3A = arith.constant 31 : i32
    %eq3A_16 = arith.cmpi eq, %add3A, %eq3A : i32
    %convert_element_type3A = arith.extui %eq3A_16 : i1 to i32
    %cond3A = arith.constant 0 : i32
    %cond3A_17 = arith.cmpi ne, %convert_element_type3A, %cond3A : i32
    scf.if %cond3A_17 {
      %dma_start3A = arith.constant 0 : i32
      %dma_start3A_18 = arith.constant 0 : i32
      %dma_start3A_19 = tpu.memref_slice %arg9[%dma_start3A, %dma_start3A_18] : memref<1x1552xi32, #tpu.memory_space<vmem>> -> memref<1x336xi32, #tpu.memory_space<vmem>>
      %dma_start3A_20 = tpu.memref_squeeze %dma_start3A_19 : memref<1x336xi32, #tpu.memory_space<vmem>> -> memref<336xi32, #tpu.memory_space<vmem>>
      %dma_start3A_21 = arith.constant 49664 : i32
      %dma_start3A_22 = tpu.memref_slice %arg2[%dma_start3A_21] : memref<50000xi32, #tpu.memory_space<hbm>> -> memref<336xi32, #tpu.memory_space<hbm>>
      %dma_start3A_23 = arith.constant 0 : i32
      %dma_start3A_24 = tpu.memref_slice %arg9[%dma_start3A, %dma_start3A_23] : memref<1x1552xi32, #tpu.memory_space<vmem>> -> memref<1x336xi32, #tpu.memory_space<vmem>>
      %dma_start3A_25 = tpu.memref_squeeze %dma_start3A_24 : memref<1x336xi32, #tpu.memory_space<vmem>> -> memref<336xi32, #tpu.memory_space<vmem>>
      %dma_start3A_26 = arith.constant 49664 : i32
      %dma_start3A_27 = tpu.memref_slice %arg2[%dma_start3A_26] : memref<50000xi32, #tpu.memory_space<hbm>> -> memref<336xi32, #tpu.memory_space<hbm>>
      tpu.enqueue_dma source(%dma_start3A_27 : memref<336xi32, #tpu.memory_space<hbm>>) target(%dma_start3A_25 : memref<336xi32, #tpu.memory_space<vmem>>) target_semaphore(%arg18 : memref<!tpu.dma_semaphore, #tpu.memory_space<semaphore_mem>>)
      %dma_start3A_28 = arith.constant 0 : i32
      %dma_start3A_29 = arith.constant 0 : i32
      %dma_start3A_30 = tpu.memref_slice %arg10[%dma_start3A_28, %dma_start3A_29] : memref<1x1552xi32, #tpu.memory_space<vmem>> -> memref<1x336xi32, #tpu.memory_space<vmem>>
      %dma_start3A_31 = tpu.memref_squeeze %dma_start3A_30 : memref<1x336xi32, #tpu.memory_space<vmem>> -> memref<336xi32, #tpu.memory_space<vmem>>
      %dma_start3A_32 = arith.constant 49664 : i32
      %dma_start3A_33 = tpu.memref_slice %arg3[%dma_start3A_32] : memref<50000xi32, #tpu.memory_space<hbm>> -> memref<336xi32, #tpu.memory_space<hbm>>
      %dma_start3A_34 = arith.constant 0 : i32
      %dma_start3A_35 = tpu.memref_slice %arg10[%dma_start3A_28, %dma_start3A_34] : memref<1x1552xi32, #tpu.memory_space<vmem>> -> memref<1x336xi32, #tpu.memory_space<vmem>>
      %dma_start3A_36 = tpu.memref_squeeze %dma_start3A_35 : memref<1x336xi32, #tpu.memory_space<vmem>> -> memref<336xi32, #tpu.memory_space<vmem>>
      %dma_start3A_37 = arith.constant 49664 : i32
      %dma_start3A_38 = tpu.memref_slice %arg3[%dma_start3A_37] : memref<50000xi32, #tpu.memory_space<hbm>> -> memref<336xi32, #tpu.memory_space<hbm>>
      tpu.enqueue_dma source(%dma_start3A_38 : memref<336xi32, #tpu.memory_space<hbm>>) target(%dma_start3A_36 : memref<336xi32, #tpu.memory_space<vmem>>) target_semaphore(%arg18 : memref<!tpu.dma_semaphore, #tpu.memory_space<semaphore_mem>>)
      %dma_start3A_39 = arith.constant 0 : i32
      %dma_start3A_40 = arith.constant 0 : i32
      %dma_start3A_41 = tpu.memref_slice %arg11[%dma_start3A_39, %dma_start3A_40] : memref<1x1552xi32, #tpu.memory_space<vmem>> -> memref<1x336xi32, #tpu.memory_space<vmem>>
      %dma_start3A_42 = tpu.memref_squeeze %dma_start3A_41 : memref<1x336xi32, #tpu.memory_space<vmem>> -> memref<336xi32, #tpu.memory_space<vmem>>
      %dma_start3A_43 = arith.constant 49664 : i32
      %dma_start3A_44 = tpu.memref_slice %arg4[%dma_start3A_43] : memref<50000xi32, #tpu.memory_space<hbm>> -> memref<336xi32, #tpu.memory_space<hbm>>
      %dma_start3A_45 = arith.constant 0 : i32
      %dma_start3A_46 = tpu.memref_slice %arg11[%dma_start3A_39, %dma_start3A_45] : memref<1x1552xi32, #tpu.memory_space<vmem>> -> memref<1x336xi32, #tpu.memory_space<vmem>>
      %dma_start3A_47 = tpu.memref_squeeze %dma_start3A_46 : memref<1x336xi32, #tpu.memory_space<vmem>> -> memref<336xi32, #tpu.memory_space<vmem>>
      %dma_start3A_48 = arith.constant 49664 : i32
      %dma_start3A_49 = tpu.memref_slice %arg4[%dma_start3A_48] : memref<50000xi32, #tpu.memory_space<hbm>> -> memref<336xi32, #tpu.memory_space<hbm>>
      tpu.enqueue_dma source(%dma_start3A_49 : memref<336xi32, #tpu.memory_space<hbm>>) target(%dma_start3A_47 : memref<336xi32, #tpu.memory_space<vmem>>) target_semaphore(%arg18 : memref<!tpu.dma_semaphore, #tpu.memory_space<semaphore_mem>>)
      %dma_wait3A = arith.constant 0 : i32
      %dma_wait3A_50 = arith.constant 0 : i32
      %dma_wait3A_51 = tpu.memref_slice %arg9[%dma_wait3A, %dma_wait3A_50] : memref<1x1552xi32, #tpu.memory_space<vmem>> -> memref<1x336xi32, #tpu.memory_space<vmem>>
      %dma_wait3A_52 = tpu.memref_squeeze %dma_wait3A_51 : memref<1x336xi32, #tpu.memory_space<vmem>> -> memref<336xi32, #tpu.memory_space<vmem>>
      %dma_wait3A_53 = arith.constant 0 : i32
      %dma_wait3A_54 = tpu.memref_slice %arg2[%dma_wait3A_53] : memref<50000xi32, #tpu.memory_space<hbm>> -> memref<336xi32, #tpu.memory_space<hbm>>
      %dma_wait3A_55 = arith.constant 0 : i32
      %dma_wait3A_56 = tpu.memref_slice %arg9[%dma_wait3A, %dma_wait3A_55] : memref<1x1552xi32, #tpu.memory_space<vmem>> -> memref<1x336xi32, #tpu.memory_space<vmem>>
      %dma_wait3A_57 = tpu.memref_squeeze %dma_wait3A_56 : memref<1x336xi32, #tpu.memory_space<vmem>> -> memref<336xi32, #tpu.memory_space<vmem>>
      %dma_wait3A_58 = arith.constant 0 : i32
      %dma_wait3A_59 = tpu.memref_slice %arg2[%dma_wait3A_58] : memref<50000xi32, #tpu.memory_space<hbm>> -> memref<336xi32, #tpu.memory_space<hbm>>
      tpu.wait_dma2 semaphore(%arg18 : memref<!tpu.dma_semaphore, #tpu.memory_space<semaphore_mem>>) src(%dma_wait3A_59 : memref<336xi32, #tpu.memory_space<hbm>>) dst(%dma_wait3A_57 : memref<336xi32, #tpu.memory_space<vmem>>)
      %dma_wait3A_60 = arith.constant 0 : i32
      %dma_wait3A_61 = arith.constant 0 : i32
      %dma_wait3A_62 = tpu.memref_slice %arg10[%dma_wait3A_60, %dma_wait3A_61] : memref<1x1552xi32, #tpu.memory_space<vmem>> -> memref<1x336xi32, #tpu.memory_space<vmem>>
      %dma_wait3A_63 = tpu.memref_squeeze %dma_wait3A_62 : memref<1x336xi32, #tpu.memory_space<vmem>> -> memref<336xi32, #tpu.memory_space<vmem>>
      %dma_wait3A_64 = arith.constant 0 : i32
      %dma_wait3A_65 = tpu.memref_slice %arg3[%dma_wait3A_64] : memref<50000xi32, #tpu.memory_space<hbm>> -> memref<336xi32, #tpu.memory_space<hbm>>
      %dma_wait3A_66 = arith.constant 0 : i32
      %dma_wait3A_67 = tpu.memref_slice %arg10[%dma_wait3A_60, %dma_wait3A_66] : memref<1x1552xi32, #tpu.memory_space<vmem>> -> memref<1x336xi32, #tpu.memory_space<vmem>>
      %dma_wait3A_68 = tpu.memref_squeeze %dma_wait3A_67 : memref<1x336xi32, #tpu.memory_space<vmem>> -> memref<336xi32, #tpu.memory_space<vmem>>
      %dma_wait3A_69 = arith.constant 0 : i32
      %dma_wait3A_70 = tpu.memref_slice %arg3[%dma_wait3A_69] : memref<50000xi32, #tpu.memory_space<hbm>> -> memref<336xi32, #tpu.memory_space<hbm>>
      tpu.wait_dma2 semaphore(%arg18 : memref<!tpu.dma_semaphore, #tpu.memory_space<semaphore_mem>>) src(%dma_wait3A_70 : memref<336xi32, #tpu.memory_space<hbm>>) dst(%dma_wait3A_68 : memref<336xi32, #tpu.memory_space<vmem>>)
      %dma_wait3A_71 = arith.constant 0 : i32
      %dma_wait3A_72 = arith.constant 0 : i32
      %dma_wait3A_73 = tpu.memref_slice %arg11[%dma_wait3A_71, %dma_wait3A_72] : memref<1x1552xi32, #tpu.memory_space<vmem>> -> memref<1x336xi32, #tpu.memory_space<vmem>>
      %dma_wait3A_74 = tpu.memref_squeeze %dma_wait3A_73 : memref<1x336xi32, #tpu.memory_space<vmem>> -> memref<336xi32, #tpu.memory_space<vmem>>
      %dma_wait3A_75 = arith.constant 0 : i32
      %dma_wait3A_76 = tpu.memref_slice %arg4[%dma_wait3A_75] : memref<50000xi32, #tpu.memory_space<hbm>> -> memref<336xi32, #tpu.memory_space<hbm>>
      %dma_wait3A_77 = arith.constant 0 : i32
      %dma_wait3A_78 = tpu.memref_slice %arg11[%dma_wait3A_71, %dma_wait3A_77] : memref<1x1552xi32, #tpu.memory_space<vmem>> -> memref<1x336xi32, #tpu.memory_space<vmem>>
      %dma_wait3A_79 = tpu.memref_squeeze %dma_wait3A_78 : memref<1x336xi32, #tpu.memory_space<vmem>> -> memref<336xi32, #tpu.memory_space<vmem>>
      %dma_wait3A_80 = arith.constant 0 : i32
      %dma_wait3A_81 = tpu.memref_slice %arg4[%dma_wait3A_80] : memref<50000xi32, #tpu.memory_space<hbm>> -> memref<336xi32, #tpu.memory_space<hbm>>
      tpu.wait_dma2 semaphore(%arg18 : memref<!tpu.dma_semaphore, #tpu.memory_space<semaphore_mem>>) src(%dma_wait3A_81 : memref<336xi32, #tpu.memory_space<hbm>>) dst(%dma_wait3A_79 : memref<336xi32, #tpu.memory_space<vmem>>)
      %iota3A = tpu.iota {dimensions = array<i32: 0>} : vector<16xi32>
      %scan3A = arith.constant 0 : i32
      %scan3A_82 = arith.constant 21 : i32
      %scan3A_83 = arith.addi %scan3A, %scan3A_82 : i32
      %scan3A_84 = arith.constant 1 : i32
      scf.for %scan3A_176 = %scan3A to %scan3A_83 step %scan3A_84  : i32 {
        %mul3A_177 = arith.constant 1 : i32
        %mul3A_178 = arith.muli %scan3A_176, %mul3A_177 : i32
        %add3A_179 = arith.constant 0 : i32
        %add3A_180 = arith.addi %add3A_179, %mul3A_178 : i32
        %mul3A_181 = arith.constant 16 : i32
        %mul3A_182 = arith.muli %add3A_180, %mul3A_181 : i32
        %add3A_183 = vector.broadcast %mul3A_182 : i32 to vector<16xi32>
        %add3A_184 = arith.addi %add3A_183, %iota3A : vector<16xi32>
        %mul3A_185 = arith.constant 16 : i32
        %mul3A_186 = arith.muli %add3A_180, %mul3A_185 : i32
        %get3A = arith.constant 0 : i32
        %get3A_187 = arith.index_cast %get3A : i32 to index
        %get3A_188 = arith.index_cast %mul3A_186 : i32 to index
        %get3A_189 = tpu.vector_load %arg9[%get3A_187, %get3A_188] {strides = array<i32>} : memref<1x1552xi32, #tpu.memory_space<vmem>>, vector<16xi32>,
        %mul3A_190 = arith.constant 16 : i32
        %mul3A_191 = arith.muli %add3A_180, %mul3A_190 : i32
        %get3A_192 = arith.constant 0 : i32
        %get3A_193 = arith.index_cast %get3A_192 : i32 to index
        %get3A_194 = arith.index_cast %mul3A_191 : i32 to index
        %get3A_195 = tpu.vector_load %arg10[%get3A_193, %get3A_194] {strides = array<i32>} : memref<1x1552xi32, #tpu.memory_space<vmem>>, vector<16xi32>,
        %mul3A_196 = arith.constant 16 : i32
        %mul3A_197 = arith.muli %add3A_180, %mul3A_196 : i32
        %get3A_198 = arith.constant 0 : i32
        %get3A_199 = arith.index_cast %get3A_198 : i32 to index
        %get3A_200 = arith.index_cast %mul3A_197 : i32 to index
        %get3A_201 = tpu.vector_load %arg11[%get3A_199, %get3A_200] {strides = array<i32>} : memref<1x1552xi32, #tpu.memory_space<vmem>>, vector<16xi32>,
        %broadcast_in_dim3A = arith.constant 0 : i32
        %broadcast_in_dim3A_202 = vector.broadcast %broadcast_in_dim3A : i32 to vector<16xi32>
        %gather3A = tpu.vector_load_idx %arg15[%get3A_189, %broadcast_in_dim3A_202] : memref<10x16xf32, #tpu.memory_space<vmem>>[vector<16xi32>, vector<16xi32>], vector<16xf32>,
        %scatter3A = arith.constant 0 : i32
        %scatter3A_203 = arith.constant 0 : i32
        %scatter3A_204 = arith.constant 0 : i32
        %scatter3A_205 = tpu.memref_slice %arg12[%scatter3A, %scatter3A_203, %scatter3A_204] : memref<1x1552x16xf32, #tpu.memory_space<vmem>> -> memref<1x1552x16xf32, #tpu.memory_space<vmem>>
        %scatter3A_206 = tpu.memref_squeeze %scatter3A_205 : memref<1x1552x16xf32, #tpu.memory_space<vmem>> -> memref<1552x16xf32, #tpu.memory_space<vmem>>
        tpu.vector_store_idx %scatter3A_206[%add3A_184, %broadcast_in_dim3A_202], %gather3A : memref<1552x16xf32, #tpu.memory_space<vmem>>[vector<16xi32>, vector<16xi32>], vector<16xf32>,
        %gather3A_207 = tpu.vector_load_idx %arg16[%get3A_195, %broadcast_in_dim3A_202] : memref<3x16xf32, #tpu.memory_space<vmem>>[vector<16xi32>, vector<16xi32>], vector<16xf32>,
        %scatter3A_208 = arith.constant 0 : i32
        %scatter3A_209 = arith.constant 0 : i32
        %scatter3A_210 = arith.constant 0 : i32
        %scatter3A_211 = tpu.memref_slice %arg13[%scatter3A_208, %scatter3A_209, %scatter3A_210] : memref<1x1552x16xf32, #tpu.memory_space<vmem>> -> memref<1x1552x16xf32, #tpu.memory_space<vmem>>
        %scatter3A_212 = tpu.memref_squeeze %scatter3A_211 : memref<1x1552x16xf32, #tpu.memory_space<vmem>> -> memref<1552x16xf32, #tpu.memory_space<vmem>>
        tpu.vector_store_idx %scatter3A_212[%add3A_184, %broadcast_in_dim3A_202], %gather3A_207 : memref<1552x16xf32, #tpu.memory_space<vmem>>[vector<16xi32>, vector<16xi32>], vector<16xf32>,
        %gather3A_213 = tpu.vector_load_idx %arg17[%get3A_201, %broadcast_in_dim3A_202] : memref<100x16xf32, #tpu.memory_space<vmem>>[vector<16xi32>, vector<16xi32>], vector<16xf32>,
        %scatter3A_214 = arith.constant 0 : i32
        %scatter3A_215 = arith.constant 0 : i32
        %scatter3A_216 = arith.constant 0 : i32
        %scatter3A_217 = tpu.memref_slice %arg14[%scatter3A_214, %scatter3A_215, %scatter3A_216] : memref<1x1552x16xf32, #tpu.memory_space<vmem>> -> memref<1x1552x16xf32, #tpu.memory_space<vmem>>
        %scatter3A_218 = tpu.memref_squeeze %scatter3A_217 : memref<1x1552x16xf32, #tpu.memory_space<vmem>> -> memref<1552x16xf32, #tpu.memory_space<vmem>>
        tpu.vector_store_idx %scatter3A_218[%add3A_184, %broadcast_in_dim3A_202], %gather3A_213 : memref<1552x16xf32, #tpu.memory_space<vmem>>[vector<16xi32>, vector<16xi32>], vector<16xf32>,
        %broadcast_in_dim3A_219 = arith.constant 1 : i32
        %broadcast_in_dim3A_220 = vector.broadcast %broadcast_in_dim3A_219 : i32 to vector<16xi32>
        %gather3A_221 = tpu.vector_load_idx %arg15[%get3A_189, %broadcast_in_dim3A_220] : memref<10x16xf32, #tpu.memory_space<vmem>>[vector<16xi32>, vector<16xi32>], vector<16xf32>,
        %scatter3A_222 = arith.constant 0 : i32
        %scatter3A_223 = arith.constant 0 : i32
        %scatter3A_224 = arith.constant 0 : i32
        %scatter3A_225 = tpu.memref_slice %arg12[%scatter3A_222, %scatter3A_223, %scatter3A_224] : memref<1x1552x16xf32, #tpu.memory_space<vmem>> -> memref<1x1552x16xf32, #tpu.memory_space<vmem>>
        %scatter3A_226 = tpu.memref_squeeze %scatter3A_225 : memref<1x1552x16xf32, #tpu.memory_space<vmem>> -> memref<1552x16xf32, #tpu.memory_space<vmem>>
        tpu.vector_store_idx %scatter3A_226[%add3A_184, %broadcast_in_dim3A_220], %gather3A_221 : memref<1552x16xf32, #tpu.memory_space<vmem>>[vector<16xi32>, vector<16xi32>], vector<16xf32>,
        %gather3A_227 = tpu.vector_load_idx %arg16[%get3A_195, %broadcast_in_dim3A_220] : memref<3x16xf32, #tpu.memory_space<vmem>>[vector<16xi32>, vector<16xi32>], vector<16xf32>,
        %scatter3A_228 = arith.constant 0 : i32
        %scatter3A_229 = arith.constant 0 : i32
        %scatter3A_230 = arith.constant 0 : i32
        %scatter3A_231 = tpu.memref_slice %arg13[%scatter3A_228, %scatter3A_229, %scatter3A_230] : memref<1x1552x16xf32, #tpu.memory_space<vmem>> -> memref<1x1552x16xf32, #tpu.memory_space<vmem>>
        %scatter3A_232 = tpu.memref_squeeze %scatter3A_231 : memref<1x1552x16xf32, #tpu.memory_space<vmem>> -> memref<1552x16xf32, #tpu.memory_space<vmem>>
        tpu.vector_store_idx %scatter3A_232[%add3A_184, %broadcast_in_dim3A_220], %gather3A_227 : memref<1552x16xf32, #tpu.memory_space<vmem>>[vector<16xi32>, vector<16xi32>], vector<16xf32>,
        %gather3A_233 = tpu.vector_load_idx %arg17[%get3A_201, %broadcast_in_dim3A_220] : memref<100x16xf32, #tpu.memory_space<vmem>>[vector<16xi32>, vector<16xi32>], vector<16xf32>,
        %scatter3A_234 = arith.constant 0 : i32
        %scatter3A_235 = arith.constant 0 : i32
        %scatter3A_236 = arith.constant 0 : i32
        %scatter3A_237 = tpu.memref_slice %arg14[%scatter3A_234, %scatter3A_235, %scatter3A_236] : memref<1x1552x16xf32, #tpu.memory_space<vmem>> -> memref<1x1552x16xf32, #tpu.memory_space<vmem>>
        %scatter3A_238 = tpu.memref_squeeze %scatter3A_237 : memref<1x1552x16xf32, #tpu.memory_space<vmem>> -> memref<1552x16xf32, #tpu.memory_space<vmem>>
        tpu.vector_store_idx %scatter3A_238[%add3A_184, %broadcast_in_dim3A_220], %gather3A_233 : memref<1552x16xf32, #tpu.memory_space<vmem>>[vector<16xi32>, vector<16xi32>], vector<16xf32>,
        %broadcast_in_dim3A_239 = arith.constant 2 : i32
        %broadcast_in_dim3A_240 = vector.broadcast %broadcast_in_dim3A_239 : i32 to vector<16xi32>
        %gather3A_241 = tpu.vector_load_idx %arg15[%get3A_189, %broadcast_in_dim3A_240] : memref<10x16xf32, #tpu.memory_space<vmem>>[vector<16xi32>, vector<16xi32>], vector<16xf32>,
        %scatter3A_242 = arith.constant 0 : i32
        %scatter3A_243 = arith.constant 0 : i32
        %scatter3A_244 = arith.constant 0 : i32
        %scatter3A_245 = tpu.memref_slice %arg12[%scatter3A_242, %scatter3A_243, %scatter3A_244] : memref<1x1552x16xf32, #tpu.memory_space<vmem>> -> memref<1x1552x16xf32, #tpu.memory_space<vmem>>
        %scatter3A_246 = tpu.memref_squeeze %scatter3A_245 : memref<1x1552x16xf32, #tpu.memory_space<vmem>> -> memref<1552x16xf32, #tpu.memory_space<vmem>>
        tpu.vector_store_idx %scatter3A_246[%add3A_184, %broadcast_in_dim3A_240], %gather3A_241 : memref<1552x16xf32, #tpu.memory_space<vmem>>[vector<16xi32>, vector<16xi32>], vector<16xf32>,
        %gather3A_247 = tpu.vector_load_idx %arg16[%get3A_195, %broadcast_in_dim3A_240] : memref<3x16xf32, #tpu.memory_space<vmem>>[vector<16xi32>, vector<16xi32>], vector<16xf32>,
        %scatter3A_248 = arith.constant 0 : i32
        %scatter3A_249 = arith.constant 0 : i32
        %scatter3A_250 = arith.constant 0 : i32
        %scatter3A_251 = tpu.memref_slice %arg13[%scatter3A_248, %scatter3A_249, %scatter3A_250] : memref<1x1552x16xf32, #tpu.memory_space<vmem>> -> memref<1x1552x16xf32, #tpu.memory_space<vmem>>
        %scatter3A_252 = tpu.memref_squeeze %scatter3A_251 : memref<1x1552x16xf32, #tpu.memory_space<vmem>> -> memref<1552x16xf32, #tpu.memory_space<vmem>>
        tpu.vector_store_idx %scatter3A_252[%add3A_184, %broadcast_in_dim3A_240], %gather3A_247 : memref<1552x16xf32, #tpu.memory_space<vmem>>[vector<16xi32>, vector<16xi32>], vector<16xf32>,
        %gather3A_253 = tpu.vector_load_idx %arg17[%get3A_201, %broadcast_in_dim3A_240] : memref<100x16xf32, #tpu.memory_space<vmem>>[vector<16xi32>, vector<16xi32>], vector<16xf32>,
        %scatter3A_254 = arith.constant 0 : i32
        %scatter3A_255 = arith.constant 0 : i32
        %scatter3A_256 = arith.constant 0 : i32
        %scatter3A_257 = tpu.memref_slice %arg14[%scatter3A_254, %scatter3A_255, %scatter3A_256] : memref<1x1552x16xf32, #tpu.memory_space<vmem>> -> memref<1x1552x16xf32, #tpu.memory_space<vmem>>
        %scatter3A_258 = tpu.memref_squeeze %scatter3A_257 : memref<1x1552x16xf32, #tpu.memory_space<vmem>> -> memref<1552x16xf32, #tpu.memory_space<vmem>>
        tpu.vector_store_idx %scatter3A_258[%add3A_184, %broadcast_in_dim3A_240], %gather3A_253 : memref<1552x16xf32, #tpu.memory_space<vmem>>[vector<16xi32>, vector<16xi32>], vector<16xf32>,
        %broadcast_in_dim3A_259 = arith.constant 3 : i32
        %broadcast_in_dim3A_260 = vector.broadcast %broadcast_in_dim3A_259 : i32 to vector<16xi32>
        %gather3A_261 = tpu.vector_load_idx %arg15[%get3A_189, %broadcast_in_dim3A_260] : memref<10x16xf32, #tpu.memory_space<vmem>>[vector<16xi32>, vector<16xi32>], vector<16xf32>,
        %scatter3A_262 = arith.constant 0 : i32
        %scatter3A_263 = arith.constant 0 : i32
        %scatter3A_264 = arith.constant 0 : i32
        %scatter3A_265 = tpu.memref_slice %arg12[%scatter3A_262, %scatter3A_263, %scatter3A_264] : memref<1x1552x16xf32, #tpu.memory_space<vmem>> -> memref<1x1552x16xf32, #tpu.memory_space<vmem>>
        %scatter3A_266 = tpu.memref_squeeze %scatter3A_265 : memref<1x1552x16xf32, #tpu.memory_space<vmem>> -> memref<1552x16xf32, #tpu.memory_space<vmem>>
        tpu.vector_store_idx %scatter3A_266[%add3A_184, %broadcast_in_dim3A_260], %gather3A_261 : memref<1552x16xf32, #tpu.memory_space<vmem>>[vector<16xi32>, vector<16xi32>], vector<16xf32>,
        %gather3A_267 = tpu.vector_load_idx %arg16[%get3A_195, %broadcast_in_dim3A_260] : memref<3x16xf32, #tpu.memory_space<vmem>>[vector<16xi32>, vector<16xi32>], vector<16xf32>,
        %scatter3A_268 = arith.constant 0 : i32
        %scatter3A_269 = arith.constant 0 : i32
        %scatter3A_270 = arith.constant 0 : i32
        %scatter3A_271 = tpu.memref_slice %arg13[%scatter3A_268, %scatter3A_269, %scatter3A_270] : memref<1x1552x16xf32, #tpu.memory_space<vmem>> -> memref<1x1552x16xf32, #tpu.memory_space<vmem>>
        %scatter3A_272 = tpu.memref_squeeze %scatter3A_271 : memref<1x1552x16xf32, #tpu.memory_space<vmem>> -> memref<1552x16xf32, #tpu.memory_space<vmem>>
        tpu.vector_store_idx %scatter3A_272[%add3A_184, %broadcast_in_dim3A_260], %gather3A_267 : memref<1552x16xf32, #tpu.memory_space<vmem>>[vector<16xi32>, vector<16xi32>], vector<16xf32>,
        %gather3A_273 = tpu.vector_load_idx %arg17[%get3A_201, %broadcast_in_dim3A_260] : memref<100x16xf32, #tpu.memory_space<vmem>>[vector<16xi32>, vector<16xi32>], vector<16xf32>,
        %scatter3A_274 = arith.constant 0 : i32
        %scatter3A_275 = arith.constant 0 : i32
        %scatter3A_276 = arith.constant 0 : i32
        %scatter3A_277 = tpu.memref_slice %arg14[%scatter3A_274, %scatter3A_275, %scatter3A_276] : memref<1x1552x16xf32, #tpu.memory_space<vmem>> -> memref<1x1552x16xf32, #tpu.memory_space<vmem>>
        %scatter3A_278 = tpu.memref_squeeze %scatter3A_277 : memref<1x1552x16xf32, #tpu.memory_space<vmem>> -> memref<1552x16xf32, #tpu.memory_space<vmem>>
        tpu.vector_store_idx %scatter3A_278[%add3A_184, %broadcast_in_dim3A_260], %gather3A_273 : memref<1552x16xf32, #tpu.memory_space<vmem>>[vector<16xi32>, vector<16xi32>], vector<16xf32>,
        %broadcast_in_dim3A_279 = arith.constant 4 : i32
        %broadcast_in_dim3A_280 = vector.broadcast %broadcast_in_dim3A_279 : i32 to vector<16xi32>
        %gather3A_281 = tpu.vector_load_idx %arg15[%get3A_189, %broadcast_in_dim3A_280] : memref<10x16xf32, #tpu.memory_space<vmem>>[vector<16xi32>, vector<16xi32>], vector<16xf32>,
        %scatter3A_282 = arith.constant 0 : i32
        %scatter3A_283 = arith.constant 0 : i32
        %scatter3A_284 = arith.constant 0 : i32
        %scatter3A_285 = tpu.memref_slice %arg12[%scatter3A_282, %scatter3A_283, %scatter3A_284] : memref<1x1552x16xf32, #tpu.memory_space<vmem>> -> memref<1x1552x16xf32, #tpu.memory_space<vmem>>
        %scatter3A_286 = tpu.memref_squeeze %scatter3A_285 : memref<1x1552x16xf32, #tpu.memory_space<vmem>> -> memref<1552x16xf32, #tpu.memory_space<vmem>>
        tpu.vector_store_idx %scatter3A_286[%add3A_184, %broadcast_in_dim3A_280], %gather3A_281 : memref<1552x16xf32, #tpu.memory_space<vmem>>[vector<16xi32>, vector<16xi32>], vector<16xf32>,
        %gather3A_287 = tpu.vector_load_idx %arg16[%get3A_195, %broadcast_in_dim3A_280] : memref<3x16xf32, #tpu.memory_space<vmem>>[vector<16xi32>, vector<16xi32>], vector<16xf32>,
        %scatter3A_288 = arith.constant 0 : i32
        %scatter3A_289 = arith.constant 0 : i32
        %scatter3A_290 = arith.constant 0 : i32
        %scatter3A_291 = tpu.memref_slice %arg13[%scatter3A_288, %scatter3A_289, %scatter3A_290] : memref<1x1552x16xf32, #tpu.memory_space<vmem>> -> memref<1x1552x16xf32, #tpu.memory_space<vmem>>
        %scatter3A_292 = tpu.memref_squeeze %scatter3A_291 : memref<1x1552x16xf32, #tpu.memory_space<vmem>> -> memref<1552x16xf32, #tpu.memory_space<vmem>>
        tpu.vector_store_idx %scatter3A_292[%add3A_184, %broadcast_in_dim3A_280], %gather3A_287 : memref<1552x16xf32, #tpu.memory_space<vmem>>[vector<16xi32>, vector<16xi32>], vector<16xf32>,
        %gather3A_293 = tpu.vector_load_idx %arg17[%get3A_201, %broadcast_in_dim3A_280] : memref<100x16xf32, #tpu.memory_space<vmem>>[vector<16xi32>, vector<16xi32>], vector<16xf32>,
        %scatter3A_294 = arith.constant 0 : i32
        %scatter3A_295 = arith.constant 0 : i32
        %scatter3A_296 = arith.constant 0 : i32
        %scatter3A_297 = tpu.memref_slice %arg14[%scatter3A_294, %scatter3A_295, %scatter3A_296] : memref<1x1552x16xf32, #tpu.memory_space<vmem>> -> memref<1x1552x16xf32, #tpu.memory_space<vmem>>
        %scatter3A_298 = tpu.memref_squeeze %scatter3A_297 : memref<1x1552x16xf32, #tpu.memory_space<vmem>> -> memref<1552x16xf32, #tpu.memory_space<vmem>>
        tpu.vector_store_idx %scatter3A_298[%add3A_184, %broadcast_in_dim3A_280], %gather3A_293 : memref<1552x16xf32, #tpu.memory_space<vmem>>[vector<16xi32>, vector<16xi32>], vector<16xf32>,
        %broadcast_in_dim3A_299 = arith.constant 5 : i32
        %broadcast_in_dim3A_300 = vector.broadcast %broadcast_in_dim3A_299 : i32 to vector<16xi32>
        %gather3A_301 = tpu.vector_load_idx %arg15[%get3A_189, %broadcast_in_dim3A_300] : memref<10x16xf32, #tpu.memory_space<vmem>>[vector<16xi32>, vector<16xi32>], vector<16xf32>,
        %scatter3A_302 = arith.constant 0 : i32
        %scatter3A_303 = arith.constant 0 : i32
        %scatter3A_304 = arith.constant 0 : i32
        %scatter3A_305 = tpu.memref_slice %arg12[%scatter3A_302, %scatter3A_303, %scatter3A_304] : memref<1x1552x16xf32, #tpu.memory_space<vmem>> -> memref<1x1552x16xf32, #tpu.memory_space<vmem>>
        %scatter3A_306 = tpu.memref_squeeze %scatter3A_305 : memref<1x1552x16xf32, #tpu.memory_space<vmem>> -> memref<1552x16xf32, #tpu.memory_space<vmem>>
        tpu.vector_store_idx %scatter3A_306[%add3A_184, %broadcast_in_dim3A_300], %gather3A_301 : memref<1552x16xf32, #tpu.memory_space<vmem>>[vector<16xi32>, vector<16xi32>], vector<16xf32>,
        %gather3A_307 = tpu.vector_load_idx %arg16[%get3A_195, %broadcast_in_dim3A_300] : memref<3x16xf32, #tpu.memory_space<vmem>>[vector<16xi32>, vector<16xi32>], vector<16xf32>,
        %scatter3A_308 = arith.constant 0 : i32
        %scatter3A_309 = arith.constant 0 : i32
        %scatter3A_310 = arith.constant 0 : i32
        %scatter3A_311 = tpu.memref_slice %arg13[%scatter3A_308, %scatter3A_309, %scatter3A_310] : memref<1x1552x16xf32, #tpu.memory_space<vmem>> -> memref<1x1552x16xf32, #tpu.memory_space<vmem>>
        %scatter3A_312 = tpu.memref_squeeze %scatter3A_311 : memref<1x1552x16xf32, #tpu.memory_space<vmem>> -> memref<1552x16xf32, #tpu.memory_space<vmem>>
        tpu.vector_store_idx %scatter3A_312[%add3A_184, %broadcast_in_dim3A_300], %gather3A_307 : memref<1552x16xf32, #tpu.memory_space<vmem>>[vector<16xi32>, vector<16xi32>], vector<16xf32>,
        %gather3A_313 = tpu.vector_load_idx %arg17[%get3A_201, %broadcast_in_dim3A_300] : memref<100x16xf32, #tpu.memory_space<vmem>>[vector<16xi32>, vector<16xi32>], vector<16xf32>,
        %scatter3A_314 = arith.constant 0 : i32
        %scatter3A_315 = arith.constant 0 : i32
        %scatter3A_316 = arith.constant 0 : i32
        %scatter3A_317 = tpu.memref_slice %arg14[%scatter3A_314, %scatter3A_315, %scatter3A_316] : memref<1x1552x16xf32, #tpu.memory_space<vmem>> -> memref<1x1552x16xf32, #tpu.memory_space<vmem>>
        %scatter3A_318 = tpu.memref_squeeze %scatter3A_317 : memref<1x1552x16xf32, #tpu.memory_space<vmem>> -> memref<1552x16xf32, #tpu.memory_space<vmem>>
        tpu.vector_store_idx %scatter3A_318[%add3A_184, %broadcast_in_dim3A_300], %gather3A_313 : memref<1552x16xf32, #tpu.memory_space<vmem>>[vector<16xi32>, vector<16xi32>], vector<16xf32>,
        %broadcast_in_dim3A_319 = arith.constant 6 : i32
        %broadcast_in_dim3A_320 = vector.broadcast %broadcast_in_dim3A_319 : i32 to vector<16xi32>
        %gather3A_321 = tpu.vector_load_idx %arg15[%get3A_189, %broadcast_in_dim3A_320] : memref<10x16xf32, #tpu.memory_space<vmem>>[vector<16xi32>, vector<16xi32>], vector<16xf32>,
        %scatter3A_322 = arith.constant 0 : i32
        %scatter3A_323 = arith.constant 0 : i32
        %scatter3A_324 = arith.constant 0 : i32
        %scatter3A_325 = tpu.memref_slice %arg12[%scatter3A_322, %scatter3A_323, %scatter3A_324] : memref<1x1552x16xf32, #tpu.memory_space<vmem>> -> memref<1x1552x16xf32, #tpu.memory_space<vmem>>
        %scatter3A_326 = tpu.memref_squeeze %scatter3A_325 : memref<1x1552x16xf32, #tpu.memory_space<vmem>> -> memref<1552x16xf32, #tpu.memory_space<vmem>>
        tpu.vector_store_idx %scatter3A_326[%add3A_184, %broadcast_in_dim3A_320], %gather3A_321 : memref<1552x16xf32, #tpu.memory_space<vmem>>[vector<16xi32>, vector<16xi32>], vector<16xf32>,
        %gather3A_327 = tpu.vector_load_idx %arg16[%get3A_195, %broadcast_in_dim3A_320] : memref<3x16xf32, #tpu.memory_space<vmem>>[vector<16xi32>, vector<16xi32>], vector<16xf32>,
        %scatter3A_328 = arith.constant 0 : i32
        %scatter3A_329 = arith.constant 0 : i32
        %scatter3A_330 = arith.constant 0 : i32
        %scatter3A_331 = tpu.memref_slice %arg13[%scatter3A_328, %scatter3A_329, %scatter3A_330] : memref<1x1552x16xf32, #tpu.memory_space<vmem>> -> memref<1x1552x16xf32, #tpu.memory_space<vmem>>
        %scatter3A_332 = tpu.memref_squeeze %scatter3A_331 : memref<1x1552x16xf32, #tpu.memory_space<vmem>> -> memref<1552x16xf32, #tpu.memory_space<vmem>>
        tpu.vector_store_idx %scatter3A_332[%add3A_184, %broadcast_in_dim3A_320], %gather3A_327 : memref<1552x16xf32, #tpu.memory_space<vmem>>[vector<16xi32>, vector<16xi32>], vector<16xf32>,
        %gather3A_333 = tpu.vector_load_idx %arg17[%get3A_201, %broadcast_in_dim3A_320] : memref<100x16xf32, #tpu.memory_space<vmem>>[vector<16xi32>, vector<16xi32>], vector<16xf32>,
        %scatter3A_334 = arith.constant 0 : i32
        %scatter3A_335 = arith.constant 0 : i32
        %scatter3A_336 = arith.constant 0 : i32
        %scatter3A_337 = tpu.memref_slice %arg14[%scatter3A_334, %scatter3A_335, %scatter3A_336] : memref<1x1552x16xf32, #tpu.memory_space<vmem>> -> memref<1x1552x16xf32, #tpu.memory_space<vmem>>
        %scatter3A_338 = tpu.memref_squeeze %scatter3A_337 : memref<1x1552x16xf32, #tpu.memory_space<vmem>> -> memref<1552x16xf32, #tpu.memory_space<vmem>>
        tpu.vector_store_idx %scatter3A_338[%add3A_184, %broadcast_in_dim3A_320], %gather3A_333 : memref<1552x16xf32, #tpu.memory_space<vmem>>[vector<16xi32>, vector<16xi32>], vector<16xf32>,
        %broadcast_in_dim3A_339 = arith.constant 7 : i32
        %broadcast_in_dim3A_340 = vector.broadcast %broadcast_in_dim3A_339 : i32 to vector<16xi32>
        %gather3A_341 = tpu.vector_load_idx %arg15[%get3A_189, %broadcast_in_dim3A_340] : memref<10x16xf32, #tpu.memory_space<vmem>>[vector<16xi32>, vector<16xi32>], vector<16xf32>,
        %scatter3A_342 = arith.constant 0 : i32
        %scatter3A_343 = arith.constant 0 : i32
        %scatter3A_344 = arith.constant 0 : i32
        %scatter3A_345 = tpu.memref_slice %arg12[%scatter3A_342, %scatter3A_343, %scatter3A_344] : memref<1x1552x16xf32, #tpu.memory_space<vmem>> -> memref<1x1552x16xf32, #tpu.memory_space<vmem>>
        %scatter3A_346 = tpu.memref_squeeze %scatter3A_345 : memref<1x1552x16xf32, #tpu.memory_space<vmem>> -> memref<1552x16xf32, #tpu.memory_space<vmem>>
        tpu.vector_store_idx %scatter3A_346[%add3A_184, %broadcast_in_dim3A_340], %gather3A_341 : memref<1552x16xf32, #tpu.memory_space<vmem>>[vector<16xi32>, vector<16xi32>], vector<16xf32>,
        %gather3A_347 = tpu.vector_load_idx %arg16[%get3A_195, %broadcast_in_dim3A_340] : memref<3x16xf32, #tpu.memory_space<vmem>>[vector<16xi32>, vector<16xi32>], vector<16xf32>,
        %scatter3A_348 = arith.constant 0 : i32
        %scatter3A_349 = arith.constant 0 : i32
        %scatter3A_350 = arith.constant 0 : i32
        %scatter3A_351 = tpu.memref_slice %arg13[%scatter3A_348, %scatter3A_349, %scatter3A_350] : memref<1x1552x16xf32, #tpu.memory_space<vmem>> -> memref<1x1552x16xf32, #tpu.memory_space<vmem>>
        %scatter3A_352 = tpu.memref_squeeze %scatter3A_351 : memref<1x1552x16xf32, #tpu.memory_space<vmem>> -> memref<1552x16xf32, #tpu.memory_space<vmem>>
        tpu.vector_store_idx %scatter3A_352[%add3A_184, %broadcast_in_dim3A_340], %gather3A_347 : memref<1552x16xf32, #tpu.memory_space<vmem>>[vector<16xi32>, vector<16xi32>], vector<16xf32>,
        %gather3A_353 = tpu.vector_load_idx %arg17[%get3A_201, %broadcast_in_dim3A_340] : memref<100x16xf32, #tpu.memory_space<vmem>>[vector<16xi32>, vector<16xi32>], vector<16xf32>,
        %scatter3A_354 = arith.constant 0 : i32
        %scatter3A_355 = arith.constant 0 : i32
        %scatter3A_356 = arith.constant 0 : i32
        %scatter3A_357 = tpu.memref_slice %arg14[%scatter3A_354, %scatter3A_355, %scatter3A_356] : memref<1x1552x16xf32, #tpu.memory_space<vmem>> -> memref<1x1552x16xf32, #tpu.memory_space<vmem>>
        %scatter3A_358 = tpu.memref_squeeze %scatter3A_357 : memref<1x1552x16xf32, #tpu.memory_space<vmem>> -> memref<1552x16xf32, #tpu.memory_space<vmem>>
        tpu.vector_store_idx %scatter3A_358[%add3A_184, %broadcast_in_dim3A_340], %gather3A_353 : memref<1552x16xf32, #tpu.memory_space<vmem>>[vector<16xi32>, vector<16xi32>], vector<16xf32>,
        %broadcast_in_dim3A_359 = arith.constant 8 : i32
        %broadcast_in_dim3A_360 = vector.broadcast %broadcast_in_dim3A_359 : i32 to vector<16xi32>
        %gather3A_361 = tpu.vector_load_idx %arg15[%get3A_189, %broadcast_in_dim3A_360] : memref<10x16xf32, #tpu.memory_space<vmem>>[vector<16xi32>, vector<16xi32>], vector<16xf32>,
        %scatter3A_362 = arith.constant 0 : i32
        %scatter3A_363 = arith.constant 0 : i32
        %scatter3A_364 = arith.constant 0 : i32
        %scatter3A_365 = tpu.memref_slice %arg12[%scatter3A_362, %scatter3A_363, %scatter3A_364] : memref<1x1552x16xf32, #tpu.memory_space<vmem>> -> memref<1x1552x16xf32, #tpu.memory_space<vmem>>
        %scatter3A_366 = tpu.memref_squeeze %scatter3A_365 : memref<1x1552x16xf32, #tpu.memory_space<vmem>> -> memref<1552x16xf32, #tpu.memory_space<vmem>>
        tpu.vector_store_idx %scatter3A_366[%add3A_184, %broadcast_in_dim3A_360], %gather3A_361 : memref<1552x16xf32, #tpu.memory_space<vmem>>[vector<16xi32>, vector<16xi32>], vector<16xf32>,
        %gather3A_367 = tpu.vector_load_idx %arg16[%get3A_195, %broadcast_in_dim3A_360] : memref<3x16xf32, #tpu.memory_space<vmem>>[vector<16xi32>, vector<16xi32>], vector<16xf32>,
        %scatter3A_368 = arith.constant 0 : i32
        %scatter3A_369 = arith.constant 0 : i32
        %scatter3A_370 = arith.constant 0 : i32
        %scatter3A_371 = tpu.memref_slice %arg13[%scatter3A_368, %scatter3A_369, %scatter3A_370] : memref<1x1552x16xf32, #tpu.memory_space<vmem>> -> memref<1x1552x16xf32, #tpu.memory_space<vmem>>
        %scatter3A_372 = tpu.memref_squeeze %scatter3A_371 : memref<1x1552x16xf32, #tpu.memory_space<vmem>> -> memref<1552x16xf32, #tpu.memory_space<vmem>>
        tpu.vector_store_idx %scatter3A_372[%add3A_184, %broadcast_in_dim3A_360], %gather3A_367 : memref<1552x16xf32, #tpu.memory_space<vmem>>[vector<16xi32>, vector<16xi32>], vector<16xf32>,
        %gather3A_373 = tpu.vector_load_idx %arg17[%get3A_201, %broadcast_in_dim3A_360] : memref<100x16xf32, #tpu.memory_space<vmem>>[vector<16xi32>, vector<16xi32>], vector<16xf32>,
        %scatter3A_374 = arith.constant 0 : i32
        %scatter3A_375 = arith.constant 0 : i32
        %scatter3A_376 = arith.constant 0 : i32
        %scatter3A_377 = tpu.memref_slice %arg14[%scatter3A_374, %scatter3A_375, %scatter3A_376] : memref<1x1552x16xf32, #tpu.memory_space<vmem>> -> memref<1x1552x16xf32, #tpu.memory_space<vmem>>
        %scatter3A_378 = tpu.memref_squeeze %scatter3A_377 : memref<1x1552x16xf32, #tpu.memory_space<vmem>> -> memref<1552x16xf32, #tpu.memory_space<vmem>>
        tpu.vector_store_idx %scatter3A_378[%add3A_184, %broadcast_in_dim3A_360], %gather3A_373 : memref<1552x16xf32, #tpu.memory_space<vmem>>[vector<16xi32>, vector<16xi32>], vector<16xf32>,
        %broadcast_in_dim3A_379 = arith.constant 9 : i32
        %broadcast_in_dim3A_380 = vector.broadcast %broadcast_in_dim3A_379 : i32 to vector<16xi32>
        %gather3A_381 = tpu.vector_load_idx %arg15[%get3A_189, %broadcast_in_dim3A_380] : memref<10x16xf32, #tpu.memory_space<vmem>>[vector<16xi32>, vector<16xi32>], vector<16xf32>,
        %scatter3A_382 = arith.constant 0 : i32
        %scatter3A_383 = arith.constant 0 : i32
        %scatter3A_384 = arith.constant 0 : i32
        %scatter3A_385 = tpu.memref_slice %arg12[%scatter3A_382, %scatter3A_383, %scatter3A_384] : memref<1x1552x16xf32, #tpu.memory_space<vmem>> -> memref<1x1552x16xf32, #tpu.memory_space<vmem>>
        %scatter3A_386 = tpu.memref_squeeze %scatter3A_385 : memref<1x1552x16xf32, #tpu.memory_space<vmem>> -> memref<1552x16xf32, #tpu.memory_space<vmem>>
        tpu.vector_store_idx %scatter3A_386[%add3A_184, %broadcast_in_dim3A_380], %gather3A_381 : memref<1552x16xf32, #tpu.memory_space<vmem>>[vector<16xi32>, vector<16xi32>], vector<16xf32>,
        %gather3A_387 = tpu.vector_load_idx %arg16[%get3A_195, %broadcast_in_dim3A_380] : memref<3x16xf32, #tpu.memory_space<vmem>>[vector<16xi32>, vector<16xi32>], vector<16xf32>,
        %scatter3A_388 = arith.constant 0 : i32
        %scatter3A_389 = arith.constant 0 : i32
        %scatter3A_390 = arith.constant 0 : i32
        %scatter3A_391 = tpu.memref_slice %arg13[%scatter3A_388, %scatter3A_389, %scatter3A_390] : memref<1x1552x16xf32, #tpu.memory_space<vmem>> -> memref<1x1552x16xf32, #tpu.memory_space<vmem>>
        %scatter3A_392 = tpu.memref_squeeze %scatter3A_391 : memref<1x1552x16xf32, #tpu.memory_space<vmem>> -> memref<1552x16xf32, #tpu.memory_space<vmem>>
        tpu.vector_store_idx %scatter3A_392[%add3A_184, %broadcast_in_dim3A_380], %gather3A_387 : memref<1552x16xf32, #tpu.memory_space<vmem>>[vector<16xi32>, vector<16xi32>], vector<16xf32>,
        %gather3A_393 = tpu.vector_load_idx %arg17[%get3A_201, %broadcast_in_dim3A_380] : memref<100x16xf32, #tpu.memory_space<vmem>>[vector<16xi32>, vector<16xi32>], vector<16xf32>,
        %scatter3A_394 = arith.constant 0 : i32
        %scatter3A_395 = arith.constant 0 : i32
        %scatter3A_396 = arith.constant 0 : i32
        %scatter3A_397 = tpu.memref_slice %arg14[%scatter3A_394, %scatter3A_395, %scatter3A_396] : memref<1x1552x16xf32, #tpu.memory_space<vmem>> -> memref<1x1552x16xf32, #tpu.memory_space<vmem>>
        %scatter3A_398 = tpu.memref_squeeze %scatter3A_397 : memref<1x1552x16xf32, #tpu.memory_space<vmem>> -> memref<1552x16xf32, #tpu.memory_space<vmem>>
        tpu.vector_store_idx %scatter3A_398[%add3A_184, %broadcast_in_dim3A_380], %gather3A_393 : memref<1552x16xf32, #tpu.memory_space<vmem>>[vector<16xi32>, vector<16xi32>], vector<16xf32>,
        %broadcast_in_dim3A_399 = arith.constant 10 : i32
        %broadcast_in_dim3A_400 = vector.broadcast %broadcast_in_dim3A_399 : i32 to vector<16xi32>
        %gather3A_401 = tpu.vector_load_idx %arg15[%get3A_189, %broadcast_in_dim3A_400] : memref<10x16xf32, #tpu.memory_space<vmem>>[vector<16xi32>, vector<16xi32>], vector<16xf32>,
        %scatter3A_402 = arith.constant 0 : i32
        %scatter3A_403 = arith.constant 0 : i32
        %scatter3A_404 = arith.constant 0 : i32
        %scatter3A_405 = tpu.memref_slice %arg12[%scatter3A_402, %scatter3A_403, %scatter3A_404] : memref<1x1552x16xf32, #tpu.memory_space<vmem>> -> memref<1x1552x16xf32, #tpu.memory_space<vmem>>
        %scatter3A_406 = tpu.memref_squeeze %scatter3A_405 : memref<1x1552x16xf32, #tpu.memory_space<vmem>> -> memref<1552x16xf32, #tpu.memory_space<vmem>>
        tpu.vector_store_idx %scatter3A_406[%add3A_184, %broadcast_in_dim3A_400], %gather3A_401 : memref<1552x16xf32, #tpu.memory_space<vmem>>[vector<16xi32>, vector<16xi32>], vector<16xf32>,
        %gather3A_407 = tpu.vector_load_idx %arg16[%get3A_195, %broadcast_in_dim3A_400] : memref<3x16xf32, #tpu.memory_space<vmem>>[vector<16xi32>, vector<16xi32>], vector<16xf32>,
        %scatter3A_408 = arith.constant 0 : i32
        %scatter3A_409 = arith.constant 0 : i32
        %scatter3A_410 = arith.constant 0 : i32
        %scatter3A_411 = tpu.memref_slice %arg13[%scatter3A_408, %scatter3A_409, %scatter3A_410] : memref<1x1552x16xf32, #tpu.memory_space<vmem>> -> memref<1x1552x16xf32, #tpu.memory_space<vmem>>
        %scatter3A_412 = tpu.memref_squeeze %scatter3A_411 : memref<1x1552x16xf32, #tpu.memory_space<vmem>> -> memref<1552x16xf32, #tpu.memory_space<vmem>>
        tpu.vector_store_idx %scatter3A_412[%add3A_184, %broadcast_in_dim3A_400], %gather3A_407 : memref<1552x16xf32, #tpu.memory_space<vmem>>[vector<16xi32>, vector<16xi32>], vector<16xf32>,
        %gather3A_413 = tpu.vector_load_idx %arg17[%get3A_201, %broadcast_in_dim3A_400] : memref<100x16xf32, #tpu.memory_space<vmem>>[vector<16xi32>, vector<16xi32>], vector<16xf32>,
        %scatter3A_414 = arith.constant 0 : i32
        %scatter3A_415 = arith.constant 0 : i32
        %scatter3A_416 = arith.constant 0 : i32
        %scatter3A_417 = tpu.memref_slice %arg14[%scatter3A_414, %scatter3A_415, %scatter3A_416] : memref<1x1552x16xf32, #tpu.memory_space<vmem>> -> memref<1x1552x16xf32, #tpu.memory_space<vmem>>
        %scatter3A_418 = tpu.memref_squeeze %scatter3A_417 : memref<1x1552x16xf32, #tpu.memory_space<vmem>> -> memref<1552x16xf32, #tpu.memory_space<vmem>>
        tpu.vector_store_idx %scatter3A_418[%add3A_184, %broadcast_in_dim3A_400], %gather3A_413 : memref<1552x16xf32, #tpu.memory_space<vmem>>[vector<16xi32>, vector<16xi32>], vector<16xf32>,
        %broadcast_in_dim3A_419 = arith.constant 11 : i32
        %broadcast_in_dim3A_420 = vector.broadcast %broadcast_in_dim3A_419 : i32 to vector<16xi32>
        %gather3A_421 = tpu.vector_load_idx %arg15[%get3A_189, %broadcast_in_dim3A_420] : memref<10x16xf32, #tpu.memory_space<vmem>>[vector<16xi32>, vector<16xi32>], vector<16xf32>,
        %scatter3A_422 = arith.constant 0 : i32
        %scatter3A_423 = arith.constant 0 : i32
        %scatter3A_424 = arith.constant 0 : i32
        %scatter3A_425 = tpu.memref_slice %arg12[%scatter3A_422, %scatter3A_423, %scatter3A_424] : memref<1x1552x16xf32, #tpu.memory_space<vmem>> -> memref<1x1552x16xf32, #tpu.memory_space<vmem>>
        %scatter3A_426 = tpu.memref_squeeze %scatter3A_425 : memref<1x1552x16xf32, #tpu.memory_space<vmem>> -> memref<1552x16xf32, #tpu.memory_space<vmem>>
        tpu.vector_store_idx %scatter3A_426[%add3A_184, %broadcast_in_dim3A_420], %gather3A_421 : memref<1552x16xf32, #tpu.memory_space<vmem>>[vector<16xi32>, vector<16xi32>], vector<16xf32>,
        %gather3A_427 = tpu.vector_load_idx %arg16[%get3A_195, %broadcast_in_dim3A_420] : memref<3x16xf32, #tpu.memory_space<vmem>>[vector<16xi32>, vector<16xi32>], vector<16xf32>,
        %scatter3A_428 = arith.constant 0 : i32
        %scatter3A_429 = arith.constant 0 : i32
        %scatter3A_430 = arith.constant 0 : i32
        %scatter3A_431 = tpu.memref_slice %arg13[%scatter3A_428, %scatter3A_429, %scatter3A_430] : memref<1x1552x16xf32, #tpu.memory_space<vmem>> -> memref<1x1552x16xf32, #tpu.memory_space<vmem>>
        %scatter3A_432 = tpu.memref_squeeze %scatter3A_431 : memref<1x1552x16xf32, #tpu.memory_space<vmem>> -> memref<1552x16xf32, #tpu.memory_space<vmem>>
        tpu.vector_store_idx %scatter3A_432[%add3A_184, %broadcast_in_dim3A_420], %gather3A_427 : memref<1552x16xf32, #tpu.memory_space<vmem>>[vector<16xi32>, vector<16xi32>], vector<16xf32>,
        %gather3A_433 = tpu.vector_load_idx %arg17[%get3A_201, %broadcast_in_dim3A_420] : memref<100x16xf32, #tpu.memory_space<vmem>>[vector<16xi32>, vector<16xi32>], vector<16xf32>,
        %scatter3A_434 = arith.constant 0 : i32
        %scatter3A_435 = arith.constant 0 : i32
        %scatter3A_436 = arith.constant 0 : i32
        %scatter3A_437 = tpu.memref_slice %arg14[%scatter3A_434, %scatter3A_435, %scatter3A_436] : memref<1x1552x16xf32, #tpu.memory_space<vmem>> -> memref<1x1552x16xf32, #tpu.memory_space<vmem>>
        %scatter3A_438 = tpu.memref_squeeze %scatter3A_437 : memref<1x1552x16xf32, #tpu.memory_space<vmem>> -> memref<1552x16xf32, #tpu.memory_space<vmem>>
        tpu.vector_store_idx %scatter3A_438[%add3A_184, %broadcast_in_dim3A_420], %gather3A_433 : memref<1552x16xf32, #tpu.memory_space<vmem>>[vector<16xi32>, vector<16xi32>], vector<16xf32>,
        %broadcast_in_dim3A_439 = arith.constant 12 : i32
        %broadcast_in_dim3A_440 = vector.broadcast %broadcast_in_dim3A_439 : i32 to vector<16xi32>
        %gather3A_441 = tpu.vector_load_idx %arg15[%get3A_189, %broadcast_in_dim3A_440] : memref<10x16xf32, #tpu.memory_space<vmem>>[vector<16xi32>, vector<16xi32>], vector<16xf32>,
        %scatter3A_442 = arith.constant 0 : i32
        %scatter3A_443 = arith.constant 0 : i32
        %scatter3A_444 = arith.constant 0 : i32
        %scatter3A_445 = tpu.memref_slice %arg12[%scatter3A_442, %scatter3A_443, %scatter3A_444] : memref<1x1552x16xf32, #tpu.memory_space<vmem>> -> memref<1x1552x16xf32, #tpu.memory_space<vmem>>
        %scatter3A_446 = tpu.memref_squeeze %scatter3A_445 : memref<1x1552x16xf32, #tpu.memory_space<vmem>> -> memref<1552x16xf32, #tpu.memory_space<vmem>>
        tpu.vector_store_idx %scatter3A_446[%add3A_184, %broadcast_in_dim3A_440], %gather3A_441 : memref<1552x16xf32, #tpu.memory_space<vmem>>[vector<16xi32>, vector<16xi32>], vector<16xf32>,
        %gather3A_447 = tpu.vector_load_idx %arg16[%get3A_195, %broadcast_in_dim3A_440] : memref<3x16xf32, #tpu.memory_space<vmem>>[vector<16xi32>, vector<16xi32>], vector<16xf32>,
        %scatter3A_448 = arith.constant 0 : i32
        %scatter3A_449 = arith.constant 0 : i32
        %scatter3A_450 = arith.constant 0 : i32
        %scatter3A_451 = tpu.memref_slice %arg13[%scatter3A_448, %scatter3A_449, %scatter3A_450] : memref<1x1552x16xf32, #tpu.memory_space<vmem>> -> memref<1x1552x16xf32, #tpu.memory_space<vmem>>
        %scatter3A_452 = tpu.memref_squeeze %scatter3A_451 : memref<1x1552x16xf32, #tpu.memory_space<vmem>> -> memref<1552x16xf32, #tpu.memory_space<vmem>>
        tpu.vector_store_idx %scatter3A_452[%add3A_184, %broadcast_in_dim3A_440], %gather3A_447 : memref<1552x16xf32, #tpu.memory_space<vmem>>[vector<16xi32>, vector<16xi32>], vector<16xf32>,
        %gather3A_453 = tpu.vector_load_idx %arg17[%get3A_201, %broadcast_in_dim3A_440] : memref<100x16xf32, #tpu.memory_space<vmem>>[vector<16xi32>, vector<16xi32>], vector<16xf32>,
        %scatter3A_454 = arith.constant 0 : i32
        %scatter3A_455 = arith.constant 0 : i32
        %scatter3A_456 = arith.constant 0 : i32
        %scatter3A_457 = tpu.memref_slice %arg14[%scatter3A_454, %scatter3A_455, %scatter3A_456] : memref<1x1552x16xf32, #tpu.memory_space<vmem>> -> memref<1x1552x16xf32, #tpu.memory_space<vmem>>
        %scatter3A_458 = tpu.memref_squeeze %scatter3A_457 : memref<1x1552x16xf32, #tpu.memory_space<vmem>> -> memref<1552x16xf32, #tpu.memory_space<vmem>>
        tpu.vector_store_idx %scatter3A_458[%add3A_184, %broadcast_in_dim3A_440], %gather3A_453 : memref<1552x16xf32, #tpu.memory_space<vmem>>[vector<16xi32>, vector<16xi32>], vector<16xf32>,
        %broadcast_in_dim3A_459 = arith.constant 13 : i32
        %broadcast_in_dim3A_460 = vector.broadcast %broadcast_in_dim3A_459 : i32 to vector<16xi32>
        %gather3A_461 = tpu.vector_load_idx %arg15[%get3A_189, %broadcast_in_dim3A_460] : memref<10x16xf32, #tpu.memory_space<vmem>>[vector<16xi32>, vector<16xi32>], vector<16xf32>,
        %scatter3A_462 = arith.constant 0 : i32
        %scatter3A_463 = arith.constant 0 : i32
        %scatter3A_464 = arith.constant 0 : i32
        %scatter3A_465 = tpu.memref_slice %arg12[%scatter3A_462, %scatter3A_463, %scatter3A_464] : memref<1x1552x16xf32, #tpu.memory_space<vmem>> -> memref<1x1552x16xf32, #tpu.memory_space<vmem>>
        %scatter3A_466 = tpu.memref_squeeze %scatter3A_465 : memref<1x1552x16xf32, #tpu.memory_space<vmem>> -> memref<1552x16xf32, #tpu.memory_space<vmem>>
        tpu.vector_store_idx %scatter3A_466[%add3A_184, %broadcast_in_dim3A_460], %gather3A_461 : memref<1552x16xf32, #tpu.memory_space<vmem>>[vector<16xi32>, vector<16xi32>], vector<16xf32>,
        %gather3A_467 = tpu.vector_load_idx %arg16[%get3A_195, %broadcast_in_dim3A_460] : memref<3x16xf32, #tpu.memory_space<vmem>>[vector<16xi32>, vector<16xi32>], vector<16xf32>,
        %scatter3A_468 = arith.constant 0 : i32
        %scatter3A_469 = arith.constant 0 : i32
        %scatter3A_470 = arith.constant 0 : i32
        %scatter3A_471 = tpu.memref_slice %arg13[%scatter3A_468, %scatter3A_469, %scatter3A_470] : memref<1x1552x16xf32, #tpu.memory_space<vmem>> -> memref<1x1552x16xf32, #tpu.memory_space<vmem>>
        %scatter3A_472 = tpu.memref_squeeze %scatter3A_471 : memref<1x1552x16xf32, #tpu.memory_space<vmem>> -> memref<1552x16xf32, #tpu.memory_space<vmem>>
        tpu.vector_store_idx %scatter3A_472[%add3A_184, %broadcast_in_dim3A_460], %gather3A_467 : memref<1552x16xf32, #tpu.memory_space<vmem>>[vector<16xi32>, vector<16xi32>], vector<16xf32>,
        %gather3A_473 = tpu.vector_load_idx %arg17[%get3A_201, %broadcast_in_dim3A_460] : memref<100x16xf32, #tpu.memory_space<vmem>>[vector<16xi32>, vector<16xi32>], vector<16xf32>,
        %scatter3A_474 = arith.constant 0 : i32
        %scatter3A_475 = arith.constant 0 : i32
        %scatter3A_476 = arith.constant 0 : i32
        %scatter3A_477 = tpu.memref_slice %arg14[%scatter3A_474, %scatter3A_475, %scatter3A_476] : memref<1x1552x16xf32, #tpu.memory_space<vmem>> -> memref<1x1552x16xf32, #tpu.memory_space<vmem>>
        %scatter3A_478 = tpu.memref_squeeze %scatter3A_477 : memref<1x1552x16xf32, #tpu.memory_space<vmem>> -> memref<1552x16xf32, #tpu.memory_space<vmem>>
        tpu.vector_store_idx %scatter3A_478[%add3A_184, %broadcast_in_dim3A_460], %gather3A_473 : memref<1552x16xf32, #tpu.memory_space<vmem>>[vector<16xi32>, vector<16xi32>], vector<16xf32>,
        %broadcast_in_dim3A_479 = arith.constant 14 : i32
        %broadcast_in_dim3A_480 = vector.broadcast %broadcast_in_dim3A_479 : i32 to vector<16xi32>
        %gather3A_481 = tpu.vector_load_idx %arg15[%get3A_189, %broadcast_in_dim3A_480] : memref<10x16xf32, #tpu.memory_space<vmem>>[vector<16xi32>, vector<16xi32>], vector<16xf32>,
        %scatter3A_482 = arith.constant 0 : i32
        %scatter3A_483 = arith.constant 0 : i32
        %scatter3A_484 = arith.constant 0 : i32
        %scatter3A_485 = tpu.memref_slice %arg12[%scatter3A_482, %scatter3A_483, %scatter3A_484] : memref<1x1552x16xf32, #tpu.memory_space<vmem>> -> memref<1x1552x16xf32, #tpu.memory_space<vmem>>
        %scatter3A_486 = tpu.memref_squeeze %scatter3A_485 : memref<1x1552x16xf32, #tpu.memory_space<vmem>> -> memref<1552x16xf32, #tpu.memory_space<vmem>>
        tpu.vector_store_idx %scatter3A_486[%add3A_184, %broadcast_in_dim3A_480], %gather3A_481 : memref<1552x16xf32, #tpu.memory_space<vmem>>[vector<16xi32>, vector<16xi32>], vector<16xf32>,
        %gather3A_487 = tpu.vector_load_idx %arg16[%get3A_195, %broadcast_in_dim3A_480] : memref<3x16xf32, #tpu.memory_space<vmem>>[vector<16xi32>, vector<16xi32>], vector<16xf32>,
        %scatter3A_488 = arith.constant 0 : i32
        %scatter3A_489 = arith.constant 0 : i32
        %scatter3A_490 = arith.constant 0 : i32
        %scatter3A_491 = tpu.memref_slice %arg13[%scatter3A_488, %scatter3A_489, %scatter3A_490] : memref<1x1552x16xf32, #tpu.memory_space<vmem>> -> memref<1x1552x16xf32, #tpu.memory_space<vmem>>
        %scatter3A_492 = tpu.memref_squeeze %scatter3A_491 : memref<1x1552x16xf32, #tpu.memory_space<vmem>> -> memref<1552x16xf32, #tpu.memory_space<vmem>>
        tpu.vector_store_idx %scatter3A_492[%add3A_184, %broadcast_in_dim3A_480], %gather3A_487 : memref<1552x16xf32, #tpu.memory_space<vmem>>[vector<16xi32>, vector<16xi32>], vector<16xf32>,
        %gather3A_493 = tpu.vector_load_idx %arg17[%get3A_201, %broadcast_in_dim3A_480] : memref<100x16xf32, #tpu.memory_space<vmem>>[vector<16xi32>, vector<16xi32>], vector<16xf32>,
        %scatter3A_494 = arith.constant 0 : i32
        %scatter3A_495 = arith.constant 0 : i32
        %scatter3A_496 = arith.constant 0 : i32
        %scatter3A_497 = tpu.memref_slice %arg14[%scatter3A_494, %scatter3A_495, %scatter3A_496] : memref<1x1552x16xf32, #tpu.memory_space<vmem>> -> memref<1x1552x16xf32, #tpu.memory_space<vmem>>
        %scatter3A_498 = tpu.memref_squeeze %scatter3A_497 : memref<1x1552x16xf32, #tpu.memory_space<vmem>> -> memref<1552x16xf32, #tpu.memory_space<vmem>>
        tpu.vector_store_idx %scatter3A_498[%add3A_184, %broadcast_in_dim3A_480], %gather3A_493 : memref<1552x16xf32, #tpu.memory_space<vmem>>[vector<16xi32>, vector<16xi32>], vector<16xf32>,
        %broadcast_in_dim3A_499 = arith.constant 15 : i32
        %broadcast_in_dim3A_500 = vector.broadcast %broadcast_in_dim3A_499 : i32 to vector<16xi32>
        %gather3A_501 = tpu.vector_load_idx %arg15[%get3A_189, %broadcast_in_dim3A_500] : memref<10x16xf32, #tpu.memory_space<vmem>>[vector<16xi32>, vector<16xi32>], vector<16xf32>,
        %scatter3A_502 = arith.constant 0 : i32
        %scatter3A_503 = arith.constant 0 : i32
        %scatter3A_504 = arith.constant 0 : i32
        %scatter3A_505 = tpu.memref_slice %arg12[%scatter3A_502, %scatter3A_503, %scatter3A_504] : memref<1x1552x16xf32, #tpu.memory_space<vmem>> -> memref<1x1552x16xf32, #tpu.memory_space<vmem>>
        %scatter3A_506 = tpu.memref_squeeze %scatter3A_505 : memref<1x1552x16xf32, #tpu.memory_space<vmem>> -> memref<1552x16xf32, #tpu.memory_space<vmem>>
        tpu.vector_store_idx %scatter3A_506[%add3A_184, %broadcast_in_dim3A_500], %gather3A_501 : memref<1552x16xf32, #tpu.memory_space<vmem>>[vector<16xi32>, vector<16xi32>], vector<16xf32>,
        %gather3A_507 = tpu.vector_load_idx %arg16[%get3A_195, %broadcast_in_dim3A_500] : memref<3x16xf32, #tpu.memory_space<vmem>>[vector<16xi32>, vector<16xi32>], vector<16xf32>,
        %scatter3A_508 = arith.constant 0 : i32
        %scatter3A_509 = arith.constant 0 : i32
        %scatter3A_510 = arith.constant 0 : i32
        %scatter3A_511 = tpu.memref_slice %arg13[%scatter3A_508, %scatter3A_509, %scatter3A_510] : memref<1x1552x16xf32, #tpu.memory_space<vmem>> -> memref<1x1552x16xf32, #tpu.memory_space<vmem>>
        %scatter3A_512 = tpu.memref_squeeze %scatter3A_511 : memref<1x1552x16xf32, #tpu.memory_space<vmem>> -> memref<1552x16xf32, #tpu.memory_space<vmem>>
        tpu.vector_store_idx %scatter3A_512[%add3A_184, %broadcast_in_dim3A_500], %gather3A_507 : memref<1552x16xf32, #tpu.memory_space<vmem>>[vector<16xi32>, vector<16xi32>], vector<16xf32>,
        %gather3A_513 = tpu.vector_load_idx %arg17[%get3A_201, %broadcast_in_dim3A_500] : memref<100x16xf32, #tpu.memory_space<vmem>>[vector<16xi32>, vector<16xi32>], vector<16xf32>,
        %scatter3A_514 = arith.constant 0 : i32
        %scatter3A_515 = arith.constant 0 : i32
        %scatter3A_516 = arith.constant 0 : i32
        %scatter3A_517 = tpu.memref_slice %arg14[%scatter3A_514, %scatter3A_515, %scatter3A_516] : memref<1x1552x16xf32, #tpu.memory_space<vmem>> -> memref<1x1552x16xf32, #tpu.memory_space<vmem>>
        %scatter3A_518 = tpu.memref_squeeze %scatter3A_517 : memref<1x1552x16xf32, #tpu.memory_space<vmem>> -> memref<1552x16xf32, #tpu.memory_space<vmem>>
        tpu.vector_store_idx %scatter3A_518[%add3A_184, %broadcast_in_dim3A_500], %gather3A_513 : memref<1552x16xf32, #tpu.memory_space<vmem>>[vector<16xi32>, vector<16xi32>], vector<16xf32>,
      }
      %scan3A_85 = arith.constant 21 : i32
      %dma_start3A_86 = arith.constant 0 : i32
      %dma_start3A_87 = arith.constant 0 : i32
      %dma_start3A_88 = arith.constant 0 : i32
      %dma_start3A_89 = tpu.memref_slice %arg12[%dma_start3A_86, %dma_start3A_87, %dma_start3A_88] : memref<1x1552x16xf32, #tpu.memory_space<vmem>> -> memref<1x336x16xf32, #tpu.memory_space<vmem>>
      %dma_start3A_90 = tpu.memref_squeeze %dma_start3A_89 : memref<1x336x16xf32, #tpu.memory_space<vmem>> -> memref<336x16xf32, #tpu.memory_space<vmem>>
      %dma_start3A_91 = arith.constant 49664 : i32
      %dma_start3A_92 = arith.constant 0 : i32
      %dma_start3A_93 = tpu.memref_slice %arg8[%dma_start3A_91, %dma_start3A_92] : memref<50000x128xf32, #tpu.memory_space<hbm>> -> memref<336x16xf32, #tpu.memory_space<hbm>>
      %dma_start3A_94 = arith.constant 49664 : i32
      %dma_start3A_95 = arith.constant 0 : i32
      %dma_start3A_96 = tpu.memref_slice %arg8[%dma_start3A_94, %dma_start3A_95] : memref<50000x128xf32, #tpu.memory_space<hbm>> -> memref<336x16xf32, #tpu.memory_space<hbm>>
      %dma_start3A_97 = arith.constant 0 : i32
      %dma_start3A_98 = arith.constant 0 : i32
      %dma_start3A_99 = tpu.memref_slice %arg12[%dma_start3A_86, %dma_start3A_97, %dma_start3A_98] : memref<1x1552x16xf32, #tpu.memory_space<vmem>> -> memref<1x336x16xf32, #tpu.memory_space<vmem>>
      %dma_start3A_100 = tpu.memref_squeeze %dma_start3A_99 : memref<1x336x16xf32, #tpu.memory_space<vmem>> -> memref<336x16xf32, #tpu.memory_space<vmem>>
      tpu.enqueue_dma source(%dma_start3A_100 : memref<336x16xf32, #tpu.memory_space<vmem>>) target(%dma_start3A_96 : memref<336x16xf32, #tpu.memory_space<hbm>>) target_semaphore(%arg19 : memref<!tpu.dma_semaphore, #tpu.memory_space<semaphore_mem>>)
      %dma_start3A_101 = arith.constant 0 : i32
      %dma_start3A_102 = arith.constant 0 : i32
      %dma_start3A_103 = arith.constant 0 : i32
      %dma_start3A_104 = tpu.memref_slice %arg13[%dma_start3A_101, %dma_start3A_102, %dma_start3A_103] : memref<1x1552x16xf32, #tpu.memory_space<vmem>> -> memref<1x336x16xf32, #tpu.memory_space<vmem>>
      %dma_start3A_105 = tpu.memref_squeeze %dma_start3A_104 : memref<1x336x16xf32, #tpu.memory_space<vmem>> -> memref<336x16xf32, #tpu.memory_space<vmem>>
      %dma_start3A_106 = arith.constant 49664 : i32
      %dma_start3A_107 = arith.constant 16 : i32
      %dma_start3A_108 = tpu.memref_slice %arg8[%dma_start3A_106, %dma_start3A_107] : memref<50000x128xf32, #tpu.memory_space<hbm>> -> memref<336x16xf32, #tpu.memory_space<hbm>>
      %dma_start3A_109 = arith.constant 49664 : i32
      %dma_start3A_110 = arith.constant 16 : i32
      %dma_start3A_111 = tpu.memref_slice %arg8[%dma_start3A_109, %dma_start3A_110] : memref<50000x128xf32, #tpu.memory_space<hbm>> -> memref<336x16xf32, #tpu.memory_space<hbm>>
      %dma_start3A_112 = arith.constant 0 : i32
      %dma_start3A_113 = arith.constant 0 : i32
      %dma_start3A_114 = tpu.memref_slice %arg13[%dma_start3A_101, %dma_start3A_112, %dma_start3A_113] : memref<1x1552x16xf32, #tpu.memory_space<vmem>> -> memref<1x336x16xf32, #tpu.memory_space<vmem>>
      %dma_start3A_115 = tpu.memref_squeeze %dma_start3A_114 : memref<1x336x16xf32, #tpu.memory_space<vmem>> -> memref<336x16xf32, #tpu.memory_space<vmem>>
      tpu.enqueue_dma source(%dma_start3A_115 : memref<336x16xf32, #tpu.memory_space<vmem>>) target(%dma_start3A_111 : memref<336x16xf32, #tpu.memory_space<hbm>>) target_semaphore(%arg19 : memref<!tpu.dma_semaphore, #tpu.memory_space<semaphore_mem>>)
      %dma_start3A_116 = arith.constant 0 : i32
      %dma_start3A_117 = arith.constant 0 : i32
      %dma_start3A_118 = arith.constant 0 : i32
      %dma_start3A_119 = tpu.memref_slice %arg14[%dma_start3A_116, %dma_start3A_117, %dma_start3A_118] : memref<1x1552x16xf32, #tpu.memory_space<vmem>> -> memref<1x336x16xf32, #tpu.memory_space<vmem>>
      %dma_start3A_120 = tpu.memref_squeeze %dma_start3A_119 : memref<1x336x16xf32, #tpu.memory_space<vmem>> -> memref<336x16xf32, #tpu.memory_space<vmem>>
      %dma_start3A_121 = arith.constant 49664 : i32
      %dma_start3A_122 = arith.constant 32 : i32
      %dma_start3A_123 = tpu.memref_slice %arg8[%dma_start3A_121, %dma_start3A_122] : memref<50000x128xf32, #tpu.memory_space<hbm>> -> memref<336x16xf32, #tpu.memory_space<hbm>>
      %dma_start3A_124 = arith.constant 49664 : i32
      %dma_start3A_125 = arith.constant 32 : i32
      %dma_start3A_126 = tpu.memref_slice %arg8[%dma_start3A_124, %dma_start3A_125] : memref<50000x128xf32, #tpu.memory_space<hbm>> -> memref<336x16xf32, #tpu.memory_space<hbm>>
      %dma_start3A_127 = arith.constant 0 : i32
      %dma_start3A_128 = arith.constant 0 : i32
      %dma_start3A_129 = tpu.memref_slice %arg14[%dma_start3A_116, %dma_start3A_127, %dma_start3A_128] : memref<1x1552x16xf32, #tpu.memory_space<vmem>> -> memref<1x336x16xf32, #tpu.memory_space<vmem>>
      %dma_start3A_130 = tpu.memref_squeeze %dma_start3A_129 : memref<1x336x16xf32, #tpu.memory_space<vmem>> -> memref<336x16xf32, #tpu.memory_space<vmem>>
      tpu.enqueue_dma source(%dma_start3A_130 : memref<336x16xf32, #tpu.memory_space<vmem>>) target(%dma_start3A_126 : memref<336x16xf32, #tpu.memory_space<hbm>>) target_semaphore(%arg19 : memref<!tpu.dma_semaphore, #tpu.memory_space<semaphore_mem>>)
      %dma_wait3A_131 = arith.constant 0 : i32
      %dma_wait3A_132 = arith.constant 0 : i32
      %dma_wait3A_133 = arith.constant 0 : i32
      %dma_wait3A_134 = tpu.memref_slice %arg12[%dma_wait3A_131, %dma_wait3A_132, %dma_wait3A_133] : memref<1x1552x16xf32, #tpu.memory_space<vmem>> -> memref<1x336x16xf32, #tpu.memory_space<vmem>>
      %dma_wait3A_135 = tpu.memref_squeeze %dma_wait3A_134 : memref<1x336x16xf32, #tpu.memory_space<vmem>> -> memref<336x16xf32, #tpu.memory_space<vmem>>
      %dma_wait3A_136 = arith.constant 0 : i32
      %dma_wait3A_137 = arith.constant 0 : i32
      %dma_wait3A_138 = tpu.memref_slice %arg8[%dma_wait3A_136, %dma_wait3A_137] : memref<50000x128xf32, #tpu.memory_space<hbm>> -> memref<336x16xf32, #tpu.memory_space<hbm>>
      %dma_wait3A_139 = arith.constant 0 : i32
      %dma_wait3A_140 = arith.constant 0 : i32
      %dma_wait3A_141 = tpu.memref_slice %arg8[%dma_wait3A_139, %dma_wait3A_140] : memref<50000x128xf32, #tpu.memory_space<hbm>> -> memref<336x16xf32, #tpu.memory_space<hbm>>
      %dma_wait3A_142 = arith.constant 0 : i32
      %dma_wait3A_143 = arith.constant 0 : i32
      %dma_wait3A_144 = tpu.memref_slice %arg12[%dma_wait3A_131, %dma_wait3A_142, %dma_wait3A_143] : memref<1x1552x16xf32, #tpu.memory_space<vmem>> -> memref<1x336x16xf32, #tpu.memory_space<vmem>>
      %dma_wait3A_145 = tpu.memref_squeeze %dma_wait3A_144 : memref<1x336x16xf32, #tpu.memory_space<vmem>> -> memref<336x16xf32, #tpu.memory_space<vmem>>
      tpu.wait_dma2 semaphore(%arg19 : memref<!tpu.dma_semaphore, #tpu.memory_space<semaphore_mem>>) src(%dma_wait3A_145 : memref<336x16xf32, #tpu.memory_space<vmem>>) dst(%dma_wait3A_141 : memref<336x16xf32, #tpu.memory_space<hbm>>)
      %dma_wait3A_146 = arith.constant 0 : i32
      %dma_wait3A_147 = arith.constant 0 : i32
      %dma_wait3A_148 = arith.constant 0 : i32
      %dma_wait3A_149 = tpu.memref_slice %arg13[%dma_wait3A_146, %dma_wait3A_147, %dma_wait3A_148] : memref<1x1552x16xf32, #tpu.memory_space<vmem>> -> memref<1x336x16xf32, #tpu.memory_space<vmem>>
      %dma_wait3A_150 = tpu.memref_squeeze %dma_wait3A_149 : memref<1x336x16xf32, #tpu.memory_space<vmem>> -> memref<336x16xf32, #tpu.memory_space<vmem>>
      %dma_wait3A_151 = arith.constant 0 : i32
      %dma_wait3A_152 = arith.constant 16 : i32
      %dma_wait3A_153 = tpu.memref_slice %arg8[%dma_wait3A_151, %dma_wait3A_152] : memref<50000x128xf32, #tpu.memory_space<hbm>> -> memref<336x16xf32, #tpu.memory_space<hbm>>
      %dma_wait3A_154 = arith.constant 0 : i32
      %dma_wait3A_155 = arith.constant 16 : i32
      %dma_wait3A_156 = tpu.memref_slice %arg8[%dma_wait3A_154, %dma_wait3A_155] : memref<50000x128xf32, #tpu.memory_space<hbm>> -> memref<336x16xf32, #tpu.memory_space<hbm>>
      %dma_wait3A_157 = arith.constant 0 : i32
      %dma_wait3A_158 = arith.constant 0 : i32
      %dma_wait3A_159 = tpu.memref_slice %arg13[%dma_wait3A_146, %dma_wait3A_157, %dma_wait3A_158] : memref<1x1552x16xf32, #tpu.memory_space<vmem>> -> memref<1x336x16xf32, #tpu.memory_space<vmem>>
      %dma_wait3A_160 = tpu.memref_squeeze %dma_wait3A_159 : memref<1x336x16xf32, #tpu.memory_space<vmem>> -> memref<336x16xf32, #tpu.memory_space<vmem>>
      tpu.wait_dma2 semaphore(%arg19 : memref<!tpu.dma_semaphore, #tpu.memory_space<semaphore_mem>>) src(%dma_wait3A_160 : memref<336x16xf32, #tpu.memory_space<vmem>>) dst(%dma_wait3A_156 : memref<336x16xf32, #tpu.memory_space<hbm>>)
      %dma_wait3A_161 = arith.constant 0 : i32
      %dma_wait3A_162 = arith.constant 0 : i32
      %dma_wait3A_163 = arith.constant 0 : i32
      %dma_wait3A_164 = tpu.memref_slice %arg14[%dma_wait3A_161, %dma_wait3A_162, %dma_wait3A_163] : memref<1x1552x16xf32, #tpu.memory_space<vmem>> -> memref<1x336x16xf32, #tpu.memory_space<vmem>>
      %dma_wait3A_165 = tpu.memref_squeeze %dma_wait3A_164 : memref<1x336x16xf32, #tpu.memory_space<vmem>> -> memref<336x16xf32, #tpu.memory_space<vmem>>
      %dma_wait3A_166 = arith.constant 0 : i32
      %dma_wait3A_167 = arith.constant 32 : i32
      %dma_wait3A_168 = tpu.memref_slice %arg8[%dma_wait3A_166, %dma_wait3A_167] : memref<50000x128xf32, #tpu.memory_space<hbm>> -> memref<336x16xf32, #tpu.memory_space<hbm>>
      %dma_wait3A_169 = arith.constant 0 : i32
      %dma_wait3A_170 = arith.constant 32 : i32
      %dma_wait3A_171 = tpu.memref_slice %arg8[%dma_wait3A_169, %dma_wait3A_170] : memref<50000x128xf32, #tpu.memory_space<hbm>> -> memref<336x16xf32, #tpu.memory_space<hbm>>
      %dma_wait3A_172 = arith.constant 0 : i32
      %dma_wait3A_173 = arith.constant 0 : i32
      %dma_wait3A_174 = tpu.memref_slice %arg14[%dma_wait3A_161, %dma_wait3A_172, %dma_wait3A_173] : memref<1x1552x16xf32, #tpu.memory_space<vmem>> -> memref<1x336x16xf32, #tpu.memory_space<vmem>>
      %dma_wait3A_175 = tpu.memref_squeeze %dma_wait3A_174 : memref<1x336x16xf32, #tpu.memory_space<vmem>> -> memref<336x16xf32, #tpu.memory_space<vmem>>
      tpu.wait_dma2 semaphore(%arg19 : memref<!tpu.dma_semaphore, #tpu.memory_space<semaphore_mem>>) src(%dma_wait3A_175 : memref<336x16xf32, #tpu.memory_space<vmem>>) dst(%dma_wait3A_171 : memref<336x16xf32, #tpu.memory_space<hbm>>)
    } else {
    }
    return
  }
}

module attributes {stable_mosaic.version = 14 : i64} {
  func.func @_tc_body_second(%arg0: i32, %arg1: memref<5000x128xf32, #tpu.memory_space<vmem>>, %arg2: memref<5000x128xf32, #tpu.memory_space<vmem>>, %arg3: memref<100000x176xf32, #tpu.memory_space<any>>, %arg4: memref<5000x176xf32, #tpu.memory_space<vmem>>) attributes {dimension_semantics = [#tpu.dimension_semantics<arbitrary>], iteration_bounds = array<i64: 10>, scalar_prefetch = 0 : i64, scratch_operands = 0 : i64, tpu.core_type = #tpu.core_type<tc>, window_params = [{transform_indices = @transform_0, window_bounds = array<i64: 5000, 128>}, {transform_indices = @transform_1, window_bounds = array<i64: 5000, 128>}, {}, {transform_indices = @transform_3, window_bounds = array<i64: 5000, 176>}]} {
    %get3A = arith.constant 0 : index
    %get3A_0 = arith.constant 0 : index
    %get3A_1 = vector.load %arg1[%get3A, %get3A_0] : memref<5000x128xf32, #tpu.memory_space<vmem>>, vector<5000x48xf32>
    %get3A_2 = arith.constant 0 : index
    %get3A_3 = arith.constant 0 : index
    %get3A_4 = vector.load %arg2[%get3A_2, %get3A_3] : memref<5000x128xf32, #tpu.memory_space<vmem>>, vector<5000x128xf32>
    %concatenate3A = tpu.concatenate %get3A_1, %get3A_4 in 1 : vector<5000x48xf32>, vector<5000x128xf32> -> vector<5000x176xf32>
    %swap3A = arith.constant 0 : index
    %swap3A_5 = arith.constant 0 : index
    %swap3A_6 = vector.load %arg4[%swap3A, %swap3A_5] : memref<5000x176xf32, #tpu.memory_space<vmem>>, vector<5000x176xf32>
    tpu.vector_store %arg4[%swap3A, %swap3A_5], %concatenate3A {strides = array<i32>} : memref<5000x176xf32, #tpu.memory_space<vmem>>, vector<5000x176xf32>,
    return
  }
  func.func @transform_0(%arg0: i32) -> (i32, i32) {
    %c0_i32 = arith.constant 0 : i32
    %c0_i32_0 = arith.constant 0 : i32
    return %arg0, %c0_i32 : i32, i32
  }
  func.func @transform_1(%arg0: i32) -> (i32, i32) {
    %add3A = arith.constant 10 : i32
    %add3A_0 = arith.addi %arg0, %add3A : i32
    %c0_i32 = arith.constant 0 : i32
    %c0_i32_1 = arith.constant 0 : i32
    return %add3A_0, %c0_i32 : i32, i32
  }
  func.func @transform_3(%arg0: i32) -> (i32, i32) {
    %add3A = arith.constant 10 : i32
    %add3A_0 = arith.addi %arg0, %add3A : i32
    %c0_i32 = arith.constant 0 : i32
    %c0_i32_1 = arith.constant 0 : i32
    return %add3A_0, %c0_i32 : i32, i32
  }
}

module attributes {stable_mosaic.version = 14 : i64} {
  func.func @_tc_body_first(%arg0: i32, %arg1: memref<5000x128xf32, #tpu.memory_space<vmem>>, %arg2: memref<5000x128xf32, #tpu.memory_space<vmem>>, %arg3: memref<5000x176xf32, #tpu.memory_space<vmem>>) attributes {dimension_semantics = [#tpu.dimension_semantics<arbitrary>], iteration_bounds = array<i64: 10>, scalar_prefetch = 0 : i64, scratch_operands = 0 : i64, tpu.core_type = #tpu.core_type<tc>, window_params = [{transform_indices = @transform_0, window_bounds = array<i64: 5000, 128>}, {transform_indices = @transform_1, window_bounds = array<i64: 5000, 128>}, {transform_indices = @transform_2, window_bounds = array<i64: 5000, 176>}]} {
    %get3A = arith.constant 0 : index
    %get3A_0 = arith.constant 0 : index
    %get3A_1 = vector.load %arg1[%get3A, %get3A_0] : memref<5000x128xf32, #tpu.memory_space<vmem>>, vector<5000x48xf32>
    %get3A_2 = arith.constant 0 : index
    %get3A_3 = arith.constant 0 : index
    %get3A_4 = vector.load %arg2[%get3A_2, %get3A_3] : memref<5000x128xf32, #tpu.memory_space<vmem>>, vector<5000x128xf32>
    %concatenate3A = tpu.concatenate %get3A_1, %get3A_4 in 1 : vector<5000x48xf32>, vector<5000x128xf32> -> vector<5000x176xf32>
    %swap3A = arith.constant 0 : index
    %swap3A_5 = arith.constant 0 : index
    %swap3A_6 = vector.load %arg3[%swap3A, %swap3A_5] : memref<5000x176xf32, #tpu.memory_space<vmem>>, vector<5000x176xf32>
    tpu.vector_store %arg3[%swap3A, %swap3A_5], %concatenate3A {strides = array<i32>} : memref<5000x176xf32, #tpu.memory_space<vmem>>, vector<5000x176xf32>,
    return
  }
  func.func @transform_0(%arg0: i32) -> (i32, i32) {
    %c0_i32 = arith.constant 0 : i32
    %c0_i32_0 = arith.constant 0 : i32
    return %arg0, %c0_i32 : i32, i32
  }
  func.func @transform_1(%arg0: i32) -> (i32, i32) {
    %c0_i32 = arith.constant 0 : i32
    %c0_i32_0 = arith.constant 0 : i32
    return %arg0, %c0_i32 : i32, i32
  }
  func.func @transform_2(%arg0: i32) -> (i32, i32) {
    %c0_i32 = arith.constant 0 : i32
    %c0_i32_0 = arith.constant 0 : i32
    return %arg0, %c0_i32 : i32, i32
  }
}

</mosaic_0001>

<sc_bundles>
// kernel: _run.6.cloned.1.call-start
scs
__scs_entry_jumppad:
0x0: {  	(pc) =	sbr.rel $0x88, $3  }
0x1: {  	(tag) =	ssettag $0x0;
	lr =	simm.s32 $0x1  }
0x2: {  	[smem:$0x3F9A] =	sst lr;
	_ =	strace $0xD0000000  }
0x3: {  	_ = 	snop  }
0x4: {  	_ = 	snop  }
0x5: {  	_ = 	snop  }
0x6: {  	_ = 	snop  }
0x7: {  	_ = 	snop  }
__scs_overlays_trampoline_lowered:
0x8: {  	[smem:$0x3FA9] =	sst s0  }
0x9: {  	[smem:$0x3FAA] =	sst s1  }
0xa: {  	[smem:$0x3FAB] =	sst s2  }
0xb: {  	[smem:$0x3FAC] =	sst s3  }
0xc: {  	[smem:$0x3FAD] =	sst s4  }
0xd: {  	[smem:$0x3FAE] =	sst s5  }
0xe: {  	[smem:$0x3FAF] =	sst s6  }
0xf: {  	[smem:$0x3FB0] =	sst s7  }
0x10: {  	[smem:$0x3FB1] =	sst s8  }
0x11: {  	[smem:$0x3FB2] =	sst s9;
	s0 =	simm.s32 @!p0 $0x0  }
0x12: {  	s1 =	sld [smem:$0x3F98];
	s0 =	simm.s32 @p0 $0x1  }
0x13: {  	[smem:$0x3FB3] =	sst s0;
	s0 =	simm.s32 @!p1 $0x0  }
0x14: {  	s2 =	sld [smem:$0x3F97];
	s0 =	simm.s32 @p1 $0x1  }
0x15: {  	[smem:$0x3FB4] =	sst s0;
	s0 =	simm.s32 @!p2 $0x0  }
0x16: {  	s3 =	sld [smem:$0x3FDB];
	s0 =	simm.s32 @p2 $0x1  }
0x17: {  	s4 =	simm.s32 $0x1BF5;
	[smem:$0x3FB6] =	sst s0  }
0x18: {  	s0 =	sld [smem:$0x3F99];
	_ =	swait.ge [sflag:s4], $0x0  }
0x19: {  	s7 =	sld [smem:$0x3F9A]  }
0x1a: {  	s8 =	sadd.s32 $0xFFFFE003, lr  }
0x1b: {  	s9 =	sadd.s32 $0xFFFFFEF7, lr;
	s5 =	simm.s32 $0xFFFFFFFF;
	p2 =	slt.u32 s8, $0xFFFFF086  }
0x1c: {  	p1 =	slt.u32 s9, $0xF7A;
	s5 =	simm.s32 @!p2 $0x0  }
0x1d: {  	s5 =	simm.s32 @p1 $0x1;
	p0 =	seq.s32 s7, s2  }
0x1e: {  	s7 =	smul.u32 @!p0 $0xF7A, s2;
	p2 =	seq.s32 @!p0 s5, $0x0  }
0x1f: {  	s9 =	smul.u32 $0xF7A, s1;
	s8 =	simm.s32 @!p0 $0x1BF5;
	p2 =	por !p2, p0  }
0x20: {  	[sflag:s8] =	ssyncset.s32 @!p0 $0xFFFFF086;
	s6 =	sadd.s32 @!p0 s3, s7;
	s7 =	simm.s32 @!p0 $0x108  }
0x21: {  	s3 =	sadd.s32 s3, s9;
	s6 =	sadd.s32 @!p0 $0x88, s6;
	s7 =	simm.s32 @p2 $0x1082  }
0x22: {  	[simem:s7], [sflag:s8] =	dma.local @!p0 [hbm:s6], $0xF7A  }
0x23: {  	s9 =	sor.u32 $0xD0000000, s2;
	s6 =	simm.s32 $0x108;
	_ =	swait.ge @!p0 [sflag:s8], $0x0  }
0x24: {  	s3 =	sadd.s32 $0x88, s3;
	s6 =	simm.s32 @!p1 $0x1082;
	[sflag:s4] =	ssyncset.s32 $0xFFFFF086  }
0x25: {  	[simem:s6], [sflag:s4] =	dma.local [hbm:s3], $0xF7A  }
0x26: {  	[smem:$0x3F9A] =	sst s1;
	(tag) =	ssettag s2;
	_ =	strace s9  }
0x27: {  	s1 =	sld [smem:$0x3FAA]  }
0x28: {  	s2 =	sld [smem:$0x3FAB]  }
0x29: {  	s4 =	sld [smem:$0x3FAD]  }
0x2a: {  	p0 =	seq.s32 s5, $0x0;
	s5 =	sld [smem:$0x3FAE]  }
0x2b: {  	s6 =	sld [smem:$0x3FAF]  }
0x2c: {  	s7 =	sld [smem:$0x3FB0]  }
0x2d: {  	s3 =	simm.s32 $0x108;
	s8 =	sld [smem:$0x3FB1]  }
0x2e: {  	s3 =	simm.s32 @!p0 $0x1082;
	s9 =	sld [smem:$0x3FB2]  }
0x2f: {  	lr =	sadd.s32 s0, s3;
	s0 =	sld [smem:$0x3FA9]  }
0x30: {  	s3 =	sld [smem:$0x3FAC]  }
0x31: {  	[smem:$0x3FB5] =	sst s10  }
0x32: {  	s10 =	sld [smem:$0x3FB3];
	_ =	sdelay $0x3  }
0x33: {  	p0 =	seq.s32 s10, $0x1;
	s10 =	sld [smem:$0x3FB5];
	_ =	sdelay $0x3  }
0x34: {  	[smem:$0x3FB5] =	sst s10  }
0x35: {  	s10 =	sld [smem:$0x3FB4];
	_ =	sdelay $0x3  }
0x36: {  	p1 =	seq.s32 s10, $0x1;
	s10 =	sld [smem:$0x3FB5];
	_ =	sdelay $0x3  }
0x37: {  	[smem:$0x3FB5] =	sst s10  }
0x38: {  	s10 =	sld [smem:$0x3FB6]  }
0x39: {  	_ = 	snop;
	(pc) =	sbr.ind lr, $3  }
0x3a: {  	_ = 	snop  }
0x3b: {  	_ = 	snop  }
0x3c: {  	p2 =	seq.s32 s10, $0x1;
	s10 =	sld [smem:$0x3FB5]  }
0x3d: {  	_ =	shalt  }
0x3e: {  	_ =	shalt  }
0x3f: {  	_ =	shalt  }
0x40: {  	_ =	shalt  }
0x41: {  	_ =	shalt  }
0x42: {  	_ =	shalt  }
0x43: {  	_ =	shalt  }
0x44: {  	_ =	shalt  }
0x45: {  	_ =	shalt  }
0x46: {  	_ =	shalt  }
0x47: {  	_ =	shalt  }
0x48: {  	_ =	shalt  }
0x49: {  	_ =	shalt  }
0x4a: {  	_ =	shalt  }
0x4b: {  	_ =	shalt  }
0x4c: {  	_ =	shalt  }
0x4d: {  	_ =	shalt  }
0x4e: {  	_ =	shalt  }
0x4f: {  	_ =	shalt  }
0x50: {  	_ =	shalt  }
0x51: {  	_ =	shalt  }
0x52: {  	_ =	shalt  }
0x53: {  	_ =	shalt  }
0x54: {  	_ =	shalt  }
0x55: {  	_ =	shalt  }
0x56: {  	_ =	shalt  }
0x57: {  	_ =	shalt  }
0x58: {  	_ =	shalt  }
0x59: {  	_ =	shalt  }
0x5a: {  	_ =	shalt  }
0x5b: {  	_ =	shalt  }
0x5c: {  	_ =	shalt  }
0x5d: {  	_ =	shalt  }
0x5e: {  	_ =	shalt  }
0x5f: {  	_ =	shalt  }
0x60: {  	_ =	shalt  }
0x61: {  	_ =	shalt  }
0x62: {  	_ =	shalt  }
0x63: {  	_ =	shalt  }
0x64: {  	_ =	shalt  }
0x65: {  	_ =	shalt  }
0x66: {  	_ =	shalt  }
0x67: {  	_ =	shalt  }
0x68: {  	_ =	shalt  }
0x69: {  	_ =	shalt  }
0x6a: {  	_ =	shalt  }
0x6b: {  	_ =	shalt  }
0x6c: {  	_ =	shalt  }
0x6d: {  	_ =	shalt  }
0x6e: {  	_ =	shalt  }
0x6f: {  	_ =	shalt  }
0x70: {  	_ =	shalt  }
0x71: {  	_ =	shalt  }
0x72: {  	_ =	shalt  }
0x73: {  	_ =	shalt  }
0x74: {  	_ =	shalt  }
0x75: {  	_ =	shalt  }
0x76: {  	_ =	shalt  }
0x77: {  	_ =	shalt  }
0x78: {  	_ =	shalt  }
0x79: {  	_ =	shalt  }
0x7a: {  	_ =	shalt  }
0x7b: {  	_ =	shalt  }
0x7c: {  	_ =	shalt  }
0x7d: {  	_ =	shalt  }
0x7e: {  	_ =	shalt  }
0x7f: {  	_ =	shalt  }
0x80: {  	_ =	shalt  }
0x81: {  	_ =	shalt  }
0x82: {  	_ =	shalt  }
0x83: {  	_ =	shalt  }
0x84: {  	_ =	shalt  }
0x85: {  	_ =	shalt  }
0x86: {  	_ =	shalt  }
0x87: {  	_ =	shalt  }
.Lfunc_end0:
.L_simem_size_0:
called_computation_lowered:
.L_overlay_start_0:
0x88: {  	s2 =	sld [smem:$0x3FD9]  }
0x89: {  	s3 =	sld [smem:$0x3FFE];
	_ =	sdelay $0x1  }
0x8a: {  	s1 =	srdreg.scid  }
0x8b: {  	s0 =	sand.u32 $0x1, s1  }
0x8c: {  	s16 =	sshll.u32 s0, $0xA;
	s2 =	sadd.s32 s3, s2  }
0x8d: {  	s2 =	sadd.s32 s2, s16  }
0x8e: {  	[smem:$0x3FC1] =	sst s2  }
0x8f: {  	_ = 	snop  }
0x90: {  	(tm) =	ssettm $0x1  }
0x91: {  	s17 =	sld [smem:$0x3FFB];
	_ =	sdelay $0x3  }
0x92: {  	_ =	strace s17  }
0x93: {  	s2 =	sld [smem:$0x3FFC];
	_ =	sdelay $0x3  }
0x94: {  	_ =	strace s2  }
0x95: {  	s2 =	sld [smem:$0x3FFD];
	_ =	sdelay $0x3  }
0x96: {  	_ =	strace s2  }
0x97: {  	_ =	strace $0x8FFFFFFF  }
0x98: {  	s18 =	sld [smem:$0x3FDB];
	_ =	sdelay $0x1  }
0x99: {  	s19 =	simm.s32 $_scs_section_size  }
0x9a: {  	s4 =	simm.s32 $_size__tile_overlayer_lowered;
	s5 =	simm.s32 $_tile_overlayer_lowered  }
0x9b: {  	s22 =	simm.s32 $0x1BFF;
	s21 =	sshll.u32 s5, $0x1;
	s2 =	sadd.s32 s19, s18  }
0x9c: {  	s6 =	simm.s32 $0x0;
	s20 =	sshll.u32 s4, $0x1;
	s4 =	sadd.s32 s21, s2  }
0x9d: {  	[timem:s6], [sflag:s22] =	dma.local [hbm:s4], s20  }
0x9e: {  	_ =	swait.ge [sflag:s22], s20  }
0x9f: {  	s3 =	ssub.s32 $0x0, s20;
	[sflag:s22] =	ssyncset.done $0x0  }
0xa0: {  	[sflag:s22] =	ssyncadd.s32 s3;
	_ =	sdelay $0x1  }
0xa1: {  	s23 =	simm.s32 $0x1B8B  }
0xa2: {  	_ =	swait.ge [sflag:s23], $0x1  }
0xa3: {  	[sflag:s23] =	ssyncset.done $0x0  }
0xa4: {  	s25 =	simm.s32 $0x1B8E;
	s24 =	sld [smem:$0x3FFE];
	[sflag:s23] =	ssyncadd.s32 $0xFFFFFFFF  }
0xa5: {  	s26 =	simm.s32 $execute0_lowered;
	[smem:$0x3FD2] =	sst s25  }
0xa6: {  	s4 =	sshll.u32 s26, $0x1;
	_ =	strace $0x80000046;
	[dreg:$0x1] =	wrdreg $0xFFFFFFFF  }
0xa7: {  	s28 =	simm.s32 $_size_execute0_lowered;
	s2 =	sadd.s32 s2, s4;
	[dreg:$0x0] =	wrdreg $0x0  }
0xa8: {  	s4 =	sshll.u32 s28, $0x1;
	[dreg:$0x2] =	wrdreg s2  }
0xa9: {  	[dreg:$0x3] =	wrdreg s4  }
0xaa: {  	[dreg:$0x4] =	wrdreg $0xC0  }
0xab: {  	_ =	task [dreg:s6], $0x5FFFF  }
0xac: {  	[dreg:$0x1] =	wrdreg $0xFFFFFFFF  }
0xad: {  	[dreg:$0x0] =	wrdreg $0x60  }
0xae: {  	[dreg:$0x2] =	wrdreg s24  }
0xaf: {  	[dreg:$0x3] =	wrdreg $0x9  }
0xb0: {  	_ =	task.clear_ibuf [dreg:s6], $0x4FFFF;
	_ =	strace $0x90000046  }
0xb1: {  	s29 =	simm.s32 $0x9;
	_ =	strace $0x80000048  }
0xb2: {  	_ =	swait.ge [sflag:s29], $0x1  }
0xb3: {  	[sflag:s29] =	ssyncadd.s32 $0xFFFFFFFF  }
0xb4: {  	_ =	strace $0x90000048  }
0xb5: {  	_ =	sfence  }
0xb6: {  	s30 =	sld [smem:$0x0];
	_ =	sdelay $0x2  }
0xb7: {  	s31 =	sshll.u32 s1, $0xD;
	s1 =	sshrl.u32 s1, $0x2  }
0xb8: {  	s3 =	sand.u32 $0x4000, s31;
	s1 =	sadd.s32 s1, s30  }
0xb9: {  	s0 =	sor.u32 s3, s0;
	s1 =	sshll.u32 s1, $0x11  }
0xba: {  	s0 =	sor.u32 s1, s0  }
0xbb: {  	s0 =	sadd.s32 $0x8F2B, s0  }
0xbc: {  	[sflag:s0] =	ssyncadd.remote.s32 $0x1  }
0xbd: {  	_ =	sfence.sel $0xFFFF  }
0xbe: {  	[dreg:$0x0] =	wrdreg $0xFFFFFFFF;
	(pc) =	sbr.abs _section_cstart, $3  }
0xbf: {  	[dreg:$0x1] =	wrdreg $0xFFFFFFFF  }
0xc0: {  	_ =	task.clear_ibuf [dreg:s6], $0x2FFFF;
	_ =	strace $0x9FFFFFFF  }
0xc1: {  	(tm) =	ssettm $0x7FFFFFFF  }
tec
execute0_lowered:
.L_overlay_start_1:
0x0: {  	(tag) =	ssettag $0x1  }
0x1: {  	s0 =	srdreg.scid  }
0x2: {  	s1 =	stileid.u32;
	s12 =	rddreg [dreg:$0x0]  }
0x3: {  	s2 =	simm.s32 $0x0;
	s19 =	simm.s32 $0x13530;
	s20 =	simm.s32 $0x3  }
0x4: {  	s21 =	simm.s32 $0x135D0;
	s22 =	simm.s32 $0x13600;
	s23 =	simm.s32 $0x1  }
0x5: {  	s24 =	simm.s32 $0x1230;
	s28 =	simm.s32 $0x10;
	s29 =	simm.s32 $0x80  }
0x6: {  	s30 =	simm.s32 $0x2;
	s31 =	simm.s32 $0x0;
	s0 =	sand.u32 $0x1, s0  }
0x7: {  	s1 =	sshll.u32 s1, $0x1;
	[smem:$0x7FF] =	sst s2;
	s4 =	sadd.s32 $0xE00, s12  }
0x8: {  	s5 =	sadd.s32 $0x1200, s12;
	s13 =	sadd.s32 $0x2C40, s12;
	s26 =	sadd.s32 $0x6040, s12  }
0x9: {  	s14 =	sadd.s32 $0x9440, s12;
	s15 =	sadd.s32 $0xCD000, s12;
	s16 =	sadd.s32 $0xCD002, s12  }
0xa: {  	s17 =	sadd.s32 $0xCD004, s12;
	s1 =	sor.u32 s0, s1;
	_ =	strace $0x80000047  }
0xb: {  	s0 =	ssub.s32 $0x2, s0;
	[dreg:$0x2] =	wrdreg s13;
	s3 =	smul.u32 $0xC2, s1  }
0xc: {  	[dreg:$0x3] =	wrdreg s26;
	s26 =	simm.s32 $0xD430;
	s6 =	smul.u32 $0x6100, s1  }
.Ltmp0:
0xd: {  	s25 =	sshrl.u32 s0, $0x1;
	p0 =	sne.s32 s1, $0x1F;
	(pc) =	sbr.rel .LBB2_1-.Ltmp0, $4  }
0xe: {  	s0 =	ssub.s32 s0, s25;
	s25 =	simm.s32 $0x7330;
	s8 =	sadd.s32 s3, s12  }
0xf: {  	s3 =	sadd.s32 $0x1000, s12;
	s11 =	sadd.s32 s6, s12;
	s18 =	smax.u32 s0, $0x1  }
0x10: {  	v0 =	vlaneseq.u32;
	s6 =	sadd.s32 $0x1400, s8;
	s7 =	sadd.s32 $0x4800, s8;
	s8 =	sadd.s32 $0x7C00, s8  }
0x11: {  	v0 =	vmul.u32 $0x10, v0;
	s9 =	sadd.s32 $0xB000, s11;
	s10 =	sadd.s32 $0xB002, s11;
	s11 =	sadd.s32 $0xB004, s11  }
.LBB2_7:
0x12: {  	s31 =	sadd.s32 $0x1, s31  }
0x13: {  	p1 =	sne.s32 s31, s18  }
.Ltmp1:
0x14: {  	_ = 	snop;
	(pc) =	sbr.rel @!p1 .LBB2_8-.Ltmp1, $1  }
0x15: {  	_ =	sdelay $0x3  }
.LBB2_1:
0x16: {  	[tilespmem:s19], [sflag:$0x3] =	stream.linear.gather [hbm4b:s3+s2], $0xA0, $0x38;
	[tilespmem:$0x13C40] =	vst v63  }
0x17: {  	_ =	swait.ge [sflag:s20], $0xA0  }
0x18: {  	[sflag:s20] =	ssyncset.done $0x0  }
0x19: {  	[sflag:s20] =	ssyncadd.s32 $0xFFFFFF60  }
0x1a: {  	[tilespmem:s21], [sflag:$0x3] =	stream.linear.gather [hbm4b:s4+s2], $0x30, $0x38;
	[tilespmem:$0x13C40] =	vst v63  }
0x1b: {  	_ =	swait.ge [sflag:s20], $0x30  }
0x1c: {  	[sflag:s20] =	ssyncset.done $0x0  }
0x1d: {  	[sflag:s20] =	ssyncadd.s32 $0xFFFFFFD0  }
0x1e: {  	[tilespmem:s22], [sflag:$0x3] =	stream.linear.gather [hbm4b:s5+s2], $0x640, $0x38;
	[tilespmem:$0x13C40] =	vst v63  }
0x1f: {  	_ =	swait.ge [sflag:s20], $0x640  }
0x20: {  	[sflag:s20] =	ssyncset.done $0x0  }
0x21: {  	[sflag:s20] =	ssyncadd.s32 $0xFFFFF9C0  }
0x22: {  	[tilespmem:s2], [sflag:$0x1] =	stream.linear.gather [hbm4b:s6+s2], $0x610, $0x38;
	[tilespmem:$0x13C40] =	vst v63  }
0x23: {  	s1 =	simm.s32 $0x610  }
0x24: {  	[tilespmem:s1], [sflag:$0x1] =	stream.linear.gather [hbm4b:s7+s2], $0x610, $0x38;
	[tilespmem:$0x13C40] =	vst v63  }
0x25: {  	s0 =	simm.s32 $0xC20  }
0x26: {  	[tilespmem:s0], [sflag:$0x1] =	stream.linear.gather [hbm4b:s8+s2], $0x610, $0x38;
	[tilespmem:$0x13C40] =	vst v63  }
0x27: {  	_ =	swait.ge [sflag:s23], $0x610  }
0x28: {  	[sflag:s23] =	ssyncset.done $0x0  }
0x29: {  	[sflag:s23] =	ssyncadd.s32 $0xFFFFF9F0  }
0x2a: {  	_ =	swait.ge [sflag:s23], $0x610  }
0x2b: {  	[sflag:s23] =	ssyncset.done $0x0  }
0x2c: {  	[sflag:s23] =	ssyncadd.s32 $0xFFFFF9F0  }
0x2d: {  	_ =	swait.ge [sflag:s23], $0x610  }
0x2e: {  	[sflag:s23] =	ssyncset.done $0x0  }
0x2f: {  	s12 =	simm.s32 $0x0;
	s13 =	simm.s32 $0x0;
	[sflag:s23] =	ssyncadd.s32 $0xFFFFF9F0  }
.LBB2_2:
0x30: {  	v1 =	vld [tilespmem:s12+$0x0];
	_ =	sdelay $0x4  }
0x31: {  	v1 =	vshll.u32 v1, $0x4  }
0x32: {  	v3 =	vld [tilespmem:s1+$0x0];
	_ =	sdelay $0x1  }
0x33: {  	v2 =	vmov s13  }
0x34: {  	v2 =	vshll.u32 v2, $0x4  }
0x35: {  	v2 =	vor.u32 v0, v2;
	v4 =	vld.idx.msk [tilespmem:v1+s19+$0x0], $0xffff  }
0x36: {  	v3 =	vshll.u32 v3, $0x4  }
0x37: {  	v5 =	vld [tilespmem:s0+$0x0];
	_ =	sdelay $0x2  }
0x38: {  	[tilespmem:v2+s24+$0x0] =	vst.idx.msk $0xffff, v4  }
0x39: {  	v6 =	vld.idx.msk [tilespmem:v3+s21+$0x0], $0xffff  }
0x3a: {  	v4 =	vshll.u32 v5, $0x4;
	_ =	sdelay $0x3  }
0x3b: {  	[tilespmem:v2+s25+$0x0] =	vst.idx.msk $0xffff, v6  }
0x3c: {  	v5 =	vld.idx.msk [tilespmem:v4+s22+$0x0], $0xffff  }
0x3d: {  	v9 =	vor.u32 $0x1, v1;
	_ =	sdelay $0x3  }
0x3e: {  	[tilespmem:v2+s26+$0x0] =	vst.idx.msk $0xffff, v5  }
0x3f: {  	v10 =	vor.u32 $0x1, v2;
	v5 =	vld.idx.msk [tilespmem:v9+s19+$0x0], $0xffff  }
0x40: {  	v7 =	vor.u32 $0x1, v3;
	_ =	sdelay $0x3  }
0x41: {  	[tilespmem:v10+s24+$0x0] =	vst.idx.msk $0xffff, v5  }
0x42: {  	v5 =	vld.idx.msk [tilespmem:v7+s21+$0x0], $0xffff  }
0x43: {  	v11 =	vor.u32 $0x1, v4;
	_ =	sdelay $0x3  }
0x44: {  	[tilespmem:v10+s25+$0x0] =	vst.idx.msk $0xffff, v5  }
0x45: {  	v5 =	vld.idx.msk [tilespmem:v11+s22+$0x0], $0xffff  }
0x46: {  	v12 =	vor.u32 $0x2, v1;
	_ =	sdelay $0x3  }
0x47: {  	[tilespmem:v10+s26+$0x0] =	vst.idx.msk $0xffff, v5  }
0x48: {  	v13 =	vor.u32 $0x2, v2;
	v5 =	vld.idx.msk [tilespmem:v12+s19+$0x0], $0xffff  }
0x49: {  	v14 =	vor.u32 $0x2, v3;
	_ =	sdelay $0x3  }
0x4a: {  	[tilespmem:v13+s24+$0x0] =	vst.idx.msk $0xffff, v5  }
0x4b: {  	v5 =	vld.idx.msk [tilespmem:v14+s21+$0x0], $0xffff  }
0x4c: {  	v15 =	vor.u32 $0x2, v4;
	_ =	sdelay $0x3  }
0x4d: {  	[tilespmem:v13+s25+$0x0] =	vst.idx.msk $0xffff, v5  }
0x4e: {  	v5 =	vld.idx.msk [tilespmem:v15+s22+$0x0], $0xffff  }
0x4f: {  	v16 =	vor.u32 $0x3, v1;
	_ =	sdelay $0x3  }
0x50: {  	[tilespmem:v13+s26+$0x0] =	vst.idx.msk $0xffff, v5  }
0x51: {  	v17 =	vor.u32 $0x3, v2;
	v5 =	vld.idx.msk [tilespmem:v16+s19+$0x0], $0xffff  }
0x52: {  	v18 =	vor.u32 $0x3, v3;
	_ =	sdelay $0x3  }
0x53: {  	[tilespmem:v17+s24+$0x0] =	vst.idx.msk $0xffff, v5  }
0x54: {  	v5 =	vld.idx.msk [tilespmem:v18+s21+$0x0], $0xffff  }
0x55: {  	v19 =	vor.u32 $0x3, v4;
	_ =	sdelay $0x3  }
0x56: {  	[tilespmem:v17+s25+$0x0] =	vst.idx.msk $0xffff, v5  }
0x57: {  	v5 =	vld.idx.msk [tilespmem:v19+s22+$0x0], $0xffff  }
0x58: {  	v20 =	vor.u32 $0x4, v1;
	_ =	sdelay $0x3  }
0x59: {  	[tilespmem:v17+s26+$0x0] =	vst.idx.msk $0xffff, v5  }
0x5a: {  	v21 =	vor.u32 $0x4, v2;
	v5 =	vld.idx.msk [tilespmem:v20+s19+$0x0], $0xffff  }
0x5b: {  	v22 =	vor.u32 $0x4, v3;
	_ =	sdelay $0x3  }
0x5c: {  	[tilespmem:v21+s24+$0x0] =	vst.idx.msk $0xffff, v5  }
0x5d: {  	v5 =	vld.idx.msk [tilespmem:v22+s21+$0x0], $0xffff  }
0x5e: {  	v23 =	vor.u32 $0x4, v4;
	_ =	sdelay $0x3  }
0x5f: {  	[tilespmem:v21+s25+$0x0] =	vst.idx.msk $0xffff, v5  }
0x60: {  	v5 =	vld.idx.msk [tilespmem:v23+s22+$0x0], $0xffff  }
0x61: {  	v24 =	vor.u32 $0x5, v1;
	_ =	sdelay $0x3  }
0x62: {  	[tilespmem:v21+s26+$0x0] =	vst.idx.msk $0xffff, v5  }
0x63: {  	v25 =	vor.u32 $0x5, v2;
	v5 =	vld.idx.msk [tilespmem:v24+s19+$0x0], $0xffff  }
0x64: {  	v26 =	vor.u32 $0x5, v3;
	_ =	sdelay $0x3  }
0x65: {  	[tilespmem:v25+s24+$0x0] =	vst.idx.msk $0xffff, v5  }
0x66: {  	v5 =	vld.idx.msk [tilespmem:v26+s21+$0x0], $0xffff  }
0x67: {  	v27 =	vor.u32 $0x5, v4;
	_ =	sdelay $0x3  }
0x68: {  	[tilespmem:v25+s25+$0x0] =	vst.idx.msk $0xffff, v5  }
0x69: {  	v5 =	vld.idx.msk [tilespmem:v27+s22+$0x0], $0xffff  }
0x6a: {  	v28 =	vor.u32 $0x6, v1;
	_ =	sdelay $0x3  }
0x6b: {  	[tilespmem:v25+s26+$0x0] =	vst.idx.msk $0xffff, v5  }
0x6c: {  	v29 =	vor.u32 $0x6, v2;
	v5 =	vld.idx.msk [tilespmem:v28+s19+$0x0], $0xffff  }
0x6d: {  	v30 =	vor.u32 $0x6, v3;
	_ =	sdelay $0x3  }
0x6e: {  	[tilespmem:v29+s24+$0x0] =	vst.idx.msk $0xffff, v5  }
0x6f: {  	v5 =	vld.idx.msk [tilespmem:v30+s21+$0x0], $0xffff  }
0x70: {  	v31 =	vor.u32 $0x6, v4;
	_ =	sdelay $0x3  }
0x71: {  	[tilespmem:v29+s25+$0x0] =	vst.idx.msk $0xffff, v5  }
0x72: {  	v5 =	vld.idx.msk [tilespmem:v31+s22+$0x0], $0xffff  }
0x73: {  	v32 =	vor.u32 $0x7, v1;
	_ =	sdelay $0x3  }
0x74: {  	[tilespmem:v29+s26+$0x0] =	vst.idx.msk $0xffff, v5  }
0x75: {  	v33 =	vor.u32 $0x7, v2;
	v5 =	vld.idx.msk [tilespmem:v32+s19+$0x0], $0xffff  }
0x76: {  	v34 =	vor.u32 $0x7, v3;
	_ =	sdelay $0x3  }
0x77: {  	[tilespmem:v33+s24+$0x0] =	vst.idx.msk $0xffff, v5  }
0x78: {  	v5 =	vld.idx.msk [tilespmem:v34+s21+$0x0], $0xffff  }
0x79: {  	v35 =	vor.u32 $0x7, v4;
	_ =	sdelay $0x3  }
0x7a: {  	[tilespmem:v33+s25+$0x0] =	vst.idx.msk $0xffff, v5  }
0x7b: {  	v5 =	vld.idx.msk [tilespmem:v35+s22+$0x0], $0xffff  }
0x7c: {  	v36 =	vor.u32 $0x8, v1;
	_ =	sdelay $0x3  }
0x7d: {  	[tilespmem:v33+s26+$0x0] =	vst.idx.msk $0xffff, v5  }
0x7e: {  	v37 =	vor.u32 $0x8, v2;
	v5 =	vld.idx.msk [tilespmem:v36+s19+$0x0], $0xffff  }
0x7f: {  	v38 =	vor.u32 $0x8, v3;
	_ =	sdelay $0x3  }
0x80: {  	[tilespmem:v37+s24+$0x0] =	vst.idx.msk $0xffff, v5  }
0x81: {  	v5 =	vld.idx.msk [tilespmem:v38+s21+$0x0], $0xffff  }
0x82: {  	v39 =	vor.u32 $0x8, v4;
	_ =	sdelay $0x3  }
0x83: {  	[tilespmem:v37+s25+$0x0] =	vst.idx.msk $0xffff, v5  }
0x84: {  	v5 =	vld.idx.msk [tilespmem:v39+s22+$0x0], $0xffff  }
0x85: {  	v40 =	vor.u32 $0x9, v1;
	_ =	sdelay $0x3  }
0x86: {  	[tilespmem:v37+s26+$0x0] =	vst.idx.msk $0xffff, v5  }
0x87: {  	v41 =	vor.u32 $0x9, v2;
	v5 =	vld.idx.msk [tilespmem:v40+s19+$0x0], $0xffff  }
0x88: {  	v42 =	vor.u32 $0x9, v3;
	_ =	sdelay $0x3  }
0x89: {  	[tilespmem:v41+s24+$0x0] =	vst.idx.msk $0xffff, v5  }
0x8a: {  	v5 =	vld.idx.msk [tilespmem:v42+s21+$0x0], $0xffff  }
0x8b: {  	v43 =	vor.u32 $0x9, v4;
	_ =	sdelay $0x3  }
0x8c: {  	[tilespmem:v41+s25+$0x0] =	vst.idx.msk $0xffff, v5  }
0x8d: {  	v5 =	vld.idx.msk [tilespmem:v43+s22+$0x0], $0xffff  }
0x8e: {  	v44 =	vor.u32 $0xA, v1;
	_ =	sdelay $0x3  }
0x8f: {  	[tilespmem:v41+s26+$0x0] =	vst.idx.msk $0xffff, v5  }
0x90: {  	v45 =	vor.u32 $0xA, v2;
	v5 =	vld.idx.msk [tilespmem:v44+s19+$0x0], $0xffff  }
0x91: {  	v46 =	vor.u32 $0xA, v3;
	_ =	sdelay $0x3  }
0x92: {  	[tilespmem:v45+s24+$0x0] =	vst.idx.msk $0xffff, v5  }
0x93: {  	v5 =	vld.idx.msk [tilespmem:v46+s21+$0x0], $0xffff  }
0x94: {  	v47 =	vor.u32 $0xA, v4;
	_ =	sdelay $0x3  }
0x95: {  	[tilespmem:v45+s25+$0x0] =	vst.idx.msk $0xffff, v5  }
0x96: {  	v5 =	vld.idx.msk [tilespmem:v47+s22+$0x0], $0xffff  }
0x97: {  	v48 =	vor.u32 $0xB, v1;
	_ =	sdelay $0x3  }
0x98: {  	[tilespmem:v45+s26+$0x0] =	vst.idx.msk $0xffff, v5  }
0x99: {  	v49 =	vor.u32 $0xB, v2;
	v5 =	vld.idx.msk [tilespmem:v48+s19+$0x0], $0xffff  }
0x9a: {  	v50 =	vor.u32 $0xB, v3;
	_ =	sdelay $0x3  }
0x9b: {  	[tilespmem:v49+s24+$0x0] =	vst.idx.msk $0xffff, v5  }
0x9c: {  	v5 =	vld.idx.msk [tilespmem:v50+s21+$0x0], $0xffff  }
0x9d: {  	v51 =	vor.u32 $0xB, v4;
	_ =	sdelay $0x3  }
0x9e: {  	[tilespmem:v49+s25+$0x0] =	vst.idx.msk $0xffff, v5  }
0x9f: {  	v5 =	vld.idx.msk [tilespmem:v51+s22+$0x0], $0xffff  }
0xa0: {  	v52 =	vor.u32 $0xC, v1;
	_ =	sdelay $0x3  }
0xa1: {  	[tilespmem:v49+s26+$0x0] =	vst.idx.msk $0xffff, v5  }
0xa2: {  	v53 =	vor.u32 $0xC, v2;
	v5 =	vld.idx.msk [tilespmem:v52+s19+$0x0], $0xffff  }
0xa3: {  	v54 =	vor.u32 $0xC, v3;
	_ =	sdelay $0x3  }
0xa4: {  	[tilespmem:v53+s24+$0x0] =	vst.idx.msk $0xffff, v5  }
0xa5: {  	v5 =	vld.idx.msk [tilespmem:v54+s21+$0x0], $0xffff  }
0xa6: {  	v55 =	vor.u32 $0xC, v4;
	_ =	sdelay $0x3  }
0xa7: {  	[tilespmem:v53+s25+$0x0] =	vst.idx.msk $0xffff, v5  }
0xa8: {  	v5 =	vld.idx.msk [tilespmem:v55+s22+$0x0], $0xffff  }
0xa9: {  	v56 =	vor.u32 $0xD, v1;
	_ =	sdelay $0x3  }
0xaa: {  	[tilespmem:v53+s26+$0x0] =	vst.idx.msk $0xffff, v5  }
0xab: {  	v57 =	vor.u32 $0xD, v2;
	v5 =	vld.idx.msk [tilespmem:v56+s19+$0x0], $0xffff  }
0xac: {  	v58 =	vor.u32 $0xD, v3;
	_ =	sdelay $0x3  }
0xad: {  	[tilespmem:v57+s24+$0x0] =	vst.idx.msk $0xffff, v5  }
0xae: {  	v5 =	vld.idx.msk [tilespmem:v58+s21+$0x0], $0xffff  }
0xaf: {  	v59 =	vor.u32 $0xD, v4;
	_ =	sdelay $0x3  }
0xb0: {  	[tilespmem:v57+s25+$0x0] =	vst.idx.msk $0xffff, v5  }
0xb1: {  	v5 =	vld.idx.msk [tilespmem:v59+s22+$0x0], $0xffff  }
0xb2: {  	v60 =	vor.u32 $0xE, v1;
	_ =	sdelay $0x3  }
0xb3: {  	[tilespmem:v57+s26+$0x0] =	vst.idx.msk $0xffff, v5  }
0xb4: {  	v61 =	vor.u32 $0xE, v2;
	v5 =	vld.idx.msk [tilespmem:v60+s19+$0x0], $0xffff  }
0xb5: {  	v62 =	vor.u32 $0xE, v3;
	_ =	sdelay $0x3  }
0xb6: {  	[tilespmem:v61+s24+$0x0] =	vst.idx.msk $0xffff, v5  }
0xb7: {  	v5 =	vld.idx.msk [tilespmem:v62+s21+$0x0], $0xffff  }
0xb8: {  	v63 =	vor.u32 $0xE, v4;
	_ =	sdelay $0x3  }
0xb9: {  	[tilespmem:v61+s25+$0x0] =	vst.idx.msk $0xffff, v5  }
0xba: {  	v5 =	vld.idx.msk [tilespmem:v63+s22+$0x0], $0xffff  }
0xbb: {  	v1 =	vor.u32 $0xF, v1;
	_ =	sdelay $0x3  }
0xbc: {  	[tilespmem:v61+s26+$0x0] =	vst.idx.msk $0xffff, v5  }
0xbd: {  	v2 =	vor.u32 $0xF, v2;
	v1 =	vld.idx.msk [tilespmem:v1+s19+$0x0], $0xffff  }
0xbe: {  	v3 =	vor.u32 $0xF, v3;
	_ =	sdelay $0x3  }
0xbf: {  	[tilespmem:v2+s24+$0x0] =	vst.idx.msk $0xffff, v1  }
0xc0: {  	v1 =	vld.idx.msk [tilespmem:v3+s21+$0x0], $0xffff  }
0xc1: {  	v3 =	vor.u32 $0xF, v4;
	_ =	sdelay $0x3  }
0xc2: {  	[tilespmem:v2+s25+$0x0] =	vst.idx.msk $0xffff, v1  }
0xc3: {  	p1 =	sne.s32 s13, $0x600;
	v1 =	vld.idx.msk [tilespmem:v3+s22+$0x0], $0xffff  }
.Ltmp2:
0xc4: {  	_ = 	snop;
	(pc) =	sbr.rel @p1 .LBB2_2-.Ltmp2, $3  }
0xc5: {  	_ =	sdelay $0x1  }
0xc6: {  	s12 =	sadd.s32 $0x10, s12  }
0xc7: {  	s1 =	sadd.s32 $0x10, s1;
	s0 =	sadd.s32 $0x10, s0;
	s13 =	sadd.s32 $0x10, s13;
	[tilespmem:v2+s26+$0x0] =	vst.idx.msk $0xffff, v1  }
0xc8: {  	[hbm4b:s9+s28] =	stream.strided.scatter [tilespmem:s24], [sflag:$0x2], $0x6100, s29, s28, $0x38;
	[tilespmem:$0x13C40] =	vst v63  }
0xc9: {  	_ = 	snop  }
0xca: {  	[hbm4b:s10+s28] =	stream.strided.scatter [tilespmem:s25], [sflag:$0x2], $0x6100, s29, s28, $0x38;
	[tilespmem:$0x13C40] =	vst v63  }
0xcb: {  	_ = 	snop  }
0xcc: {  	[hbm4b:s11+s28] =	stream.strided.scatter [tilespmem:s26], [sflag:$0x2], $0x6100, s29, s28, $0x38;
	[tilespmem:$0x13C40] =	vst v63  }
0xcd: {  	_ =	swait.ge [sflag:s30], $0x6100  }
0xce: {  	[sflag:s30] =	ssyncset.done $0x0  }
0xcf: {  	[sflag:s30] =	ssyncadd.s32 $0xFFFF9F00  }
0xd0: {  	_ =	swait.ge [sflag:s30], $0x6100  }
.Ltmp3:
0xd1: {  	[sflag:s30] =	ssyncset.done $0x0;
	(pc) =	sbr.rel @p0 .LBB2_7-.Ltmp3, $4  }
0xd2: {  	[sflag:s30] =	ssyncadd.s32 $0xFFFF9F00  }
0xd3: {  	_ =	swait.ge [sflag:s30], $0x6100  }
0xd4: {  	[sflag:s30] =	ssyncset.done $0x0  }
0xd5: {  	[sflag:s30] =	ssyncadd.s32 $0xFFFF9F00  }
0xd6: {  	s1 =	simm.s32 $0x0;
	s0 =	rddreg [dreg:$0x2]  }
0xd7: {  	[tilespmem:s1], [sflag:$0x1] =	stream.linear.gather [hbm4b:s0+s1], $0x150, $0x38;
	[tilespmem:$0x13C40] =	vst v63  }
0xd8: {  	s12 =	rddreg [dreg:$0x3];
	s0 =	simm.s32 $0x610  }
0xd9: {  	[tilespmem:s0], [sflag:$0x1] =	stream.linear.gather [hbm4b:s12+s1], $0x150, $0x38;
	[tilespmem:$0x13C40] =	vst v63  }
0xda: {  	s12 =	simm.s32 $0xC20  }
0xdb: {  	[tilespmem:s12], [sflag:$0x1] =	stream.linear.gather [hbm4b:s14+s1], $0x150, $0x38;
	[tilespmem:$0x13C40] =	vst v63  }
0xdc: {  	_ =	swait.ge [sflag:s23], $0x150  }
0xdd: {  	[sflag:s23] =	ssyncset.done $0x0  }
0xde: {  	[sflag:s23] =	ssyncadd.s32 $0xFFFFFEB0  }
0xdf: {  	_ =	swait.ge [sflag:s23], $0x150  }
0xe0: {  	[sflag:s23] =	ssyncset.done $0x0  }
0xe1: {  	[sflag:s23] =	ssyncadd.s32 $0xFFFFFEB0  }
0xe2: {  	_ =	swait.ge [sflag:s23], $0x150  }
0xe3: {  	[sflag:s23] =	ssyncset.done $0x0  }
0xe4: {  	s13 =	simm.s32 $0x0;
	[sflag:s23] =	ssyncadd.s32 $0xFFFFFEB0  }
.LBB2_5:
0xe5: {  	v1 =	vld [tilespmem:s1+$0x0];
	_ =	sdelay $0x4  }
0xe6: {  	v1 =	vshll.u32 v1, $0x4  }
0xe7: {  	v3 =	vld [tilespmem:s0+$0x0];
	_ =	sdelay $0x1  }
0xe8: {  	v2 =	vmov s13  }
0xe9: {  	v2 =	vshll.u32 v2, $0x4  }
0xea: {  	v2 =	vor.u32 v0, v2;
	v4 =	vld.idx.msk [tilespmem:v1+s19+$0x0], $0xffff  }
0xeb: {  	v3 =	vshll.u32 v3, $0x4  }
0xec: {  	v5 =	vld [tilespmem:s12+$0x0];
	_ =	sdelay $0x2  }
0xed: {  	[tilespmem:v2+s24+$0x0] =	vst.idx.msk $0xffff, v4  }
0xee: {  	v6 =	vld.idx.msk [tilespmem:v3+s21+$0x0], $0xffff  }
0xef: {  	v4 =	vshll.u32 v5, $0x4;
	_ =	sdelay $0x3  }
0xf0: {  	[tilespmem:v2+s25+$0x0] =	vst.idx.msk $0xffff, v6  }
0xf1: {  	v5 =	vld.idx.msk [tilespmem:v4+s22+$0x0], $0xffff  }
0xf2: {  	v9 =	vor.u32 $0x1, v1;
	_ =	sdelay $0x3  }
0xf3: {  	[tilespmem:v2+s26+$0x0] =	vst.idx.msk $0xffff, v5  }
0xf4: {  	v10 =	vor.u32 $0x1, v2;
	v5 =	vld.idx.msk [tilespmem:v9+s19+$0x0], $0xffff  }
0xf5: {  	v7 =	vor.u32 $0x1, v3;
	_ =	sdelay $0x3  }
0xf6: {  	[tilespmem:v10+s24+$0x0] =	vst.idx.msk $0xffff, v5  }
0xf7: {  	v5 =	vld.idx.msk [tilespmem:v7+s21+$0x0], $0xffff  }
0xf8: {  	v11 =	vor.u32 $0x1, v4;
	_ =	sdelay $0x3  }
0xf9: {  	[tilespmem:v10+s25+$0x0] =	vst.idx.msk $0xffff, v5  }
0xfa: {  	v5 =	vld.idx.msk [tilespmem:v11+s22+$0x0], $0xffff  }
0xfb: {  	v12 =	vor.u32 $0x2, v1;
	_ =	sdelay $0x3  }
0xfc: {  	[tilespmem:v10+s26+$0x0] =	vst.idx.msk $0xffff, v5  }
0xfd: {  	v13 =	vor.u32 $0x2, v2;
	v5 =	vld.idx.msk [tilespmem:v12+s19+$0x0], $0xffff  }
0xfe: {  	v14 =	vor.u32 $0x2, v3;
	_ =	sdelay $0x3  }
0xff: {  	[tilespmem:v13+s24+$0x0] =	vst.idx.msk $0xffff, v5  }
0x100: {  	v5 =	vld.idx.msk [tilespmem:v14+s21+$0x0], $0xffff  }
0x101: {  	v15 =	vor.u32 $0x2, v4;
	_ =	sdelay $0x3  }
0x102: {  	[tilespmem:v13+s25+$0x0] =	vst.idx.msk $0xffff, v5  }
0x103: {  	v5 =	vld.idx.msk [tilespmem:v15+s22+$0x0], $0xffff  }
0x104: {  	v16 =	vor.u32 $0x3, v1;
	_ =	sdelay $0x3  }
0x105: {  	[tilespmem:v13+s26+$0x0] =	vst.idx.msk $0xffff, v5  }
0x106: {  	v17 =	vor.u32 $0x3, v2;
	v5 =	vld.idx.msk [tilespmem:v16+s19+$0x0], $0xffff  }
0x107: {  	v18 =	vor.u32 $0x3, v3;
	_ =	sdelay $0x3  }
0x108: {  	[tilespmem:v17+s24+$0x0] =	vst.idx.msk $0xffff, v5  }
0x109: {  	v5 =	vld.idx.msk [tilespmem:v18+s21+$0x0], $0xffff  }
0x10a: {  	v19 =	vor.u32 $0x3, v4;
	_ =	sdelay $0x3  }
0x10b: {  	[tilespmem:v17+s25+$0x0] =	vst.idx.msk $0xffff, v5  }
0x10c: {  	v5 =	vld.idx.msk [tilespmem:v19+s22+$0x0], $0xffff  }
0x10d: {  	v20 =	vor.u32 $0x4, v1;
	_ =	sdelay $0x3  }
0x10e: {  	[tilespmem:v17+s26+$0x0] =	vst.idx.msk $0xffff, v5  }
0x10f: {  	v21 =	vor.u32 $0x4, v2;
	v5 =	vld.idx.msk [tilespmem:v20+s19+$0x0], $0xffff  }
0x110: {  	v22 =	vor.u32 $0x4, v3;
	_ =	sdelay $0x3  }
0x111: {  	[tilespmem:v21+s24+$0x0] =	vst.idx.msk $0xffff, v5  }
0x112: {  	v5 =	vld.idx.msk [tilespmem:v22+s21+$0x0], $0xffff  }
0x113: {  	v23 =	vor.u32 $0x4, v4;
	_ =	sdelay $0x3  }
0x114: {  	[tilespmem:v21+s25+$0x0] =	vst.idx.msk $0xffff, v5  }
0x115: {  	v5 =	vld.idx.msk [tilespmem:v23+s22+$0x0], $0xffff  }
0x116: {  	v24 =	vor.u32 $0x5, v1;
	_ =	sdelay $0x3  }
0x117: {  	[tilespmem:v21+s26+$0x0] =	vst.idx.msk $0xffff, v5  }
0x118: {  	v25 =	vor.u32 $0x5, v2;
	v5 =	vld.idx.msk [tilespmem:v24+s19+$0x0], $0xffff  }
0x119: {  	v26 =	vor.u32 $0x5, v3;
	_ =	sdelay $0x3  }
0x11a: {  	[tilespmem:v25+s24+$0x0] =	vst.idx.msk $0xffff, v5  }
0x11b: {  	v5 =	vld.idx.msk [tilespmem:v26+s21+$0x0], $0xffff  }
0x11c: {  	v27 =	vor.u32 $0x5, v4;
	_ =	sdelay $0x3  }
0x11d: {  	[tilespmem:v25+s25+$0x0] =	vst.idx.msk $0xffff, v5  }
0x11e: {  	v5 =	vld.idx.msk [tilespmem:v27+s22+$0x0], $0xffff  }
0x11f: {  	v28 =	vor.u32 $0x6, v1;
	_ =	sdelay $0x3  }
0x120: {  	[tilespmem:v25+s26+$0x0] =	vst.idx.msk $0xffff, v5  }
0x121: {  	v29 =	vor.u32 $0x6, v2;
	v5 =	vld.idx.msk [tilespmem:v28+s19+$0x0], $0xffff  }
0x122: {  	v30 =	vor.u32 $0x6, v3;
	_ =	sdelay $0x3  }
0x123: {  	[tilespmem:v29+s24+$0x0] =	vst.idx.msk $0xffff, v5  }
0x124: {  	v5 =	vld.idx.msk [tilespmem:v30+s21+$0x0], $0xffff  }
0x125: {  	v31 =	vor.u32 $0x6, v4;
	_ =	sdelay $0x3  }
0x126: {  	[tilespmem:v29+s25+$0x0] =	vst.idx.msk $0xffff, v5  }
0x127: {  	v5 =	vld.idx.msk [tilespmem:v31+s22+$0x0], $0xffff  }
0x128: {  	v32 =	vor.u32 $0x7, v1;
	_ =	sdelay $0x3  }
0x129: {  	[tilespmem:v29+s26+$0x0] =	vst.idx.msk $0xffff, v5  }
0x12a: {  	v33 =	vor.u32 $0x7, v2;
	v5 =	vld.idx.msk [tilespmem:v32+s19+$0x0], $0xffff  }
0x12b: {  	v34 =	vor.u32 $0x7, v3;
	_ =	sdelay $0x3  }
0x12c: {  	[tilespmem:v33+s24+$0x0] =	vst.idx.msk $0xffff, v5  }
0x12d: {  	v5 =	vld.idx.msk [tilespmem:v34+s21+$0x0], $0xffff  }
0x12e: {  	v35 =	vor.u32 $0x7, v4;
	_ =	sdelay $0x3  }
0x12f: {  	[tilespmem:v33+s25+$0x0] =	vst.idx.msk $0xffff, v5  }
0x130: {  	v5 =	vld.idx.msk [tilespmem:v35+s22+$0x0], $0xffff  }
0x131: {  	v36 =	vor.u32 $0x8, v1;
	_ =	sdelay $0x3  }
0x132: {  	[tilespmem:v33+s26+$0x0] =	vst.idx.msk $0xffff, v5  }
0x133: {  	v37 =	vor.u32 $0x8, v2;
	v5 =	vld.idx.msk [tilespmem:v36+s19+$0x0], $0xffff  }
0x134: {  	v38 =	vor.u32 $0x8, v3;
	_ =	sdelay $0x3  }
0x135: {  	[tilespmem:v37+s24+$0x0] =	vst.idx.msk $0xffff, v5  }
0x136: {  	v5 =	vld.idx.msk [tilespmem:v38+s21+$0x0], $0xffff  }
0x137: {  	v39 =	vor.u32 $0x8, v4;
	_ =	sdelay $0x3  }
0x138: {  	[tilespmem:v37+s25+$0x0] =	vst.idx.msk $0xffff, v5  }
0x139: {  	v5 =	vld.idx.msk [tilespmem:v39+s22+$0x0], $0xffff  }
0x13a: {  	v40 =	vor.u32 $0x9, v1;
	_ =	sdelay $0x3  }
0x13b: {  	[tilespmem:v37+s26+$0x0] =	vst.idx.msk $0xffff, v5  }
0x13c: {  	v41 =	vor.u32 $0x9, v2;
	v5 =	vld.idx.msk [tilespmem:v40+s19+$0x0], $0xffff  }
0x13d: {  	v42 =	vor.u32 $0x9, v3;
	_ =	sdelay $0x3  }
0x13e: {  	[tilespmem:v41+s24+$0x0] =	vst.idx.msk $0xffff, v5  }
0x13f: {  	v5 =	vld.idx.msk [tilespmem:v42+s21+$0x0], $0xffff  }
0x140: {  	v43 =	vor.u32 $0x9, v4;
	_ =	sdelay $0x3  }
0x141: {  	[tilespmem:v41+s25+$0x0] =	vst.idx.msk $0xffff, v5  }
0x142: {  	v5 =	vld.idx.msk [tilespmem:v43+s22+$0x0], $0xffff  }
0x143: {  	v44 =	vor.u32 $0xA, v1;
	_ =	sdelay $0x3  }
0x144: {  	[tilespmem:v41+s26+$0x0] =	vst.idx.msk $0xffff, v5  }
0x145: {  	v45 =	vor.u32 $0xA, v2;
	v5 =	vld.idx.msk [tilespmem:v44+s19+$0x0], $0xffff  }
0x146: {  	v46 =	vor.u32 $0xA, v3;
	_ =	sdelay $0x3  }
0x147: {  	[tilespmem:v45+s24+$0x0] =	vst.idx.msk $0xffff, v5  }
0x148: {  	v5 =	vld.idx.msk [tilespmem:v46+s21+$0x0], $0xffff  }
0x149: {  	v47 =	vor.u32 $0xA, v4;
	_ =	sdelay $0x3  }
0x14a: {  	[tilespmem:v45+s25+$0x0] =	vst.idx.msk $0xffff, v5  }
0x14b: {  	v5 =	vld.idx.msk [tilespmem:v47+s22+$0x0], $0xffff  }
0x14c: {  	v48 =	vor.u32 $0xB, v1;
	_ =	sdelay $0x3  }
0x14d: {  	[tilespmem:v45+s26+$0x0] =	vst.idx.msk $0xffff, v5  }
0x14e: {  	v49 =	vor.u32 $0xB, v2;
	v5 =	vld.idx.msk [tilespmem:v48+s19+$0x0], $0xffff  }
0x14f: {  	v50 =	vor.u32 $0xB, v3;
	_ =	sdelay $0x3  }
0x150: {  	[tilespmem:v49+s24+$0x0] =	vst.idx.msk $0xffff, v5  }
0x151: {  	v5 =	vld.idx.msk [tilespmem:v50+s21+$0x0], $0xffff  }
0x152: {  	v51 =	vor.u32 $0xB, v4;
	_ =	sdelay $0x3  }
0x153: {  	[tilespmem:v49+s25+$0x0] =	vst.idx.msk $0xffff, v5  }
0x154: {  	v5 =	vld.idx.msk [tilespmem:v51+s22+$0x0], $0xffff  }
0x155: {  	v52 =	vor.u32 $0xC, v1;
	_ =	sdelay $0x3  }
0x156: {  	[tilespmem:v49+s26+$0x0] =	vst.idx.msk $0xffff, v5  }
0x157: {  	v53 =	vor.u32 $0xC, v2;
	v5 =	vld.idx.msk [tilespmem:v52+s19+$0x0], $0xffff  }
0x158: {  	v54 =	vor.u32 $0xC, v3;
	_ =	sdelay $0x3  }
0x159: {  	[tilespmem:v53+s24+$0x0] =	vst.idx.msk $0xffff, v5  }
0x15a: {  	v5 =	vld.idx.msk [tilespmem:v54+s21+$0x0], $0xffff  }
0x15b: {  	v55 =	vor.u32 $0xC, v4;
	_ =	sdelay $0x3  }
0x15c: {  	[tilespmem:v53+s25+$0x0] =	vst.idx.msk $0xffff, v5  }
0x15d: {  	v5 =	vld.idx.msk [tilespmem:v55+s22+$0x0], $0xffff  }
0x15e: {  	v56 =	vor.u32 $0xD, v1;
	_ =	sdelay $0x3  }
0x15f: {  	[tilespmem:v53+s26+$0x0] =	vst.idx.msk $0xffff, v5  }
0x160: {  	v57 =	vor.u32 $0xD, v2;
	v5 =	vld.idx.msk [tilespmem:v56+s19+$0x0], $0xffff  }
0x161: {  	v58 =	vor.u32 $0xD, v3;
	_ =	sdelay $0x3  }
0x162: {  	[tilespmem:v57+s24+$0x0] =	vst.idx.msk $0xffff, v5  }
0x163: {  	v5 =	vld.idx.msk [tilespmem:v58+s21+$0x0], $0xffff  }
0x164: {  	v59 =	vor.u32 $0xD, v4;
	_ =	sdelay $0x3  }
0x165: {  	[tilespmem:v57+s25+$0x0] =	vst.idx.msk $0xffff, v5  }
0x166: {  	v5 =	vld.idx.msk [tilespmem:v59+s22+$0x0], $0xffff  }
0x167: {  	v60 =	vor.u32 $0xE, v1;
	_ =	sdelay $0x3  }
0x168: {  	[tilespmem:v57+s26+$0x0] =	vst.idx.msk $0xffff, v5  }
0x169: {  	v61 =	vor.u32 $0xE, v2;
	v5 =	vld.idx.msk [tilespmem:v60+s19+$0x0], $0xffff  }
0x16a: {  	v62 =	vor.u32 $0xE, v3;
	_ =	sdelay $0x3  }
0x16b: {  	[tilespmem:v61+s24+$0x0] =	vst.idx.msk $0xffff, v5  }
0x16c: {  	v5 =	vld.idx.msk [tilespmem:v62+s21+$0x0], $0xffff  }
0x16d: {  	v63 =	vor.u32 $0xE, v4;
	_ =	sdelay $0x3  }
0x16e: {  	[tilespmem:v61+s25+$0x0] =	vst.idx.msk $0xffff, v5  }
0x16f: {  	v5 =	vld.idx.msk [tilespmem:v63+s22+$0x0], $0xffff  }
0x170: {  	v1 =	vor.u32 $0xF, v1;
	_ =	sdelay $0x3  }
0x171: {  	[tilespmem:v61+s26+$0x0] =	vst.idx.msk $0xffff, v5  }
0x172: {  	v2 =	vor.u32 $0xF, v2;
	v1 =	vld.idx.msk [tilespmem:v1+s19+$0x0], $0xffff  }
0x173: {  	v3 =	vor.u32 $0xF, v3;
	_ =	sdelay $0x3  }
0x174: {  	[tilespmem:v2+s24+$0x0] =	vst.idx.msk $0xffff, v1  }
0x175: {  	v1 =	vld.idx.msk [tilespmem:v3+s21+$0x0], $0xffff  }
0x176: {  	v3 =	vor.u32 $0xF, v4;
	_ =	sdelay $0x3  }
0x177: {  	[tilespmem:v2+s25+$0x0] =	vst.idx.msk $0xffff, v1  }
0x178: {  	p1 =	sne.s32 s13, $0x140;
	v1 =	vld.idx.msk [tilespmem:v3+s22+$0x0], $0xffff  }
.Ltmp4:
0x179: {  	_ = 	snop;
	(pc) =	sbr.rel @p1 .LBB2_5-.Ltmp4, $3  }
0x17a: {  	_ =	sdelay $0x1  }
0x17b: {  	s1 =	sadd.s32 $0x10, s1  }
0x17c: {  	s0 =	sadd.s32 $0x10, s0;
	s12 =	sadd.s32 $0x10, s12;
	s13 =	sadd.s32 $0x10, s13;
	[tilespmem:v2+s26+$0x0] =	vst.idx.msk $0xffff, v1  }
0x17d: {  	[hbm4b:s15+s28] =	stream.strided.scatter [tilespmem:s24], [sflag:$0x2], $0x1500, s29, s28, $0x38;
	[tilespmem:$0x13C40] =	vst v63  }
0x17e: {  	_ = 	snop  }
0x17f: {  	[hbm4b:s16+s28] =	stream.strided.scatter [tilespmem:s25], [sflag:$0x2], $0x1500, s29, s28, $0x38;
	[tilespmem:$0x13C40] =	vst v63  }
0x180: {  	_ = 	snop  }
0x181: {  	[hbm4b:s17+s28] =	stream.strided.scatter [tilespmem:s26], [sflag:$0x2], $0x1500, s29, s28, $0x38;
	[tilespmem:$0x13C40] =	vst v63  }
0x182: {  	_ =	swait.ge [sflag:s30], $0x1500  }
0x183: {  	[sflag:s30] =	ssyncset.done $0x0  }
0x184: {  	[sflag:s30] =	ssyncadd.s32 $0xFFFFEB00  }
0x185: {  	_ =	swait.ge [sflag:s30], $0x1500  }
.Ltmp5:
0x186: {  	[sflag:s30] =	ssyncset.done $0x0;
	(pc) =	sbr.rel .LBB2_7-.Ltmp5, $4  }
0x187: {  	[sflag:s30] =	ssyncadd.s32 $0xFFFFEB00  }
0x188: {  	_ =	swait.ge [sflag:s30], $0x1500  }
0x189: {  	[sflag:s30] =	ssyncset.done $0x0  }
0x18a: {  	[sflag:s30] =	ssyncadd.s32 $0xFFFFEB00  }
.LBB2_8:
0x18b: {  	_ =	sfence.sel $0x180000  }
0x18c: {  	[bflag:$0x0] =	sbarrier.arrive $0xFFFF  }
0x18d: {  	_ =	strace $0x90000047  }
0x18e: {  	s0 =	stileid.u32;
	[bflag:$0x2] =	sbarrier.arrive $0xFFFF  }
0x18f: {  	p0 =	sne.s32 s0, $0x0;
	s0 =	rddreg [dreg:$0x1]  }
0x190: {  	s0 =	sadd.s32 @!p0 $0x100000, s0  }
0x191: {  	[sflag:s0] =	ssyncadd.tile.s32 @!p0 $0x1;
	_ =	shalt  }
.Lfunc_end2:
_tile_overlayer_lowered:
.L_overlay_start_2:
0x192: {  	(tag) =	ssettag $0x2  }
0x193: {  	s0 =	rddreg [dreg:$0x0];
	s2 =	stileid.u32  }
0x194: {  	s1 =	rddreg [dreg:$0x1];
	p0 =	sne.s32 s2, $0x0  }
0x195: {  	s3 =	rddreg [dreg:$0x2];
	[bflag:$0x3] =	sbarrier.arrive $0xFFFF;
	s2 =	simm.s32 @!p0 $0x1C03  }
0x196: {  	[timem:s3], [sflag:s2] =	dma.local @!p0 [hbm:s0], s1  }
0x197: {  	s0 =	simm.s32 @!p0 $0x3  }
0x198: {  	_ =	swait.ge @!p0 [sflag:s0], s1  }
0x199: {  	s1 =	ssub.s32 @!p0 $0x0, s1;
	[sflag:s0] =	ssyncset.done @!p0 $0x0  }
0x19a: {  	[sflag:s0] =	ssyncadd.s32 @!p0 s1  }
0x19b: {  	[bflag:$0x3] =	sbarrier.arrive $0xFFFF  }
0x19c: {  	_ =	shalt  }

// kernel: _run.9.cloned.1.call-start
scs
__scs_entry_jumppad:
0x0: {  	(pc) =	sbr.rel $0x88, $3  }
0x1: {  	(tag) =	ssettag $0x0;
	lr =	simm.s32 $0x1  }
0x2: {  	[smem:$0x3F9A] =	sst lr;
	_ =	strace $0xD0000000  }
0x3: {  	_ = 	snop  }
0x4: {  	_ = 	snop  }
0x5: {  	_ = 	snop  }
0x6: {  	_ = 	snop  }
0x7: {  	_ = 	snop  }
__scs_overlays_trampoline_lowered:
0x8: {  	[smem:$0x3FA9] =	sst s0  }
0x9: {  	[smem:$0x3FAA] =	sst s1  }
0xa: {  	[smem:$0x3FAB] =	sst s2  }
0xb: {  	[smem:$0x3FAC] =	sst s3  }
0xc: {  	[smem:$0x3FAD] =	sst s4  }
0xd: {  	[smem:$0x3FAE] =	sst s5  }
0xe: {  	[smem:$0x3FAF] =	sst s6  }
0xf: {  	[smem:$0x3FB0] =	sst s7  }
0x10: {  	[smem:$0x3FB1] =	sst s8  }
0x11: {  	[smem:$0x3FB2] =	sst s9;
	s0 =	simm.s32 @!p0 $0x0  }
0x12: {  	s1 =	sld [smem:$0x3F98];
	s0 =	simm.s32 @p0 $0x1  }
0x13: {  	[smem:$0x3FB3] =	sst s0;
	s0 =	simm.s32 @!p1 $0x0  }
0x14: {  	s2 =	sld [smem:$0x3F97];
	s0 =	simm.s32 @p1 $0x1  }
0x15: {  	[smem:$0x3FB4] =	sst s0;
	s0 =	simm.s32 @!p2 $0x0  }
0x16: {  	s3 =	sld [smem:$0x3FDB];
	s0 =	simm.s32 @p2 $0x1  }
0x17: {  	s4 =	simm.s32 $0x1BF5;
	[smem:$0x3FB6] =	sst s0  }
0x18: {  	s0 =	sld [smem:$0x3F99];
	_ =	swait.ge [sflag:s4], $0x0  }
0x19: {  	s7 =	sld [smem:$0x3F9A]  }
0x1a: {  	s8 =	sadd.s32 $0xFFFFE003, lr  }
0x1b: {  	s9 =	sadd.s32 $0xFFFFFEF7, lr;
	s5 =	simm.s32 $0xFFFFFFFF;
	p2 =	slt.u32 s8, $0xFFFFF086  }
0x1c: {  	p1 =	slt.u32 s9, $0xF7A;
	s5 =	simm.s32 @!p2 $0x0  }
0x1d: {  	s5 =	simm.s32 @p1 $0x1;
	p0 =	seq.s32 s7, s2  }
0x1e: {  	s7 =	smul.u32 @!p0 $0xF7A, s2;
	p2 =	seq.s32 @!p0 s5, $0x0  }
0x1f: {  	s9 =	smul.u32 $0xF7A, s1;
	s8 =	simm.s32 @!p0 $0x1BF5;
	p2 =	por !p2, p0  }
0x20: {  	[sflag:s8] =	ssyncset.s32 @!p0 $0xFFFFF086;
	s6 =	sadd.s32 @!p0 s3, s7;
	s7 =	simm.s32 @!p0 $0x108  }
0x21: {  	s3 =	sadd.s32 s3, s9;
	s6 =	sadd.s32 @!p0 $0x88, s6;
	s7 =	simm.s32 @p2 $0x1082  }
0x22: {  	[simem:s7], [sflag:s8] =	dma.local @!p0 [hbm:s6], $0xF7A  }
0x23: {  	s9 =	sor.u32 $0xD0000000, s2;
	s6 =	simm.s32 $0x108;
	_ =	swait.ge @!p0 [sflag:s8], $0x0  }
0x24: {  	s3 =	sadd.s32 $0x88, s3;
	s6 =	simm.s32 @!p1 $0x1082;
	[sflag:s4] =	ssyncset.s32 $0xFFFFF086  }
0x25: {  	[simem:s6], [sflag:s4] =	dma.local [hbm:s3], $0xF7A  }
0x26: {  	[smem:$0x3F9A] =	sst s1;
	(tag) =	ssettag s2;
	_ =	strace s9  }
0x27: {  	s1 =	sld [smem:$0x3FAA]  }
0x28: {  	s2 =	sld [smem:$0x3FAB]  }
0x29: {  	s4 =	sld [smem:$0x3FAD]  }
0x2a: {  	p0 =	seq.s32 s5, $0x0;
	s5 =	sld [smem:$0x3FAE]  }
0x2b: {  	s6 =	sld [smem:$0x3FAF]  }
0x2c: {  	s7 =	sld [smem:$0x3FB0]  }
0x2d: {  	s3 =	simm.s32 $0x108;
	s8 =	sld [smem:$0x3FB1]  }
0x2e: {  	s3 =	simm.s32 @!p0 $0x1082;
	s9 =	sld [smem:$0x3FB2]  }
0x2f: {  	lr =	sadd.s32 s0, s3;
	s0 =	sld [smem:$0x3FA9]  }
0x30: {  	s3 =	sld [smem:$0x3FAC]  }
0x31: {  	[smem:$0x3FB5] =	sst s10  }
0x32: {  	s10 =	sld [smem:$0x3FB3];
	_ =	sdelay $0x3  }
0x33: {  	p0 =	seq.s32 s10, $0x1;
	s10 =	sld [smem:$0x3FB5];
	_ =	sdelay $0x3  }
0x34: {  	[smem:$0x3FB5] =	sst s10  }
0x35: {  	s10 =	sld [smem:$0x3FB4];
	_ =	sdelay $0x3  }
0x36: {  	p1 =	seq.s32 s10, $0x1;
	s10 =	sld [smem:$0x3FB5];
	_ =	sdelay $0x3  }
0x37: {  	[smem:$0x3FB5] =	sst s10  }
0x38: {  	s10 =	sld [smem:$0x3FB6]  }
0x39: {  	_ = 	snop;
	(pc) =	sbr.ind lr, $3  }
0x3a: {  	_ = 	snop  }
0x3b: {  	_ = 	snop  }
0x3c: {  	p2 =	seq.s32 s10, $0x1;
	s10 =	sld [smem:$0x3FB5]  }
0x3d: {  	_ =	shalt  }
0x3e: {  	_ =	shalt  }
0x3f: {  	_ =	shalt  }
0x40: {  	_ =	shalt  }
0x41: {  	_ =	shalt  }
0x42: {  	_ =	shalt  }
0x43: {  	_ =	shalt  }
0x44: {  	_ =	shalt  }
0x45: {  	_ =	shalt  }
0x46: {  	_ =	shalt  }
0x47: {  	_ =	shalt  }
0x48: {  	_ =	shalt  }
0x49: {  	_ =	shalt  }
0x4a: {  	_ =	shalt  }
0x4b: {  	_ =	shalt  }
0x4c: {  	_ =	shalt  }
0x4d: {  	_ =	shalt  }
0x4e: {  	_ =	shalt  }
0x4f: {  	_ =	shalt  }
0x50: {  	_ =	shalt  }
0x51: {  	_ =	shalt  }
0x52: {  	_ =	shalt  }
0x53: {  	_ =	shalt  }
0x54: {  	_ =	shalt  }
0x55: {  	_ =	shalt  }
0x56: {  	_ =	shalt  }
0x57: {  	_ =	shalt  }
0x58: {  	_ =	shalt  }
0x59: {  	_ =	shalt  }
0x5a: {  	_ =	shalt  }
0x5b: {  	_ =	shalt  }
0x5c: {  	_ =	shalt  }
0x5d: {  	_ =	shalt  }
0x5e: {  	_ =	shalt  }
0x5f: {  	_ =	shalt  }
0x60: {  	_ =	shalt  }
0x61: {  	_ =	shalt  }
0x62: {  	_ =	shalt  }
0x63: {  	_ =	shalt  }
0x64: {  	_ =	shalt  }
0x65: {  	_ =	shalt  }
0x66: {  	_ =	shalt  }
0x67: {  	_ =	shalt  }
0x68: {  	_ =	shalt  }
0x69: {  	_ =	shalt  }
0x6a: {  	_ =	shalt  }
0x6b: {  	_ =	shalt  }
0x6c: {  	_ =	shalt  }
0x6d: {  	_ =	shalt  }
0x6e: {  	_ =	shalt  }
0x6f: {  	_ =	shalt  }
0x70: {  	_ =	shalt  }
0x71: {  	_ =	shalt  }
0x72: {  	_ =	shalt  }
0x73: {  	_ =	shalt  }
0x74: {  	_ =	shalt  }
0x75: {  	_ =	shalt  }
0x76: {  	_ =	shalt  }
0x77: {  	_ =	shalt  }
0x78: {  	_ =	shalt  }
0x79: {  	_ =	shalt  }
0x7a: {  	_ =	shalt  }
0x7b: {  	_ =	shalt  }
0x7c: {  	_ =	shalt  }
0x7d: {  	_ =	shalt  }
0x7e: {  	_ =	shalt  }
0x7f: {  	_ =	shalt  }
0x80: {  	_ =	shalt  }
0x81: {  	_ =	shalt  }
0x82: {  	_ =	shalt  }
0x83: {  	_ =	shalt  }
0x84: {  	_ =	shalt  }
0x85: {  	_ =	shalt  }
0x86: {  	_ =	shalt  }
0x87: {  	_ =	shalt  }
.Lfunc_end0:
.L_simem_size_0:
called_computation.1_lowered:
.L_overlay_start_0:
0x88: {  	s2 =	sld [smem:$0x3FD9]  }
0x89: {  	s3 =	sld [smem:$0x3FFE];
	_ =	sdelay $0x1  }
0x8a: {  	s1 =	srdreg.scid  }
0x8b: {  	s0 =	sand.u32 $0x1, s1  }
0x8c: {  	s17 =	sshll.u32 s0, $0xA;
	s2 =	sadd.s32 s3, s2  }
0x8d: {  	s2 =	sadd.s32 s2, s17  }
0x8e: {  	[smem:$0x3FC1] =	sst s2  }
0x8f: {  	_ = 	snop  }
0x90: {  	s18 =	sld [smem:$0x3FD0];
	(tm) =	ssettm $0x1  }
0x91: {  	s19 =	sld [smem:$0x3FFB];
	_ =	sdelay $0x3  }
0x92: {  	_ =	strace s19  }
0x93: {  	s2 =	sld [smem:$0x3FFC];
	_ =	sdelay $0x3  }
0x94: {  	_ =	strace s2  }
0x95: {  	s2 =	sld [smem:$0x3FFD];
	_ =	sdelay $0x3  }
0x96: {  	_ =	strace s2  }
0x97: {  	_ =	strace $0x8FFFFFFF  }
0x98: {  	s20 =	sld [smem:$0x3FDB];
	_ =	sdelay $0x1  }
0x99: {  	s4 =	simm.s32 $_scs_section_size  }
0x9a: {  	s5 =	simm.s32 $_size__tile_overlayer_lowered;
	s6 =	simm.s32 $_tile_overlayer_lowered  }
0x9b: {  	s7 =	simm.s32 $0x1BFF;
	s21 =	sshll.u32 s6, $0x1;
	s4 =	sadd.s32 s4, s20  }
0x9c: {  	s22 =	simm.s32 $0x0;
	s5 =	sshll.u32 s5, $0x1;
	s6 =	sadd.s32 s21, s4  }
0x9d: {  	[timem:s22], [sflag:s7] =	dma.local [hbm:s6], s5  }
0x9e: {  	_ =	swait.ge [sflag:s7], s5  }
0x9f: {  	s5 =	ssub.s32 $0x0, s5;
	[sflag:s7] =	ssyncset.done $0x0  }
0xa0: {  	[sflag:s7] =	ssyncadd.s32 s5;
	_ =	sdelay $0x1  }
0xa1: {  	s23 =	simm.s32 $0x1B8B  }
0xa2: {  	_ =	swait.ge [sflag:s23], $0x1  }
0xa3: {  	[sflag:s23] =	ssyncset.done $0x0  }
0xa4: {  	[sflag:s23] =	ssyncadd.s32 $0xFFFFFFFF  }
0xa5: {  	s5 =	sld [smem:$0x0]  }
0xa6: {  	s6 =	sand.u32 $0xFFFFFFFE, s1  }
0xa7: {  	p0 =	sne.s32 s1, s6  }
0xa8: {  	s6 =	sshll.u32 @p0 s6, $0xE  }
0xa9: {  	s6 =	sadd.s32 @p0 $0x11B8D, s6;
	s7 =	sshll.u32 @p0 s5, $0x11  }
0xaa: {  	s6 =	sor.u32 @p0 s7, s6  }
0xab: {  	[sflag:s6] =	ssyncadd.remote.s32 @p0 $0x1;
	_ =	sdelay $0x1  }
0xac: {  	s6 =	simm.s32 @p0 $0x1B8D  }
0xad: {  	_ =	swait.eq @p0 [sflag:s6], $0x1  }
0xae: {  	[sflag:s6] =	ssyncadd.s32 @p0 $0xFFFFFFFF  }
0xaf: {  	s7 =	sshll.u32 @!p0 s1, $0xE  }
0xb0: {  	s7 =	sor.u32 @!p0 $0x4000, s7;
	s6 =	simm.s32 @!p0 $0x1B8D  }
0xb1: {  	s5 =	sshll.u32 @!p0 s5, $0x11;
	s7 =	sadd.s32 @!p0 $0x11B8D, s7;
	_ =	swait.eq @!p0 [sflag:s6], $0x1  }
0xb2: {  	s5 =	sor.u32 @!p0 s5, s7;
	[sflag:s6] =	ssyncadd.s32 @!p0 $0xFFFFFFFF  }
0xb3: {  	s25 =	simm.s32 $0x1B8E;
	s24 =	sld [smem:$0x3FFE];
	[sflag:s5] =	ssyncadd.remote.s32 @!p0 $0x1  }
0xb4: {  	s26 =	simm.s32 $execute0_lowered;
	[smem:$0x3FD2] =	sst s25  }
0xb5: {  	s6 =	sshll.u32 s26, $0x1;
	_ =	strace $0x80000049;
	[dreg:$0x1] =	wrdreg $0xFFFFFFFF  }
0xb6: {  	s28 =	simm.s32 $_size_execute0_lowered;
	s4 =	sadd.s32 s4, s6;
	[dreg:$0x0] =	wrdreg $0x0  }
0xb7: {  	s6 =	sshll.u32 s28, $0x1;
	[dreg:$0x2] =	wrdreg s4  }
0xb8: {  	[dreg:$0x3] =	wrdreg s6  }
0xb9: {  	[dreg:$0x4] =	wrdreg $0xC0  }
0xba: {  	_ =	task [dreg:s22], $0x5FFFF  }
0xbb: {  	[dreg:$0x1] =	wrdreg $0xFFFFFFFF  }
0xbc: {  	[dreg:$0x0] =	wrdreg $0x60  }
0xbd: {  	[dreg:$0x2] =	wrdreg s24  }
0xbe: {  	[dreg:$0x3] =	wrdreg s18  }
0xbf: {  	[dreg:$0x4] =	wrdreg $0xA  }
0xc0: {  	_ =	task.clear_ibuf [dreg:s22], $0x5FFFF;
	_ =	strace $0x90000049  }
0xc1: {  	s29 =	simm.s32 $0xA;
	_ =	strace $0x8000004B  }
0xc2: {  	_ =	swait.ge [sflag:s29], $0x1  }
0xc3: {  	[sflag:s29] =	ssyncadd.s32 $0xFFFFFFFF  }
0xc4: {  	_ =	strace $0x9000004B  }
0xc5: {  	_ =	sfence  }
0xc6: {  	s30 =	sld [smem:$0x0];
	_ =	sdelay $0x2  }
0xc7: {  	s31 =	sshll.u32 s1, $0xD;
	s1 =	sshrl.u32 s1, $0x2  }
0xc8: {  	s4 =	sand.u32 $0x4000, s31;
	s1 =	sadd.s32 s1, s30  }
0xc9: {  	s0 =	sor.u32 s4, s0;
	s1 =	sshll.u32 s1, $0x11  }
0xca: {  	s0 =	sor.u32 s1, s0  }
0xcb: {  	s0 =	sadd.s32 $0x8F2B, s0  }
0xcc: {  	[sflag:s0] =	ssyncadd.remote.s32 $0x1  }
0xcd: {  	_ =	sfence.sel $0xFFFF  }
0xce: {  	[dreg:$0x0] =	wrdreg $0xFFFFFFFF;
	(pc) =	sbr.abs _section_cstart, $3  }
0xcf: {  	[dreg:$0x1] =	wrdreg $0xFFFFFFFF  }
0xd0: {  	_ =	task.clear_ibuf [dreg:s22], $0x2FFFF;
	_ =	strace $0x9FFFFFFF  }
0xd1: {  	(tm) =	ssettm $0x7FFFFFFF  }
tec
execute0_lowered:
.L_overlay_start_1:
0x0: {  	(tag) =	ssettag $0x1  }
0x1: {  	s0 =	srdreg.scid  }
0x2: {  	s2 =	stileid.u32;
	s1 =	rddreg [dreg:$0x0]  }
0x3: {  	s12 =	rddreg [dreg:$0x1];
	s19 =	simm.s32 $0x13530;
	s20 =	simm.s32 $0x3  }
0x4: {  	s21 =	simm.s32 $0x135D0;
	s22 =	simm.s32 $0x13600;
	s23 =	simm.s32 $0x1  }
0x5: {  	s24 =	simm.s32 $0x1230;
	s25 =	simm.s32 $0x7330;
	s28 =	simm.s32 $0x10  }
0x6: {  	s29 =	simm.s32 $0x80;
	s30 =	simm.s32 $0x2;
	s31 =	simm.s32 $0x0  }
0x7: {  	s0 =	sand.u32 $0x1, s0;
	s2 =	sshll.u32 s2, $0x1;
	s4 =	sadd.s32 $0xE00, s1  }
0x8: {  	s5 =	sadd.s32 $0x1200, s1;
	s14 =	sadd.s32 $0x4640, s1;
	s26 =	sadd.s32 $0x7A40, s1  }
0x9: {  	s15 =	sadd.s32 $0xC2000, s12;
	s16 =	sadd.s32 $0xC2002, s12;
	s13 =	sor.u32 s0, s2  }
0xa: {  	s17 =	sadd.s32 $0xC2004, s12;
	s2 =	simm.s32 $0x0;
	s3 =	smul.u32 $0xC2, s13  }
0xb: {  	s0 =	ssub.s32 $0x2, s0;
	[smem:$0x7FF] =	sst s2;
	s7 =	smul.u32 $0x6100, s13  }
0xc: {  	s6 =	sshrl.u32 s0, $0x1;
	p0 =	sne.s32 s13, $0x1F;
	_ =	strace $0x8000004A  }
.Ltmp0:
0xd: {  	s0 =	ssub.s32 s0, s6;
	[dreg:$0x3] =	wrdreg s14;
	(pc) =	sbr.rel .LBB2_1-.Ltmp0, $4  }
0xe: {  	[dreg:$0x4] =	wrdreg s26;
	s14 =	sadd.s32 $0xAE40, s1;
	s26 =	simm.s32 $0xD430  }
0xf: {  	s9 =	sadd.s32 s3, s1;
	s3 =	sadd.s32 $0x1000, s1;
	s7 =	sadd.s32 s12, s7  }
0x10: {  	v0 =	vlaneseq.u32;
	s18 =	smax.u32 s0, $0x1;
	s6 =	sadd.s32 $0x2E00, s9;
	s8 =	sadd.s32 $0x6200, s9  }
0x11: {  	v0 =	vmul.u32 $0x10, v0;
	s9 =	sadd.s32 $0x9600, s9;
	s10 =	sadd.s32 $0x2, s7;
	s11 =	sadd.s32 $0x4, s7  }
.LBB2_7:
0x12: {  	s31 =	sadd.s32 $0x1, s31  }
0x13: {  	p1 =	sne.s32 s31, s18  }
.Ltmp1:
0x14: {  	_ = 	snop;
	(pc) =	sbr.rel @!p1 .LBB2_8-.Ltmp1, $1  }
0x15: {  	_ =	sdelay $0x3  }
.LBB2_1:
0x16: {  	[tilespmem:s19], [sflag:$0x3] =	stream.linear.gather [hbm4b:s3+s2], $0xA0, $0x38;
	[tilespmem:$0x13C40] =	vst v63  }
0x17: {  	_ =	swait.ge [sflag:s20], $0xA0  }
0x18: {  	[sflag:s20] =	ssyncset.done $0x0  }
0x19: {  	[sflag:s20] =	ssyncadd.s32 $0xFFFFFF60  }
0x1a: {  	[tilespmem:s21], [sflag:$0x3] =	stream.linear.gather [hbm4b:s4+s2], $0x30, $0x38;
	[tilespmem:$0x13C40] =	vst v63  }
0x1b: {  	_ =	swait.ge [sflag:s20], $0x30  }
0x1c: {  	[sflag:s20] =	ssyncset.done $0x0  }
0x1d: {  	[sflag:s20] =	ssyncadd.s32 $0xFFFFFFD0  }
0x1e: {  	[tilespmem:s22], [sflag:$0x3] =	stream.linear.gather [hbm4b:s5+s2], $0x640, $0x38;
	[tilespmem:$0x13C40] =	vst v63  }
0x1f: {  	_ =	swait.ge [sflag:s20], $0x640  }
0x20: {  	[sflag:s20] =	ssyncset.done $0x0  }
0x21: {  	[sflag:s20] =	ssyncadd.s32 $0xFFFFF9C0  }
0x22: {  	[tilespmem:s2], [sflag:$0x1] =	stream.linear.gather [hbm4b:s6+s2], $0x610, $0x38;
	[tilespmem:$0x13C40] =	vst v63  }
0x23: {  	s1 =	simm.s32 $0x610  }
0x24: {  	[tilespmem:s1], [sflag:$0x1] =	stream.linear.gather [hbm4b:s8+s2], $0x610, $0x38;
	[tilespmem:$0x13C40] =	vst v63  }
0x25: {  	s0 =	simm.s32 $0xC20  }
0x26: {  	[tilespmem:s0], [sflag:$0x1] =	stream.linear.gather [hbm4b:s9+s2], $0x610, $0x38;
	[tilespmem:$0x13C40] =	vst v63  }
0x27: {  	_ =	swait.ge [sflag:s23], $0x610  }
0x28: {  	[sflag:s23] =	ssyncset.done $0x0  }
0x29: {  	[sflag:s23] =	ssyncadd.s32 $0xFFFFF9F0  }
0x2a: {  	_ =	swait.ge [sflag:s23], $0x610  }
0x2b: {  	[sflag:s23] =	ssyncset.done $0x0  }
0x2c: {  	[sflag:s23] =	ssyncadd.s32 $0xFFFFF9F0  }
0x2d: {  	_ =	swait.ge [sflag:s23], $0x610  }
0x2e: {  	[sflag:s23] =	ssyncset.done $0x0  }
0x2f: {  	s12 =	simm.s32 $0x0;
	s13 =	simm.s32 $0x0;
	[sflag:s23] =	ssyncadd.s32 $0xFFFFF9F0  }
.LBB2_2:
0x30: {  	v1 =	vld [tilespmem:s12+$0x0];
	_ =	sdelay $0x4  }
0x31: {  	v1 =	vshll.u32 v1, $0x4  }
0x32: {  	v3 =	vld [tilespmem:s1+$0x0];
	_ =	sdelay $0x1  }
0x33: {  	v2 =	vmov s13  }
0x34: {  	v2 =	vshll.u32 v2, $0x4  }
0x35: {  	v2 =	vor.u32 v0, v2;
	v4 =	vld.idx.msk [tilespmem:v1+s19+$0x0], $0xffff  }
0x36: {  	v3 =	vshll.u32 v3, $0x4  }
0x37: {  	v5 =	vld [tilespmem:s0+$0x0];
	_ =	sdelay $0x2  }
0x38: {  	[tilespmem:v2+s24+$0x0] =	vst.idx.msk $0xffff, v4  }
0x39: {  	v6 =	vld.idx.msk [tilespmem:v3+s21+$0x0], $0xffff  }
0x3a: {  	v4 =	vshll.u32 v5, $0x4;
	_ =	sdelay $0x3  }
0x3b: {  	[tilespmem:v2+s25+$0x0] =	vst.idx.msk $0xffff, v6  }
0x3c: {  	v5 =	vld.idx.msk [tilespmem:v4+s22+$0x0], $0xffff  }
0x3d: {  	v9 =	vor.u32 $0x1, v1;
	_ =	sdelay $0x3  }
0x3e: {  	[tilespmem:v2+s26+$0x0] =	vst.idx.msk $0xffff, v5  }
0x3f: {  	v10 =	vor.u32 $0x1, v2;
	v5 =	vld.idx.msk [tilespmem:v9+s19+$0x0], $0xffff  }
0x40: {  	v7 =	vor.u32 $0x1, v3;
	_ =	sdelay $0x3  }
0x41: {  	[tilespmem:v10+s24+$0x0] =	vst.idx.msk $0xffff, v5  }
0x42: {  	v5 =	vld.idx.msk [tilespmem:v7+s21+$0x0], $0xffff  }
0x43: {  	v11 =	vor.u32 $0x1, v4;
	_ =	sdelay $0x3  }
0x44: {  	[tilespmem:v10+s25+$0x0] =	vst.idx.msk $0xffff, v5  }
0x45: {  	v5 =	vld.idx.msk [tilespmem:v11+s22+$0x0], $0xffff  }
0x46: {  	v12 =	vor.u32 $0x2, v1;
	_ =	sdelay $0x3  }
0x47: {  	[tilespmem:v10+s26+$0x0] =	vst.idx.msk $0xffff, v5  }
0x48: {  	v13 =	vor.u32 $0x2, v2;
	v5 =	vld.idx.msk [tilespmem:v12+s19+$0x0], $0xffff  }
0x49: {  	v14 =	vor.u32 $0x2, v3;
	_ =	sdelay $0x3  }
0x4a: {  	[tilespmem:v13+s24+$0x0] =	vst.idx.msk $0xffff, v5  }
0x4b: {  	v5 =	vld.idx.msk [tilespmem:v14+s21+$0x0], $0xffff  }
0x4c: {  	v15 =	vor.u32 $0x2, v4;
	_ =	sdelay $0x3  }
0x4d: {  	[tilespmem:v13+s25+$0x0] =	vst.idx.msk $0xffff, v5  }
0x4e: {  	v5 =	vld.idx.msk [tilespmem:v15+s22+$0x0], $0xffff  }
0x4f: {  	v16 =	vor.u32 $0x3, v1;
	_ =	sdelay $0x3  }
0x50: {  	[tilespmem:v13+s26+$0x0] =	vst.idx.msk $0xffff, v5  }
0x51: {  	v17 =	vor.u32 $0x3, v2;
	v5 =	vld.idx.msk [tilespmem:v16+s19+$0x0], $0xffff  }
0x52: {  	v18 =	vor.u32 $0x3, v3;
	_ =	sdelay $0x3  }
0x53: {  	[tilespmem:v17+s24+$0x0] =	vst.idx.msk $0xffff, v5  }
0x54: {  	v5 =	vld.idx.msk [tilespmem:v18+s21+$0x0], $0xffff  }
0x55: {  	v19 =	vor.u32 $0x3, v4;
	_ =	sdelay $0x3  }
0x56: {  	[tilespmem:v17+s25+$0x0] =	vst.idx.msk $0xffff, v5  }
0x57: {  	v5 =	vld.idx.msk [tilespmem:v19+s22+$0x0], $0xffff  }
0x58: {  	v20 =	vor.u32 $0x4, v1;
	_ =	sdelay $0x3  }
0x59: {  	[tilespmem:v17+s26+$0x0] =	vst.idx.msk $0xffff, v5  }
0x5a: {  	v21 =	vor.u32 $0x4, v2;
	v5 =	vld.idx.msk [tilespmem:v20+s19+$0x0], $0xffff  }
0x5b: {  	v22 =	vor.u32 $0x4, v3;
	_ =	sdelay $0x3  }
0x5c: {  	[tilespmem:v21+s24+$0x0] =	vst.idx.msk $0xffff, v5  }
0x5d: {  	v5 =	vld.idx.msk [tilespmem:v22+s21+$0x0], $0xffff  }
0x5e: {  	v23 =	vor.u32 $0x4, v4;
	_ =	sdelay $0x3  }
0x5f: {  	[tilespmem:v21+s25+$0x0] =	vst.idx.msk $0xffff, v5  }
0x60: {  	v5 =	vld.idx.msk [tilespmem:v23+s22+$0x0], $0xffff  }
0x61: {  	v24 =	vor.u32 $0x5, v1;
	_ =	sdelay $0x3  }
0x62: {  	[tilespmem:v21+s26+$0x0] =	vst.idx.msk $0xffff, v5  }
0x63: {  	v25 =	vor.u32 $0x5, v2;
	v5 =	vld.idx.msk [tilespmem:v24+s19+$0x0], $0xffff  }
0x64: {  	v26 =	vor.u32 $0x5, v3;
	_ =	sdelay $0x3  }
0x65: {  	[tilespmem:v25+s24+$0x0] =	vst.idx.msk $0xffff, v5  }
0x66: {  	v5 =	vld.idx.msk [tilespmem:v26+s21+$0x0], $0xffff  }
0x67: {  	v27 =	vor.u32 $0x5, v4;
	_ =	sdelay $0x3  }
0x68: {  	[tilespmem:v25+s25+$0x0] =	vst.idx.msk $0xffff, v5  }
0x69: {  	v5 =	vld.idx.msk [tilespmem:v27+s22+$0x0], $0xffff  }
0x6a: {  	v28 =	vor.u32 $0x6, v1;
	_ =	sdelay $0x3  }
0x6b: {  	[tilespmem:v25+s26+$0x0] =	vst.idx.msk $0xffff, v5  }
0x6c: {  	v29 =	vor.u32 $0x6, v2;
	v5 =	vld.idx.msk [tilespmem:v28+s19+$0x0], $0xffff  }
0x6d: {  	v30 =	vor.u32 $0x6, v3;
	_ =	sdelay $0x3  }
0x6e: {  	[tilespmem:v29+s24+$0x0] =	vst.idx.msk $0xffff, v5  }
0x6f: {  	v5 =	vld.idx.msk [tilespmem:v30+s21+$0x0], $0xffff  }
0x70: {  	v31 =	vor.u32 $0x6, v4;
	_ =	sdelay $0x3  }
0x71: {  	[tilespmem:v29+s25+$0x0] =	vst.idx.msk $0xffff, v5  }
0x72: {  	v5 =	vld.idx.msk [tilespmem:v31+s22+$0x0], $0xffff  }
0x73: {  	v32 =	vor.u32 $0x7, v1;
	_ =	sdelay $0x3  }
0x74: {  	[tilespmem:v29+s26+$0x0] =	vst.idx.msk $0xffff, v5  }
0x75: {  	v33 =	vor.u32 $0x7, v2;
	v5 =	vld.idx.msk [tilespmem:v32+s19+$0x0], $0xffff  }
0x76: {  	v34 =	vor.u32 $0x7, v3;
	_ =	sdelay $0x3  }
0x77: {  	[tilespmem:v33+s24+$0x0] =	vst.idx.msk $0xffff, v5  }
0x78: {  	v5 =	vld.idx.msk [tilespmem:v34+s21+$0x0], $0xffff  }
0x79: {  	v35 =	vor.u32 $0x7, v4;
	_ =	sdelay $0x3  }
0x7a: {  	[tilespmem:v33+s25+$0x0] =	vst.idx.msk $0xffff, v5  }
0x7b: {  	v5 =	vld.idx.msk [tilespmem:v35+s22+$0x0], $0xffff  }
0x7c: {  	v36 =	vor.u32 $0x8, v1;
	_ =	sdelay $0x3  }
0x7d: {  	[tilespmem:v33+s26+$0x0] =	vst.idx.msk $0xffff, v5  }
0x7e: {  	v37 =	vor.u32 $0x8, v2;
	v5 =	vld.idx.msk [tilespmem:v36+s19+$0x0], $0xffff  }
0x7f: {  	v38 =	vor.u32 $0x8, v3;
	_ =	sdelay $0x3  }
0x80: {  	[tilespmem:v37+s24+$0x0] =	vst.idx.msk $0xffff, v5  }
0x81: {  	v5 =	vld.idx.msk [tilespmem:v38+s21+$0x0], $0xffff  }
0x82: {  	v39 =	vor.u32 $0x8, v4;
	_ =	sdelay $0x3  }
0x83: {  	[tilespmem:v37+s25+$0x0] =	vst.idx.msk $0xffff, v5  }
0x84: {  	v5 =	vld.idx.msk [tilespmem:v39+s22+$0x0], $0xffff  }
0x85: {  	v40 =	vor.u32 $0x9, v1;
	_ =	sdelay $0x3  }
0x86: {  	[tilespmem:v37+s26+$0x0] =	vst.idx.msk $0xffff, v5  }
0x87: {  	v41 =	vor.u32 $0x9, v2;
	v5 =	vld.idx.msk [tilespmem:v40+s19+$0x0], $0xffff  }
0x88: {  	v42 =	vor.u32 $0x9, v3;
	_ =	sdelay $0x3  }
0x89: {  	[tilespmem:v41+s24+$0x0] =	vst.idx.msk $0xffff, v5  }
0x8a: {  	v5 =	vld.idx.msk [tilespmem:v42+s21+$0x0], $0xffff  }
0x8b: {  	v43 =	vor.u32 $0x9, v4;
	_ =	sdelay $0x3  }
0x8c: {  	[tilespmem:v41+s25+$0x0] =	vst.idx.msk $0xffff, v5  }
0x8d: {  	v5 =	vld.idx.msk [tilespmem:v43+s22+$0x0], $0xffff  }
0x8e: {  	v44 =	vor.u32 $0xA, v1;
	_ =	sdelay $0x3  }
0x8f: {  	[tilespmem:v41+s26+$0x0] =	vst.idx.msk $0xffff, v5  }
0x90: {  	v45 =	vor.u32 $0xA, v2;
	v5 =	vld.idx.msk [tilespmem:v44+s19+$0x0], $0xffff  }
0x91: {  	v46 =	vor.u32 $0xA, v3;
	_ =	sdelay $0x3  }
0x92: {  	[tilespmem:v45+s24+$0x0] =	vst.idx.msk $0xffff, v5  }
0x93: {  	v5 =	vld.idx.msk [tilespmem:v46+s21+$0x0], $0xffff  }
0x94: {  	v47 =	vor.u32 $0xA, v4;
	_ =	sdelay $0x3  }
0x95: {  	[tilespmem:v45+s25+$0x0] =	vst.idx.msk $0xffff, v5  }
0x96: {  	v5 =	vld.idx.msk [tilespmem:v47+s22+$0x0], $0xffff  }
0x97: {  	v48 =	vor.u32 $0xB, v1;
	_ =	sdelay $0x3  }
0x98: {  	[tilespmem:v45+s26+$0x0] =	vst.idx.msk $0xffff, v5  }
0x99: {  	v49 =	vor.u32 $0xB, v2;
	v5 =	vld.idx.msk [tilespmem:v48+s19+$0x0], $0xffff  }
0x9a: {  	v50 =	vor.u32 $0xB, v3;
	_ =	sdelay $0x3  }
0x9b: {  	[tilespmem:v49+s24+$0x0] =	vst.idx.msk $0xffff, v5  }
0x9c: {  	v5 =	vld.idx.msk [tilespmem:v50+s21+$0x0], $0xffff  }
0x9d: {  	v51 =	vor.u32 $0xB, v4;
	_ =	sdelay $0x3  }
0x9e: {  	[tilespmem:v49+s25+$0x0] =	vst.idx.msk $0xffff, v5  }
0x9f: {  	v5 =	vld.idx.msk [tilespmem:v51+s22+$0x0], $0xffff  }
0xa0: {  	v52 =	vor.u32 $0xC, v1;
	_ =	sdelay $0x3  }
0xa1: {  	[tilespmem:v49+s26+$0x0] =	vst.idx.msk $0xffff, v5  }
0xa2: {  	v53 =	vor.u32 $0xC, v2;
	v5 =	vld.idx.msk [tilespmem:v52+s19+$0x0], $0xffff  }
0xa3: {  	v54 =	vor.u32 $0xC, v3;
	_ =	sdelay $0x3  }
0xa4: {  	[tilespmem:v53+s24+$0x0] =	vst.idx.msk $0xffff, v5  }
0xa5: {  	v5 =	vld.idx.msk [tilespmem:v54+s21+$0x0], $0xffff  }
0xa6: {  	v55 =	vor.u32 $0xC, v4;
	_ =	sdelay $0x3  }
0xa7: {  	[tilespmem:v53+s25+$0x0] =	vst.idx.msk $0xffff, v5  }
0xa8: {  	v5 =	vld.idx.msk [tilespmem:v55+s22+$0x0], $0xffff  }
0xa9: {  	v56 =	vor.u32 $0xD, v1;
	_ =	sdelay $0x3  }
0xaa: {  	[tilespmem:v53+s26+$0x0] =	vst.idx.msk $0xffff, v5  }
0xab: {  	v57 =	vor.u32 $0xD, v2;
	v5 =	vld.idx.msk [tilespmem:v56+s19+$0x0], $0xffff  }
0xac: {  	v58 =	vor.u32 $0xD, v3;
	_ =	sdelay $0x3  }
0xad: {  	[tilespmem:v57+s24+$0x0] =	vst.idx.msk $0xffff, v5  }
0xae: {  	v5 =	vld.idx.msk [tilespmem:v58+s21+$0x0], $0xffff  }
0xaf: {  	v59 =	vor.u32 $0xD, v4;
	_ =	sdelay $0x3  }
0xb0: {  	[tilespmem:v57+s25+$0x0] =	vst.idx.msk $0xffff, v5  }
0xb1: {  	v5 =	vld.idx.msk [tilespmem:v59+s22+$0x0], $0xffff  }
0xb2: {  	v60 =	vor.u32 $0xE, v1;
	_ =	sdelay $0x3  }
0xb3: {  	[tilespmem:v57+s26+$0x0] =	vst.idx.msk $0xffff, v5  }
0xb4: {  	v61 =	vor.u32 $0xE, v2;
	v5 =	vld.idx.msk [tilespmem:v60+s19+$0x0], $0xffff  }
0xb5: {  	v62 =	vor.u32 $0xE, v3;
	_ =	sdelay $0x3  }
0xb6: {  	[tilespmem:v61+s24+$0x0] =	vst.idx.msk $0xffff, v5  }
0xb7: {  	v5 =	vld.idx.msk [tilespmem:v62+s21+$0x0], $0xffff  }
0xb8: {  	v63 =	vor.u32 $0xE, v4;
	_ =	sdelay $0x3  }
0xb9: {  	[tilespmem:v61+s25+$0x0] =	vst.idx.msk $0xffff, v5  }
0xba: {  	v5 =	vld.idx.msk [tilespmem:v63+s22+$0x0], $0xffff  }
0xbb: {  	v1 =	vor.u32 $0xF, v1;
	_ =	sdelay $0x3  }
0xbc: {  	[tilespmem:v61+s26+$0x0] =	vst.idx.msk $0xffff, v5  }
0xbd: {  	v2 =	vor.u32 $0xF, v2;
	v1 =	vld.idx.msk [tilespmem:v1+s19+$0x0], $0xffff  }
0xbe: {  	v3 =	vor.u32 $0xF, v3;
	_ =	sdelay $0x3  }
0xbf: {  	[tilespmem:v2+s24+$0x0] =	vst.idx.msk $0xffff, v1  }
0xc0: {  	v1 =	vld.idx.msk [tilespmem:v3+s21+$0x0], $0xffff  }
0xc1: {  	v3 =	vor.u32 $0xF, v4;
	_ =	sdelay $0x3  }
0xc2: {  	[tilespmem:v2+s25+$0x0] =	vst.idx.msk $0xffff, v1  }
0xc3: {  	p1 =	sne.s32 s13, $0x600;
	v1 =	vld.idx.msk [tilespmem:v3+s22+$0x0], $0xffff  }
.Ltmp2:
0xc4: {  	_ = 	snop;
	(pc) =	sbr.rel @p1 .LBB2_2-.Ltmp2, $3  }
0xc5: {  	_ =	sdelay $0x1  }
0xc6: {  	s12 =	sadd.s32 $0x10, s12  }
0xc7: {  	s1 =	sadd.s32 $0x10, s1;
	s0 =	sadd.s32 $0x10, s0;
	s13 =	sadd.s32 $0x10, s13;
	[tilespmem:v2+s26+$0x0] =	vst.idx.msk $0xffff, v1  }
0xc8: {  	[hbm4b:s7+s28] =	stream.strided.scatter [tilespmem:s24], [sflag:$0x2], $0x6100, s29, s28, $0x38;
	[tilespmem:$0x13C40] =	vst v63  }
0xc9: {  	_ = 	snop  }
0xca: {  	[hbm4b:s10+s28] =	stream.strided.scatter [tilespmem:s25], [sflag:$0x2], $0x6100, s29, s28, $0x38;
	[tilespmem:$0x13C40] =	vst v63  }
0xcb: {  	_ = 	snop  }
0xcc: {  	[hbm4b:s11+s28] =	stream.strided.scatter [tilespmem:s26], [sflag:$0x2], $0x6100, s29, s28, $0x38;
	[tilespmem:$0x13C40] =	vst v63  }
0xcd: {  	_ =	swait.ge [sflag:s30], $0x6100  }
0xce: {  	[sflag:s30] =	ssyncset.done $0x0  }
0xcf: {  	[sflag:s30] =	ssyncadd.s32 $0xFFFF9F00  }
0xd0: {  	_ =	swait.ge [sflag:s30], $0x6100  }
.Ltmp3:
0xd1: {  	[sflag:s30] =	ssyncset.done $0x0;
	(pc) =	sbr.rel @p0 .LBB2_7-.Ltmp3, $4  }
0xd2: {  	[sflag:s30] =	ssyncadd.s32 $0xFFFF9F00  }
0xd3: {  	_ =	swait.ge [sflag:s30], $0x6100  }
0xd4: {  	[sflag:s30] =	ssyncset.done $0x0  }
0xd5: {  	[sflag:s30] =	ssyncadd.s32 $0xFFFF9F00  }
0xd6: {  	s1 =	simm.s32 $0x0;
	s0 =	rddreg [dreg:$0x3]  }
0xd7: {  	[tilespmem:s1], [sflag:$0x1] =	stream.linear.gather [hbm4b:s0+s1], $0x150, $0x38;
	[tilespmem:$0x13C40] =	vst v63  }
0xd8: {  	s12 =	rddreg [dreg:$0x4];
	s0 =	simm.s32 $0x610  }
0xd9: {  	[tilespmem:s0], [sflag:$0x1] =	stream.linear.gather [hbm4b:s12+s1], $0x150, $0x38;
	[tilespmem:$0x13C40] =	vst v63  }
0xda: {  	s12 =	simm.s32 $0xC20  }
0xdb: {  	[tilespmem:s12], [sflag:$0x1] =	stream.linear.gather [hbm4b:s14+s1], $0x150, $0x38;
	[tilespmem:$0x13C40] =	vst v63  }
0xdc: {  	_ =	swait.ge [sflag:s23], $0x150  }
0xdd: {  	[sflag:s23] =	ssyncset.done $0x0  }
0xde: {  	[sflag:s23] =	ssyncadd.s32 $0xFFFFFEB0  }
0xdf: {  	_ =	swait.ge [sflag:s23], $0x150  }
0xe0: {  	[sflag:s23] =	ssyncset.done $0x0  }
0xe1: {  	[sflag:s23] =	ssyncadd.s32 $0xFFFFFEB0  }
0xe2: {  	_ =	swait.ge [sflag:s23], $0x150  }
0xe3: {  	[sflag:s23] =	ssyncset.done $0x0  }
0xe4: {  	s13 =	simm.s32 $0x0;
	[sflag:s23] =	ssyncadd.s32 $0xFFFFFEB0  }
.LBB2_5:
0xe5: {  	v1 =	vld [tilespmem:s1+$0x0];
	_ =	sdelay $0x4  }
0xe6: {  	v1 =	vshll.u32 v1, $0x4  }
0xe7: {  	v3 =	vld [tilespmem:s0+$0x0];
	_ =	sdelay $0x1  }
0xe8: {  	v2 =	vmov s13  }
0xe9: {  	v2 =	vshll.u32 v2, $0x4  }
0xea: {  	v2 =	vor.u32 v0, v2;
	v4 =	vld.idx.msk [tilespmem:v1+s19+$0x0], $0xffff  }
0xeb: {  	v3 =	vshll.u32 v3, $0x4  }
0xec: {  	v5 =	vld [tilespmem:s12+$0x0];
	_ =	sdelay $0x2  }
0xed: {  	[tilespmem:v2+s24+$0x0] =	vst.idx.msk $0xffff, v4  }
0xee: {  	v6 =	vld.idx.msk [tilespmem:v3+s21+$0x0], $0xffff  }
0xef: {  	v4 =	vshll.u32 v5, $0x4;
	_ =	sdelay $0x3  }
0xf0: {  	[tilespmem:v2+s25+$0x0] =	vst.idx.msk $0xffff, v6  }
0xf1: {  	v5 =	vld.idx.msk [tilespmem:v4+s22+$0x0], $0xffff  }
0xf2: {  	v9 =	vor.u32 $0x1, v1;
	_ =	sdelay $0x3  }
0xf3: {  	[tilespmem:v2+s26+$0x0] =	vst.idx.msk $0xffff, v5  }
0xf4: {  	v10 =	vor.u32 $0x1, v2;
	v5 =	vld.idx.msk [tilespmem:v9+s19+$0x0], $0xffff  }
0xf5: {  	v7 =	vor.u32 $0x1, v3;
	_ =	sdelay $0x3  }
0xf6: {  	[tilespmem:v10+s24+$0x0] =	vst.idx.msk $0xffff, v5  }
0xf7: {  	v5 =	vld.idx.msk [tilespmem:v7+s21+$0x0], $0xffff  }
0xf8: {  	v11 =	vor.u32 $0x1, v4;
	_ =	sdelay $0x3  }
0xf9: {  	[tilespmem:v10+s25+$0x0] =	vst.idx.msk $0xffff, v5  }
0xfa: {  	v5 =	vld.idx.msk [tilespmem:v11+s22+$0x0], $0xffff  }
0xfb: {  	v12 =	vor.u32 $0x2, v1;
	_ =	sdelay $0x3  }
0xfc: {  	[tilespmem:v10+s26+$0x0] =	vst.idx.msk $0xffff, v5  }
0xfd: {  	v13 =	vor.u32 $0x2, v2;
	v5 =	vld.idx.msk [tilespmem:v12+s19+$0x0], $0xffff  }
0xfe: {  	v14 =	vor.u32 $0x2, v3;
	_ =	sdelay $0x3  }
0xff: {  	[tilespmem:v13+s24+$0x0] =	vst.idx.msk $0xffff, v5  }
0x100: {  	v5 =	vld.idx.msk [tilespmem:v14+s21+$0x0], $0xffff  }
0x101: {  	v15 =	vor.u32 $0x2, v4;
	_ =	sdelay $0x3  }
0x102: {  	[tilespmem:v13+s25+$0x0] =	vst.idx.msk $0xffff, v5  }
0x103: {  	v5 =	vld.idx.msk [tilespmem:v15+s22+$0x0], $0xffff  }
0x104: {  	v16 =	vor.u32 $0x3, v1;
	_ =	sdelay $0x3  }
0x105: {  	[tilespmem:v13+s26+$0x0] =	vst.idx.msk $0xffff, v5  }
0x106: {  	v17 =	vor.u32 $0x3, v2;
	v5 =	vld.idx.msk [tilespmem:v16+s19+$0x0], $0xffff  }
0x107: {  	v18 =	vor.u32 $0x3, v3;
	_ =	sdelay $0x3  }
0x108: {  	[tilespmem:v17+s24+$0x0] =	vst.idx.msk $0xffff, v5  }
0x109: {  	v5 =	vld.idx.msk [tilespmem:v18+s21+$0x0], $0xffff  }
0x10a: {  	v19 =	vor.u32 $0x3, v4;
	_ =	sdelay $0x3  }
0x10b: {  	[tilespmem:v17+s25+$0x0] =	vst.idx.msk $0xffff, v5  }
0x10c: {  	v5 =	vld.idx.msk [tilespmem:v19+s22+$0x0], $0xffff  }
0x10d: {  	v20 =	vor.u32 $0x4, v1;
	_ =	sdelay $0x3  }
0x10e: {  	[tilespmem:v17+s26+$0x0] =	vst.idx.msk $0xffff, v5  }
0x10f: {  	v21 =	vor.u32 $0x4, v2;
	v5 =	vld.idx.msk [tilespmem:v20+s19+$0x0], $0xffff  }
0x110: {  	v22 =	vor.u32 $0x4, v3;
	_ =	sdelay $0x3  }
0x111: {  	[tilespmem:v21+s24+$0x0] =	vst.idx.msk $0xffff, v5  }
0x112: {  	v5 =	vld.idx.msk [tilespmem:v22+s21+$0x0], $0xffff  }
0x113: {  	v23 =	vor.u32 $0x4, v4;
	_ =	sdelay $0x3  }
0x114: {  	[tilespmem:v21+s25+$0x0] =	vst.idx.msk $0xffff, v5  }
0x115: {  	v5 =	vld.idx.msk [tilespmem:v23+s22+$0x0], $0xffff  }
0x116: {  	v24 =	vor.u32 $0x5, v1;
	_ =	sdelay $0x3  }
0x117: {  	[tilespmem:v21+s26+$0x0] =	vst.idx.msk $0xffff, v5  }
0x118: {  	v25 =	vor.u32 $0x5, v2;
	v5 =	vld.idx.msk [tilespmem:v24+s19+$0x0], $0xffff  }
0x119: {  	v26 =	vor.u32 $0x5, v3;
	_ =	sdelay $0x3  }
0x11a: {  	[tilespmem:v25+s24+$0x0] =	vst.idx.msk $0xffff, v5  }
0x11b: {  	v5 =	vld.idx.msk [tilespmem:v26+s21+$0x0], $0xffff  }
0x11c: {  	v27 =	vor.u32 $0x5, v4;
	_ =	sdelay $0x3  }
0x11d: {  	[tilespmem:v25+s25+$0x0] =	vst.idx.msk $0xffff, v5  }
0x11e: {  	v5 =	vld.idx.msk [tilespmem:v27+s22+$0x0], $0xffff  }
0x11f: {  	v28 =	vor.u32 $0x6, v1;
	_ =	sdelay $0x3  }
0x120: {  	[tilespmem:v25+s26+$0x0] =	vst.idx.msk $0xffff, v5  }
0x121: {  	v29 =	vor.u32 $0x6, v2;
	v5 =	vld.idx.msk [tilespmem:v28+s19+$0x0], $0xffff  }
0x122: {  	v30 =	vor.u32 $0x6, v3;
	_ =	sdelay $0x3  }
0x123: {  	[tilespmem:v29+s24+$0x0] =	vst.idx.msk $0xffff, v5  }
0x124: {  	v5 =	vld.idx.msk [tilespmem:v30+s21+$0x0], $0xffff  }
0x125: {  	v31 =	vor.u32 $0x6, v4;
	_ =	sdelay $0x3  }
0x126: {  	[tilespmem:v29+s25+$0x0] =	vst.idx.msk $0xffff, v5  }
0x127: {  	v5 =	vld.idx.msk [tilespmem:v31+s22+$0x0], $0xffff  }
0x128: {  	v32 =	vor.u32 $0x7, v1;
	_ =	sdelay $0x3  }
0x129: {  	[tilespmem:v29+s26+$0x0] =	vst.idx.msk $0xffff, v5  }
0x12a: {  	v33 =	vor.u32 $0x7, v2;
	v5 =	vld.idx.msk [tilespmem:v32+s19+$0x0], $0xffff  }
0x12b: {  	v34 =	vor.u32 $0x7, v3;
	_ =	sdelay $0x3  }
0x12c: {  	[tilespmem:v33+s24+$0x0] =	vst.idx.msk $0xffff, v5  }
0x12d: {  	v5 =	vld.idx.msk [tilespmem:v34+s21+$0x0], $0xffff  }
0x12e: {  	v35 =	vor.u32 $0x7, v4;
	_ =	sdelay $0x3  }
0x12f: {  	[tilespmem:v33+s25+$0x0] =	vst.idx.msk $0xffff, v5  }
0x130: {  	v5 =	vld.idx.msk [tilespmem:v35+s22+$0x0], $0xffff  }
0x131: {  	v36 =	vor.u32 $0x8, v1;
	_ =	sdelay $0x3  }
0x132: {  	[tilespmem:v33+s26+$0x0] =	vst.idx.msk $0xffff, v5  }
0x133: {  	v37 =	vor.u32 $0x8, v2;
	v5 =	vld.idx.msk [tilespmem:v36+s19+$0x0], $0xffff  }
0x134: {  	v38 =	vor.u32 $0x8, v3;
	_ =	sdelay $0x3  }
0x135: {  	[tilespmem:v37+s24+$0x0] =	vst.idx.msk $0xffff, v5  }
0x136: {  	v5 =	vld.idx.msk [tilespmem:v38+s21+$0x0], $0xffff  }
0x137: {  	v39 =	vor.u32 $0x8, v4;
	_ =	sdelay $0x3  }
0x138: {  	[tilespmem:v37+s25+$0x0] =	vst.idx.msk $0xffff, v5  }
0x139: {  	v5 =	vld.idx.msk [tilespmem:v39+s22+$0x0], $0xffff  }
0x13a: {  	v40 =	vor.u32 $0x9, v1;
	_ =	sdelay $0x3  }
0x13b: {  	[tilespmem:v37+s26+$0x0] =	vst.idx.msk $0xffff, v5  }
0x13c: {  	v41 =	vor.u32 $0x9, v2;
	v5 =	vld.idx.msk [tilespmem:v40+s19+$0x0], $0xffff  }
0x13d: {  	v42 =	vor.u32 $0x9, v3;
	_ =	sdelay $0x3  }
0x13e: {  	[tilespmem:v41+s24+$0x0] =	vst.idx.msk $0xffff, v5  }
0x13f: {  	v5 =	vld.idx.msk [tilespmem:v42+s21+$0x0], $0xffff  }
0x140: {  	v43 =	vor.u32 $0x9, v4;
	_ =	sdelay $0x3  }
0x141: {  	[tilespmem:v41+s25+$0x0] =	vst.idx.msk $0xffff, v5  }
0x142: {  	v5 =	vld.idx.msk [tilespmem:v43+s22+$0x0], $0xffff  }
0x143: {  	v44 =	vor.u32 $0xA, v1;
	_ =	sdelay $0x3  }
0x144: {  	[tilespmem:v41+s26+$0x0] =	vst.idx.msk $0xffff, v5  }
0x145: {  	v45 =	vor.u32 $0xA, v2;
	v5 =	vld.idx.msk [tilespmem:v44+s19+$0x0], $0xffff  }
0x146: {  	v46 =	vor.u32 $0xA, v3;
	_ =	sdelay $0x3  }
0x147: {  	[tilespmem:v45+s24+$0x0] =	vst.idx.msk $0xffff, v5  }
0x148: {  	v5 =	vld.idx.msk [tilespmem:v46+s21+$0x0], $0xffff  }
0x149: {  	v47 =	vor.u32 $0xA, v4;
	_ =	sdelay $0x3  }
0x14a: {  	[tilespmem:v45+s25+$0x0] =	vst.idx.msk $0xffff, v5  }
0x14b: {  	v5 =	vld.idx.msk [tilespmem:v47+s22+$0x0], $0xffff  }
0x14c: {  	v48 =	vor.u32 $0xB, v1;
	_ =	sdelay $0x3  }
0x14d: {  	[tilespmem:v45+s26+$0x0] =	vst.idx.msk $0xffff, v5  }
0x14e: {  	v49 =	vor.u32 $0xB, v2;
	v5 =	vld.idx.msk [tilespmem:v48+s19+$0x0], $0xffff  }
0x14f: {  	v50 =	vor.u32 $0xB, v3;
	_ =	sdelay $0x3  }
0x150: {  	[tilespmem:v49+s24+$0x0] =	vst.idx.msk $0xffff, v5  }
0x151: {  	v5 =	vld.idx.msk [tilespmem:v50+s21+$0x0], $0xffff  }
0x152: {  	v51 =	vor.u32 $0xB, v4;
	_ =	sdelay $0x3  }
0x153: {  	[tilespmem:v49+s25+$0x0] =	vst.idx.msk $0xffff, v5  }
0x154: {  	v5 =	vld.idx.msk [tilespmem:v51+s22+$0x0], $0xffff  }
0x155: {  	v52 =	vor.u32 $0xC, v1;
	_ =	sdelay $0x3  }
0x156: {  	[tilespmem:v49+s26+$0x0] =	vst.idx.msk $0xffff, v5  }
0x157: {  	v53 =	vor.u32 $0xC, v2;
	v5 =	vld.idx.msk [tilespmem:v52+s19+$0x0], $0xffff  }
0x158: {  	v54 =	vor.u32 $0xC, v3;
	_ =	sdelay $0x3  }
0x159: {  	[tilespmem:v53+s24+$0x0] =	vst.idx.msk $0xffff, v5  }
0x15a: {  	v5 =	vld.idx.msk [tilespmem:v54+s21+$0x0], $0xffff  }
0x15b: {  	v55 =	vor.u32 $0xC, v4;
	_ =	sdelay $0x3  }
0x15c: {  	[tilespmem:v53+s25+$0x0] =	vst.idx.msk $0xffff, v5  }
0x15d: {  	v5 =	vld.idx.msk [tilespmem:v55+s22+$0x0], $0xffff  }
0x15e: {  	v56 =	vor.u32 $0xD, v1;
	_ =	sdelay $0x3  }
0x15f: {  	[tilespmem:v53+s26+$0x0] =	vst.idx.msk $0xffff, v5  }
0x160: {  	v57 =	vor.u32 $0xD, v2;
	v5 =	vld.idx.msk [tilespmem:v56+s19+$0x0], $0xffff  }
0x161: {  	v58 =	vor.u32 $0xD, v3;
	_ =	sdelay $0x3  }
0x162: {  	[tilespmem:v57+s24+$0x0] =	vst.idx.msk $0xffff, v5  }
0x163: {  	v5 =	vld.idx.msk [tilespmem:v58+s21+$0x0], $0xffff  }
0x164: {  	v59 =	vor.u32 $0xD, v4;
	_ =	sdelay $0x3  }
0x165: {  	[tilespmem:v57+s25+$0x0] =	vst.idx.msk $0xffff, v5  }
0x166: {  	v5 =	vld.idx.msk [tilespmem:v59+s22+$0x0], $0xffff  }
0x167: {  	v60 =	vor.u32 $0xE, v1;
	_ =	sdelay $0x3  }
0x168: {  	[tilespmem:v57+s26+$0x0] =	vst.idx.msk $0xffff, v5  }
0x169: {  	v61 =	vor.u32 $0xE, v2;
	v5 =	vld.idx.msk [tilespmem:v60+s19+$0x0], $0xffff  }
0x16a: {  	v62 =	vor.u32 $0xE, v3;
	_ =	sdelay $0x3  }
0x16b: {  	[tilespmem:v61+s24+$0x0] =	vst.idx.msk $0xffff, v5  }
0x16c: {  	v5 =	vld.idx.msk [tilespmem:v62+s21+$0x0], $0xffff  }
0x16d: {  	v63 =	vor.u32 $0xE, v4;
	_ =	sdelay $0x3  }
0x16e: {  	[tilespmem:v61+s25+$0x0] =	vst.idx.msk $0xffff, v5  }
0x16f: {  	v5 =	vld.idx.msk [tilespmem:v63+s22+$0x0], $0xffff  }
0x170: {  	v1 =	vor.u32 $0xF, v1;
	_ =	sdelay $0x3  }
0x171: {  	[tilespmem:v61+s26+$0x0] =	vst.idx.msk $0xffff, v5  }
0x172: {  	v2 =	vor.u32 $0xF, v2;
	v1 =	vld.idx.msk [tilespmem:v1+s19+$0x0], $0xffff  }
0x173: {  	v3 =	vor.u32 $0xF, v3;
	_ =	sdelay $0x3  }
0x174: {  	[tilespmem:v2+s24+$0x0] =	vst.idx.msk $0xffff, v1  }
0x175: {  	v1 =	vld.idx.msk [tilespmem:v3+s21+$0x0], $0xffff  }
0x176: {  	v3 =	vor.u32 $0xF, v4;
	_ =	sdelay $0x3  }
0x177: {  	[tilespmem:v2+s25+$0x0] =	vst.idx.msk $0xffff, v1  }
0x178: {  	p1 =	sne.s32 s13, $0x140;
	v1 =	vld.idx.msk [tilespmem:v3+s22+$0x0], $0xffff  }
.Ltmp4:
0x179: {  	_ = 	snop;
	(pc) =	sbr.rel @p1 .LBB2_5-.Ltmp4, $3  }
0x17a: {  	_ =	sdelay $0x1  }
0x17b: {  	s1 =	sadd.s32 $0x10, s1  }
0x17c: {  	s0 =	sadd.s32 $0x10, s0;
	s12 =	sadd.s32 $0x10, s12;
	s13 =	sadd.s32 $0x10, s13;
	[tilespmem:v2+s26+$0x0] =	vst.idx.msk $0xffff, v1  }
0x17d: {  	[hbm4b:s15+s28] =	stream.strided.scatter [tilespmem:s24], [sflag:$0x2], $0x1500, s29, s28, $0x38;
	[tilespmem:$0x13C40] =	vst v63  }
0x17e: {  	_ = 	snop  }
0x17f: {  	[hbm4b:s16+s28] =	stream.strided.scatter [tilespmem:s25], [sflag:$0x2], $0x1500, s29, s28, $0x38;
	[tilespmem:$0x13C40] =	vst v63  }
0x180: {  	_ = 	snop  }
0x181: {  	[hbm4b:s17+s28] =	stream.strided.scatter [tilespmem:s26], [sflag:$0x2], $0x1500, s29, s28, $0x38;
	[tilespmem:$0x13C40] =	vst v63  }
0x182: {  	_ =	swait.ge [sflag:s30], $0x1500  }
0x183: {  	[sflag:s30] =	ssyncset.done $0x0  }
0x184: {  	[sflag:s30] =	ssyncadd.s32 $0xFFFFEB00  }
0x185: {  	_ =	swait.ge [sflag:s30], $0x1500  }
.Ltmp5:
0x186: {  	[sflag:s30] =	ssyncset.done $0x0;
	(pc) =	sbr.rel .LBB2_7-.Ltmp5, $4  }
0x187: {  	[sflag:s30] =	ssyncadd.s32 $0xFFFFEB00  }
0x188: {  	_ =	swait.ge [sflag:s30], $0x1500  }
0x189: {  	[sflag:s30] =	ssyncset.done $0x0  }
0x18a: {  	[sflag:s30] =	ssyncadd.s32 $0xFFFFEB00  }
.LBB2_8:
0x18b: {  	_ =	sfence.sel $0x180000  }
0x18c: {  	[bflag:$0x0] =	sbarrier.arrive $0xFFFF  }
0x18d: {  	_ =	strace $0x9000004A  }
0x18e: {  	s0 =	stileid.u32;
	[bflag:$0x2] =	sbarrier.arrive $0xFFFF  }
0x18f: {  	p0 =	sne.s32 s0, $0x0;
	s0 =	rddreg [dreg:$0x2]  }
0x190: {  	s0 =	sadd.s32 @!p0 $0x100000, s0  }
0x191: {  	[sflag:s0] =	ssyncadd.tile.s32 @!p0 $0x1;
	_ =	shalt  }
.Lfunc_end2:
_tile_overlayer_lowered:
.L_overlay_start_2:
0x192: {  	(tag) =	ssettag $0x2  }
0x193: {  	s0 =	rddreg [dreg:$0x0];
	s2 =	stileid.u32  }
0x194: {  	s1 =	rddreg [dreg:$0x1];
	p0 =	sne.s32 s2, $0x0  }
0x195: {  	s3 =	rddreg [dreg:$0x2];
	[bflag:$0x3] =	sbarrier.arrive $0xFFFF;
	s2 =	simm.s32 @!p0 $0x1C03  }
0x196: {  	[timem:s3], [sflag:s2] =	dma.local @!p0 [hbm:s0], s1  }
0x197: {  	s0 =	simm.s32 @!p0 $0x3  }
0x198: {  	_ =	swait.ge @!p0 [sflag:s0], s1  }
0x199: {  	s1 =	ssub.s32 @!p0 $0x0, s1;
	[sflag:s0] =	ssyncset.done @!p0 $0x0  }
0x19a: {  	[sflag:s0] =	ssyncadd.s32 @!p0 s1  }
0x19b: {  	[bflag:$0x3] =	sbarrier.arrive $0xFFFF  }
0x19c: {  	_ =	shalt  }

</sc_bundles>
